<compile_context>
chip_gen: v7x
topology: tpu7x:2x2x1
jax: 0.10.2.dev20260603
libtpu: 0.0.44.dev20260713+nightly
codegen_flags: <defaults>
</compile_context>

<pallas_src>
import functools

import jax
import jax.numpy as jnp
from jax import lax
from jax.experimental import pallas as pl
from jax.experimental.pallas import tpu as pltpu
from jax.experimental.pallas import tpu_sc as plsc

N_NODES = 10000
N_EDGES = 160000
D_FEAT = 256
HALF = 128

NPAD = 10240
EPAD = 163840
EROWS = EPAD // 128
NSUB = 16
NCORE = 2
ROWS_PER_SUB = NPAD // NSUB
AGG_CHUNKS = EROWS // NSUB
AGG_GRP = 16
DEG_CHUNKS = EROWS // (NSUB * NCORE)
RBLK = 1024
NBLK = NPAD // RBLK

_mesh = plsc.VectorSubcoreMesh(core_axis_name="c", subcore_axis_name="s")




@functools.partial(
    pl.kernel,
    out_type=jax.ShapeDtypeStruct((NCORE * NPAD,), jnp.float32),
    mesh=_mesh,
    scratch_types=[
        pltpu.VMEM((DEG_CHUNKS, 128), jnp.int32),
        pltpu.VMEM((128,), jnp.float32),
        pltpu.VMEM((ROWS_PER_SUB,), jnp.float32),
        pltpu.VMEM_SHARED((NPAD,), jnp.float32),
    ],
)
def _deg_kernel(dst_hbm, out_hbm, idx_v, ones_v, zero_v, acc_sh):
    c = lax.axis_index("c")
    s = lax.axis_index("s")
    w = c * NSUB + s
    pltpu.sync_copy(dst_hbm.at[pl.ds(w * DEG_CHUNKS, DEG_CHUNKS)], idx_v)

    @pl.loop(0, 128 // 16)
    def _(k):
        ones_v[pl.ds(k * 16, 16)] = jnp.ones((16,), jnp.float32)

    @pl.loop(0, ROWS_PER_SUB // 16)
    def _(k):
        zero_v[pl.ds(k * 16, 16)] = jnp.zeros((16,), jnp.float32)

    pltpu.sync_copy(zero_v, acc_sh.at[pl.ds(s * ROWS_PER_SUB, ROWS_PER_SUB)])
    plsc.subcore_barrier()

    @pl.loop(0, DEG_CHUNKS)
    def _(j):
        pltpu.sync_copy(ones_v, acc_sh.at[idx_v.at[j]], add=True)

    plsc.subcore_barrier()
    pltpu.sync_copy(
        acc_sh.at[pl.ds(s * ROWS_PER_SUB, ROWS_PER_SUB)],
        out_hbm.at[pl.ds(c * NPAD + s * ROWS_PER_SUB, ROWS_PER_SUB)],
    )


@functools.partial(
    pl.kernel,
    out_type=jax.ShapeDtypeStruct((NCORE, NPAD, HALF), jnp.float32),
    mesh=_mesh,
    scratch_types=[
        pltpu.VMEM((AGG_GRP, 128), jnp.int32),
        pltpu.VMEM((AGG_GRP, 128), jnp.int32),
        pltpu.VMEM((128, HALF), jnp.float32),
        pltpu.VMEM((128, HALF), jnp.float32),
        pltpu.SemaphoreType.DMA,
        pltpu.SemaphoreType.DMA,
        pltpu.SemaphoreType.DMA,
        pltpu.SemaphoreType.DMA,
        pltpu.VMEM_SHARED((NPAD, HALF), jnp.float32),
    ],
)
def _agg_kernel(y_hbm, src_hbm, dst_hbm, out_hbm,
                src_v, dst_v, buf_a, buf_b, sem_a, sem_b, ssem_a, ssem_b,
                acc_sh):
    c = lax.axis_index("c")
    s = lax.axis_index("s")
    pltpu.sync_copy(
        y_hbm.at[c].at[pl.ds(s * ROWS_PER_SUB, ROWS_PER_SUB)],
        acc_sh.at[pl.ds(s * ROWS_PER_SUB, ROWS_PER_SUB)],
    )
    plsc.subcore_barrier()

    @pl.loop(0, AGG_CHUNKS, step=AGG_GRP)
    def _(g):
        base = s * AGG_CHUNKS + g
        pltpu.sync_copy(src_hbm.at[pl.ds(base, AGG_GRP)], src_v)
        pltpu.sync_copy(dst_hbm.at[pl.ds(base, AGG_GRP)], dst_v)
        bufs = (buf_a, buf_b)
        sems = (sem_a, sem_b)
        ssems = (ssem_a, ssem_b)
        pltpu.async_copy(y_hbm.at[c].at[src_v.at[0]], buf_a, sem_a)
        for j in range(AGG_GRP):
            if j + 1 < AGG_GRP:
                if j >= 1:
                    pltpu.make_async_copy(
                        bufs[(j + 1) % 2], acc_sh.at[dst_v.at[j - 1]],
                        ssems[(j + 1) % 2]).wait()
                pltpu.async_copy(y_hbm.at[c].at[src_v.at[j + 1]],
                                 bufs[(j + 1) % 2], sems[(j + 1) % 2])
            pltpu.make_async_copy(y_hbm.at[c].at[src_v.at[j]],
                                  bufs[j % 2], sems[j % 2]).wait()
            pltpu.async_copy(bufs[j % 2], acc_sh.at[dst_v.at[j]],
                             ssems[j % 2], add=True)
        pltpu.make_async_copy(bufs[AGG_GRP % 2],
                              acc_sh.at[dst_v.at[AGG_GRP - 2]],
                              ssems[AGG_GRP % 2]).wait()
        pltpu.make_async_copy(bufs[(AGG_GRP - 1) % 2],
                              acc_sh.at[dst_v.at[AGG_GRP - 1]],
                              ssems[(AGG_GRP - 1) % 2]).wait()

    plsc.subcore_barrier()
    pltpu.sync_copy(
        acc_sh.at[pl.ds(s * ROWS_PER_SUB, ROWS_PER_SUB)],
        out_hbm.at[c].at[pl.ds(s * ROWS_PER_SUB, ROWS_PER_SUB)],
    )




def _mm1_body(x_ref, w_ref, out_ref):
    out_ref[0] = jnp.dot(x_ref[...].astype(jnp.bfloat16),
                         w_ref[...].astype(jnp.bfloat16),
                         preferred_element_type=jnp.float32)


def _mm1(x_pad, W1):
    return pl.pallas_call(
        _mm1_body,
        grid=(NCORE, NBLK),
        in_specs=[
            pl.BlockSpec((RBLK, D_FEAT), lambda c, r: (r, 0)),
            pl.BlockSpec((D_FEAT, HALF), lambda c, r: (0, c)),
        ],
        out_specs=pl.BlockSpec((1, RBLK, HALF), lambda c, r: (c, r, 0)),
        out_shape=jax.ShapeDtypeStruct((NCORE, NPAD, HALF), jnp.float32),
    )(x_pad, W1)


def _scale_body(degp_ref, xw_ref, y_ref, dis_ref):
    deg = degp_ref[0] + degp_ref[1] + 1.0
    dis = lax.rsqrt(deg)
    dis_ref[...] = dis
    y_ref[0] = xw_ref[0] * dis


def _scale(deg_parts, xw):
    return pl.pallas_call(
        _scale_body,
        grid=(NBLK, NCORE),
        in_specs=[
            pl.BlockSpec((NCORE, RBLK, 1), lambda r, c: (0, r, 0)),
            pl.BlockSpec((1, RBLK, HALF), lambda r, c: (c, r, 0)),
        ],
        out_specs=[
            pl.BlockSpec((1, RBLK, HALF), lambda r, c: (c, r, 0)),
            pl.BlockSpec((RBLK, 1), lambda r, c: (r, 0)),
        ],
        out_shape=[
            jax.ShapeDtypeStruct((NCORE, NPAD, HALF), jnp.float32),
            jax.ShapeDtypeStruct((NPAD, 1), jnp.float32),
        ],
    )(deg_parts, xw)


def _layer2_body(acc_ref, dis_ref, b1_ref, w2_ref, y2_ref):
    dis = dis_ref[...]
    h0 = jax.nn.relu(acc_ref[0] * dis + b1_ref[0]).astype(jnp.bfloat16)
    h1 = jax.nn.relu(acc_ref[1] * dis + b1_ref[1]).astype(jnp.bfloat16)
    w2 = w2_ref[...].astype(jnp.bfloat16)
    y = (jnp.dot(h0, w2[:HALF, :], preferred_element_type=jnp.float32)
         + jnp.dot(h1, w2[HALF:, :], preferred_element_type=jnp.float32))
    y2_ref[0] = y * dis


def _layer2(acc1, dis, b1s, W2):
    return pl.pallas_call(
        _layer2_body,
        grid=(NCORE, NBLK),
        in_specs=[
            pl.BlockSpec((NCORE, RBLK, HALF), lambda c, r: (0, r, 0)),
            pl.BlockSpec((RBLK, 1), lambda c, r: (r, 0)),
            pl.BlockSpec((NCORE, 1, HALF), lambda c, r: (0, 0, 0)),
            pl.BlockSpec((D_FEAT, HALF), lambda c, r: (0, c)),
        ],
        out_specs=pl.BlockSpec((1, RBLK, HALF), lambda c, r: (c, r, 0)),
        out_shape=jax.ShapeDtypeStruct((NCORE, NPAD, HALF), jnp.float32),
    )(acc1, dis, b1s, W2)


def _mean_body(acc_ref, dis_ref, b2_ref, out_ref):
    r = pl.program_id(0)

    @pl.when(r == 0)
    def _():
        out_ref[...] = jnp.zeros((NCORE, 1, HALF), jnp.float32)

    dis = dis_ref[...]
    row = lax.broadcasted_iota(jnp.int32, (RBLK, HALF), 0) + r * RBLK
    mask = row < N_NODES
    for cc in range(NCORE):
        h = jax.nn.relu(acc_ref[cc] * dis + b2_ref[cc])
        h = jnp.where(mask, h, 0.0)
        out_ref[cc] = out_ref[cc] + jnp.sum(h, axis=0, keepdims=True)

    @pl.when(r == NBLK - 1)
    def _():
        out_ref[...] = out_ref[...] * (1.0 / N_NODES)


def _mean(acc2, dis, b2s):
    return pl.pallas_call(
        _mean_body,
        grid=(NBLK,),
        in_specs=[
            pl.BlockSpec((NCORE, RBLK, HALF), lambda r: (0, r, 0)),
            pl.BlockSpec((RBLK, 1), lambda r: (r, 0)),
            pl.BlockSpec((NCORE, 1, HALF), lambda r: (0, 0, 0)),
        ],
        out_specs=pl.BlockSpec((NCORE, 1, HALF), lambda r: (0, 0, 0)),
        out_shape=jax.ShapeDtypeStruct((NCORE, 1, HALF), jnp.float32),
    )(acc2, dis, b2s)




def kernel(x, edge_index, W1, b1, W2, b2):
    ei = edge_index.astype(jnp.int32)
    pad = N_NODES + (jnp.arange(EPAD - N_EDGES, dtype=jnp.int32)
                     % (NPAD - N_NODES))
    src = jnp.concatenate([ei[0], pad]).reshape(EROWS, 128)
    dst = jnp.concatenate([ei[1], pad]).reshape(EROWS, 128)

    x_pad = jnp.pad(x, ((0, NPAD - N_NODES), (0, 0)))
    b1s = b1.reshape(NCORE, 1, HALF)
    b2s = b2.reshape(NCORE, 1, HALF)

    deg_flat = _deg_kernel(dst)
    deg_parts = deg_flat.reshape(NCORE, NPAD, 1)
    xw1 = _mm1(x_pad, W1)
    y1, dis = _scale(deg_parts, xw1)
    acc1 = _agg_kernel(y1, src, dst)
    y2 = _layer2(acc1, dis, b1s, W2)
    acc2 = _agg_kernel(y2, src, dst)
    out = _mean(acc2, dis, b2s)
    return out.reshape(1, D_FEAT)

# --- scband reference (transcript-rebuilt; emitter-appended) ---
"""Pipeline reference for scband-graph-encoder-90881507984057 (READ-ONLY COPY).

The authoritative reference and input builder live on the scoring server;
editing this copy changes nothing except your own understanding.
"""

import jax, jax.numpy as jnp
import numpy as np

N_NODES = 10000
N_EDGES = 160000
D_FEAT = 256
HIDDEN = 256


def _gcn_conv(x, edge_index, W, b, num_nodes):
    # Faithful GCNConv: x' = D^{-1/2} (A + I) D^{-1/2} X W + b
    xw = x @ W
    src = edge_index[0]
    dst = edge_index[1]
    loop = jnp.arange(num_nodes, dtype=src.dtype)
    src = jnp.concatenate([src, loop])
    dst = jnp.concatenate([dst, loop])
    deg = jnp.zeros((num_nodes,), dtype=xw.dtype).at[dst].add(1.0)
    deg_inv_sqrt = jnp.where(deg > 0, 1.0 / jnp.sqrt(deg), 0.0)
    norm = deg_inv_sqrt[src] * deg_inv_sqrt[dst]
    msgs = xw[src] * norm[:, None]
    out = jnp.zeros((num_nodes, xw.shape[1]), dtype=xw.dtype).at[dst].add(msgs)
    return out + b


def setup_inputs(seed: int = 0) -> dict:
    key = jax.random.key(seed)
    k1, k2, k3, k4 = jax.random.split(key, 4)
    x = jax.random.normal(k1, (N_NODES, D_FEAT), dtype=jnp.float32)
    edge_index = jax.random.randint(k2, (2, N_EDGES), 0, N_NODES)
    W1 = jax.random.normal(k3, (D_FEAT, HIDDEN), dtype=jnp.float32) * (1.0 / np.sqrt(D_FEAT))
    b1 = jnp.zeros((HIDDEN,), dtype=jnp.float32)
    W2 = jax.random.normal(k4, (HIDDEN, HIDDEN), dtype=jnp.float32) * (1.0 / np.sqrt(HIDDEN))
    b2 = jnp.zeros((HIDDEN,), dtype=jnp.float32)
    return {"x": x, "edge_index": edge_index, "W1": W1, "b1": b1, "W2": W2, "b2": b2}


def reference(x, edge_index, W1, b1, W2, b2):
    h = jax.nn.relu(_gcn_conv(x, edge_index, W1, b1, N_NODES))
    h = jax.nn.relu(_gcn_conv(h, edge_index, W2, b2, N_NODES))
    return jnp.mean(h, axis=0, keepdims=True)

if __name__ == "__main__":
    import jax
    _d = setup_inputs()
    print(jax.jit(kernel)(*tuple(_d.values())))

</pallas_src>

<mosaic_0001>
#map = affine_map<(d0, d1) -> (0, 0)>
#map1 = affine_map<(d0, d1) -> (0)>
module attributes {stable_mosaic.version = 14 : i64} {
  func.func @_deg_kernel(%arg0: i32, %arg1: i32, %arg2: memref<1280x128xi32, #tpu.memory_space<hbm>>, %arg3: memref<20480xf32, #tpu.memory_space<hbm>>, %arg4: memref<40x128xi32, #tpu.memory_space<vmem>>, %arg5: memref<128xf32, #tpu.memory_space<vmem>>, %arg6: memref<640xf32, #tpu.memory_space<vmem>>, %arg7: memref<10240xf32, #tpu.memory_space<vmem_shared>>) attributes {dimension_semantics = [#tpu.dimension_semantics<core_parallel>, #tpu.dimension_semantics<subcore_parallel>], iteration_bounds = array<i64: 2, 16>, scalar_prefetch = 0 : i64, scratch_operands = 4 : i64, tpu.core_type = #tpu.core_type<sc_vector_subcore>, window_params = [{transform_indices = #map}, {transform_indices = #map1}]} {
    %mul3A = arith.constant 16 : i32
    %mul3A_0 = arith.muli %arg0, %mul3A : i32
    %add3A = arith.addi %mul3A_0, %arg1 : i32
    %mul3A_1 = arith.constant 40 : i32
    %mul3A_2 = arith.muli %add3A, %mul3A_1 : i32
    "tpu.region"() ({
      %run_scoped3A = tpu.sem_alloc : memref<!tpu.dma_semaphore, #tpu.memory_space<semaphore_mem>>
      %dma_start3A = arith.constant 0 : i32
      %dma_start3A_27 = tpu.memref_slice %arg2[%mul3A_2, %dma_start3A] : memref<1280x128xi32, #tpu.memory_space<hbm>> -> memref<40x128xi32, #tpu.memory_space<hbm>>
      %dma_start3A_28 = arith.constant 0 : i32
      %dma_start3A_29 = tpu.memref_slice %arg2[%mul3A_2, %dma_start3A_28] : memref<1280x128xi32, #tpu.memory_space<hbm>> -> memref<40x128xi32, #tpu.memory_space<hbm>>
      tpu.enqueue_dma source(%dma_start3A_29 : memref<40x128xi32, #tpu.memory_space<hbm>>) target(%arg4 : memref<40x128xi32, #tpu.memory_space<vmem>>) target_semaphore(%run_scoped3A : memref<!tpu.dma_semaphore, #tpu.memory_space<semaphore_mem>>)
      %dma_wait3A = arith.constant 0 : i32
      %dma_wait3A_30 = tpu.memref_slice %arg2[%mul3A_2, %dma_wait3A] : memref<1280x128xi32, #tpu.memory_space<hbm>> -> memref<40x128xi32, #tpu.memory_space<hbm>>
      %dma_wait3A_31 = arith.constant 0 : i32
      %dma_wait3A_32 = tpu.memref_slice %arg2[%mul3A_2, %dma_wait3A_31] : memref<1280x128xi32, #tpu.memory_space<hbm>> -> memref<40x128xi32, #tpu.memory_space<hbm>>
      tpu.wait_dma2 semaphore(%run_scoped3A : memref<!tpu.dma_semaphore, #tpu.memory_space<semaphore_mem>>) src(%dma_wait3A_32 : memref<40x128xi32, #tpu.memory_space<hbm>>) dst(%arg4 : memref<40x128xi32, #tpu.memory_space<vmem>>)
      tpu.yield
    }) : () -> ()
    %scan3A = arith.constant 0 : i32
    %scan3A_3 = arith.constant 8 : i32
    %scan3A_4 = arith.addi %scan3A, %scan3A_3 : i32
    %scan3A_5 = arith.constant 1 : i32
    scf.for %scan3A_27 = %scan3A to %scan3A_4 step %scan3A_5  : i32 {
      %mul3A_28 = arith.constant 1 : i32
      %mul3A_29 = arith.muli %scan3A_27, %mul3A_28 : i32
      %add3A_30 = arith.constant 0 : i32
      %add3A_31 = arith.addi %add3A_30, %mul3A_29 : i32
      %broadcast_in_dim3A = arith.constant 1.000000e+00 : f32
      %broadcast_in_dim3A_32 = vector.broadcast %broadcast_in_dim3A : f32 to vector<16xf32>
      %mul3A_33 = arith.constant 16 : i32
      %mul3A_34 = arith.muli %add3A_31, %mul3A_33 : i32
      %swap3A = arith.index_cast %mul3A_34 : i32 to index
      %swap3A_35 = tpu.vector_load %arg5[%swap3A] {strides = array<i32>} : memref<128xf32, #tpu.memory_space<vmem>>, vector<16xf32>,
      %swap3A_36 = vector.shape_cast %swap3A_35 : vector<16xf32> to vector<16xf32>
      %swap3A_37 = vector.shape_cast %broadcast_in_dim3A_32 : vector<16xf32> to vector<16xf32>
      tpu.vector_store %arg5[%swap3A], %swap3A_37 {strides = array<i32>} : memref<128xf32, #tpu.memory_space<vmem>>, vector<16xf32>,
    }
    %scan3A_6 = arith.constant 8 : i32
    %scan3A_7 = arith.constant 0 : i32
    %scan3A_8 = arith.constant 40 : i32
    %scan3A_9 = arith.addi %scan3A_7, %scan3A_8 : i32
    %scan3A_10 = arith.constant 1 : i32
    scf.for %scan3A_27 = %scan3A_7 to %scan3A_9 step %scan3A_10  : i32 {
      %mul3A_28 = arith.constant 1 : i32
      %mul3A_29 = arith.muli %scan3A_27, %mul3A_28 : i32
      %add3A_30 = arith.constant 0 : i32
      %add3A_31 = arith.addi %add3A_30, %mul3A_29 : i32
      %broadcast_in_dim3A = arith.constant 0.000000e+00 : f32
      %broadcast_in_dim3A_32 = vector.broadcast %broadcast_in_dim3A : f32 to vector<16xf32>
      %mul3A_33 = arith.constant 16 : i32
      %mul3A_34 = arith.muli %add3A_31, %mul3A_33 : i32
      %swap3A = arith.index_cast %mul3A_34 : i32 to index
      %swap3A_35 = tpu.vector_load %arg6[%swap3A] {strides = array<i32>} : memref<640xf32, #tpu.memory_space<vmem>>, vector<16xf32>,
      %swap3A_36 = vector.shape_cast %swap3A_35 : vector<16xf32> to vector<16xf32>
      %swap3A_37 = vector.shape_cast %broadcast_in_dim3A_32 : vector<16xf32> to vector<16xf32>
      tpu.vector_store %arg6[%swap3A], %swap3A_37 {strides = array<i32>} : memref<640xf32, #tpu.memory_space<vmem>>, vector<16xf32>,
    }
    %scan3A_11 = arith.constant 40 : i32
    %mul3A_12 = arith.constant 640 : i32
    %mul3A_13 = arith.muli %arg1, %mul3A_12 : i32
    "tpu.region"() ({
      %run_scoped3A = tpu.sem_alloc : memref<!tpu.dma_semaphore, #tpu.memory_space<semaphore_mem>>
      %dma_start3A = tpu.memref_slice %arg7[%mul3A_13] : memref<10240xf32, #tpu.memory_space<vmem_shared>> -> memref<640xf32, #tpu.memory_space<vmem_shared>>
      %dma_start3A_27 = tpu.memref_slice %arg7[%mul3A_13] : memref<10240xf32, #tpu.memory_space<vmem_shared>> -> memref<640xf32, #tpu.memory_space<vmem_shared>>
      tpu.enqueue_dma source(%arg6 : memref<640xf32, #tpu.memory_space<vmem>>) target(%dma_start3A_27 : memref<640xf32, #tpu.memory_space<vmem_shared>>) target_semaphore(%run_scoped3A : memref<!tpu.dma_semaphore, #tpu.memory_space<semaphore_mem>>)
      %dma_wait3A = tpu.memref_slice %arg7[%mul3A_13] : memref<10240xf32, #tpu.memory_space<vmem_shared>> -> memref<640xf32, #tpu.memory_space<vmem_shared>>
      %dma_wait3A_28 = tpu.memref_slice %arg7[%mul3A_13] : memref<10240xf32, #tpu.memory_space<vmem_shared>> -> memref<640xf32, #tpu.memory_space<vmem_shared>>
      tpu.wait_dma2 semaphore(%run_scoped3A : memref<!tpu.dma_semaphore, #tpu.memory_space<semaphore_mem>>) src(%arg6 : memref<640xf32, #tpu.memory_space<vmem>>) dst(%dma_wait3A_28 : memref<640xf32, #tpu.memory_space<vmem_shared>>)
      tpu.yield
    }) : () -> ()
    %barrier3A = arith.constant 0 : index
    tpu.barrier barrier_id(%barrier3A)
    %scan3A_14 = arith.constant 0 : i32
    %scan3A_15 = arith.constant 40 : i32
    %scan3A_16 = arith.addi %scan3A_14, %scan3A_15 : i32
    %scan3A_17 = arith.constant 1 : i32
    scf.for %scan3A_27 = %scan3A_14 to %scan3A_16 step %scan3A_17  : i32 {
      %mul3A_28 = arith.constant 1 : i32
      %mul3A_29 = arith.muli %scan3A_27, %mul3A_28 : i32
      %add3A_30 = arith.constant 0 : i32
      %add3A_31 = arith.addi %add3A_30, %mul3A_29 : i32
      "tpu.region"() ({
        %run_scoped3A = tpu.sem_alloc : memref<!tpu.dma_semaphore, #tpu.memory_space<semaphore_mem>>
        %dma_start3A = arith.constant 0 : i32
        %dma_start3A_32 = tpu.memref_slice %arg4[%add3A_31, %dma_start3A] : memref<40x128xi32, #tpu.memory_space<vmem>> -> memref<1x128xi32, #tpu.memory_space<vmem>>
        %dma_start3A_33 = tpu.memref_squeeze %dma_start3A_32 : memref<1x128xi32, #tpu.memory_space<vmem>> -> memref<128xi32, #tpu.memory_space<vmem>>
        %dma_start3A_34 = arith.constant 0 : i32
        %dma_start3A_35 = tpu.memref_slice %arg7[%dma_start3A_34] : memref<10240xf32, #tpu.memory_space<vmem_shared>> -> memref<10240xf32, #tpu.memory_space<vmem_shared>>
        tpu.enqueue_indirect_dma source(%arg5 : memref<128xf32, #tpu.memory_space<vmem>>) target(%dma_start3A_35 : memref<10240xf32, #tpu.memory_space<vmem_shared>>) offsets(%dma_start3A_33 : memref<128xi32, #tpu.memory_space<vmem>>) semaphore(%run_scoped3A : memref<!tpu.dma_semaphore, #tpu.memory_space<semaphore_mem>>) {add = true}
        %dma_wait3A = arith.constant 0 : i32
        %dma_wait3A_36 = tpu.memref_slice %arg4[%add3A_31, %dma_wait3A] : memref<40x128xi32, #tpu.memory_space<vmem>> -> memref<1x128xi32, #tpu.memory_space<vmem>>
        %dma_wait3A_37 = tpu.memref_squeeze %dma_wait3A_36 : memref<1x128xi32, #tpu.memory_space<vmem>> -> memref<128xi32, #tpu.memory_space<vmem>>
        %dma_wait3A_38 = arith.constant 0 : i32
        %dma_wait3A_39 = tpu.memref_slice %arg7[%dma_wait3A_38] : memref<10240xf32, #tpu.memory_space<vmem_shared>> -> memref<10240xf32, #tpu.memory_space<vmem_shared>>
        tpu.wait_indirect_dma semaphore(%run_scoped3A : memref<!tpu.dma_semaphore, #tpu.memory_space<semaphore_mem>>) src(%arg5 : memref<128xf32, #tpu.memory_space<vmem>>) dst(%dma_wait3A_39 : memref<10240xf32, #tpu.memory_space<vmem_shared>>)
        tpu.yield
      }) : () -> ()
    }
    %scan3A_18 = arith.constant 40 : i32
    %barrier3A_19 = arith.constant 0 : index
    tpu.barrier barrier_id(%barrier3A_19)
    %mul3A_20 = arith.constant 640 : i32
    %mul3A_21 = arith.muli %arg1, %mul3A_20 : i32
    %mul3A_22 = arith.constant 10240 : i32
    %mul3A_23 = arith.muli %arg0, %mul3A_22 : i32
    %mul3A_24 = arith.constant 640 : i32
    %mul3A_25 = arith.muli %arg1, %mul3A_24 : i32
    %add3A_26 = arith.addi %mul3A_23, %mul3A_25 : i32
    "tpu.region"() ({
      %run_scoped3A = tpu.sem_alloc : memref<!tpu.dma_semaphore, #tpu.memory_space<semaphore_mem>>
      %dma_start3A = tpu.memref_slice %arg3[%add3A_26] : memref<20480xf32, #tpu.memory_space<hbm>> -> memref<640xf32, #tpu.memory_space<hbm>>
      %dma_start3A_27 = tpu.memref_slice %arg7[%mul3A_21] : memref<10240xf32, #tpu.memory_space<vmem_shared>> -> memref<640xf32, #tpu.memory_space<vmem_shared>>
      tpu.enqueue_dma source(%dma_start3A_27 : memref<640xf32, #tpu.memory_space<vmem_shared>>) target(%dma_start3A : memref<640xf32, #tpu.memory_space<hbm>>) target_semaphore(%run_scoped3A : memref<!tpu.dma_semaphore, #tpu.memory_space<semaphore_mem>>)
      %dma_wait3A = tpu.memref_slice %arg3[%add3A_26] : memref<20480xf32, #tpu.memory_space<hbm>> -> memref<640xf32, #tpu.memory_space<hbm>>
      %dma_wait3A_28 = tpu.memref_slice %arg7[%mul3A_21] : memref<10240xf32, #tpu.memory_space<vmem_shared>> -> memref<640xf32, #tpu.memory_space<vmem_shared>>
      tpu.wait_dma2 semaphore(%run_scoped3A : memref<!tpu.dma_semaphore, #tpu.memory_space<semaphore_mem>>) src(%dma_wait3A_28 : memref<640xf32, #tpu.memory_space<vmem_shared>>) dst(%dma_wait3A : memref<640xf32, #tpu.memory_space<hbm>>)
      tpu.yield
    }) : () -> ()
    return
  }
}

#map = affine_map<(d0, d1) -> (0, 0, 0)>
#map1 = affine_map<(d0, d1) -> (0, 0)>
module attributes {stable_mosaic.version = 14 : i64} {
  func.func @_agg_kernel(%arg0: i32, %arg1: i32, %arg2: memref<2x10240x128xf32, #tpu.memory_space<hbm>>, %arg3: memref<1280x128xi32, #tpu.memory_space<hbm>>, %arg4: memref<1280x128xi32, #tpu.memory_space<hbm>>, %arg5: memref<2x10240x128xf32, #tpu.memory_space<hbm>>, %arg6: memref<16x128xi32, #tpu.memory_space<vmem>>, %arg7: memref<16x128xi32, #tpu.memory_space<vmem>>, %arg8: memref<128x128xf32, #tpu.memory_space<vmem>>, %arg9: memref<128x128xf32, #tpu.memory_space<vmem>>, %arg10: memref<!tpu.dma_semaphore, #tpu.memory_space<semaphore_mem>>, %arg11: memref<!tpu.dma_semaphore, #tpu.memory_space<semaphore_mem>>, %arg12: memref<!tpu.dma_semaphore, #tpu.memory_space<semaphore_mem>>, %arg13: memref<!tpu.dma_semaphore, #tpu.memory_space<semaphore_mem>>, %arg14: memref<10240x128xf32, #tpu.memory_space<vmem_shared>>) attributes {dimension_semantics = [#tpu.dimension_semantics<core_parallel>, #tpu.dimension_semantics<subcore_parallel>], iteration_bounds = array<i64: 2, 16>, scalar_prefetch = 0 : i64, scratch_operands = 9 : i64, tpu.core_type = #tpu.core_type<sc_vector_subcore>, window_params = [{transform_indices = #map}, {transform_indices = #map1}, {transform_indices = #map1}, {transform_indices = #map}]} {
    %mul3A = arith.constant 640 : i32
    %mul3A_0 = arith.muli %arg1, %mul3A : i32
    %mul3A_1 = arith.constant 640 : i32
    %mul3A_2 = arith.muli %arg1, %mul3A_1 : i32
    "tpu.region"() ({
      %run_scoped3A = tpu.sem_alloc : memref<!tpu.dma_semaphore, #tpu.memory_space<semaphore_mem>>
      %dma_start3A = arith.constant 0 : i32
      %dma_start3A_12 = tpu.memref_slice %arg14[%mul3A_2, %dma_start3A] : memref<10240x128xf32, #tpu.memory_space<vmem_shared>> -> memref<640x128xf32, #tpu.memory_space<vmem_shared>>
      %dma_start3A_13 = arith.constant 0 : i32
      %dma_start3A_14 = arith.constant 0 : i32
      %dma_start3A_15 = tpu.memref_slice %arg2[%arg0, %dma_start3A_13, %dma_start3A_14] : memref<2x10240x128xf32, #tpu.memory_space<hbm>> -> memref<1x10240x128xf32, #tpu.memory_space<hbm>>
      %dma_start3A_16 = tpu.memref_squeeze %dma_start3A_15 : memref<1x10240x128xf32, #tpu.memory_space<hbm>> -> memref<10240x128xf32, #tpu.memory_space<hbm>>
      %dma_start3A_17 = arith.constant 0 : i32
      %dma_start3A_18 = tpu.memref_slice %dma_start3A_16[%mul3A_0, %dma_start3A_17] : memref<10240x128xf32, #tpu.memory_space<hbm>> -> memref<640x128xf32, #tpu.memory_space<hbm>>
      tpu.enqueue_dma source(%dma_start3A_18 : memref<640x128xf32, #tpu.memory_space<hbm>>) target(%dma_start3A_12 : memref<640x128xf32, #tpu.memory_space<vmem_shared>>) target_semaphore(%run_scoped3A : memref<!tpu.dma_semaphore, #tpu.memory_space<semaphore_mem>>)
      %dma_wait3A = arith.constant 0 : i32
      %dma_wait3A_19 = tpu.memref_slice %arg14[%mul3A_2, %dma_wait3A] : memref<10240x128xf32, #tpu.memory_space<vmem_shared>> -> memref<640x128xf32, #tpu.memory_space<vmem_shared>>
      %dma_wait3A_20 = arith.constant 0 : i32
      %dma_wait3A_21 = arith.constant 0 : i32
      %dma_wait3A_22 = tpu.memref_slice %arg2[%arg0, %dma_wait3A_20, %dma_wait3A_21] : memref<2x10240x128xf32, #tpu.memory_space<hbm>> -> memref<1x10240x128xf32, #tpu.memory_space<hbm>>
      %dma_wait3A_23 = tpu.memref_squeeze %dma_wait3A_22 : memref<1x10240x128xf32, #tpu.memory_space<hbm>> -> memref<10240x128xf32, #tpu.memory_space<hbm>>
      %dma_wait3A_24 = arith.constant 0 : i32
      %dma_wait3A_25 = tpu.memref_slice %dma_wait3A_23[%mul3A_0, %dma_wait3A_24] : memref<10240x128xf32, #tpu.memory_space<hbm>> -> memref<640x128xf32, #tpu.memory_space<hbm>>
      tpu.wait_dma2 semaphore(%run_scoped3A : memref<!tpu.dma_semaphore, #tpu.memory_space<semaphore_mem>>) src(%dma_wait3A_25 : memref<640x128xf32, #tpu.memory_space<hbm>>) dst(%dma_wait3A_19 : memref<640x128xf32, #tpu.memory_space<vmem_shared>>)
      tpu.yield
    }) : () -> ()
    %barrier3A = arith.constant 0 : index
    tpu.barrier barrier_id(%barrier3A)
    %scan3A = arith.constant 0 : i32
    %scan3A_3 = arith.constant 5 : i32
    %scan3A_4 = arith.addi %scan3A, %scan3A_3 : i32
    %scan3A_5 = arith.constant 1 : i32
    scf.for %scan3A_12 = %scan3A to %scan3A_4 step %scan3A_5  : i32 {
      %mul3A_13 = arith.constant 16 : i32
      %mul3A_14 = arith.muli %scan3A_12, %mul3A_13 : i32
      %add3A = arith.constant 0 : i32
      %add3A_15 = arith.addi %add3A, %mul3A_14 : i32
      %mul3A_16 = arith.constant 80 : i32
      %mul3A_17 = arith.muli %arg1, %mul3A_16 : i32
      %add3A_18 = arith.addi %mul3A_17, %add3A_15 : i32
      "tpu.region"() ({
        %run_scoped3A = tpu.sem_alloc : memref<!tpu.dma_semaphore, #tpu.memory_space<semaphore_mem>>
        %dma_start3A_593 = arith.constant 0 : i32
        %dma_start3A_594 = tpu.memref_slice %arg3[%add3A_18, %dma_start3A_593] : memref<1280x128xi32, #tpu.memory_space<hbm>> -> memref<16x128xi32, #tpu.memory_space<hbm>>
        %dma_start3A_595 = arith.constant 0 : i32
        %dma_start3A_596 = tpu.memref_slice %arg3[%add3A_18, %dma_start3A_595] : memref<1280x128xi32, #tpu.memory_space<hbm>> -> memref<16x128xi32, #tpu.memory_space<hbm>>
        tpu.enqueue_dma source(%dma_start3A_596 : memref<16x128xi32, #tpu.memory_space<hbm>>) target(%arg6 : memref<16x128xi32, #tpu.memory_space<vmem>>) target_semaphore(%run_scoped3A : memref<!tpu.dma_semaphore, #tpu.memory_space<semaphore_mem>>)
        %dma_wait3A_597 = arith.constant 0 : i32
        %dma_wait3A_598 = tpu.memref_slice %arg3[%add3A_18, %dma_wait3A_597] : memref<1280x128xi32, #tpu.memory_space<hbm>> -> memref<16x128xi32, #tpu.memory_space<hbm>>
        %dma_wait3A_599 = arith.constant 0 : i32
        %dma_wait3A_600 = tpu.memref_slice %arg3[%add3A_18, %dma_wait3A_599] : memref<1280x128xi32, #tpu.memory_space<hbm>> -> memref<16x128xi32, #tpu.memory_space<hbm>>
        tpu.wait_dma2 semaphore(%run_scoped3A : memref<!tpu.dma_semaphore, #tpu.memory_space<semaphore_mem>>) src(%dma_wait3A_600 : memref<16x128xi32, #tpu.memory_space<hbm>>) dst(%arg6 : memref<16x128xi32, #tpu.memory_space<vmem>>)
        tpu.yield
      }) : () -> ()
      "tpu.region"() ({
        %run_scoped3A = tpu.sem_alloc : memref<!tpu.dma_semaphore, #tpu.memory_space<semaphore_mem>>
        %dma_start3A_593 = arith.constant 0 : i32
        %dma_start3A_594 = tpu.memref_slice %arg4[%add3A_18, %dma_start3A_593] : memref<1280x128xi32, #tpu.memory_space<hbm>> -> memref<16x128xi32, #tpu.memory_space<hbm>>
        %dma_start3A_595 = arith.constant 0 : i32
        %dma_start3A_596 = tpu.memref_slice %arg4[%add3A_18, %dma_start3A_595] : memref<1280x128xi32, #tpu.memory_space<hbm>> -> memref<16x128xi32, #tpu.memory_space<hbm>>
        tpu.enqueue_dma source(%dma_start3A_596 : memref<16x128xi32, #tpu.memory_space<hbm>>) target(%arg7 : memref<16x128xi32, #tpu.memory_space<vmem>>) target_semaphore(%run_scoped3A : memref<!tpu.dma_semaphore, #tpu.memory_space<semaphore_mem>>)
        %dma_wait3A_597 = arith.constant 0 : i32
        %dma_wait3A_598 = tpu.memref_slice %arg4[%add3A_18, %dma_wait3A_597] : memref<1280x128xi32, #tpu.memory_space<hbm>> -> memref<16x128xi32, #tpu.memory_space<hbm>>
        %dma_wait3A_599 = arith.constant 0 : i32
        %dma_wait3A_600 = tpu.memref_slice %arg4[%add3A_18, %dma_wait3A_599] : memref<1280x128xi32, #tpu.memory_space<hbm>> -> memref<16x128xi32, #tpu.memory_space<hbm>>
        tpu.wait_dma2 semaphore(%run_scoped3A : memref<!tpu.dma_semaphore, #tpu.memory_space<semaphore_mem>>) src(%dma_wait3A_600 : memref<16x128xi32, #tpu.memory_space<hbm>>) dst(%arg7 : memref<16x128xi32, #tpu.memory_space<vmem>>)
        tpu.yield
      }) : () -> ()
      %dma_start3A = arith.constant 0 : i32
      %dma_start3A_19 = arith.constant 0 : i32
      %dma_start3A_20 = tpu.memref_slice %arg6[%dma_start3A, %dma_start3A_19] : memref<16x128xi32, #tpu.memory_space<vmem>> -> memref<1x128xi32, #tpu.memory_space<vmem>>
      %dma_start3A_21 = tpu.memref_squeeze %dma_start3A_20 : memref<1x128xi32, #tpu.memory_space<vmem>> -> memref<128xi32, #tpu.memory_space<vmem>>
      %dma_start3A_22 = arith.constant 0 : i32
      %dma_start3A_23 = arith.constant 0 : i32
      %dma_start3A_24 = tpu.memref_slice %arg2[%arg0, %dma_start3A_22, %dma_start3A_23] : memref<2x10240x128xf32, #tpu.memory_space<hbm>> -> memref<1x10240x128xf32, #tpu.memory_space<hbm>>
      %dma_start3A_25 = tpu.memref_squeeze %dma_start3A_24 : memref<1x10240x128xf32, #tpu.memory_space<hbm>> -> memref<10240x128xf32, #tpu.memory_space<hbm>>
      %dma_start3A_26 = arith.constant 0 : i32
      %dma_start3A_27 = arith.constant 0 : i32
      %dma_start3A_28 = tpu.memref_slice %dma_start3A_25[%dma_start3A_26, %dma_start3A_27] : memref<10240x128xf32, #tpu.memory_space<hbm>> -> memref<10240x128xf32, #tpu.memory_space<hbm>>
      tpu.enqueue_indirect_dma source(%dma_start3A_28 : memref<10240x128xf32, #tpu.memory_space<hbm>>) target(%arg8 : memref<128x128xf32, #tpu.memory_space<vmem>>) offsets(%dma_start3A_21 : memref<128xi32, #tpu.memory_space<vmem>>) semaphore(%arg10 : memref<!tpu.dma_semaphore, #tpu.memory_space<semaphore_mem>>)
      %dma_start3A_29 = arith.constant 1 : i32
      %dma_start3A_30 = arith.constant 0 : i32
      %dma_start3A_31 = tpu.memref_slice %arg6[%dma_start3A_29, %dma_start3A_30] : memref<16x128xi32, #tpu.memory_space<vmem>> -> memref<1x128xi32, #tpu.memory_space<vmem>>
      %dma_start3A_32 = tpu.memref_squeeze %dma_start3A_31 : memref<1x128xi32, #tpu.memory_space<vmem>> -> memref<128xi32, #tpu.memory_space<vmem>>
      %dma_start3A_33 = arith.constant 0 : i32
      %dma_start3A_34 = arith.constant 0 : i32
      %dma_start3A_35 = tpu.memref_slice %arg2[%arg0, %dma_start3A_33, %dma_start3A_34] : memref<2x10240x128xf32, #tpu.memory_space<hbm>> -> memref<1x10240x128xf32, #tpu.memory_space<hbm>>
      %dma_start3A_36 = tpu.memref_squeeze %dma_start3A_35 : memref<1x10240x128xf32, #tpu.memory_space<hbm>> -> memref<10240x128xf32, #tpu.memory_space<hbm>>
      %dma_start3A_37 = arith.constant 0 : i32
      %dma_start3A_38 = arith.constant 0 : i32
      %dma_start3A_39 = tpu.memref_slice %dma_start3A_36[%dma_start3A_37, %dma_start3A_38] : memref<10240x128xf32, #tpu.memory_space<hbm>> -> memref<10240x128xf32, #tpu.memory_space<hbm>>
      tpu.enqueue_indirect_dma source(%dma_start3A_39 : memref<10240x128xf32, #tpu.memory_space<hbm>>) target(%arg9 : memref<128x128xf32, #tpu.memory_space<vmem>>) offsets(%dma_start3A_32 : memref<128xi32, #tpu.memory_space<vmem>>) semaphore(%arg11 : memref<!tpu.dma_semaphore, #tpu.memory_space<semaphore_mem>>)
      %dma_wait3A = arith.constant 0 : i32
      %dma_wait3A_40 = arith.constant 0 : i32
      %dma_wait3A_41 = tpu.memref_slice %arg6[%dma_wait3A, %dma_wait3A_40] : memref<16x128xi32, #tpu.memory_space<vmem>> -> memref<1x128xi32, #tpu.memory_space<vmem>>
      %dma_wait3A_42 = tpu.memref_squeeze %dma_wait3A_41 : memref<1x128xi32, #tpu.memory_space<vmem>> -> memref<128xi32, #tpu.memory_space<vmem>>
      %dma_wait3A_43 = arith.constant 0 : i32
      %dma_wait3A_44 = arith.constant 0 : i32
      %dma_wait3A_45 = tpu.memref_slice %arg2[%arg0, %dma_wait3A_43, %dma_wait3A_44] : memref<2x10240x128xf32, #tpu.memory_space<hbm>> -> memref<1x10240x128xf32, #tpu.memory_space<hbm>>
      %dma_wait3A_46 = tpu.memref_squeeze %dma_wait3A_45 : memref<1x10240x128xf32, #tpu.memory_space<hbm>> -> memref<10240x128xf32, #tpu.memory_space<hbm>>
      %dma_wait3A_47 = arith.constant 0 : i32
      %dma_wait3A_48 = arith.constant 0 : i32
      %dma_wait3A_49 = tpu.memref_slice %dma_wait3A_46[%dma_wait3A_47, %dma_wait3A_48] : memref<10240x128xf32, #tpu.memory_space<hbm>> -> memref<10240x128xf32, #tpu.memory_space<hbm>>
      tpu.wait_indirect_dma semaphore(%arg10 : memref<!tpu.dma_semaphore, #tpu.memory_space<semaphore_mem>>) src(%dma_wait3A_49 : memref<10240x128xf32, #tpu.memory_space<hbm>>) dst(%arg8 : memref<128x128xf32, #tpu.memory_space<vmem>>)
      %dma_start3A_50 = arith.constant 0 : i32
      %dma_start3A_51 = arith.constant 0 : i32
      %dma_start3A_52 = tpu.memref_slice %arg7[%dma_start3A_50, %dma_start3A_51] : memref<16x128xi32, #tpu.memory_space<vmem>> -> memref<1x128xi32, #tpu.memory_space<vmem>>
      %dma_start3A_53 = tpu.memref_squeeze %dma_start3A_52 : memref<1x128xi32, #tpu.memory_space<vmem>> -> memref<128xi32, #tpu.memory_space<vmem>>
      %dma_start3A_54 = arith.constant 0 : i32
      %dma_start3A_55 = arith.constant 0 : i32
      %dma_start3A_56 = tpu.memref_slice %arg14[%dma_start3A_54, %dma_start3A_55] : memref<10240x128xf32, #tpu.memory_space<vmem_shared>> -> memref<10240x128xf32, #tpu.memory_space<vmem_shared>>
      tpu.enqueue_indirect_dma source(%arg8 : memref<128x128xf32, #tpu.memory_space<vmem>>) target(%dma_start3A_56 : memref<10240x128xf32, #tpu.memory_space<vmem_shared>>) offsets(%dma_start3A_53 : memref<128xi32, #tpu.memory_space<vmem>>) semaphore(%arg12 : memref<!tpu.dma_semaphore, #tpu.memory_space<semaphore_mem>>) {add = true}
      %dma_wait3A_57 = arith.constant 0 : i32
      %dma_wait3A_58 = arith.constant 0 : i32
      %dma_wait3A_59 = tpu.memref_slice %arg7[%dma_wait3A_57, %dma_wait3A_58] : memref<16x128xi32, #tpu.memory_space<vmem>> -> memref<1x128xi32, #tpu.memory_space<vmem>>
      %dma_wait3A_60 = tpu.memref_squeeze %dma_wait3A_59 : memref<1x128xi32, #tpu.memory_space<vmem>> -> memref<128xi32, #tpu.memory_space<vmem>>
      %dma_wait3A_61 = arith.constant 0 : i32
      %dma_wait3A_62 = arith.constant 0 : i32
      %dma_wait3A_63 = tpu.memref_slice %arg14[%dma_wait3A_61, %dma_wait3A_62] : memref<10240x128xf32, #tpu.memory_space<vmem_shared>> -> memref<10240x128xf32, #tpu.memory_space<vmem_shared>>
      tpu.wait_indirect_dma semaphore(%arg12 : memref<!tpu.dma_semaphore, #tpu.memory_space<semaphore_mem>>) src(%arg8 : memref<128x128xf32, #tpu.memory_space<vmem>>) dst(%dma_wait3A_63 : memref<10240x128xf32, #tpu.memory_space<vmem_shared>>)
      %dma_start3A_64 = arith.constant 2 : i32
      %dma_start3A_65 = arith.constant 0 : i32
      %dma_start3A_66 = tpu.memref_slice %arg6[%dma_start3A_64, %dma_start3A_65] : memref<16x128xi32, #tpu.memory_space<vmem>> -> memref<1x128xi32, #tpu.memory_space<vmem>>
      %dma_start3A_67 = tpu.memref_squeeze %dma_start3A_66 : memref<1x128xi32, #tpu.memory_space<vmem>> -> memref<128xi32, #tpu.memory_space<vmem>>
      %dma_start3A_68 = arith.constant 0 : i32
      %dma_start3A_69 = arith.constant 0 : i32
      %dma_start3A_70 = tpu.memref_slice %arg2[%arg0, %dma_start3A_68, %dma_start3A_69] : memref<2x10240x128xf32, #tpu.memory_space<hbm>> -> memref<1x10240x128xf32, #tpu.memory_space<hbm>>
      %dma_start3A_71 = tpu.memref_squeeze %dma_start3A_70 : memref<1x10240x128xf32, #tpu.memory_space<hbm>> -> memref<10240x128xf32, #tpu.memory_space<hbm>>
      %dma_start3A_72 = arith.constant 0 : i32
      %dma_start3A_73 = arith.constant 0 : i32
      %dma_start3A_74 = tpu.memref_slice %dma_start3A_71[%dma_start3A_72, %dma_start3A_73] : memref<10240x128xf32, #tpu.memory_space<hbm>> -> memref<10240x128xf32, #tpu.memory_space<hbm>>
      tpu.enqueue_indirect_dma source(%dma_start3A_74 : memref<10240x128xf32, #tpu.memory_space<hbm>>) target(%arg8 : memref<128x128xf32, #tpu.memory_space<vmem>>) offsets(%dma_start3A_67 : memref<128xi32, #tpu.memory_space<vmem>>) semaphore(%arg10 : memref<!tpu.dma_semaphore, #tpu.memory_space<semaphore_mem>>)
      %dma_wait3A_75 = arith.constant 1 : i32
      %dma_wait3A_76 = arith.constant 0 : i32
      %dma_wait3A_77 = tpu.memref_slice %arg6[%dma_wait3A_75, %dma_wait3A_76] : memref<16x128xi32, #tpu.memory_space<vmem>> -> memref<1x128xi32, #tpu.memory_space<vmem>>
      %dma_wait3A_78 = tpu.memref_squeeze %dma_wait3A_77 : memref<1x128xi32, #tpu.memory_space<vmem>> -> memref<128xi32, #tpu.memory_space<vmem>>
      %dma_wait3A_79 = arith.constant 0 : i32
      %dma_wait3A_80 = arith.constant 0 : i32
      %dma_wait3A_81 = tpu.memref_slice %arg2[%arg0, %dma_wait3A_79, %dma_wait3A_80] : memref<2x10240x128xf32, #tpu.memory_space<hbm>> -> memref<1x10240x128xf32, #tpu.memory_space<hbm>>
      %dma_wait3A_82 = tpu.memref_squeeze %dma_wait3A_81 : memref<1x10240x128xf32, #tpu.memory_space<hbm>> -> memref<10240x128xf32, #tpu.memory_space<hbm>>
      %dma_wait3A_83 = arith.constant 0 : i32
      %dma_wait3A_84 = arith.constant 0 : i32
      %dma_wait3A_85 = tpu.memref_slice %dma_wait3A_82[%dma_wait3A_83, %dma_wait3A_84] : memref<10240x128xf32, #tpu.memory_space<hbm>> -> memref<10240x128xf32, #tpu.memory_space<hbm>>
      tpu.wait_indirect_dma semaphore(%arg11 : memref<!tpu.dma_semaphore, #tpu.memory_space<semaphore_mem>>) src(%dma_wait3A_85 : memref<10240x128xf32, #tpu.memory_space<hbm>>) dst(%arg9 : memref<128x128xf32, #tpu.memory_space<vmem>>)
      %dma_start3A_86 = arith.constant 1 : i32
      %dma_start3A_87 = arith.constant 0 : i32
      %dma_start3A_88 = tpu.memref_slice %arg7[%dma_start3A_86, %dma_start3A_87] : memref<16x128xi32, #tpu.memory_space<vmem>> -> memref<1x128xi32, #tpu.memory_space<vmem>>
      %dma_start3A_89 = tpu.memref_squeeze %dma_start3A_88 : memref<1x128xi32, #tpu.memory_space<vmem>> -> memref<128xi32, #tpu.memory_space<vmem>>
      %dma_start3A_90 = arith.constant 0 : i32
      %dma_start3A_91 = arith.constant 0 : i32
      %dma_start3A_92 = tpu.memref_slice %arg14[%dma_start3A_90, %dma_start3A_91] : memref<10240x128xf32, #tpu.memory_space<vmem_shared>> -> memref<10240x128xf32, #tpu.memory_space<vmem_shared>>
      tpu.enqueue_indirect_dma source(%arg9 : memref<128x128xf32, #tpu.memory_space<vmem>>) target(%dma_start3A_92 : memref<10240x128xf32, #tpu.memory_space<vmem_shared>>) offsets(%dma_start3A_89 : memref<128xi32, #tpu.memory_space<vmem>>) semaphore(%arg13 : memref<!tpu.dma_semaphore, #tpu.memory_space<semaphore_mem>>) {add = true}
      %dma_wait3A_93 = arith.constant 1 : i32
      %dma_wait3A_94 = arith.constant 0 : i32
      %dma_wait3A_95 = tpu.memref_slice %arg7[%dma_wait3A_93, %dma_wait3A_94] : memref<16x128xi32, #tpu.memory_space<vmem>> -> memref<1x128xi32, #tpu.memory_space<vmem>>
      %dma_wait3A_96 = tpu.memref_squeeze %dma_wait3A_95 : memref<1x128xi32, #tpu.memory_space<vmem>> -> memref<128xi32, #tpu.memory_space<vmem>>
      %dma_wait3A_97 = arith.constant 0 : i32
      %dma_wait3A_98 = arith.constant 0 : i32
      %dma_wait3A_99 = tpu.memref_slice %arg14[%dma_wait3A_97, %dma_wait3A_98] : memref<10240x128xf32, #tpu.memory_space<vmem_shared>> -> memref<10240x128xf32, #tpu.memory_space<vmem_shared>>
      tpu.wait_indirect_dma semaphore(%arg13 : memref<!tpu.dma_semaphore, #tpu.memory_space<semaphore_mem>>) src(%arg9 : memref<128x128xf32, #tpu.memory_space<vmem>>) dst(%dma_wait3A_99 : memref<10240x128xf32, #tpu.memory_space<vmem_shared>>)
      %dma_start3A_100 = arith.constant 3 : i32
      %dma_start3A_101 = arith.constant 0 : i32
      %dma_start3A_102 = tpu.memref_slice %arg6[%dma_start3A_100, %dma_start3A_101] : memref<16x128xi32, #tpu.memory_space<vmem>> -> memref<1x128xi32, #tpu.memory_space<vmem>>
      %dma_start3A_103 = tpu.memref_squeeze %dma_start3A_102 : memref<1x128xi32, #tpu.memory_space<vmem>> -> memref<128xi32, #tpu.memory_space<vmem>>
      %dma_start3A_104 = arith.constant 0 : i32
      %dma_start3A_105 = arith.constant 0 : i32
      %dma_start3A_106 = tpu.memref_slice %arg2[%arg0, %dma_start3A_104, %dma_start3A_105] : memref<2x10240x128xf32, #tpu.memory_space<hbm>> -> memref<1x10240x128xf32, #tpu.memory_space<hbm>>
      %dma_start3A_107 = tpu.memref_squeeze %dma_start3A_106 : memref<1x10240x128xf32, #tpu.memory_space<hbm>> -> memref<10240x128xf32, #tpu.memory_space<hbm>>
      %dma_start3A_108 = arith.constant 0 : i32
      %dma_start3A_109 = arith.constant 0 : i32
      %dma_start3A_110 = tpu.memref_slice %dma_start3A_107[%dma_start3A_108, %dma_start3A_109] : memref<10240x128xf32, #tpu.memory_space<hbm>> -> memref<10240x128xf32, #tpu.memory_space<hbm>>
      tpu.enqueue_indirect_dma source(%dma_start3A_110 : memref<10240x128xf32, #tpu.memory_space<hbm>>) target(%arg9 : memref<128x128xf32, #tpu.memory_space<vmem>>) offsets(%dma_start3A_103 : memref<128xi32, #tpu.memory_space<vmem>>) semaphore(%arg11 : memref<!tpu.dma_semaphore, #tpu.memory_space<semaphore_mem>>)
      %dma_wait3A_111 = arith.constant 2 : i32
      %dma_wait3A_112 = arith.constant 0 : i32
      %dma_wait3A_113 = tpu.memref_slice %arg6[%dma_wait3A_111, %dma_wait3A_112] : memref<16x128xi32, #tpu.memory_space<vmem>> -> memref<1x128xi32, #tpu.memory_space<vmem>>
      %dma_wait3A_114 = tpu.memref_squeeze %dma_wait3A_113 : memref<1x128xi32, #tpu.memory_space<vmem>> -> memref<128xi32, #tpu.memory_space<vmem>>
      %dma_wait3A_115 = arith.constant 0 : i32
      %dma_wait3A_116 = arith.constant 0 : i32
      %dma_wait3A_117 = tpu.memref_slice %arg2[%arg0, %dma_wait3A_115, %dma_wait3A_116] : memref<2x10240x128xf32, #tpu.memory_space<hbm>> -> memref<1x10240x128xf32, #tpu.memory_space<hbm>>
      %dma_wait3A_118 = tpu.memref_squeeze %dma_wait3A_117 : memref<1x10240x128xf32, #tpu.memory_space<hbm>> -> memref<10240x128xf32, #tpu.memory_space<hbm>>
      %dma_wait3A_119 = arith.constant 0 : i32
      %dma_wait3A_120 = arith.constant 0 : i32
      %dma_wait3A_121 = tpu.memref_slice %dma_wait3A_118[%dma_wait3A_119, %dma_wait3A_120] : memref<10240x128xf32, #tpu.memory_space<hbm>> -> memref<10240x128xf32, #tpu.memory_space<hbm>>
      tpu.wait_indirect_dma semaphore(%arg10 : memref<!tpu.dma_semaphore, #tpu.memory_space<semaphore_mem>>) src(%dma_wait3A_121 : memref<10240x128xf32, #tpu.memory_space<hbm>>) dst(%arg8 : memref<128x128xf32, #tpu.memory_space<vmem>>)
      %dma_start3A_122 = arith.constant 2 : i32
      %dma_start3A_123 = arith.constant 0 : i32
      %dma_start3A_124 = tpu.memref_slice %arg7[%dma_start3A_122, %dma_start3A_123] : memref<16x128xi32, #tpu.memory_space<vmem>> -> memref<1x128xi32, #tpu.memory_space<vmem>>
      %dma_start3A_125 = tpu.memref_squeeze %dma_start3A_124 : memref<1x128xi32, #tpu.memory_space<vmem>> -> memref<128xi32, #tpu.memory_space<vmem>>
      %dma_start3A_126 = arith.constant 0 : i32
      %dma_start3A_127 = arith.constant 0 : i32
      %dma_start3A_128 = tpu.memref_slice %arg14[%dma_start3A_126, %dma_start3A_127] : memref<10240x128xf32, #tpu.memory_space<vmem_shared>> -> memref<10240x128xf32, #tpu.memory_space<vmem_shared>>
      tpu.enqueue_indirect_dma source(%arg8 : memref<128x128xf32, #tpu.memory_space<vmem>>) target(%dma_start3A_128 : memref<10240x128xf32, #tpu.memory_space<vmem_shared>>) offsets(%dma_start3A_125 : memref<128xi32, #tpu.memory_space<vmem>>) semaphore(%arg12 : memref<!tpu.dma_semaphore, #tpu.memory_space<semaphore_mem>>) {add = true}
      %dma_wait3A_129 = arith.constant 2 : i32
      %dma_wait3A_130 = arith.constant 0 : i32
      %dma_wait3A_131 = tpu.memref_slice %arg7[%dma_wait3A_129, %dma_wait3A_130] : memref<16x128xi32, #tpu.memory_space<vmem>> -> memref<1x128xi32, #tpu.memory_space<vmem>>
      %dma_wait3A_132 = tpu.memref_squeeze %dma_wait3A_131 : memref<1x128xi32, #tpu.memory_space<vmem>> -> memref<128xi32, #tpu.memory_space<vmem>>
      %dma_wait3A_133 = arith.constant 0 : i32
      %dma_wait3A_134 = arith.constant 0 : i32
      %dma_wait3A_135 = tpu.memref_slice %arg14[%dma_wait3A_133, %dma_wait3A_134] : memref<10240x128xf32, #tpu.memory_space<vmem_shared>> -> memref<10240x128xf32, #tpu.memory_space<vmem_shared>>
      tpu.wait_indirect_dma semaphore(%arg12 : memref<!tpu.dma_semaphore, #tpu.memory_space<semaphore_mem>>) src(%arg8 : memref<128x128xf32, #tpu.memory_space<vmem>>) dst(%dma_wait3A_135 : memref<10240x128xf32, #tpu.memory_space<vmem_shared>>)
      %dma_start3A_136 = arith.constant 4 : i32
      %dma_start3A_137 = arith.constant 0 : i32
      %dma_start3A_138 = tpu.memref_slice %arg6[%dma_start3A_136, %dma_start3A_137] : memref<16x128xi32, #tpu.memory_space<vmem>> -> memref<1x128xi32, #tpu.memory_space<vmem>>
      %dma_start3A_139 = tpu.memref_squeeze %dma_start3A_138 : memref<1x128xi32, #tpu.memory_space<vmem>> -> memref<128xi32, #tpu.memory_space<vmem>>
      %dma_start3A_140 = arith.constant 0 : i32
      %dma_start3A_141 = arith.constant 0 : i32
      %dma_start3A_142 = tpu.memref_slice %arg2[%arg0, %dma_start3A_140, %dma_start3A_141] : memref<2x10240x128xf32, #tpu.memory_space<hbm>> -> memref<1x10240x128xf32, #tpu.memory_space<hbm>>
      %dma_start3A_143 = tpu.memref_squeeze %dma_start3A_142 : memref<1x10240x128xf32, #tpu.memory_space<hbm>> -> memref<10240x128xf32, #tpu.memory_space<hbm>>
      %dma_start3A_144 = arith.constant 0 : i32
      %dma_start3A_145 = arith.constant 0 : i32
      %dma_start3A_146 = tpu.memref_slice %dma_start3A_143[%dma_start3A_144, %dma_start3A_145] : memref<10240x128xf32, #tpu.memory_space<hbm>> -> memref<10240x128xf32, #tpu.memory_space<hbm>>
      tpu.enqueue_indirect_dma source(%dma_start3A_146 : memref<10240x128xf32, #tpu.memory_space<hbm>>) target(%arg8 : memref<128x128xf32, #tpu.memory_space<vmem>>) offsets(%dma_start3A_139 : memref<128xi32, #tpu.memory_space<vmem>>) semaphore(%arg10 : memref<!tpu.dma_semaphore, #tpu.memory_space<semaphore_mem>>)
      %dma_wait3A_147 = arith.constant 3 : i32
      %dma_wait3A_148 = arith.constant 0 : i32
      %dma_wait3A_149 = tpu.memref_slice %arg6[%dma_wait3A_147, %dma_wait3A_148] : memref<16x128xi32, #tpu.memory_space<vmem>> -> memref<1x128xi32, #tpu.memory_space<vmem>>
      %dma_wait3A_150 = tpu.memref_squeeze %dma_wait3A_149 : memref<1x128xi32, #tpu.memory_space<vmem>> -> memref<128xi32, #tpu.memory_space<vmem>>
      %dma_wait3A_151 = arith.constant 0 : i32
      %dma_wait3A_152 = arith.constant 0 : i32
      %dma_wait3A_153 = tpu.memref_slice %arg2[%arg0, %dma_wait3A_151, %dma_wait3A_152] : memref<2x10240x128xf32, #tpu.memory_space<hbm>> -> memref<1x10240x128xf32, #tpu.memory_space<hbm>>
      %dma_wait3A_154 = tpu.memref_squeeze %dma_wait3A_153 : memref<1x10240x128xf32, #tpu.memory_space<hbm>> -> memref<10240x128xf32, #tpu.memory_space<hbm>>
      %dma_wait3A_155 = arith.constant 0 : i32
      %dma_wait3A_156 = arith.constant 0 : i32
      %dma_wait3A_157 = tpu.memref_slice %dma_wait3A_154[%dma_wait3A_155, %dma_wait3A_156] : memref<10240x128xf32, #tpu.memory_space<hbm>> -> memref<10240x128xf32, #tpu.memory_space<hbm>>
      tpu.wait_indirect_dma semaphore(%arg11 : memref<!tpu.dma_semaphore, #tpu.memory_space<semaphore_mem>>) src(%dma_wait3A_157 : memref<10240x128xf32, #tpu.memory_space<hbm>>) dst(%arg9 : memref<128x128xf32, #tpu.memory_space<vmem>>)
      %dma_start3A_158 = arith.constant 3 : i32
      %dma_start3A_159 = arith.constant 0 : i32
      %dma_start3A_160 = tpu.memref_slice %arg7[%dma_start3A_158, %dma_start3A_159] : memref<16x128xi32, #tpu.memory_space<vmem>> -> memref<1x128xi32, #tpu.memory_space<vmem>>
      %dma_start3A_161 = tpu.memref_squeeze %dma_start3A_160 : memref<1x128xi32, #tpu.memory_space<vmem>> -> memref<128xi32, #tpu.memory_space<vmem>>
      %dma_start3A_162 = arith.constant 0 : i32
      %dma_start3A_163 = arith.constant 0 : i32
      %dma_start3A_164 = tpu.memref_slice %arg14[%dma_start3A_162, %dma_start3A_163] : memref<10240x128xf32, #tpu.memory_space<vmem_shared>> -> memref<10240x128xf32, #tpu.memory_space<vmem_shared>>
      tpu.enqueue_indirect_dma source(%arg9 : memref<128x128xf32, #tpu.memory_space<vmem>>) target(%dma_start3A_164 : memref<10240x128xf32, #tpu.memory_space<vmem_shared>>) offsets(%dma_start3A_161 : memref<128xi32, #tpu.memory_space<vmem>>) semaphore(%arg13 : memref<!tpu.dma_semaphore, #tpu.memory_space<semaphore_mem>>) {add = true}
      %dma_wait3A_165 = arith.constant 3 : i32
      %dma_wait3A_166 = arith.constant 0 : i32
      %dma_wait3A_167 = tpu.memref_slice %arg7[%dma_wait3A_165, %dma_wait3A_166] : memref<16x128xi32, #tpu.memory_space<vmem>> -> memref<1x128xi32, #tpu.memory_space<vmem>>
      %dma_wait3A_168 = tpu.memref_squeeze %dma_wait3A_167 : memref<1x128xi32, #tpu.memory_space<vmem>> -> memref<128xi32, #tpu.memory_space<vmem>>
      %dma_wait3A_169 = arith.constant 0 : i32
      %dma_wait3A_170 = arith.constant 0 : i32
      %dma_wait3A_171 = tpu.memref_slice %arg14[%dma_wait3A_169, %dma_wait3A_170] : memref<10240x128xf32, #tpu.memory_space<vmem_shared>> -> memref<10240x128xf32, #tpu.memory_space<vmem_shared>>
      tpu.wait_indirect_dma semaphore(%arg13 : memref<!tpu.dma_semaphore, #tpu.memory_space<semaphore_mem>>) src(%arg9 : memref<128x128xf32, #tpu.memory_space<vmem>>) dst(%dma_wait3A_171 : memref<10240x128xf32, #tpu.memory_space<vmem_shared>>)
      %dma_start3A_172 = arith.constant 5 : i32
      %dma_start3A_173 = arith.constant 0 : i32
      %dma_start3A_174 = tpu.memref_slice %arg6[%dma_start3A_172, %dma_start3A_173] : memref<16x128xi32, #tpu.memory_space<vmem>> -> memref<1x128xi32, #tpu.memory_space<vmem>>
      %dma_start3A_175 = tpu.memref_squeeze %dma_start3A_174 : memref<1x128xi32, #tpu.memory_space<vmem>> -> memref<128xi32, #tpu.memory_space<vmem>>
      %dma_start3A_176 = arith.constant 0 : i32
      %dma_start3A_177 = arith.constant 0 : i32
      %dma_start3A_178 = tpu.memref_slice %arg2[%arg0, %dma_start3A_176, %dma_start3A_177] : memref<2x10240x128xf32, #tpu.memory_space<hbm>> -> memref<1x10240x128xf32, #tpu.memory_space<hbm>>
      %dma_start3A_179 = tpu.memref_squeeze %dma_start3A_178 : memref<1x10240x128xf32, #tpu.memory_space<hbm>> -> memref<10240x128xf32, #tpu.memory_space<hbm>>
      %dma_start3A_180 = arith.constant 0 : i32
      %dma_start3A_181 = arith.constant 0 : i32
      %dma_start3A_182 = tpu.memref_slice %dma_start3A_179[%dma_start3A_180, %dma_start3A_181] : memref<10240x128xf32, #tpu.memory_space<hbm>> -> memref<10240x128xf32, #tpu.memory_space<hbm>>
      tpu.enqueue_indirect_dma source(%dma_start3A_182 : memref<10240x128xf32, #tpu.memory_space<hbm>>) target(%arg9 : memref<128x128xf32, #tpu.memory_space<vmem>>) offsets(%dma_start3A_175 : memref<128xi32, #tpu.memory_space<vmem>>) semaphore(%arg11 : memref<!tpu.dma_semaphore, #tpu.memory_space<semaphore_mem>>)
      %dma_wait3A_183 = arith.constant 4 : i32
      %dma_wait3A_184 = arith.constant 0 : i32
      %dma_wait3A_185 = tpu.memref_slice %arg6[%dma_wait3A_183, %dma_wait3A_184] : memref<16x128xi32, #tpu.memory_space<vmem>> -> memref<1x128xi32, #tpu.memory_space<vmem>>
      %dma_wait3A_186 = tpu.memref_squeeze %dma_wait3A_185 : memref<1x128xi32, #tpu.memory_space<vmem>> -> memref<128xi32, #tpu.memory_space<vmem>>
      %dma_wait3A_187 = arith.constant 0 : i32
      %dma_wait3A_188 = arith.constant 0 : i32
      %dma_wait3A_189 = tpu.memref_slice %arg2[%arg0, %dma_wait3A_187, %dma_wait3A_188] : memref<2x10240x128xf32, #tpu.memory_space<hbm>> -> memref<1x10240x128xf32, #tpu.memory_space<hbm>>
      %dma_wait3A_190 = tpu.memref_squeeze %dma_wait3A_189 : memref<1x10240x128xf32, #tpu.memory_space<hbm>> -> memref<10240x128xf32, #tpu.memory_space<hbm>>
      %dma_wait3A_191 = arith.constant 0 : i32
      %dma_wait3A_192 = arith.constant 0 : i32
      %dma_wait3A_193 = tpu.memref_slice %dma_wait3A_190[%dma_wait3A_191, %dma_wait3A_192] : memref<10240x128xf32, #tpu.memory_space<hbm>> -> memref<10240x128xf32, #tpu.memory_space<hbm>>
      tpu.wait_indirect_dma semaphore(%arg10 : memref<!tpu.dma_semaphore, #tpu.memory_space<semaphore_mem>>) src(%dma_wait3A_193 : memref<10240x128xf32, #tpu.memory_space<hbm>>) dst(%arg8 : memref<128x128xf32, #tpu.memory_space<vmem>>)
      %dma_start3A_194 = arith.constant 4 : i32
      %dma_start3A_195 = arith.constant 0 : i32
      %dma_start3A_196 = tpu.memref_slice %arg7[%dma_start3A_194, %dma_start3A_195] : memref<16x128xi32, #tpu.memory_space<vmem>> -> memref<1x128xi32, #tpu.memory_space<vmem>>
      %dma_start3A_197 = tpu.memref_squeeze %dma_start3A_196 : memref<1x128xi32, #tpu.memory_space<vmem>> -> memref<128xi32, #tpu.memory_space<vmem>>
      %dma_start3A_198 = arith.constant 0 : i32
      %dma_start3A_199 = arith.constant 0 : i32
      %dma_start3A_200 = tpu.memref_slice %arg14[%dma_start3A_198, %dma_start3A_199] : memref<10240x128xf32, #tpu.memory_space<vmem_shared>> -> memref<10240x128xf32, #tpu.memory_space<vmem_shared>>
      tpu.enqueue_indirect_dma source(%arg8 : memref<128x128xf32, #tpu.memory_space<vmem>>) target(%dma_start3A_200 : memref<10240x128xf32, #tpu.memory_space<vmem_shared>>) offsets(%dma_start3A_197 : memref<128xi32, #tpu.memory_space<vmem>>) semaphore(%arg12 : memref<!tpu.dma_semaphore, #tpu.memory_space<semaphore_mem>>) {add = true}
      %dma_wait3A_201 = arith.constant 4 : i32
      %dma_wait3A_202 = arith.constant 0 : i32
      %dma_wait3A_203 = tpu.memref_slice %arg7[%dma_wait3A_201, %dma_wait3A_202] : memref<16x128xi32, #tpu.memory_space<vmem>> -> memref<1x128xi32, #tpu.memory_space<vmem>>
      %dma_wait3A_204 = tpu.memref_squeeze %dma_wait3A_203 : memref<1x128xi32, #tpu.memory_space<vmem>> -> memref<128xi32, #tpu.memory_space<vmem>>
      %dma_wait3A_205 = arith.constant 0 : i32
      %dma_wait3A_206 = arith.constant 0 : i32
      %dma_wait3A_207 = tpu.memref_slice %arg14[%dma_wait3A_205, %dma_wait3A_206] : memref<10240x128xf32, #tpu.memory_space<vmem_shared>> -> memref<10240x128xf32, #tpu.memory_space<vmem_shared>>
      tpu.wait_indirect_dma semaphore(%arg12 : memref<!tpu.dma_semaphore, #tpu.memory_space<semaphore_mem>>) src(%arg8 : memref<128x128xf32, #tpu.memory_space<vmem>>) dst(%dma_wait3A_207 : memref<10240x128xf32, #tpu.memory_space<vmem_shared>>)
      %dma_start3A_208 = arith.constant 6 : i32
      %dma_start3A_209 = arith.constant 0 : i32
      %dma_start3A_210 = tpu.memref_slice %arg6[%dma_start3A_208, %dma_start3A_209] : memref<16x128xi32, #tpu.memory_space<vmem>> -> memref<1x128xi32, #tpu.memory_space<vmem>>
      %dma_start3A_211 = tpu.memref_squeeze %dma_start3A_210 : memref<1x128xi32, #tpu.memory_space<vmem>> -> memref<128xi32, #tpu.memory_space<vmem>>
      %dma_start3A_212 = arith.constant 0 : i32
      %dma_start3A_213 = arith.constant 0 : i32
      %dma_start3A_214 = tpu.memref_slice %arg2[%arg0, %dma_start3A_212, %dma_start3A_213] : memref<2x10240x128xf32, #tpu.memory_space<hbm>> -> memref<1x10240x128xf32, #tpu.memory_space<hbm>>
      %dma_start3A_215 = tpu.memref_squeeze %dma_start3A_214 : memref<1x10240x128xf32, #tpu.memory_space<hbm>> -> memref<10240x128xf32, #tpu.memory_space<hbm>>
      %dma_start3A_216 = arith.constant 0 : i32
      %dma_start3A_217 = arith.constant 0 : i32
      %dma_start3A_218 = tpu.memref_slice %dma_start3A_215[%dma_start3A_216, %dma_start3A_217] : memref<10240x128xf32, #tpu.memory_space<hbm>> -> memref<10240x128xf32, #tpu.memory_space<hbm>>
      tpu.enqueue_indirect_dma source(%dma_start3A_218 : memref<10240x128xf32, #tpu.memory_space<hbm>>) target(%arg8 : memref<128x128xf32, #tpu.memory_space<vmem>>) offsets(%dma_start3A_211 : memref<128xi32, #tpu.memory_space<vmem>>) semaphore(%arg10 : memref<!tpu.dma_semaphore, #tpu.memory_space<semaphore_mem>>)
      %dma_wait3A_219 = arith.constant 5 : i32
      %dma_wait3A_220 = arith.constant 0 : i32
      %dma_wait3A_221 = tpu.memref_slice %arg6[%dma_wait3A_219, %dma_wait3A_220] : memref<16x128xi32, #tpu.memory_space<vmem>> -> memref<1x128xi32, #tpu.memory_space<vmem>>
      %dma_wait3A_222 = tpu.memref_squeeze %dma_wait3A_221 : memref<1x128xi32, #tpu.memory_space<vmem>> -> memref<128xi32, #tpu.memory_space<vmem>>
      %dma_wait3A_223 = arith.constant 0 : i32
      %dma_wait3A_224 = arith.constant 0 : i32
      %dma_wait3A_225 = tpu.memref_slice %arg2[%arg0, %dma_wait3A_223, %dma_wait3A_224] : memref<2x10240x128xf32, #tpu.memory_space<hbm>> -> memref<1x10240x128xf32, #tpu.memory_space<hbm>>
      %dma_wait3A_226 = tpu.memref_squeeze %dma_wait3A_225 : memref<1x10240x128xf32, #tpu.memory_space<hbm>> -> memref<10240x128xf32, #tpu.memory_space<hbm>>
      %dma_wait3A_227 = arith.constant 0 : i32
      %dma_wait3A_228 = arith.constant 0 : i32
      %dma_wait3A_229 = tpu.memref_slice %dma_wait3A_226[%dma_wait3A_227, %dma_wait3A_228] : memref<10240x128xf32, #tpu.memory_space<hbm>> -> memref<10240x128xf32, #tpu.memory_space<hbm>>
      tpu.wait_indirect_dma semaphore(%arg11 : memref<!tpu.dma_semaphore, #tpu.memory_space<semaphore_mem>>) src(%dma_wait3A_229 : memref<10240x128xf32, #tpu.memory_space<hbm>>) dst(%arg9 : memref<128x128xf32, #tpu.memory_space<vmem>>)
      %dma_start3A_230 = arith.constant 5 : i32
      %dma_start3A_231 = arith.constant 0 : i32
      %dma_start3A_232 = tpu.memref_slice %arg7[%dma_start3A_230, %dma_start3A_231] : memref<16x128xi32, #tpu.memory_space<vmem>> -> memref<1x128xi32, #tpu.memory_space<vmem>>
      %dma_start3A_233 = tpu.memref_squeeze %dma_start3A_232 : memref<1x128xi32, #tpu.memory_space<vmem>> -> memref<128xi32, #tpu.memory_space<vmem>>
      %dma_start3A_234 = arith.constant 0 : i32
      %dma_start3A_235 = arith.constant 0 : i32
      %dma_start3A_236 = tpu.memref_slice %arg14[%dma_start3A_234, %dma_start3A_235] : memref<10240x128xf32, #tpu.memory_space<vmem_shared>> -> memref<10240x128xf32, #tpu.memory_space<vmem_shared>>
      tpu.enqueue_indirect_dma source(%arg9 : memref<128x128xf32, #tpu.memory_space<vmem>>) target(%dma_start3A_236 : memref<10240x128xf32, #tpu.memory_space<vmem_shared>>) offsets(%dma_start3A_233 : memref<128xi32, #tpu.memory_space<vmem>>) semaphore(%arg13 : memref<!tpu.dma_semaphore, #tpu.memory_space<semaphore_mem>>) {add = true}
      %dma_wait3A_237 = arith.constant 5 : i32
      %dma_wait3A_238 = arith.constant 0 : i32
      %dma_wait3A_239 = tpu.memref_slice %arg7[%dma_wait3A_237, %dma_wait3A_238] : memref<16x128xi32, #tpu.memory_space<vmem>> -> memref<1x128xi32, #tpu.memory_space<vmem>>
      %dma_wait3A_240 = tpu.memref_squeeze %dma_wait3A_239 : memref<1x128xi32, #tpu.memory_space<vmem>> -> memref<128xi32, #tpu.memory_space<vmem>>
      %dma_wait3A_241 = arith.constant 0 : i32
      %dma_wait3A_242 = arith.constant 0 : i32
      %dma_wait3A_243 = tpu.memref_slice %arg14[%dma_wait3A_241, %dma_wait3A_242] : memref<10240x128xf32, #tpu.memory_space<vmem_shared>> -> memref<10240x128xf32, #tpu.memory_space<vmem_shared>>
      tpu.wait_indirect_dma semaphore(%arg13 : memref<!tpu.dma_semaphore, #tpu.memory_space<semaphore_mem>>) src(%arg9 : memref<128x128xf32, #tpu.memory_space<vmem>>) dst(%dma_wait3A_243 : memref<10240x128xf32, #tpu.memory_space<vmem_shared>>)
      %dma_start3A_244 = arith.constant 7 : i32
      %dma_start3A_245 = arith.constant 0 : i32
      %dma_start3A_246 = tpu.memref_slice %arg6[%dma_start3A_244, %dma_start3A_245] : memref<16x128xi32, #tpu.memory_space<vmem>> -> memref<1x128xi32, #tpu.memory_space<vmem>>
      %dma_start3A_247 = tpu.memref_squeeze %dma_start3A_246 : memref<1x128xi32, #tpu.memory_space<vmem>> -> memref<128xi32, #tpu.memory_space<vmem>>
      %dma_start3A_248 = arith.constant 0 : i32
      %dma_start3A_249 = arith.constant 0 : i32
      %dma_start3A_250 = tpu.memref_slice %arg2[%arg0, %dma_start3A_248, %dma_start3A_249] : memref<2x10240x128xf32, #tpu.memory_space<hbm>> -> memref<1x10240x128xf32, #tpu.memory_space<hbm>>
      %dma_start3A_251 = tpu.memref_squeeze %dma_start3A_250 : memref<1x10240x128xf32, #tpu.memory_space<hbm>> -> memref<10240x128xf32, #tpu.memory_space<hbm>>
      %dma_start3A_252 = arith.constant 0 : i32
      %dma_start3A_253 = arith.constant 0 : i32
      %dma_start3A_254 = tpu.memref_slice %dma_start3A_251[%dma_start3A_252, %dma_start3A_253] : memref<10240x128xf32, #tpu.memory_space<hbm>> -> memref<10240x128xf32, #tpu.memory_space<hbm>>
      tpu.enqueue_indirect_dma source(%dma_start3A_254 : memref<10240x128xf32, #tpu.memory_space<hbm>>) target(%arg9 : memref<128x128xf32, #tpu.memory_space<vmem>>) offsets(%dma_start3A_247 : memref<128xi32, #tpu.memory_space<vmem>>) semaphore(%arg11 : memref<!tpu.dma_semaphore, #tpu.memory_space<semaphore_mem>>)
      %dma_wait3A_255 = arith.constant 6 : i32
      %dma_wait3A_256 = arith.constant 0 : i32
      %dma_wait3A_257 = tpu.memref_slice %arg6[%dma_wait3A_255, %dma_wait3A_256] : memref<16x128xi32, #tpu.memory_space<vmem>> -> memref<1x128xi32, #tpu.memory_space<vmem>>
      %dma_wait3A_258 = tpu.memref_squeeze %dma_wait3A_257 : memref<1x128xi32, #tpu.memory_space<vmem>> -> memref<128xi32, #tpu.memory_space<vmem>>
      %dma_wait3A_259 = arith.constant 0 : i32
      %dma_wait3A_260 = arith.constant 0 : i32
      %dma_wait3A_261 = tpu.memref_slice %arg2[%arg0, %dma_wait3A_259, %dma_wait3A_260] : memref<2x10240x128xf32, #tpu.memory_space<hbm>> -> memref<1x10240x128xf32, #tpu.memory_space<hbm>>
      %dma_wait3A_262 = tpu.memref_squeeze %dma_wait3A_261 : memref<1x10240x128xf32, #tpu.memory_space<hbm>> -> memref<10240x128xf32, #tpu.memory_space<hbm>>
      %dma_wait3A_263 = arith.constant 0 : i32
      %dma_wait3A_264 = arith.constant 0 : i32
      %dma_wait3A_265 = tpu.memref_slice %dma_wait3A_262[%dma_wait3A_263, %dma_wait3A_264] : memref<10240x128xf32, #tpu.memory_space<hbm>> -> memref<10240x128xf32, #tpu.memory_space<hbm>>
      tpu.wait_indirect_dma semaphore(%arg10 : memref<!tpu.dma_semaphore, #tpu.memory_space<semaphore_mem>>) src(%dma_wait3A_265 : memref<10240x128xf32, #tpu.memory_space<hbm>>) dst(%arg8 : memref<128x128xf32, #tpu.memory_space<vmem>>)
      %dma_start3A_266 = arith.constant 6 : i32
      %dma_start3A_267 = arith.constant 0 : i32
      %dma_start3A_268 = tpu.memref_slice %arg7[%dma_start3A_266, %dma_start3A_267] : memref<16x128xi32, #tpu.memory_space<vmem>> -> memref<1x128xi32, #tpu.memory_space<vmem>>
      %dma_start3A_269 = tpu.memref_squeeze %dma_start3A_268 : memref<1x128xi32, #tpu.memory_space<vmem>> -> memref<128xi32, #tpu.memory_space<vmem>>
      %dma_start3A_270 = arith.constant 0 : i32
      %dma_start3A_271 = arith.constant 0 : i32
      %dma_start3A_272 = tpu.memref_slice %arg14[%dma_start3A_270, %dma_start3A_271] : memref<10240x128xf32, #tpu.memory_space<vmem_shared>> -> memref<10240x128xf32, #tpu.memory_space<vmem_shared>>
      tpu.enqueue_indirect_dma source(%arg8 : memref<128x128xf32, #tpu.memory_space<vmem>>) target(%dma_start3A_272 : memref<10240x128xf32, #tpu.memory_space<vmem_shared>>) offsets(%dma_start3A_269 : memref<128xi32, #tpu.memory_space<vmem>>) semaphore(%arg12 : memref<!tpu.dma_semaphore, #tpu.memory_space<semaphore_mem>>) {add = true}
      %dma_wait3A_273 = arith.constant 6 : i32
      %dma_wait3A_274 = arith.constant 0 : i32
      %dma_wait3A_275 = tpu.memref_slice %arg7[%dma_wait3A_273, %dma_wait3A_274] : memref<16x128xi32, #tpu.memory_space<vmem>> -> memref<1x128xi32, #tpu.memory_space<vmem>>
      %dma_wait3A_276 = tpu.memref_squeeze %dma_wait3A_275 : memref<1x128xi32, #tpu.memory_space<vmem>> -> memref<128xi32, #tpu.memory_space<vmem>>
      %dma_wait3A_277 = arith.constant 0 : i32
      %dma_wait3A_278 = arith.constant 0 : i32
      %dma_wait3A_279 = tpu.memref_slice %arg14[%dma_wait3A_277, %dma_wait3A_278] : memref<10240x128xf32, #tpu.memory_space<vmem_shared>> -> memref<10240x128xf32, #tpu.memory_space<vmem_shared>>
      tpu.wait_indirect_dma semaphore(%arg12 : memref<!tpu.dma_semaphore, #tpu.memory_space<semaphore_mem>>) src(%arg8 : memref<128x128xf32, #tpu.memory_space<vmem>>) dst(%dma_wait3A_279 : memref<10240x128xf32, #tpu.memory_space<vmem_shared>>)
      %dma_start3A_280 = arith.constant 8 : i32
      %dma_start3A_281 = arith.constant 0 : i32
      %dma_start3A_282 = tpu.memref_slice %arg6[%dma_start3A_280, %dma_start3A_281] : memref<16x128xi32, #tpu.memory_space<vmem>> -> memref<1x128xi32, #tpu.memory_space<vmem>>
      %dma_start3A_283 = tpu.memref_squeeze %dma_start3A_282 : memref<1x128xi32, #tpu.memory_space<vmem>> -> memref<128xi32, #tpu.memory_space<vmem>>
      %dma_start3A_284 = arith.constant 0 : i32
      %dma_start3A_285 = arith.constant 0 : i32
      %dma_start3A_286 = tpu.memref_slice %arg2[%arg0, %dma_start3A_284, %dma_start3A_285] : memref<2x10240x128xf32, #tpu.memory_space<hbm>> -> memref<1x10240x128xf32, #tpu.memory_space<hbm>>
      %dma_start3A_287 = tpu.memref_squeeze %dma_start3A_286 : memref<1x10240x128xf32, #tpu.memory_space<hbm>> -> memref<10240x128xf32, #tpu.memory_space<hbm>>
      %dma_start3A_288 = arith.constant 0 : i32
      %dma_start3A_289 = arith.constant 0 : i32
      %dma_start3A_290 = tpu.memref_slice %dma_start3A_287[%dma_start3A_288, %dma_start3A_289] : memref<10240x128xf32, #tpu.memory_space<hbm>> -> memref<10240x128xf32, #tpu.memory_space<hbm>>
      tpu.enqueue_indirect_dma source(%dma_start3A_290 : memref<10240x128xf32, #tpu.memory_space<hbm>>) target(%arg8 : memref<128x128xf32, #tpu.memory_space<vmem>>) offsets(%dma_start3A_283 : memref<128xi32, #tpu.memory_space<vmem>>) semaphore(%arg10 : memref<!tpu.dma_semaphore, #tpu.memory_space<semaphore_mem>>)
      %dma_wait3A_291 = arith.constant 7 : i32
      %dma_wait3A_292 = arith.constant 0 : i32
      %dma_wait3A_293 = tpu.memref_slice %arg6[%dma_wait3A_291, %dma_wait3A_292] : memref<16x128xi32, #tpu.memory_space<vmem>> -> memref<1x128xi32, #tpu.memory_space<vmem>>
      %dma_wait3A_294 = tpu.memref_squeeze %dma_wait3A_293 : memref<1x128xi32, #tpu.memory_space<vmem>> -> memref<128xi32, #tpu.memory_space<vmem>>
      %dma_wait3A_295 = arith.constant 0 : i32
      %dma_wait3A_296 = arith.constant 0 : i32
      %dma_wait3A_297 = tpu.memref_slice %arg2[%arg0, %dma_wait3A_295, %dma_wait3A_296] : memref<2x10240x128xf32, #tpu.memory_space<hbm>> -> memref<1x10240x128xf32, #tpu.memory_space<hbm>>
      %dma_wait3A_298 = tpu.memref_squeeze %dma_wait3A_297 : memref<1x10240x128xf32, #tpu.memory_space<hbm>> -> memref<10240x128xf32, #tpu.memory_space<hbm>>
      %dma_wait3A_299 = arith.constant 0 : i32
      %dma_wait3A_300 = arith.constant 0 : i32
      %dma_wait3A_301 = tpu.memref_slice %dma_wait3A_298[%dma_wait3A_299, %dma_wait3A_300] : memref<10240x128xf32, #tpu.memory_space<hbm>> -> memref<10240x128xf32, #tpu.memory_space<hbm>>
      tpu.wait_indirect_dma semaphore(%arg11 : memref<!tpu.dma_semaphore, #tpu.memory_space<semaphore_mem>>) src(%dma_wait3A_301 : memref<10240x128xf32, #tpu.memory_space<hbm>>) dst(%arg9 : memref<128x128xf32, #tpu.memory_space<vmem>>)
      %dma_start3A_302 = arith.constant 7 : i32
      %dma_start3A_303 = arith.constant 0 : i32
      %dma_start3A_304 = tpu.memref_slice %arg7[%dma_start3A_302, %dma_start3A_303] : memref<16x128xi32, #tpu.memory_space<vmem>> -> memref<1x128xi32, #tpu.memory_space<vmem>>
      %dma_start3A_305 = tpu.memref_squeeze %dma_start3A_304 : memref<1x128xi32, #tpu.memory_space<vmem>> -> memref<128xi32, #tpu.memory_space<vmem>>
      %dma_start3A_306 = arith.constant 0 : i32
      %dma_start3A_307 = arith.constant 0 : i32
      %dma_start3A_308 = tpu.memref_slice %arg14[%dma_start3A_306, %dma_start3A_307] : memref<10240x128xf32, #tpu.memory_space<vmem_shared>> -> memref<10240x128xf32, #tpu.memory_space<vmem_shared>>
      tpu.enqueue_indirect_dma source(%arg9 : memref<128x128xf32, #tpu.memory_space<vmem>>) target(%dma_start3A_308 : memref<10240x128xf32, #tpu.memory_space<vmem_shared>>) offsets(%dma_start3A_305 : memref<128xi32, #tpu.memory_space<vmem>>) semaphore(%arg13 : memref<!tpu.dma_semaphore, #tpu.memory_space<semaphore_mem>>) {add = true}
      %dma_wait3A_309 = arith.constant 7 : i32
      %dma_wait3A_310 = arith.constant 0 : i32
      %dma_wait3A_311 = tpu.memref_slice %arg7[%dma_wait3A_309, %dma_wait3A_310] : memref<16x128xi32, #tpu.memory_space<vmem>> -> memref<1x128xi32, #tpu.memory_space<vmem>>
      %dma_wait3A_312 = tpu.memref_squeeze %dma_wait3A_311 : memref<1x128xi32, #tpu.memory_space<vmem>> -> memref<128xi32, #tpu.memory_space<vmem>>
      %dma_wait3A_313 = arith.constant 0 : i32
      %dma_wait3A_314 = arith.constant 0 : i32
      %dma_wait3A_315 = tpu.memref_slice %arg14[%dma_wait3A_313, %dma_wait3A_314] : memref<10240x128xf32, #tpu.memory_space<vmem_shared>> -> memref<10240x128xf32, #tpu.memory_space<vmem_shared>>
      tpu.wait_indirect_dma semaphore(%arg13 : memref<!tpu.dma_semaphore, #tpu.memory_space<semaphore_mem>>) src(%arg9 : memref<128x128xf32, #tpu.memory_space<vmem>>) dst(%dma_wait3A_315 : memref<10240x128xf32, #tpu.memory_space<vmem_shared>>)
      %dma_start3A_316 = arith.constant 9 : i32
      %dma_start3A_317 = arith.constant 0 : i32
      %dma_start3A_318 = tpu.memref_slice %arg6[%dma_start3A_316, %dma_start3A_317] : memref<16x128xi32, #tpu.memory_space<vmem>> -> memref<1x128xi32, #tpu.memory_space<vmem>>
      %dma_start3A_319 = tpu.memref_squeeze %dma_start3A_318 : memref<1x128xi32, #tpu.memory_space<vmem>> -> memref<128xi32, #tpu.memory_space<vmem>>
      %dma_start3A_320 = arith.constant 0 : i32
      %dma_start3A_321 = arith.constant 0 : i32
      %dma_start3A_322 = tpu.memref_slice %arg2[%arg0, %dma_start3A_320, %dma_start3A_321] : memref<2x10240x128xf32, #tpu.memory_space<hbm>> -> memref<1x10240x128xf32, #tpu.memory_space<hbm>>
      %dma_start3A_323 = tpu.memref_squeeze %dma_start3A_322 : memref<1x10240x128xf32, #tpu.memory_space<hbm>> -> memref<10240x128xf32, #tpu.memory_space<hbm>>
      %dma_start3A_324 = arith.constant 0 : i32
      %dma_start3A_325 = arith.constant 0 : i32
      %dma_start3A_326 = tpu.memref_slice %dma_start3A_323[%dma_start3A_324, %dma_start3A_325] : memref<10240x128xf32, #tpu.memory_space<hbm>> -> memref<10240x128xf32, #tpu.memory_space<hbm>>
      tpu.enqueue_indirect_dma source(%dma_start3A_326 : memref<10240x128xf32, #tpu.memory_space<hbm>>) target(%arg9 : memref<128x128xf32, #tpu.memory_space<vmem>>) offsets(%dma_start3A_319 : memref<128xi32, #tpu.memory_space<vmem>>) semaphore(%arg11 : memref<!tpu.dma_semaphore, #tpu.memory_space<semaphore_mem>>)
      %dma_wait3A_327 = arith.constant 8 : i32
      %dma_wait3A_328 = arith.constant 0 : i32
      %dma_wait3A_329 = tpu.memref_slice %arg6[%dma_wait3A_327, %dma_wait3A_328] : memref<16x128xi32, #tpu.memory_space<vmem>> -> memref<1x128xi32, #tpu.memory_space<vmem>>
      %dma_wait3A_330 = tpu.memref_squeeze %dma_wait3A_329 : memref<1x128xi32, #tpu.memory_space<vmem>> -> memref<128xi32, #tpu.memory_space<vmem>>
      %dma_wait3A_331 = arith.constant 0 : i32
      %dma_wait3A_332 = arith.constant 0 : i32
      %dma_wait3A_333 = tpu.memref_slice %arg2[%arg0, %dma_wait3A_331, %dma_wait3A_332] : memref<2x10240x128xf32, #tpu.memory_space<hbm>> -> memref<1x10240x128xf32, #tpu.memory_space<hbm>>
      %dma_wait3A_334 = tpu.memref_squeeze %dma_wait3A_333 : memref<1x10240x128xf32, #tpu.memory_space<hbm>> -> memref<10240x128xf32, #tpu.memory_space<hbm>>
      %dma_wait3A_335 = arith.constant 0 : i32
      %dma_wait3A_336 = arith.constant 0 : i32
      %dma_wait3A_337 = tpu.memref_slice %dma_wait3A_334[%dma_wait3A_335, %dma_wait3A_336] : memref<10240x128xf32, #tpu.memory_space<hbm>> -> memref<10240x128xf32, #tpu.memory_space<hbm>>
      tpu.wait_indirect_dma semaphore(%arg10 : memref<!tpu.dma_semaphore, #tpu.memory_space<semaphore_mem>>) src(%dma_wait3A_337 : memref<10240x128xf32, #tpu.memory_space<hbm>>) dst(%arg8 : memref<128x128xf32, #tpu.memory_space<vmem>>)
      %dma_start3A_338 = arith.constant 8 : i32
      %dma_start3A_339 = arith.constant 0 : i32
      %dma_start3A_340 = tpu.memref_slice %arg7[%dma_start3A_338, %dma_start3A_339] : memref<16x128xi32, #tpu.memory_space<vmem>> -> memref<1x128xi32, #tpu.memory_space<vmem>>
      %dma_start3A_341 = tpu.memref_squeeze %dma_start3A_340 : memref<1x128xi32, #tpu.memory_space<vmem>> -> memref<128xi32, #tpu.memory_space<vmem>>
      %dma_start3A_342 = arith.constant 0 : i32
      %dma_start3A_343 = arith.constant 0 : i32
      %dma_start3A_344 = tpu.memref_slice %arg14[%dma_start3A_342, %dma_start3A_343] : memref<10240x128xf32, #tpu.memory_space<vmem_shared>> -> memref<10240x128xf32, #tpu.memory_space<vmem_shared>>
      tpu.enqueue_indirect_dma source(%arg8 : memref<128x128xf32, #tpu.memory_space<vmem>>) target(%dma_start3A_344 : memref<10240x128xf32, #tpu.memory_space<vmem_shared>>) offsets(%dma_start3A_341 : memref<128xi32, #tpu.memory_space<vmem>>) semaphore(%arg12 : memref<!tpu.dma_semaphore, #tpu.memory_space<semaphore_mem>>) {add = true}
      %dma_wait3A_345 = arith.constant 8 : i32
      %dma_wait3A_346 = arith.constant 0 : i32
      %dma_wait3A_347 = tpu.memref_slice %arg7[%dma_wait3A_345, %dma_wait3A_346] : memref<16x128xi32, #tpu.memory_space<vmem>> -> memref<1x128xi32, #tpu.memory_space<vmem>>
      %dma_wait3A_348 = tpu.memref_squeeze %dma_wait3A_347 : memref<1x128xi32, #tpu.memory_space<vmem>> -> memref<128xi32, #tpu.memory_space<vmem>>
      %dma_wait3A_349 = arith.constant 0 : i32
      %dma_wait3A_350 = arith.constant 0 : i32
      %dma_wait3A_351 = tpu.memref_slice %arg14[%dma_wait3A_349, %dma_wait3A_350] : memref<10240x128xf32, #tpu.memory_space<vmem_shared>> -> memref<10240x128xf32, #tpu.memory_space<vmem_shared>>
      tpu.wait_indirect_dma semaphore(%arg12 : memref<!tpu.dma_semaphore, #tpu.memory_space<semaphore_mem>>) src(%arg8 : memref<128x128xf32, #tpu.memory_space<vmem>>) dst(%dma_wait3A_351 : memref<10240x128xf32, #tpu.memory_space<vmem_shared>>)
      %dma_start3A_352 = arith.constant 10 : i32
      %dma_start3A_353 = arith.constant 0 : i32
      %dma_start3A_354 = tpu.memref_slice %arg6[%dma_start3A_352, %dma_start3A_353] : memref<16x128xi32, #tpu.memory_space<vmem>> -> memref<1x128xi32, #tpu.memory_space<vmem>>
      %dma_start3A_355 = tpu.memref_squeeze %dma_start3A_354 : memref<1x128xi32, #tpu.memory_space<vmem>> -> memref<128xi32, #tpu.memory_space<vmem>>
      %dma_start3A_356 = arith.constant 0 : i32
      %dma_start3A_357 = arith.constant 0 : i32
      %dma_start3A_358 = tpu.memref_slice %arg2[%arg0, %dma_start3A_356, %dma_start3A_357] : memref<2x10240x128xf32, #tpu.memory_space<hbm>> -> memref<1x10240x128xf32, #tpu.memory_space<hbm>>
      %dma_start3A_359 = tpu.memref_squeeze %dma_start3A_358 : memref<1x10240x128xf32, #tpu.memory_space<hbm>> -> memref<10240x128xf32, #tpu.memory_space<hbm>>
      %dma_start3A_360 = arith.constant 0 : i32
      %dma_start3A_361 = arith.constant 0 : i32
      %dma_start3A_362 = tpu.memref_slice %dma_start3A_359[%dma_start3A_360, %dma_start3A_361] : memref<10240x128xf32, #tpu.memory_space<hbm>> -> memref<10240x128xf32, #tpu.memory_space<hbm>>
      tpu.enqueue_indirect_dma source(%dma_start3A_362 : memref<10240x128xf32, #tpu.memory_space<hbm>>) target(%arg8 : memref<128x128xf32, #tpu.memory_space<vmem>>) offsets(%dma_start3A_355 : memref<128xi32, #tpu.memory_space<vmem>>) semaphore(%arg10 : memref<!tpu.dma_semaphore, #tpu.memory_space<semaphore_mem>>)
      %dma_wait3A_363 = arith.constant 9 : i32
      %dma_wait3A_364 = arith.constant 0 : i32
      %dma_wait3A_365 = tpu.memref_slice %arg6[%dma_wait3A_363, %dma_wait3A_364] : memref<16x128xi32, #tpu.memory_space<vmem>> -> memref<1x128xi32, #tpu.memory_space<vmem>>
      %dma_wait3A_366 = tpu.memref_squeeze %dma_wait3A_365 : memref<1x128xi32, #tpu.memory_space<vmem>> -> memref<128xi32, #tpu.memory_space<vmem>>
      %dma_wait3A_367 = arith.constant 0 : i32
      %dma_wait3A_368 = arith.constant 0 : i32
      %dma_wait3A_369 = tpu.memref_slice %arg2[%arg0, %dma_wait3A_367, %dma_wait3A_368] : memref<2x10240x128xf32, #tpu.memory_space<hbm>> -> memref<1x10240x128xf32, #tpu.memory_space<hbm>>
      %dma_wait3A_370 = tpu.memref_squeeze %dma_wait3A_369 : memref<1x10240x128xf32, #tpu.memory_space<hbm>> -> memref<10240x128xf32, #tpu.memory_space<hbm>>
      %dma_wait3A_371 = arith.constant 0 : i32
      %dma_wait3A_372 = arith.constant 0 : i32
      %dma_wait3A_373 = tpu.memref_slice %dma_wait3A_370[%dma_wait3A_371, %dma_wait3A_372] : memref<10240x128xf32, #tpu.memory_space<hbm>> -> memref<10240x128xf32, #tpu.memory_space<hbm>>
      tpu.wait_indirect_dma semaphore(%arg11 : memref<!tpu.dma_semaphore, #tpu.memory_space<semaphore_mem>>) src(%dma_wait3A_373 : memref<10240x128xf32, #tpu.memory_space<hbm>>) dst(%arg9 : memref<128x128xf32, #tpu.memory_space<vmem>>)
      %dma_start3A_374 = arith.constant 9 : i32
      %dma_start3A_375 = arith.constant 0 : i32
      %dma_start3A_376 = tpu.memref_slice %arg7[%dma_start3A_374, %dma_start3A_375] : memref<16x128xi32, #tpu.memory_space<vmem>> -> memref<1x128xi32, #tpu.memory_space<vmem>>
      %dma_start3A_377 = tpu.memref_squeeze %dma_start3A_376 : memref<1x128xi32, #tpu.memory_space<vmem>> -> memref<128xi32, #tpu.memory_space<vmem>>
      %dma_start3A_378 = arith.constant 0 : i32
      %dma_start3A_379 = arith.constant 0 : i32
      %dma_start3A_380 = tpu.memref_slice %arg14[%dma_start3A_378, %dma_start3A_379] : memref<10240x128xf32, #tpu.memory_space<vmem_shared>> -> memref<10240x128xf32, #tpu.memory_space<vmem_shared>>
      tpu.enqueue_indirect_dma source(%arg9 : memref<128x128xf32, #tpu.memory_space<vmem>>) target(%dma_start3A_380 : memref<10240x128xf32, #tpu.memory_space<vmem_shared>>) offsets(%dma_start3A_377 : memref<128xi32, #tpu.memory_space<vmem>>) semaphore(%arg13 : memref<!tpu.dma_semaphore, #tpu.memory_space<semaphore_mem>>) {add = true}
      %dma_wait3A_381 = arith.constant 9 : i32
      %dma_wait3A_382 = arith.constant 0 : i32
      %dma_wait3A_383 = tpu.memref_slice %arg7[%dma_wait3A_381, %dma_wait3A_382] : memref<16x128xi32, #tpu.memory_space<vmem>> -> memref<1x128xi32, #tpu.memory_space<vmem>>
      %dma_wait3A_384 = tpu.memref_squeeze %dma_wait3A_383 : memref<1x128xi32, #tpu.memory_space<vmem>> -> memref<128xi32, #tpu.memory_space<vmem>>
      %dma_wait3A_385 = arith.constant 0 : i32
      %dma_wait3A_386 = arith.constant 0 : i32
      %dma_wait3A_387 = tpu.memref_slice %arg14[%dma_wait3A_385, %dma_wait3A_386] : memref<10240x128xf32, #tpu.memory_space<vmem_shared>> -> memref<10240x128xf32, #tpu.memory_space<vmem_shared>>
      tpu.wait_indirect_dma semaphore(%arg13 : memref<!tpu.dma_semaphore, #tpu.memory_space<semaphore_mem>>) src(%arg9 : memref<128x128xf32, #tpu.memory_space<vmem>>) dst(%dma_wait3A_387 : memref<10240x128xf32, #tpu.memory_space<vmem_shared>>)
      %dma_start3A_388 = arith.constant 11 : i32
      %dma_start3A_389 = arith.constant 0 : i32
      %dma_start3A_390 = tpu.memref_slice %arg6[%dma_start3A_388, %dma_start3A_389] : memref<16x128xi32, #tpu.memory_space<vmem>> -> memref<1x128xi32, #tpu.memory_space<vmem>>
      %dma_start3A_391 = tpu.memref_squeeze %dma_start3A_390 : memref<1x128xi32, #tpu.memory_space<vmem>> -> memref<128xi32, #tpu.memory_space<vmem>>
      %dma_start3A_392 = arith.constant 0 : i32
      %dma_start3A_393 = arith.constant 0 : i32
      %dma_start3A_394 = tpu.memref_slice %arg2[%arg0, %dma_start3A_392, %dma_start3A_393] : memref<2x10240x128xf32, #tpu.memory_space<hbm>> -> memref<1x10240x128xf32, #tpu.memory_space<hbm>>
      %dma_start3A_395 = tpu.memref_squeeze %dma_start3A_394 : memref<1x10240x128xf32, #tpu.memory_space<hbm>> -> memref<10240x128xf32, #tpu.memory_space<hbm>>
      %dma_start3A_396 = arith.constant 0 : i32
      %dma_start3A_397 = arith.constant 0 : i32
      %dma_start3A_398 = tpu.memref_slice %dma_start3A_395[%dma_start3A_396, %dma_start3A_397] : memref<10240x128xf32, #tpu.memory_space<hbm>> -> memref<10240x128xf32, #tpu.memory_space<hbm>>
      tpu.enqueue_indirect_dma source(%dma_start3A_398 : memref<10240x128xf32, #tpu.memory_space<hbm>>) target(%arg9 : memref<128x128xf32, #tpu.memory_space<vmem>>) offsets(%dma_start3A_391 : memref<128xi32, #tpu.memory_space<vmem>>) semaphore(%arg11 : memref<!tpu.dma_semaphore, #tpu.memory_space<semaphore_mem>>)
      %dma_wait3A_399 = arith.constant 10 : i32
      %dma_wait3A_400 = arith.constant 0 : i32
      %dma_wait3A_401 = tpu.memref_slice %arg6[%dma_wait3A_399, %dma_wait3A_400] : memref<16x128xi32, #tpu.memory_space<vmem>> -> memref<1x128xi32, #tpu.memory_space<vmem>>
      %dma_wait3A_402 = tpu.memref_squeeze %dma_wait3A_401 : memref<1x128xi32, #tpu.memory_space<vmem>> -> memref<128xi32, #tpu.memory_space<vmem>>
      %dma_wait3A_403 = arith.constant 0 : i32
      %dma_wait3A_404 = arith.constant 0 : i32
      %dma_wait3A_405 = tpu.memref_slice %arg2[%arg0, %dma_wait3A_403, %dma_wait3A_404] : memref<2x10240x128xf32, #tpu.memory_space<hbm>> -> memref<1x10240x128xf32, #tpu.memory_space<hbm>>
      %dma_wait3A_406 = tpu.memref_squeeze %dma_wait3A_405 : memref<1x10240x128xf32, #tpu.memory_space<hbm>> -> memref<10240x128xf32, #tpu.memory_space<hbm>>
      %dma_wait3A_407 = arith.constant 0 : i32
      %dma_wait3A_408 = arith.constant 0 : i32
      %dma_wait3A_409 = tpu.memref_slice %dma_wait3A_406[%dma_wait3A_407, %dma_wait3A_408] : memref<10240x128xf32, #tpu.memory_space<hbm>> -> memref<10240x128xf32, #tpu.memory_space<hbm>>
      tpu.wait_indirect_dma semaphore(%arg10 : memref<!tpu.dma_semaphore, #tpu.memory_space<semaphore_mem>>) src(%dma_wait3A_409 : memref<10240x128xf32, #tpu.memory_space<hbm>>) dst(%arg8 : memref<128x128xf32, #tpu.memory_space<vmem>>)
      %dma_start3A_410 = arith.constant 10 : i32
      %dma_start3A_411 = arith.constant 0 : i32
      %dma_start3A_412 = tpu.memref_slice %arg7[%dma_start3A_410, %dma_start3A_411] : memref<16x128xi32, #tpu.memory_space<vmem>> -> memref<1x128xi32, #tpu.memory_space<vmem>>
      %dma_start3A_413 = tpu.memref_squeeze %dma_start3A_412 : memref<1x128xi32, #tpu.memory_space<vmem>> -> memref<128xi32, #tpu.memory_space<vmem>>
      %dma_start3A_414 = arith.constant 0 : i32
      %dma_start3A_415 = arith.constant 0 : i32
      %dma_start3A_416 = tpu.memref_slice %arg14[%dma_start3A_414, %dma_start3A_415] : memref<10240x128xf32, #tpu.memory_space<vmem_shared>> -> memref<10240x128xf32, #tpu.memory_space<vmem_shared>>
      tpu.enqueue_indirect_dma source(%arg8 : memref<128x128xf32, #tpu.memory_space<vmem>>) target(%dma_start3A_416 : memref<10240x128xf32, #tpu.memory_space<vmem_shared>>) offsets(%dma_start3A_413 : memref<128xi32, #tpu.memory_space<vmem>>) semaphore(%arg12 : memref<!tpu.dma_semaphore, #tpu.memory_space<semaphore_mem>>) {add = true}
      %dma_wait3A_417 = arith.constant 10 : i32
      %dma_wait3A_418 = arith.constant 0 : i32
      %dma_wait3A_419 = tpu.memref_slice %arg7[%dma_wait3A_417, %dma_wait3A_418] : memref<16x128xi32, #tpu.memory_space<vmem>> -> memref<1x128xi32, #tpu.memory_space<vmem>>
      %dma_wait3A_420 = tpu.memref_squeeze %dma_wait3A_419 : memref<1x128xi32, #tpu.memory_space<vmem>> -> memref<128xi32, #tpu.memory_space<vmem>>
      %dma_wait3A_421 = arith.constant 0 : i32
      %dma_wait3A_422 = arith.constant 0 : i32
      %dma_wait3A_423 = tpu.memref_slice %arg14[%dma_wait3A_421, %dma_wait3A_422] : memref<10240x128xf32, #tpu.memory_space<vmem_shared>> -> memref<10240x128xf32, #tpu.memory_space<vmem_shared>>
      tpu.wait_indirect_dma semaphore(%arg12 : memref<!tpu.dma_semaphore, #tpu.memory_space<semaphore_mem>>) src(%arg8 : memref<128x128xf32, #tpu.memory_space<vmem>>) dst(%dma_wait3A_423 : memref<10240x128xf32, #tpu.memory_space<vmem_shared>>)
      %dma_start3A_424 = arith.constant 12 : i32
      %dma_start3A_425 = arith.constant 0 : i32
      %dma_start3A_426 = tpu.memref_slice %arg6[%dma_start3A_424, %dma_start3A_425] : memref<16x128xi32, #tpu.memory_space<vmem>> -> memref<1x128xi32, #tpu.memory_space<vmem>>
      %dma_start3A_427 = tpu.memref_squeeze %dma_start3A_426 : memref<1x128xi32, #tpu.memory_space<vmem>> -> memref<128xi32, #tpu.memory_space<vmem>>
      %dma_start3A_428 = arith.constant 0 : i32
      %dma_start3A_429 = arith.constant 0 : i32
      %dma_start3A_430 = tpu.memref_slice %arg2[%arg0, %dma_start3A_428, %dma_start3A_429] : memref<2x10240x128xf32, #tpu.memory_space<hbm>> -> memref<1x10240x128xf32, #tpu.memory_space<hbm>>
      %dma_start3A_431 = tpu.memref_squeeze %dma_start3A_430 : memref<1x10240x128xf32, #tpu.memory_space<hbm>> -> memref<10240x128xf32, #tpu.memory_space<hbm>>
      %dma_start3A_432 = arith.constant 0 : i32
      %dma_start3A_433 = arith.constant 0 : i32
      %dma_start3A_434 = tpu.memref_slice %dma_start3A_431[%dma_start3A_432, %dma_start3A_433] : memref<10240x128xf32, #tpu.memory_space<hbm>> -> memref<10240x128xf32, #tpu.memory_space<hbm>>
      tpu.enqueue_indirect_dma source(%dma_start3A_434 : memref<10240x128xf32, #tpu.memory_space<hbm>>) target(%arg8 : memref<128x128xf32, #tpu.memory_space<vmem>>) offsets(%dma_start3A_427 : memref<128xi32, #tpu.memory_space<vmem>>) semaphore(%arg10 : memref<!tpu.dma_semaphore, #tpu.memory_space<semaphore_mem>>)
      %dma_wait3A_435 = arith.constant 11 : i32
      %dma_wait3A_436 = arith.constant 0 : i32
      %dma_wait3A_437 = tpu.memref_slice %arg6[%dma_wait3A_435, %dma_wait3A_436] : memref<16x128xi32, #tpu.memory_space<vmem>> -> memref<1x128xi32, #tpu.memory_space<vmem>>
      %dma_wait3A_438 = tpu.memref_squeeze %dma_wait3A_437 : memref<1x128xi32, #tpu.memory_space<vmem>> -> memref<128xi32, #tpu.memory_space<vmem>>
      %dma_wait3A_439 = arith.constant 0 : i32
      %dma_wait3A_440 = arith.constant 0 : i32
      %dma_wait3A_441 = tpu.memref_slice %arg2[%arg0, %dma_wait3A_439, %dma_wait3A_440] : memref<2x10240x128xf32, #tpu.memory_space<hbm>> -> memref<1x10240x128xf32, #tpu.memory_space<hbm>>
      %dma_wait3A_442 = tpu.memref_squeeze %dma_wait3A_441 : memref<1x10240x128xf32, #tpu.memory_space<hbm>> -> memref<10240x128xf32, #tpu.memory_space<hbm>>
      %dma_wait3A_443 = arith.constant 0 : i32
      %dma_wait3A_444 = arith.constant 0 : i32
      %dma_wait3A_445 = tpu.memref_slice %dma_wait3A_442[%dma_wait3A_443, %dma_wait3A_444] : memref<10240x128xf32, #tpu.memory_space<hbm>> -> memref<10240x128xf32, #tpu.memory_space<hbm>>
      tpu.wait_indirect_dma semaphore(%arg11 : memref<!tpu.dma_semaphore, #tpu.memory_space<semaphore_mem>>) src(%dma_wait3A_445 : memref<10240x128xf32, #tpu.memory_space<hbm>>) dst(%arg9 : memref<128x128xf32, #tpu.memory_space<vmem>>)
      %dma_start3A_446 = arith.constant 11 : i32
      %dma_start3A_447 = arith.constant 0 : i32
      %dma_start3A_448 = tpu.memref_slice %arg7[%dma_start3A_446, %dma_start3A_447] : memref<16x128xi32, #tpu.memory_space<vmem>> -> memref<1x128xi32, #tpu.memory_space<vmem>>
      %dma_start3A_449 = tpu.memref_squeeze %dma_start3A_448 : memref<1x128xi32, #tpu.memory_space<vmem>> -> memref<128xi32, #tpu.memory_space<vmem>>
      %dma_start3A_450 = arith.constant 0 : i32
      %dma_start3A_451 = arith.constant 0 : i32
      %dma_start3A_452 = tpu.memref_slice %arg14[%dma_start3A_450, %dma_start3A_451] : memref<10240x128xf32, #tpu.memory_space<vmem_shared>> -> memref<10240x128xf32, #tpu.memory_space<vmem_shared>>
      tpu.enqueue_indirect_dma source(%arg9 : memref<128x128xf32, #tpu.memory_space<vmem>>) target(%dma_start3A_452 : memref<10240x128xf32, #tpu.memory_space<vmem_shared>>) offsets(%dma_start3A_449 : memref<128xi32, #tpu.memory_space<vmem>>) semaphore(%arg13 : memref<!tpu.dma_semaphore, #tpu.memory_space<semaphore_mem>>) {add = true}
      %dma_wait3A_453 = arith.constant 11 : i32
      %dma_wait3A_454 = arith.constant 0 : i32
      %dma_wait3A_455 = tpu.memref_slice %arg7[%dma_wait3A_453, %dma_wait3A_454] : memref<16x128xi32, #tpu.memory_space<vmem>> -> memref<1x128xi32, #tpu.memory_space<vmem>>
      %dma_wait3A_456 = tpu.memref_squeeze %dma_wait3A_455 : memref<1x128xi32, #tpu.memory_space<vmem>> -> memref<128xi32, #tpu.memory_space<vmem>>
      %dma_wait3A_457 = arith.constant 0 : i32
      %dma_wait3A_458 = arith.constant 0 : i32
      %dma_wait3A_459 = tpu.memref_slice %arg14[%dma_wait3A_457, %dma_wait3A_458] : memref<10240x128xf32, #tpu.memory_space<vmem_shared>> -> memref<10240x128xf32, #tpu.memory_space<vmem_shared>>
      tpu.wait_indirect_dma semaphore(%arg13 : memref<!tpu.dma_semaphore, #tpu.memory_space<semaphore_mem>>) src(%arg9 : memref<128x128xf32, #tpu.memory_space<vmem>>) dst(%dma_wait3A_459 : memref<10240x128xf32, #tpu.memory_space<vmem_shared>>)
      %dma_start3A_460 = arith.constant 13 : i32
      %dma_start3A_461 = arith.constant 0 : i32
      %dma_start3A_462 = tpu.memref_slice %arg6[%dma_start3A_460, %dma_start3A_461] : memref<16x128xi32, #tpu.memory_space<vmem>> -> memref<1x128xi32, #tpu.memory_space<vmem>>
      %dma_start3A_463 = tpu.memref_squeeze %dma_start3A_462 : memref<1x128xi32, #tpu.memory_space<vmem>> -> memref<128xi32, #tpu.memory_space<vmem>>
      %dma_start3A_464 = arith.constant 0 : i32
      %dma_start3A_465 = arith.constant 0 : i32
      %dma_start3A_466 = tpu.memref_slice %arg2[%arg0, %dma_start3A_464, %dma_start3A_465] : memref<2x10240x128xf32, #tpu.memory_space<hbm>> -> memref<1x10240x128xf32, #tpu.memory_space<hbm>>
      %dma_start3A_467 = tpu.memref_squeeze %dma_start3A_466 : memref<1x10240x128xf32, #tpu.memory_space<hbm>> -> memref<10240x128xf32, #tpu.memory_space<hbm>>
      %dma_start3A_468 = arith.constant 0 : i32
      %dma_start3A_469 = arith.constant 0 : i32
      %dma_start3A_470 = tpu.memref_slice %dma_start3A_467[%dma_start3A_468, %dma_start3A_469] : memref<10240x128xf32, #tpu.memory_space<hbm>> -> memref<10240x128xf32, #tpu.memory_space<hbm>>
      tpu.enqueue_indirect_dma source(%dma_start3A_470 : memref<10240x128xf32, #tpu.memory_space<hbm>>) target(%arg9 : memref<128x128xf32, #tpu.memory_space<vmem>>) offsets(%dma_start3A_463 : memref<128xi32, #tpu.memory_space<vmem>>) semaphore(%arg11 : memref<!tpu.dma_semaphore, #tpu.memory_space<semaphore_mem>>)
      %dma_wait3A_471 = arith.constant 12 : i32
      %dma_wait3A_472 = arith.constant 0 : i32
      %dma_wait3A_473 = tpu.memref_slice %arg6[%dma_wait3A_471, %dma_wait3A_472] : memref<16x128xi32, #tpu.memory_space<vmem>> -> memref<1x128xi32, #tpu.memory_space<vmem>>
      %dma_wait3A_474 = tpu.memref_squeeze %dma_wait3A_473 : memref<1x128xi32, #tpu.memory_space<vmem>> -> memref<128xi32, #tpu.memory_space<vmem>>
      %dma_wait3A_475 = arith.constant 0 : i32
      %dma_wait3A_476 = arith.constant 0 : i32
      %dma_wait3A_477 = tpu.memref_slice %arg2[%arg0, %dma_wait3A_475, %dma_wait3A_476] : memref<2x10240x128xf32, #tpu.memory_space<hbm>> -> memref<1x10240x128xf32, #tpu.memory_space<hbm>>
      %dma_wait3A_478 = tpu.memref_squeeze %dma_wait3A_477 : memref<1x10240x128xf32, #tpu.memory_space<hbm>> -> memref<10240x128xf32, #tpu.memory_space<hbm>>
      %dma_wait3A_479 = arith.constant 0 : i32
      %dma_wait3A_480 = arith.constant 0 : i32
      %dma_wait3A_481 = tpu.memref_slice %dma_wait3A_478[%dma_wait3A_479, %dma_wait3A_480] : memref<10240x128xf32, #tpu.memory_space<hbm>> -> memref<10240x128xf32, #tpu.memory_space<hbm>>
      tpu.wait_indirect_dma semaphore(%arg10 : memref<!tpu.dma_semaphore, #tpu.memory_space<semaphore_mem>>) src(%dma_wait3A_481 : memref<10240x128xf32, #tpu.memory_space<hbm>>) dst(%arg8 : memref<128x128xf32, #tpu.memory_space<vmem>>)
      %dma_start3A_482 = arith.constant 12 : i32
      %dma_start3A_483 = arith.constant 0 : i32
      %dma_start3A_484 = tpu.memref_slice %arg7[%dma_start3A_482, %dma_start3A_483] : memref<16x128xi32, #tpu.memory_space<vmem>> -> memref<1x128xi32, #tpu.memory_space<vmem>>
      %dma_start3A_485 = tpu.memref_squeeze %dma_start3A_484 : memref<1x128xi32, #tpu.memory_space<vmem>> -> memref<128xi32, #tpu.memory_space<vmem>>
      %dma_start3A_486 = arith.constant 0 : i32
      %dma_start3A_487 = arith.constant 0 : i32
      %dma_start3A_488 = tpu.memref_slice %arg14[%dma_start3A_486, %dma_start3A_487] : memref<10240x128xf32, #tpu.memory_space<vmem_shared>> -> memref<10240x128xf32, #tpu.memory_space<vmem_shared>>
      tpu.enqueue_indirect_dma source(%arg8 : memref<128x128xf32, #tpu.memory_space<vmem>>) target(%dma_start3A_488 : memref<10240x128xf32, #tpu.memory_space<vmem_shared>>) offsets(%dma_start3A_485 : memref<128xi32, #tpu.memory_space<vmem>>) semaphore(%arg12 : memref<!tpu.dma_semaphore, #tpu.memory_space<semaphore_mem>>) {add = true}
      %dma_wait3A_489 = arith.constant 12 : i32
      %dma_wait3A_490 = arith.constant 0 : i32
      %dma_wait3A_491 = tpu.memref_slice %arg7[%dma_wait3A_489, %dma_wait3A_490] : memref<16x128xi32, #tpu.memory_space<vmem>> -> memref<1x128xi32, #tpu.memory_space<vmem>>
      %dma_wait3A_492 = tpu.memref_squeeze %dma_wait3A_491 : memref<1x128xi32, #tpu.memory_space<vmem>> -> memref<128xi32, #tpu.memory_space<vmem>>
      %dma_wait3A_493 = arith.constant 0 : i32
      %dma_wait3A_494 = arith.constant 0 : i32
      %dma_wait3A_495 = tpu.memref_slice %arg14[%dma_wait3A_493, %dma_wait3A_494] : memref<10240x128xf32, #tpu.memory_space<vmem_shared>> -> memref<10240x128xf32, #tpu.memory_space<vmem_shared>>
      tpu.wait_indirect_dma semaphore(%arg12 : memref<!tpu.dma_semaphore, #tpu.memory_space<semaphore_mem>>) src(%arg8 : memref<128x128xf32, #tpu.memory_space<vmem>>) dst(%dma_wait3A_495 : memref<10240x128xf32, #tpu.memory_space<vmem_shared>>)
      %dma_start3A_496 = arith.constant 14 : i32
      %dma_start3A_497 = arith.constant 0 : i32
      %dma_start3A_498 = tpu.memref_slice %arg6[%dma_start3A_496, %dma_start3A_497] : memref<16x128xi32, #tpu.memory_space<vmem>> -> memref<1x128xi32, #tpu.memory_space<vmem>>
      %dma_start3A_499 = tpu.memref_squeeze %dma_start3A_498 : memref<1x128xi32, #tpu.memory_space<vmem>> -> memref<128xi32, #tpu.memory_space<vmem>>
      %dma_start3A_500 = arith.constant 0 : i32
      %dma_start3A_501 = arith.constant 0 : i32
      %dma_start3A_502 = tpu.memref_slice %arg2[%arg0, %dma_start3A_500, %dma_start3A_501] : memref<2x10240x128xf32, #tpu.memory_space<hbm>> -> memref<1x10240x128xf32, #tpu.memory_space<hbm>>
      %dma_start3A_503 = tpu.memref_squeeze %dma_start3A_502 : memref<1x10240x128xf32, #tpu.memory_space<hbm>> -> memref<10240x128xf32, #tpu.memory_space<hbm>>
      %dma_start3A_504 = arith.constant 0 : i32
      %dma_start3A_505 = arith.constant 0 : i32
      %dma_start3A_506 = tpu.memref_slice %dma_start3A_503[%dma_start3A_504, %dma_start3A_505] : memref<10240x128xf32, #tpu.memory_space<hbm>> -> memref<10240x128xf32, #tpu.memory_space<hbm>>
      tpu.enqueue_indirect_dma source(%dma_start3A_506 : memref<10240x128xf32, #tpu.memory_space<hbm>>) target(%arg8 : memref<128x128xf32, #tpu.memory_space<vmem>>) offsets(%dma_start3A_499 : memref<128xi32, #tpu.memory_space<vmem>>) semaphore(%arg10 : memref<!tpu.dma_semaphore, #tpu.memory_space<semaphore_mem>>)
      %dma_wait3A_507 = arith.constant 13 : i32
      %dma_wait3A_508 = arith.constant 0 : i32
      %dma_wait3A_509 = tpu.memref_slice %arg6[%dma_wait3A_507, %dma_wait3A_508] : memref<16x128xi32, #tpu.memory_space<vmem>> -> memref<1x128xi32, #tpu.memory_space<vmem>>
      %dma_wait3A_510 = tpu.memref_squeeze %dma_wait3A_509 : memref<1x128xi32, #tpu.memory_space<vmem>> -> memref<128xi32, #tpu.memory_space<vmem>>
      %dma_wait3A_511 = arith.constant 0 : i32
      %dma_wait3A_512 = arith.constant 0 : i32
      %dma_wait3A_513 = tpu.memref_slice %arg2[%arg0, %dma_wait3A_511, %dma_wait3A_512] : memref<2x10240x128xf32, #tpu.memory_space<hbm>> -> memref<1x10240x128xf32, #tpu.memory_space<hbm>>
      %dma_wait3A_514 = tpu.memref_squeeze %dma_wait3A_513 : memref<1x10240x128xf32, #tpu.memory_space<hbm>> -> memref<10240x128xf32, #tpu.memory_space<hbm>>
      %dma_wait3A_515 = arith.constant 0 : i32
      %dma_wait3A_516 = arith.constant 0 : i32
      %dma_wait3A_517 = tpu.memref_slice %dma_wait3A_514[%dma_wait3A_515, %dma_wait3A_516] : memref<10240x128xf32, #tpu.memory_space<hbm>> -> memref<10240x128xf32, #tpu.memory_space<hbm>>
      tpu.wait_indirect_dma semaphore(%arg11 : memref<!tpu.dma_semaphore, #tpu.memory_space<semaphore_mem>>) src(%dma_wait3A_517 : memref<10240x128xf32, #tpu.memory_space<hbm>>) dst(%arg9 : memref<128x128xf32, #tpu.memory_space<vmem>>)
      %dma_start3A_518 = arith.constant 13 : i32
      %dma_start3A_519 = arith.constant 0 : i32
      %dma_start3A_520 = tpu.memref_slice %arg7[%dma_start3A_518, %dma_start3A_519] : memref<16x128xi32, #tpu.memory_space<vmem>> -> memref<1x128xi32, #tpu.memory_space<vmem>>
      %dma_start3A_521 = tpu.memref_squeeze %dma_start3A_520 : memref<1x128xi32, #tpu.memory_space<vmem>> -> memref<128xi32, #tpu.memory_space<vmem>>
      %dma_start3A_522 = arith.constant 0 : i32
      %dma_start3A_523 = arith.constant 0 : i32
      %dma_start3A_524 = tpu.memref_slice %arg14[%dma_start3A_522, %dma_start3A_523] : memref<10240x128xf32, #tpu.memory_space<vmem_shared>> -> memref<10240x128xf32, #tpu.memory_space<vmem_shared>>
      tpu.enqueue_indirect_dma source(%arg9 : memref<128x128xf32, #tpu.memory_space<vmem>>) target(%dma_start3A_524 : memref<10240x128xf32, #tpu.memory_space<vmem_shared>>) offsets(%dma_start3A_521 : memref<128xi32, #tpu.memory_space<vmem>>) semaphore(%arg13 : memref<!tpu.dma_semaphore, #tpu.memory_space<semaphore_mem>>) {add = true}
      %dma_wait3A_525 = arith.constant 13 : i32
      %dma_wait3A_526 = arith.constant 0 : i32
      %dma_wait3A_527 = tpu.memref_slice %arg7[%dma_wait3A_525, %dma_wait3A_526] : memref<16x128xi32, #tpu.memory_space<vmem>> -> memref<1x128xi32, #tpu.memory_space<vmem>>
      %dma_wait3A_528 = tpu.memref_squeeze %dma_wait3A_527 : memref<1x128xi32, #tpu.memory_space<vmem>> -> memref<128xi32, #tpu.memory_space<vmem>>
      %dma_wait3A_529 = arith.constant 0 : i32
      %dma_wait3A_530 = arith.constant 0 : i32
      %dma_wait3A_531 = tpu.memref_slice %arg14[%dma_wait3A_529, %dma_wait3A_530] : memref<10240x128xf32, #tpu.memory_space<vmem_shared>> -> memref<10240x128xf32, #tpu.memory_space<vmem_shared>>
      tpu.wait_indirect_dma semaphore(%arg13 : memref<!tpu.dma_semaphore, #tpu.memory_space<semaphore_mem>>) src(%arg9 : memref<128x128xf32, #tpu.memory_space<vmem>>) dst(%dma_wait3A_531 : memref<10240x128xf32, #tpu.memory_space<vmem_shared>>)
      %dma_start3A_532 = arith.constant 15 : i32
      %dma_start3A_533 = arith.constant 0 : i32
      %dma_start3A_534 = tpu.memref_slice %arg6[%dma_start3A_532, %dma_start3A_533] : memref<16x128xi32, #tpu.memory_space<vmem>> -> memref<1x128xi32, #tpu.memory_space<vmem>>
      %dma_start3A_535 = tpu.memref_squeeze %dma_start3A_534 : memref<1x128xi32, #tpu.memory_space<vmem>> -> memref<128xi32, #tpu.memory_space<vmem>>
      %dma_start3A_536 = arith.constant 0 : i32
      %dma_start3A_537 = arith.constant 0 : i32
      %dma_start3A_538 = tpu.memref_slice %arg2[%arg0, %dma_start3A_536, %dma_start3A_537] : memref<2x10240x128xf32, #tpu.memory_space<hbm>> -> memref<1x10240x128xf32, #tpu.memory_space<hbm>>
      %dma_start3A_539 = tpu.memref_squeeze %dma_start3A_538 : memref<1x10240x128xf32, #tpu.memory_space<hbm>> -> memref<10240x128xf32, #tpu.memory_space<hbm>>
      %dma_start3A_540 = arith.constant 0 : i32
      %dma_start3A_541 = arith.constant 0 : i32
      %dma_start3A_542 = tpu.memref_slice %dma_start3A_539[%dma_start3A_540, %dma_start3A_541] : memref<10240x128xf32, #tpu.memory_space<hbm>> -> memref<10240x128xf32, #tpu.memory_space<hbm>>
      tpu.enqueue_indirect_dma source(%dma_start3A_542 : memref<10240x128xf32, #tpu.memory_space<hbm>>) target(%arg9 : memref<128x128xf32, #tpu.memory_space<vmem>>) offsets(%dma_start3A_535 : memref<128xi32, #tpu.memory_space<vmem>>) semaphore(%arg11 : memref<!tpu.dma_semaphore, #tpu.memory_space<semaphore_mem>>)
      %dma_wait3A_543 = arith.constant 14 : i32
      %dma_wait3A_544 = arith.constant 0 : i32
      %dma_wait3A_545 = tpu.memref_slice %arg6[%dma_wait3A_543, %dma_wait3A_544] : memref<16x128xi32, #tpu.memory_space<vmem>> -> memref<1x128xi32, #tpu.memory_space<vmem>>
      %dma_wait3A_546 = tpu.memref_squeeze %dma_wait3A_545 : memref<1x128xi32, #tpu.memory_space<vmem>> -> memref<128xi32, #tpu.memory_space<vmem>>
      %dma_wait3A_547 = arith.constant 0 : i32
      %dma_wait3A_548 = arith.constant 0 : i32
      %dma_wait3A_549 = tpu.memref_slice %arg2[%arg0, %dma_wait3A_547, %dma_wait3A_548] : memref<2x10240x128xf32, #tpu.memory_space<hbm>> -> memref<1x10240x128xf32, #tpu.memory_space<hbm>>
      %dma_wait3A_550 = tpu.memref_squeeze %dma_wait3A_549 : memref<1x10240x128xf32, #tpu.memory_space<hbm>> -> memref<10240x128xf32, #tpu.memory_space<hbm>>
      %dma_wait3A_551 = arith.constant 0 : i32
      %dma_wait3A_552 = arith.constant 0 : i32
      %dma_wait3A_553 = tpu.memref_slice %dma_wait3A_550[%dma_wait3A_551, %dma_wait3A_552] : memref<10240x128xf32, #tpu.memory_space<hbm>> -> memref<10240x128xf32, #tpu.memory_space<hbm>>
      tpu.wait_indirect_dma semaphore(%arg10 : memref<!tpu.dma_semaphore, #tpu.memory_space<semaphore_mem>>) src(%dma_wait3A_553 : memref<10240x128xf32, #tpu.memory_space<hbm>>) dst(%arg8 : memref<128x128xf32, #tpu.memory_space<vmem>>)
      %dma_start3A_554 = arith.constant 14 : i32
      %dma_start3A_555 = arith.constant 0 : i32
      %dma_start3A_556 = tpu.memref_slice %arg7[%dma_start3A_554, %dma_start3A_555] : memref<16x128xi32, #tpu.memory_space<vmem>> -> memref<1x128xi32, #tpu.memory_space<vmem>>
      %dma_start3A_557 = tpu.memref_squeeze %dma_start3A_556 : memref<1x128xi32, #tpu.memory_space<vmem>> -> memref<128xi32, #tpu.memory_space<vmem>>
      %dma_start3A_558 = arith.constant 0 : i32
      %dma_start3A_559 = arith.constant 0 : i32
      %dma_start3A_560 = tpu.memref_slice %arg14[%dma_start3A_558, %dma_start3A_559] : memref<10240x128xf32, #tpu.memory_space<vmem_shared>> -> memref<10240x128xf32, #tpu.memory_space<vmem_shared>>
      tpu.enqueue_indirect_dma source(%arg8 : memref<128x128xf32, #tpu.memory_space<vmem>>) target(%dma_start3A_560 : memref<10240x128xf32, #tpu.memory_space<vmem_shared>>) offsets(%dma_start3A_557 : memref<128xi32, #tpu.memory_space<vmem>>) semaphore(%arg12 : memref<!tpu.dma_semaphore, #tpu.memory_space<semaphore_mem>>) {add = true}
      %dma_wait3A_561 = arith.constant 15 : i32
      %dma_wait3A_562 = arith.constant 0 : i32
      %dma_wait3A_563 = tpu.memref_slice %arg6[%dma_wait3A_561, %dma_wait3A_562] : memref<16x128xi32, #tpu.memory_space<vmem>> -> memref<1x128xi32, #tpu.memory_space<vmem>>
      %dma_wait3A_564 = tpu.memref_squeeze %dma_wait3A_563 : memref<1x128xi32, #tpu.memory_space<vmem>> -> memref<128xi32, #tpu.memory_space<vmem>>
      %dma_wait3A_565 = arith.constant 0 : i32
      %dma_wait3A_566 = arith.constant 0 : i32
      %dma_wait3A_567 = tpu.memref_slice %arg2[%arg0, %dma_wait3A_565, %dma_wait3A_566] : memref<2x10240x128xf32, #tpu.memory_space<hbm>> -> memref<1x10240x128xf32, #tpu.memory_space<hbm>>
      %dma_wait3A_568 = tpu.memref_squeeze %dma_wait3A_567 : memref<1x10240x128xf32, #tpu.memory_space<hbm>> -> memref<10240x128xf32, #tpu.memory_space<hbm>>
      %dma_wait3A_569 = arith.constant 0 : i32
      %dma_wait3A_570 = arith.constant 0 : i32
      %dma_wait3A_571 = tpu.memref_slice %dma_wait3A_568[%dma_wait3A_569, %dma_wait3A_570] : memref<10240x128xf32, #tpu.memory_space<hbm>> -> memref<10240x128xf32, #tpu.memory_space<hbm>>
      tpu.wait_indirect_dma semaphore(%arg11 : memref<!tpu.dma_semaphore, #tpu.memory_space<semaphore_mem>>) src(%dma_wait3A_571 : memref<10240x128xf32, #tpu.memory_space<hbm>>) dst(%arg9 : memref<128x128xf32, #tpu.memory_space<vmem>>)
      %dma_start3A_572 = arith.constant 15 : i32
      %dma_start3A_573 = arith.constant 0 : i32
      %dma_start3A_574 = tpu.memref_slice %arg7[%dma_start3A_572, %dma_start3A_573] : memref<16x128xi32, #tpu.memory_space<vmem>> -> memref<1x128xi32, #tpu.memory_space<vmem>>
      %dma_start3A_575 = tpu.memref_squeeze %dma_start3A_574 : memref<1x128xi32, #tpu.memory_space<vmem>> -> memref<128xi32, #tpu.memory_space<vmem>>
      %dma_start3A_576 = arith.constant 0 : i32
      %dma_start3A_577 = arith.constant 0 : i32
      %dma_start3A_578 = tpu.memref_slice %arg14[%dma_start3A_576, %dma_start3A_577] : memref<10240x128xf32, #tpu.memory_space<vmem_shared>> -> memref<10240x128xf32, #tpu.memory_space<vmem_shared>>
      tpu.enqueue_indirect_dma source(%arg9 : memref<128x128xf32, #tpu.memory_space<vmem>>) target(%dma_start3A_578 : memref<10240x128xf32, #tpu.memory_space<vmem_shared>>) offsets(%dma_start3A_575 : memref<128xi32, #tpu.memory_space<vmem>>) semaphore(%arg13 : memref<!tpu.dma_semaphore, #tpu.memory_space<semaphore_mem>>) {add = true}
      %dma_wait3A_579 = arith.constant 14 : i32
      %dma_wait3A_580 = arith.constant 0 : i32
      %dma_wait3A_581 = tpu.memref_slice %arg7[%dma_wait3A_579, %dma_wait3A_580] : memref<16x128xi32, #tpu.memory_space<vmem>> -> memref<1x128xi32, #tpu.memory_space<vmem>>
      %dma_wait3A_582 = tpu.memref_squeeze %dma_wait3A_581 : memref<1x128xi32, #tpu.memory_space<vmem>> -> memref<128xi32, #tpu.memory_space<vmem>>
      %dma_wait3A_583 = arith.constant 0 : i32
      %dma_wait3A_584 = arith.constant 0 : i32
      %dma_wait3A_585 = tpu.memref_slice %arg14[%dma_wait3A_583, %dma_wait3A_584] : memref<10240x128xf32, #tpu.memory_space<vmem_shared>> -> memref<10240x128xf32, #tpu.memory_space<vmem_shared>>
      tpu.wait_indirect_dma semaphore(%arg12 : memref<!tpu.dma_semaphore, #tpu.memory_space<semaphore_mem>>) src(%arg8 : memref<128x128xf32, #tpu.memory_space<vmem>>) dst(%dma_wait3A_585 : memref<10240x128xf32, #tpu.memory_space<vmem_shared>>)
      %dma_wait3A_586 = arith.constant 15 : i32
      %dma_wait3A_587 = arith.constant 0 : i32
      %dma_wait3A_588 = tpu.memref_slice %arg7[%dma_wait3A_586, %dma_wait3A_587] : memref<16x128xi32, #tpu.memory_space<vmem>> -> memref<1x128xi32, #tpu.memory_space<vmem>>
      %dma_wait3A_589 = tpu.memref_squeeze %dma_wait3A_588 : memref<1x128xi32, #tpu.memory_space<vmem>> -> memref<128xi32, #tpu.memory_space<vmem>>
      %dma_wait3A_590 = arith.constant 0 : i32
      %dma_wait3A_591 = arith.constant 0 : i32
      %dma_wait3A_592 = tpu.memref_slice %arg14[%dma_wait3A_590, %dma_wait3A_591] : memref<10240x128xf32, #tpu.memory_space<vmem_shared>> -> memref<10240x128xf32, #tpu.memory_space<vmem_shared>>
      tpu.wait_indirect_dma semaphore(%arg13 : memref<!tpu.dma_semaphore, #tpu.memory_space<semaphore_mem>>) src(%arg9 : memref<128x128xf32, #tpu.memory_space<vmem>>) dst(%dma_wait3A_592 : memref<10240x128xf32, #tpu.memory_space<vmem_shared>>)
    }
    %scan3A_6 = arith.constant 5 : i32
    %barrier3A_7 = arith.constant 0 : index
    tpu.barrier barrier_id(%barrier3A_7)
    %mul3A_8 = arith.constant 640 : i32
    %mul3A_9 = arith.muli %arg1, %mul3A_8 : i32
    %mul3A_10 = arith.constant 640 : i32
    %mul3A_11 = arith.muli %arg1, %mul3A_10 : i32
    "tpu.region"() ({
      %run_scoped3A = tpu.sem_alloc : memref<!tpu.dma_semaphore, #tpu.memory_space<semaphore_mem>>
      %dma_start3A = arith.constant 0 : i32
      %dma_start3A_12 = arith.constant 0 : i32
      %dma_start3A_13 = tpu.memref_slice %arg5[%arg0, %dma_start3A, %dma_start3A_12] : memref<2x10240x128xf32, #tpu.memory_space<hbm>> -> memref<1x10240x128xf32, #tpu.memory_space<hbm>>
      %dma_start3A_14 = tpu.memref_squeeze %dma_start3A_13 : memref<1x10240x128xf32, #tpu.memory_space<hbm>> -> memref<10240x128xf32, #tpu.memory_space<hbm>>
      %dma_start3A_15 = arith.constant 0 : i32
      %dma_start3A_16 = tpu.memref_slice %dma_start3A_14[%mul3A_11, %dma_start3A_15] : memref<10240x128xf32, #tpu.memory_space<hbm>> -> memref<640x128xf32, #tpu.memory_space<hbm>>
      %dma_start3A_17 = arith.constant 0 : i32
      %dma_start3A_18 = tpu.memref_slice %arg14[%mul3A_9, %dma_start3A_17] : memref<10240x128xf32, #tpu.memory_space<vmem_shared>> -> memref<640x128xf32, #tpu.memory_space<vmem_shared>>
      tpu.enqueue_dma source(%dma_start3A_18 : memref<640x128xf32, #tpu.memory_space<vmem_shared>>) target(%dma_start3A_16 : memref<640x128xf32, #tpu.memory_space<hbm>>) target_semaphore(%run_scoped3A : memref<!tpu.dma_semaphore, #tpu.memory_space<semaphore_mem>>)
      %dma_wait3A = arith.constant 0 : i32
      %dma_wait3A_19 = arith.constant 0 : i32
      %dma_wait3A_20 = tpu.memref_slice %arg5[%arg0, %dma_wait3A, %dma_wait3A_19] : memref<2x10240x128xf32, #tpu.memory_space<hbm>> -> memref<1x10240x128xf32, #tpu.memory_space<hbm>>
      %dma_wait3A_21 = tpu.memref_squeeze %dma_wait3A_20 : memref<1x10240x128xf32, #tpu.memory_space<hbm>> -> memref<10240x128xf32, #tpu.memory_space<hbm>>
      %dma_wait3A_22 = arith.constant 0 : i32
      %dma_wait3A_23 = tpu.memref_slice %dma_wait3A_21[%mul3A_11, %dma_wait3A_22] : memref<10240x128xf32, #tpu.memory_space<hbm>> -> memref<640x128xf32, #tpu.memory_space<hbm>>
      %dma_wait3A_24 = arith.constant 0 : i32
      %dma_wait3A_25 = tpu.memref_slice %arg14[%mul3A_9, %dma_wait3A_24] : memref<10240x128xf32, #tpu.memory_space<vmem_shared>> -> memref<640x128xf32, #tpu.memory_space<vmem_shared>>
      tpu.wait_dma2 semaphore(%run_scoped3A : memref<!tpu.dma_semaphore, #tpu.memory_space<semaphore_mem>>) src(%dma_wait3A_25 : memref<640x128xf32, #tpu.memory_space<vmem_shared>>) dst(%dma_wait3A_23 : memref<640x128xf32, #tpu.memory_space<hbm>>)
      tpu.yield
    }) : () -> ()
    return
  }
}

#map = affine_map<(d0, d1) -> (0, 0, 0)>
#map1 = affine_map<(d0, d1) -> (0, 0)>
module attributes {stable_mosaic.version = 14 : i64} {
  func.func @_agg_kernel(%arg0: i32, %arg1: i32, %arg2: memref<2x10240x128xf32, #tpu.memory_space<hbm>>, %arg3: memref<1280x128xi32, #tpu.memory_space<hbm>>, %arg4: memref<1280x128xi32, #tpu.memory_space<hbm>>, %arg5: memref<2x10240x128xf32, #tpu.memory_space<hbm>>, %arg6: memref<16x128xi32, #tpu.memory_space<vmem>>, %arg7: memref<16x128xi32, #tpu.memory_space<vmem>>, %arg8: memref<128x128xf32, #tpu.memory_space<vmem>>, %arg9: memref<128x128xf32, #tpu.memory_space<vmem>>, %arg10: memref<!tpu.dma_semaphore, #tpu.memory_space<semaphore_mem>>, %arg11: memref<!tpu.dma_semaphore, #tpu.memory_space<semaphore_mem>>, %arg12: memref<!tpu.dma_semaphore, #tpu.memory_space<semaphore_mem>>, %arg13: memref<!tpu.dma_semaphore, #tpu.memory_space<semaphore_mem>>, %arg14: memref<10240x128xf32, #tpu.memory_space<vmem_shared>>) attributes {dimension_semantics = [#tpu.dimension_semantics<core_parallel>, #tpu.dimension_semantics<subcore_parallel>], iteration_bounds = array<i64: 2, 16>, scalar_prefetch = 0 : i64, scratch_operands = 9 : i64, tpu.core_type = #tpu.core_type<sc_vector_subcore>, window_params = [{transform_indices = #map}, {transform_indices = #map1}, {transform_indices = #map1}, {transform_indices = #map}]} {
    %mul3A = arith.constant 640 : i32
    %mul3A_0 = arith.muli %arg1, %mul3A : i32
    %mul3A_1 = arith.constant 640 : i32
    %mul3A_2 = arith.muli %arg1, %mul3A_1 : i32
    "tpu.region"() ({
      %run_scoped3A = tpu.sem_alloc : memref<!tpu.dma_semaphore, #tpu.memory_space<semaphore_mem>>
      %dma_start3A = arith.constant 0 : i32
      %dma_start3A_12 = tpu.memref_slice %arg14[%mul3A_2, %dma_start3A] : memref<10240x128xf32, #tpu.memory_space<vmem_shared>> -> memref<640x128xf32, #tpu.memory_space<vmem_shared>>
      %dma_start3A_13 = arith.constant 0 : i32
      %dma_start3A_14 = arith.constant 0 : i32
      %dma_start3A_15 = tpu.memref_slice %arg2[%arg0, %dma_start3A_13, %dma_start3A_14] : memref<2x10240x128xf32, #tpu.memory_space<hbm>> -> memref<1x10240x128xf32, #tpu.memory_space<hbm>>
      %dma_start3A_16 = tpu.memref_squeeze %dma_start3A_15 : memref<1x10240x128xf32, #tpu.memory_space<hbm>> -> memref<10240x128xf32, #tpu.memory_space<hbm>>
      %dma_start3A_17 = arith.constant 0 : i32
      %dma_start3A_18 = tpu.memref_slice %dma_start3A_16[%mul3A_0, %dma_start3A_17] : memref<10240x128xf32, #tpu.memory_space<hbm>> -> memref<640x128xf32, #tpu.memory_space<hbm>>
      tpu.enqueue_dma source(%dma_start3A_18 : memref<640x128xf32, #tpu.memory_space<hbm>>) target(%dma_start3A_12 : memref<640x128xf32, #tpu.memory_space<vmem_shared>>) target_semaphore(%run_scoped3A : memref<!tpu.dma_semaphore, #tpu.memory_space<semaphore_mem>>)
      %dma_wait3A = arith.constant 0 : i32
      %dma_wait3A_19 = tpu.memref_slice %arg14[%mul3A_2, %dma_wait3A] : memref<10240x128xf32, #tpu.memory_space<vmem_shared>> -> memref<640x128xf32, #tpu.memory_space<vmem_shared>>
      %dma_wait3A_20 = arith.constant 0 : i32
      %dma_wait3A_21 = arith.constant 0 : i32
      %dma_wait3A_22 = tpu.memref_slice %arg2[%arg0, %dma_wait3A_20, %dma_wait3A_21] : memref<2x10240x128xf32, #tpu.memory_space<hbm>> -> memref<1x10240x128xf32, #tpu.memory_space<hbm>>
      %dma_wait3A_23 = tpu.memref_squeeze %dma_wait3A_22 : memref<1x10240x128xf32, #tpu.memory_space<hbm>> -> memref<10240x128xf32, #tpu.memory_space<hbm>>
      %dma_wait3A_24 = arith.constant 0 : i32
      %dma_wait3A_25 = tpu.memref_slice %dma_wait3A_23[%mul3A_0, %dma_wait3A_24] : memref<10240x128xf32, #tpu.memory_space<hbm>> -> memref<640x128xf32, #tpu.memory_space<hbm>>
      tpu.wait_dma2 semaphore(%run_scoped3A : memref<!tpu.dma_semaphore, #tpu.memory_space<semaphore_mem>>) src(%dma_wait3A_25 : memref<640x128xf32, #tpu.memory_space<hbm>>) dst(%dma_wait3A_19 : memref<640x128xf32, #tpu.memory_space<vmem_shared>>)
      tpu.yield
    }) : () -> ()
    %barrier3A = arith.constant 0 : index
    tpu.barrier barrier_id(%barrier3A)
    %scan3A = arith.constant 0 : i32
    %scan3A_3 = arith.constant 5 : i32
    %scan3A_4 = arith.addi %scan3A, %scan3A_3 : i32
    %scan3A_5 = arith.constant 1 : i32
    scf.for %scan3A_12 = %scan3A to %scan3A_4 step %scan3A_5  : i32 {
      %mul3A_13 = arith.constant 16 : i32
      %mul3A_14 = arith.muli %scan3A_12, %mul3A_13 : i32
      %add3A = arith.constant 0 : i32
      %add3A_15 = arith.addi %add3A, %mul3A_14 : i32
      %mul3A_16 = arith.constant 80 : i32
      %mul3A_17 = arith.muli %arg1, %mul3A_16 : i32
      %add3A_18 = arith.addi %mul3A_17, %add3A_15 : i32
      "tpu.region"() ({
        %run_scoped3A = tpu.sem_alloc : memref<!tpu.dma_semaphore, #tpu.memory_space<semaphore_mem>>
        %dma_start3A_593 = arith.constant 0 : i32
        %dma_start3A_594 = tpu.memref_slice %arg3[%add3A_18, %dma_start3A_593] : memref<1280x128xi32, #tpu.memory_space<hbm>> -> memref<16x128xi32, #tpu.memory_space<hbm>>
        %dma_start3A_595 = arith.constant 0 : i32
        %dma_start3A_596 = tpu.memref_slice %arg3[%add3A_18, %dma_start3A_595] : memref<1280x128xi32, #tpu.memory_space<hbm>> -> memref<16x128xi32, #tpu.memory_space<hbm>>
        tpu.enqueue_dma source(%dma_start3A_596 : memref<16x128xi32, #tpu.memory_space<hbm>>) target(%arg6 : memref<16x128xi32, #tpu.memory_space<vmem>>) target_semaphore(%run_scoped3A : memref<!tpu.dma_semaphore, #tpu.memory_space<semaphore_mem>>)
        %dma_wait3A_597 = arith.constant 0 : i32
        %dma_wait3A_598 = tpu.memref_slice %arg3[%add3A_18, %dma_wait3A_597] : memref<1280x128xi32, #tpu.memory_space<hbm>> -> memref<16x128xi32, #tpu.memory_space<hbm>>
        %dma_wait3A_599 = arith.constant 0 : i32
        %dma_wait3A_600 = tpu.memref_slice %arg3[%add3A_18, %dma_wait3A_599] : memref<1280x128xi32, #tpu.memory_space<hbm>> -> memref<16x128xi32, #tpu.memory_space<hbm>>
        tpu.wait_dma2 semaphore(%run_scoped3A : memref<!tpu.dma_semaphore, #tpu.memory_space<semaphore_mem>>) src(%dma_wait3A_600 : memref<16x128xi32, #tpu.memory_space<hbm>>) dst(%arg6 : memref<16x128xi32, #tpu.memory_space<vmem>>)
        tpu.yield
      }) : () -> ()
      "tpu.region"() ({
        %run_scoped3A = tpu.sem_alloc : memref<!tpu.dma_semaphore, #tpu.memory_space<semaphore_mem>>
        %dma_start3A_593 = arith.constant 0 : i32
        %dma_start3A_594 = tpu.memref_slice %arg4[%add3A_18, %dma_start3A_593] : memref<1280x128xi32, #tpu.memory_space<hbm>> -> memref<16x128xi32, #tpu.memory_space<hbm>>
        %dma_start3A_595 = arith.constant 0 : i32
        %dma_start3A_596 = tpu.memref_slice %arg4[%add3A_18, %dma_start3A_595] : memref<1280x128xi32, #tpu.memory_space<hbm>> -> memref<16x128xi32, #tpu.memory_space<hbm>>
        tpu.enqueue_dma source(%dma_start3A_596 : memref<16x128xi32, #tpu.memory_space<hbm>>) target(%arg7 : memref<16x128xi32, #tpu.memory_space<vmem>>) target_semaphore(%run_scoped3A : memref<!tpu.dma_semaphore, #tpu.memory_space<semaphore_mem>>)
        %dma_wait3A_597 = arith.constant 0 : i32
        %dma_wait3A_598 = tpu.memref_slice %arg4[%add3A_18, %dma_wait3A_597] : memref<1280x128xi32, #tpu.memory_space<hbm>> -> memref<16x128xi32, #tpu.memory_space<hbm>>
        %dma_wait3A_599 = arith.constant 0 : i32
        %dma_wait3A_600 = tpu.memref_slice %arg4[%add3A_18, %dma_wait3A_599] : memref<1280x128xi32, #tpu.memory_space<hbm>> -> memref<16x128xi32, #tpu.memory_space<hbm>>
        tpu.wait_dma2 semaphore(%run_scoped3A : memref<!tpu.dma_semaphore, #tpu.memory_space<semaphore_mem>>) src(%dma_wait3A_600 : memref<16x128xi32, #tpu.memory_space<hbm>>) dst(%arg7 : memref<16x128xi32, #tpu.memory_space<vmem>>)
        tpu.yield
      }) : () -> ()
      %dma_start3A = arith.constant 0 : i32
      %dma_start3A_19 = arith.constant 0 : i32
      %dma_start3A_20 = tpu.memref_slice %arg6[%dma_start3A, %dma_start3A_19] : memref<16x128xi32, #tpu.memory_space<vmem>> -> memref<1x128xi32, #tpu.memory_space<vmem>>
      %dma_start3A_21 = tpu.memref_squeeze %dma_start3A_20 : memref<1x128xi32, #tpu.memory_space<vmem>> -> memref<128xi32, #tpu.memory_space<vmem>>
      %dma_start3A_22 = arith.constant 0 : i32
      %dma_start3A_23 = arith.constant 0 : i32
      %dma_start3A_24 = tpu.memref_slice %arg2[%arg0, %dma_start3A_22, %dma_start3A_23] : memref<2x10240x128xf32, #tpu.memory_space<hbm>> -> memref<1x10240x128xf32, #tpu.memory_space<hbm>>
      %dma_start3A_25 = tpu.memref_squeeze %dma_start3A_24 : memref<1x10240x128xf32, #tpu.memory_space<hbm>> -> memref<10240x128xf32, #tpu.memory_space<hbm>>
      %dma_start3A_26 = arith.constant 0 : i32
      %dma_start3A_27 = arith.constant 0 : i32
      %dma_start3A_28 = tpu.memref_slice %dma_start3A_25[%dma_start3A_26, %dma_start3A_27] : memref<10240x128xf32, #tpu.memory_space<hbm>> -> memref<10240x128xf32, #tpu.memory_space<hbm>>
      tpu.enqueue_indirect_dma source(%dma_start3A_28 : memref<10240x128xf32, #tpu.memory_space<hbm>>) target(%arg8 : memref<128x128xf32, #tpu.memory_space<vmem>>) offsets(%dma_start3A_21 : memref<128xi32, #tpu.memory_space<vmem>>) semaphore(%arg10 : memref<!tpu.dma_semaphore, #tpu.memory_space<semaphore_mem>>)
      %dma_start3A_29 = arith.constant 1 : i32
      %dma_start3A_30 = arith.constant 0 : i32
      %dma_start3A_31 = tpu.memref_slice %arg6[%dma_start3A_29, %dma_start3A_30] : memref<16x128xi32, #tpu.memory_space<vmem>> -> memref<1x128xi32, #tpu.memory_space<vmem>>
      %dma_start3A_32 = tpu.memref_squeeze %dma_start3A_31 : memref<1x128xi32, #tpu.memory_space<vmem>> -> memref<128xi32, #tpu.memory_space<vmem>>
      %dma_start3A_33 = arith.constant 0 : i32
      %dma_start3A_34 = arith.constant 0 : i32
      %dma_start3A_35 = tpu.memref_slice %arg2[%arg0, %dma_start3A_33, %dma_start3A_34] : memref<2x10240x128xf32, #tpu.memory_space<hbm>> -> memref<1x10240x128xf32, #tpu.memory_space<hbm>>
      %dma_start3A_36 = tpu.memref_squeeze %dma_start3A_35 : memref<1x10240x128xf32, #tpu.memory_space<hbm>> -> memref<10240x128xf32, #tpu.memory_space<hbm>>
      %dma_start3A_37 = arith.constant 0 : i32
      %dma_start3A_38 = arith.constant 0 : i32
      %dma_start3A_39 = tpu.memref_slice %dma_start3A_36[%dma_start3A_37, %dma_start3A_38] : memref<10240x128xf32, #tpu.memory_space<hbm>> -> memref<10240x128xf32, #tpu.memory_space<hbm>>
      tpu.enqueue_indirect_dma source(%dma_start3A_39 : memref<10240x128xf32, #tpu.memory_space<hbm>>) target(%arg9 : memref<128x128xf32, #tpu.memory_space<vmem>>) offsets(%dma_start3A_32 : memref<128xi32, #tpu.memory_space<vmem>>) semaphore(%arg11 : memref<!tpu.dma_semaphore, #tpu.memory_space<semaphore_mem>>)
      %dma_wait3A = arith.constant 0 : i32
      %dma_wait3A_40 = arith.constant 0 : i32
      %dma_wait3A_41 = tpu.memref_slice %arg6[%dma_wait3A, %dma_wait3A_40] : memref<16x128xi32, #tpu.memory_space<vmem>> -> memref<1x128xi32, #tpu.memory_space<vmem>>
      %dma_wait3A_42 = tpu.memref_squeeze %dma_wait3A_41 : memref<1x128xi32, #tpu.memory_space<vmem>> -> memref<128xi32, #tpu.memory_space<vmem>>
      %dma_wait3A_43 = arith.constant 0 : i32
      %dma_wait3A_44 = arith.constant 0 : i32
      %dma_wait3A_45 = tpu.memref_slice %arg2[%arg0, %dma_wait3A_43, %dma_wait3A_44] : memref<2x10240x128xf32, #tpu.memory_space<hbm>> -> memref<1x10240x128xf32, #tpu.memory_space<hbm>>
      %dma_wait3A_46 = tpu.memref_squeeze %dma_wait3A_45 : memref<1x10240x128xf32, #tpu.memory_space<hbm>> -> memref<10240x128xf32, #tpu.memory_space<hbm>>
      %dma_wait3A_47 = arith.constant 0 : i32
      %dma_wait3A_48 = arith.constant 0 : i32
      %dma_wait3A_49 = tpu.memref_slice %dma_wait3A_46[%dma_wait3A_47, %dma_wait3A_48] : memref<10240x128xf32, #tpu.memory_space<hbm>> -> memref<10240x128xf32, #tpu.memory_space<hbm>>
      tpu.wait_indirect_dma semaphore(%arg10 : memref<!tpu.dma_semaphore, #tpu.memory_space<semaphore_mem>>) src(%dma_wait3A_49 : memref<10240x128xf32, #tpu.memory_space<hbm>>) dst(%arg8 : memref<128x128xf32, #tpu.memory_space<vmem>>)
      %dma_start3A_50 = arith.constant 0 : i32
      %dma_start3A_51 = arith.constant 0 : i32
      %dma_start3A_52 = tpu.memref_slice %arg7[%dma_start3A_50, %dma_start3A_51] : memref<16x128xi32, #tpu.memory_space<vmem>> -> memref<1x128xi32, #tpu.memory_space<vmem>>
      %dma_start3A_53 = tpu.memref_squeeze %dma_start3A_52 : memref<1x128xi32, #tpu.memory_space<vmem>> -> memref<128xi32, #tpu.memory_space<vmem>>
      %dma_start3A_54 = arith.constant 0 : i32
      %dma_start3A_55 = arith.constant 0 : i32
      %dma_start3A_56 = tpu.memref_slice %arg14[%dma_start3A_54, %dma_start3A_55] : memref<10240x128xf32, #tpu.memory_space<vmem_shared>> -> memref<10240x128xf32, #tpu.memory_space<vmem_shared>>
      tpu.enqueue_indirect_dma source(%arg8 : memref<128x128xf32, #tpu.memory_space<vmem>>) target(%dma_start3A_56 : memref<10240x128xf32, #tpu.memory_space<vmem_shared>>) offsets(%dma_start3A_53 : memref<128xi32, #tpu.memory_space<vmem>>) semaphore(%arg12 : memref<!tpu.dma_semaphore, #tpu.memory_space<semaphore_mem>>) {add = true}
      %dma_wait3A_57 = arith.constant 0 : i32
      %dma_wait3A_58 = arith.constant 0 : i32
      %dma_wait3A_59 = tpu.memref_slice %arg7[%dma_wait3A_57, %dma_wait3A_58] : memref<16x128xi32, #tpu.memory_space<vmem>> -> memref<1x128xi32, #tpu.memory_space<vmem>>
      %dma_wait3A_60 = tpu.memref_squeeze %dma_wait3A_59 : memref<1x128xi32, #tpu.memory_space<vmem>> -> memref<128xi32, #tpu.memory_space<vmem>>
      %dma_wait3A_61 = arith.constant 0 : i32
      %dma_wait3A_62 = arith.constant 0 : i32
      %dma_wait3A_63 = tpu.memref_slice %arg14[%dma_wait3A_61, %dma_wait3A_62] : memref<10240x128xf32, #tpu.memory_space<vmem_shared>> -> memref<10240x128xf32, #tpu.memory_space<vmem_shared>>
      tpu.wait_indirect_dma semaphore(%arg12 : memref<!tpu.dma_semaphore, #tpu.memory_space<semaphore_mem>>) src(%arg8 : memref<128x128xf32, #tpu.memory_space<vmem>>) dst(%dma_wait3A_63 : memref<10240x128xf32, #tpu.memory_space<vmem_shared>>)
      %dma_start3A_64 = arith.constant 2 : i32
      %dma_start3A_65 = arith.constant 0 : i32
      %dma_start3A_66 = tpu.memref_slice %arg6[%dma_start3A_64, %dma_start3A_65] : memref<16x128xi32, #tpu.memory_space<vmem>> -> memref<1x128xi32, #tpu.memory_space<vmem>>
      %dma_start3A_67 = tpu.memref_squeeze %dma_start3A_66 : memref<1x128xi32, #tpu.memory_space<vmem>> -> memref<128xi32, #tpu.memory_space<vmem>>
      %dma_start3A_68 = arith.constant 0 : i32
      %dma_start3A_69 = arith.constant 0 : i32
      %dma_start3A_70 = tpu.memref_slice %arg2[%arg0, %dma_start3A_68, %dma_start3A_69] : memref<2x10240x128xf32, #tpu.memory_space<hbm>> -> memref<1x10240x128xf32, #tpu.memory_space<hbm>>
      %dma_start3A_71 = tpu.memref_squeeze %dma_start3A_70 : memref<1x10240x128xf32, #tpu.memory_space<hbm>> -> memref<10240x128xf32, #tpu.memory_space<hbm>>
      %dma_start3A_72 = arith.constant 0 : i32
      %dma_start3A_73 = arith.constant 0 : i32
      %dma_start3A_74 = tpu.memref_slice %dma_start3A_71[%dma_start3A_72, %dma_start3A_73] : memref<10240x128xf32, #tpu.memory_space<hbm>> -> memref<10240x128xf32, #tpu.memory_space<hbm>>
      tpu.enqueue_indirect_dma source(%dma_start3A_74 : memref<10240x128xf32, #tpu.memory_space<hbm>>) target(%arg8 : memref<128x128xf32, #tpu.memory_space<vmem>>) offsets(%dma_start3A_67 : memref<128xi32, #tpu.memory_space<vmem>>) semaphore(%arg10 : memref<!tpu.dma_semaphore, #tpu.memory_space<semaphore_mem>>)
      %dma_wait3A_75 = arith.constant 1 : i32
      %dma_wait3A_76 = arith.constant 0 : i32
      %dma_wait3A_77 = tpu.memref_slice %arg6[%dma_wait3A_75, %dma_wait3A_76] : memref<16x128xi32, #tpu.memory_space<vmem>> -> memref<1x128xi32, #tpu.memory_space<vmem>>
      %dma_wait3A_78 = tpu.memref_squeeze %dma_wait3A_77 : memref<1x128xi32, #tpu.memory_space<vmem>> -> memref<128xi32, #tpu.memory_space<vmem>>
      %dma_wait3A_79 = arith.constant 0 : i32
      %dma_wait3A_80 = arith.constant 0 : i32
      %dma_wait3A_81 = tpu.memref_slice %arg2[%arg0, %dma_wait3A_79, %dma_wait3A_80] : memref<2x10240x128xf32, #tpu.memory_space<hbm>> -> memref<1x10240x128xf32, #tpu.memory_space<hbm>>
      %dma_wait3A_82 = tpu.memref_squeeze %dma_wait3A_81 : memref<1x10240x128xf32, #tpu.memory_space<hbm>> -> memref<10240x128xf32, #tpu.memory_space<hbm>>
      %dma_wait3A_83 = arith.constant 0 : i32
      %dma_wait3A_84 = arith.constant 0 : i32
      %dma_wait3A_85 = tpu.memref_slice %dma_wait3A_82[%dma_wait3A_83, %dma_wait3A_84] : memref<10240x128xf32, #tpu.memory_space<hbm>> -> memref<10240x128xf32, #tpu.memory_space<hbm>>
      tpu.wait_indirect_dma semaphore(%arg11 : memref<!tpu.dma_semaphore, #tpu.memory_space<semaphore_mem>>) src(%dma_wait3A_85 : memref<10240x128xf32, #tpu.memory_space<hbm>>) dst(%arg9 : memref<128x128xf32, #tpu.memory_space<vmem>>)
      %dma_start3A_86 = arith.constant 1 : i32
      %dma_start3A_87 = arith.constant 0 : i32
      %dma_start3A_88 = tpu.memref_slice %arg7[%dma_start3A_86, %dma_start3A_87] : memref<16x128xi32, #tpu.memory_space<vmem>> -> memref<1x128xi32, #tpu.memory_space<vmem>>
      %dma_start3A_89 = tpu.memref_squeeze %dma_start3A_88 : memref<1x128xi32, #tpu.memory_space<vmem>> -> memref<128xi32, #tpu.memory_space<vmem>>
      %dma_start3A_90 = arith.constant 0 : i32
      %dma_start3A_91 = arith.constant 0 : i32
      %dma_start3A_92 = tpu.memref_slice %arg14[%dma_start3A_90, %dma_start3A_91] : memref<10240x128xf32, #tpu.memory_space<vmem_shared>> -> memref<10240x128xf32, #tpu.memory_space<vmem_shared>>
      tpu.enqueue_indirect_dma source(%arg9 : memref<128x128xf32, #tpu.memory_space<vmem>>) target(%dma_start3A_92 : memref<10240x128xf32, #tpu.memory_space<vmem_shared>>) offsets(%dma_start3A_89 : memref<128xi32, #tpu.memory_space<vmem>>) semaphore(%arg13 : memref<!tpu.dma_semaphore, #tpu.memory_space<semaphore_mem>>) {add = true}
      %dma_wait3A_93 = arith.constant 1 : i32
      %dma_wait3A_94 = arith.constant 0 : i32
      %dma_wait3A_95 = tpu.memref_slice %arg7[%dma_wait3A_93, %dma_wait3A_94] : memref<16x128xi32, #tpu.memory_space<vmem>> -> memref<1x128xi32, #tpu.memory_space<vmem>>
      %dma_wait3A_96 = tpu.memref_squeeze %dma_wait3A_95 : memref<1x128xi32, #tpu.memory_space<vmem>> -> memref<128xi32, #tpu.memory_space<vmem>>
      %dma_wait3A_97 = arith.constant 0 : i32
      %dma_wait3A_98 = arith.constant 0 : i32
      %dma_wait3A_99 = tpu.memref_slice %arg14[%dma_wait3A_97, %dma_wait3A_98] : memref<10240x128xf32, #tpu.memory_space<vmem_shared>> -> memref<10240x128xf32, #tpu.memory_space<vmem_shared>>
      tpu.wait_indirect_dma semaphore(%arg13 : memref<!tpu.dma_semaphore, #tpu.memory_space<semaphore_mem>>) src(%arg9 : memref<128x128xf32, #tpu.memory_space<vmem>>) dst(%dma_wait3A_99 : memref<10240x128xf32, #tpu.memory_space<vmem_shared>>)
      %dma_start3A_100 = arith.constant 3 : i32
      %dma_start3A_101 = arith.constant 0 : i32
      %dma_start3A_102 = tpu.memref_slice %arg6[%dma_start3A_100, %dma_start3A_101] : memref<16x128xi32, #tpu.memory_space<vmem>> -> memref<1x128xi32, #tpu.memory_space<vmem>>
      %dma_start3A_103 = tpu.memref_squeeze %dma_start3A_102 : memref<1x128xi32, #tpu.memory_space<vmem>> -> memref<128xi32, #tpu.memory_space<vmem>>
      %dma_start3A_104 = arith.constant 0 : i32
      %dma_start3A_105 = arith.constant 0 : i32
      %dma_start3A_106 = tpu.memref_slice %arg2[%arg0, %dma_start3A_104, %dma_start3A_105] : memref<2x10240x128xf32, #tpu.memory_space<hbm>> -> memref<1x10240x128xf32, #tpu.memory_space<hbm>>
      %dma_start3A_107 = tpu.memref_squeeze %dma_start3A_106 : memref<1x10240x128xf32, #tpu.memory_space<hbm>> -> memref<10240x128xf32, #tpu.memory_space<hbm>>
      %dma_start3A_108 = arith.constant 0 : i32
      %dma_start3A_109 = arith.constant 0 : i32
      %dma_start3A_110 = tpu.memref_slice %dma_start3A_107[%dma_start3A_108, %dma_start3A_109] : memref<10240x128xf32, #tpu.memory_space<hbm>> -> memref<10240x128xf32, #tpu.memory_space<hbm>>
      tpu.enqueue_indirect_dma source(%dma_start3A_110 : memref<10240x128xf32, #tpu.memory_space<hbm>>) target(%arg9 : memref<128x128xf32, #tpu.memory_space<vmem>>) offsets(%dma_start3A_103 : memref<128xi32, #tpu.memory_space<vmem>>) semaphore(%arg11 : memref<!tpu.dma_semaphore, #tpu.memory_space<semaphore_mem>>)
      %dma_wait3A_111 = arith.constant 2 : i32
      %dma_wait3A_112 = arith.constant 0 : i32
      %dma_wait3A_113 = tpu.memref_slice %arg6[%dma_wait3A_111, %dma_wait3A_112] : memref<16x128xi32, #tpu.memory_space<vmem>> -> memref<1x128xi32, #tpu.memory_space<vmem>>
      %dma_wait3A_114 = tpu.memref_squeeze %dma_wait3A_113 : memref<1x128xi32, #tpu.memory_space<vmem>> -> memref<128xi32, #tpu.memory_space<vmem>>
      %dma_wait3A_115 = arith.constant 0 : i32
      %dma_wait3A_116 = arith.constant 0 : i32
      %dma_wait3A_117 = tpu.memref_slice %arg2[%arg0, %dma_wait3A_115, %dma_wait3A_116] : memref<2x10240x128xf32, #tpu.memory_space<hbm>> -> memref<1x10240x128xf32, #tpu.memory_space<hbm>>
      %dma_wait3A_118 = tpu.memref_squeeze %dma_wait3A_117 : memref<1x10240x128xf32, #tpu.memory_space<hbm>> -> memref<10240x128xf32, #tpu.memory_space<hbm>>
      %dma_wait3A_119 = arith.constant 0 : i32
      %dma_wait3A_120 = arith.constant 0 : i32
      %dma_wait3A_121 = tpu.memref_slice %dma_wait3A_118[%dma_wait3A_119, %dma_wait3A_120] : memref<10240x128xf32, #tpu.memory_space<hbm>> -> memref<10240x128xf32, #tpu.memory_space<hbm>>
      tpu.wait_indirect_dma semaphore(%arg10 : memref<!tpu.dma_semaphore, #tpu.memory_space<semaphore_mem>>) src(%dma_wait3A_121 : memref<10240x128xf32, #tpu.memory_space<hbm>>) dst(%arg8 : memref<128x128xf32, #tpu.memory_space<vmem>>)
      %dma_start3A_122 = arith.constant 2 : i32
      %dma_start3A_123 = arith.constant 0 : i32
      %dma_start3A_124 = tpu.memref_slice %arg7[%dma_start3A_122, %dma_start3A_123] : memref<16x128xi32, #tpu.memory_space<vmem>> -> memref<1x128xi32, #tpu.memory_space<vmem>>
      %dma_start3A_125 = tpu.memref_squeeze %dma_start3A_124 : memref<1x128xi32, #tpu.memory_space<vmem>> -> memref<128xi32, #tpu.memory_space<vmem>>
      %dma_start3A_126 = arith.constant 0 : i32
      %dma_start3A_127 = arith.constant 0 : i32
      %dma_start3A_128 = tpu.memref_slice %arg14[%dma_start3A_126, %dma_start3A_127] : memref<10240x128xf32, #tpu.memory_space<vmem_shared>> -> memref<10240x128xf32, #tpu.memory_space<vmem_shared>>
      tpu.enqueue_indirect_dma source(%arg8 : memref<128x128xf32, #tpu.memory_space<vmem>>) target(%dma_start3A_128 : memref<10240x128xf32, #tpu.memory_space<vmem_shared>>) offsets(%dma_start3A_125 : memref<128xi32, #tpu.memory_space<vmem>>) semaphore(%arg12 : memref<!tpu.dma_semaphore, #tpu.memory_space<semaphore_mem>>) {add = true}
      %dma_wait3A_129 = arith.constant 2 : i32
      %dma_wait3A_130 = arith.constant 0 : i32
      %dma_wait3A_131 = tpu.memref_slice %arg7[%dma_wait3A_129, %dma_wait3A_130] : memref<16x128xi32, #tpu.memory_space<vmem>> -> memref<1x128xi32, #tpu.memory_space<vmem>>
      %dma_wait3A_132 = tpu.memref_squeeze %dma_wait3A_131 : memref<1x128xi32, #tpu.memory_space<vmem>> -> memref<128xi32, #tpu.memory_space<vmem>>
      %dma_wait3A_133 = arith.constant 0 : i32
      %dma_wait3A_134 = arith.constant 0 : i32
      %dma_wait3A_135 = tpu.memref_slice %arg14[%dma_wait3A_133, %dma_wait3A_134] : memref<10240x128xf32, #tpu.memory_space<vmem_shared>> -> memref<10240x128xf32, #tpu.memory_space<vmem_shared>>
      tpu.wait_indirect_dma semaphore(%arg12 : memref<!tpu.dma_semaphore, #tpu.memory_space<semaphore_mem>>) src(%arg8 : memref<128x128xf32, #tpu.memory_space<vmem>>) dst(%dma_wait3A_135 : memref<10240x128xf32, #tpu.memory_space<vmem_shared>>)
      %dma_start3A_136 = arith.constant 4 : i32
      %dma_start3A_137 = arith.constant 0 : i32
      %dma_start3A_138 = tpu.memref_slice %arg6[%dma_start3A_136, %dma_start3A_137] : memref<16x128xi32, #tpu.memory_space<vmem>> -> memref<1x128xi32, #tpu.memory_space<vmem>>
      %dma_start3A_139 = tpu.memref_squeeze %dma_start3A_138 : memref<1x128xi32, #tpu.memory_space<vmem>> -> memref<128xi32, #tpu.memory_space<vmem>>
      %dma_start3A_140 = arith.constant 0 : i32
      %dma_start3A_141 = arith.constant 0 : i32
      %dma_start3A_142 = tpu.memref_slice %arg2[%arg0, %dma_start3A_140, %dma_start3A_141] : memref<2x10240x128xf32, #tpu.memory_space<hbm>> -> memref<1x10240x128xf32, #tpu.memory_space<hbm>>
      %dma_start3A_143 = tpu.memref_squeeze %dma_start3A_142 : memref<1x10240x128xf32, #tpu.memory_space<hbm>> -> memref<10240x128xf32, #tpu.memory_space<hbm>>
      %dma_start3A_144 = arith.constant 0 : i32
      %dma_start3A_145 = arith.constant 0 : i32
      %dma_start3A_146 = tpu.memref_slice %dma_start3A_143[%dma_start3A_144, %dma_start3A_145] : memref<10240x128xf32, #tpu.memory_space<hbm>> -> memref<10240x128xf32, #tpu.memory_space<hbm>>
      tpu.enqueue_indirect_dma source(%dma_start3A_146 : memref<10240x128xf32, #tpu.memory_space<hbm>>) target(%arg8 : memref<128x128xf32, #tpu.memory_space<vmem>>) offsets(%dma_start3A_139 : memref<128xi32, #tpu.memory_space<vmem>>) semaphore(%arg10 : memref<!tpu.dma_semaphore, #tpu.memory_space<semaphore_mem>>)
      %dma_wait3A_147 = arith.constant 3 : i32
      %dma_wait3A_148 = arith.constant 0 : i32
      %dma_wait3A_149 = tpu.memref_slice %arg6[%dma_wait3A_147, %dma_wait3A_148] : memref<16x128xi32, #tpu.memory_space<vmem>> -> memref<1x128xi32, #tpu.memory_space<vmem>>
      %dma_wait3A_150 = tpu.memref_squeeze %dma_wait3A_149 : memref<1x128xi32, #tpu.memory_space<vmem>> -> memref<128xi32, #tpu.memory_space<vmem>>
      %dma_wait3A_151 = arith.constant 0 : i32
      %dma_wait3A_152 = arith.constant 0 : i32
      %dma_wait3A_153 = tpu.memref_slice %arg2[%arg0, %dma_wait3A_151, %dma_wait3A_152] : memref<2x10240x128xf32, #tpu.memory_space<hbm>> -> memref<1x10240x128xf32, #tpu.memory_space<hbm>>
      %dma_wait3A_154 = tpu.memref_squeeze %dma_wait3A_153 : memref<1x10240x128xf32, #tpu.memory_space<hbm>> -> memref<10240x128xf32, #tpu.memory_space<hbm>>
      %dma_wait3A_155 = arith.constant 0 : i32
      %dma_wait3A_156 = arith.constant 0 : i32
      %dma_wait3A_157 = tpu.memref_slice %dma_wait3A_154[%dma_wait3A_155, %dma_wait3A_156] : memref<10240x128xf32, #tpu.memory_space<hbm>> -> memref<10240x128xf32, #tpu.memory_space<hbm>>
      tpu.wait_indirect_dma semaphore(%arg11 : memref<!tpu.dma_semaphore, #tpu.memory_space<semaphore_mem>>) src(%dma_wait3A_157 : memref<10240x128xf32, #tpu.memory_space<hbm>>) dst(%arg9 : memref<128x128xf32, #tpu.memory_space<vmem>>)
      %dma_start3A_158 = arith.constant 3 : i32
      %dma_start3A_159 = arith.constant 0 : i32
      %dma_start3A_160 = tpu.memref_slice %arg7[%dma_start3A_158, %dma_start3A_159] : memref<16x128xi32, #tpu.memory_space<vmem>> -> memref<1x128xi32, #tpu.memory_space<vmem>>
      %dma_start3A_161 = tpu.memref_squeeze %dma_start3A_160 : memref<1x128xi32, #tpu.memory_space<vmem>> -> memref<128xi32, #tpu.memory_space<vmem>>
      %dma_start3A_162 = arith.constant 0 : i32
      %dma_start3A_163 = arith.constant 0 : i32
      %dma_start3A_164 = tpu.memref_slice %arg14[%dma_start3A_162, %dma_start3A_163] : memref<10240x128xf32, #tpu.memory_space<vmem_shared>> -> memref<10240x128xf32, #tpu.memory_space<vmem_shared>>
      tpu.enqueue_indirect_dma source(%arg9 : memref<128x128xf32, #tpu.memory_space<vmem>>) target(%dma_start3A_164 : memref<10240x128xf32, #tpu.memory_space<vmem_shared>>) offsets(%dma_start3A_161 : memref<128xi32, #tpu.memory_space<vmem>>) semaphore(%arg13 : memref<!tpu.dma_semaphore, #tpu.memory_space<semaphore_mem>>) {add = true}
      %dma_wait3A_165 = arith.constant 3 : i32
      %dma_wait3A_166 = arith.constant 0 : i32
      %dma_wait3A_167 = tpu.memref_slice %arg7[%dma_wait3A_165, %dma_wait3A_166] : memref<16x128xi32, #tpu.memory_space<vmem>> -> memref<1x128xi32, #tpu.memory_space<vmem>>
      %dma_wait3A_168 = tpu.memref_squeeze %dma_wait3A_167 : memref<1x128xi32, #tpu.memory_space<vmem>> -> memref<128xi32, #tpu.memory_space<vmem>>
      %dma_wait3A_169 = arith.constant 0 : i32
      %dma_wait3A_170 = arith.constant 0 : i32
      %dma_wait3A_171 = tpu.memref_slice %arg14[%dma_wait3A_169, %dma_wait3A_170] : memref<10240x128xf32, #tpu.memory_space<vmem_shared>> -> memref<10240x128xf32, #tpu.memory_space<vmem_shared>>
      tpu.wait_indirect_dma semaphore(%arg13 : memref<!tpu.dma_semaphore, #tpu.memory_space<semaphore_mem>>) src(%arg9 : memref<128x128xf32, #tpu.memory_space<vmem>>) dst(%dma_wait3A_171 : memref<10240x128xf32, #tpu.memory_space<vmem_shared>>)
      %dma_start3A_172 = arith.constant 5 : i32
      %dma_start3A_173 = arith.constant 0 : i32
      %dma_start3A_174 = tpu.memref_slice %arg6[%dma_start3A_172, %dma_start3A_173] : memref<16x128xi32, #tpu.memory_space<vmem>> -> memref<1x128xi32, #tpu.memory_space<vmem>>
      %dma_start3A_175 = tpu.memref_squeeze %dma_start3A_174 : memref<1x128xi32, #tpu.memory_space<vmem>> -> memref<128xi32, #tpu.memory_space<vmem>>
      %dma_start3A_176 = arith.constant 0 : i32
      %dma_start3A_177 = arith.constant 0 : i32
      %dma_start3A_178 = tpu.memref_slice %arg2[%arg0, %dma_start3A_176, %dma_start3A_177] : memref<2x10240x128xf32, #tpu.memory_space<hbm>> -> memref<1x10240x128xf32, #tpu.memory_space<hbm>>
      %dma_start3A_179 = tpu.memref_squeeze %dma_start3A_178 : memref<1x10240x128xf32, #tpu.memory_space<hbm>> -> memref<10240x128xf32, #tpu.memory_space<hbm>>
      %dma_start3A_180 = arith.constant 0 : i32
      %dma_start3A_181 = arith.constant 0 : i32
      %dma_start3A_182 = tpu.memref_slice %dma_start3A_179[%dma_start3A_180, %dma_start3A_181] : memref<10240x128xf32, #tpu.memory_space<hbm>> -> memref<10240x128xf32, #tpu.memory_space<hbm>>
      tpu.enqueue_indirect_dma source(%dma_start3A_182 : memref<10240x128xf32, #tpu.memory_space<hbm>>) target(%arg9 : memref<128x128xf32, #tpu.memory_space<vmem>>) offsets(%dma_start3A_175 : memref<128xi32, #tpu.memory_space<vmem>>) semaphore(%arg11 : memref<!tpu.dma_semaphore, #tpu.memory_space<semaphore_mem>>)
      %dma_wait3A_183 = arith.constant 4 : i32
      %dma_wait3A_184 = arith.constant 0 : i32
      %dma_wait3A_185 = tpu.memref_slice %arg6[%dma_wait3A_183, %dma_wait3A_184] : memref<16x128xi32, #tpu.memory_space<vmem>> -> memref<1x128xi32, #tpu.memory_space<vmem>>
      %dma_wait3A_186 = tpu.memref_squeeze %dma_wait3A_185 : memref<1x128xi32, #tpu.memory_space<vmem>> -> memref<128xi32, #tpu.memory_space<vmem>>
      %dma_wait3A_187 = arith.constant 0 : i32
      %dma_wait3A_188 = arith.constant 0 : i32
      %dma_wait3A_189 = tpu.memref_slice %arg2[%arg0, %dma_wait3A_187, %dma_wait3A_188] : memref<2x10240x128xf32, #tpu.memory_space<hbm>> -> memref<1x10240x128xf32, #tpu.memory_space<hbm>>
      %dma_wait3A_190 = tpu.memref_squeeze %dma_wait3A_189 : memref<1x10240x128xf32, #tpu.memory_space<hbm>> -> memref<10240x128xf32, #tpu.memory_space<hbm>>
      %dma_wait3A_191 = arith.constant 0 : i32
      %dma_wait3A_192 = arith.constant 0 : i32
      %dma_wait3A_193 = tpu.memref_slice %dma_wait3A_190[%dma_wait3A_191, %dma_wait3A_192] : memref<10240x128xf32, #tpu.memory_space<hbm>> -> memref<10240x128xf32, #tpu.memory_space<hbm>>
      tpu.wait_indirect_dma semaphore(%arg10 : memref<!tpu.dma_semaphore, #tpu.memory_space<semaphore_mem>>) src(%dma_wait3A_193 : memref<10240x128xf32, #tpu.memory_space<hbm>>) dst(%arg8 : memref<128x128xf32, #tpu.memory_space<vmem>>)
      %dma_start3A_194 = arith.constant 4 : i32
      %dma_start3A_195 = arith.constant 0 : i32
      %dma_start3A_196 = tpu.memref_slice %arg7[%dma_start3A_194, %dma_start3A_195] : memref<16x128xi32, #tpu.memory_space<vmem>> -> memref<1x128xi32, #tpu.memory_space<vmem>>
      %dma_start3A_197 = tpu.memref_squeeze %dma_start3A_196 : memref<1x128xi32, #tpu.memory_space<vmem>> -> memref<128xi32, #tpu.memory_space<vmem>>
      %dma_start3A_198 = arith.constant 0 : i32
      %dma_start3A_199 = arith.constant 0 : i32
      %dma_start3A_200 = tpu.memref_slice %arg14[%dma_start3A_198, %dma_start3A_199] : memref<10240x128xf32, #tpu.memory_space<vmem_shared>> -> memref<10240x128xf32, #tpu.memory_space<vmem_shared>>
      tpu.enqueue_indirect_dma source(%arg8 : memref<128x128xf32, #tpu.memory_space<vmem>>) target(%dma_start3A_200 : memref<10240x128xf32, #tpu.memory_space<vmem_shared>>) offsets(%dma_start3A_197 : memref<128xi32, #tpu.memory_space<vmem>>) semaphore(%arg12 : memref<!tpu.dma_semaphore, #tpu.memory_space<semaphore_mem>>) {add = true}
      %dma_wait3A_201 = arith.constant 4 : i32
      %dma_wait3A_202 = arith.constant 0 : i32
      %dma_wait3A_203 = tpu.memref_slice %arg7[%dma_wait3A_201, %dma_wait3A_202] : memref<16x128xi32, #tpu.memory_space<vmem>> -> memref<1x128xi32, #tpu.memory_space<vmem>>
      %dma_wait3A_204 = tpu.memref_squeeze %dma_wait3A_203 : memref<1x128xi32, #tpu.memory_space<vmem>> -> memref<128xi32, #tpu.memory_space<vmem>>
      %dma_wait3A_205 = arith.constant 0 : i32
      %dma_wait3A_206 = arith.constant 0 : i32
      %dma_wait3A_207 = tpu.memref_slice %arg14[%dma_wait3A_205, %dma_wait3A_206] : memref<10240x128xf32, #tpu.memory_space<vmem_shared>> -> memref<10240x128xf32, #tpu.memory_space<vmem_shared>>
      tpu.wait_indirect_dma semaphore(%arg12 : memref<!tpu.dma_semaphore, #tpu.memory_space<semaphore_mem>>) src(%arg8 : memref<128x128xf32, #tpu.memory_space<vmem>>) dst(%dma_wait3A_207 : memref<10240x128xf32, #tpu.memory_space<vmem_shared>>)
      %dma_start3A_208 = arith.constant 6 : i32
      %dma_start3A_209 = arith.constant 0 : i32
      %dma_start3A_210 = tpu.memref_slice %arg6[%dma_start3A_208, %dma_start3A_209] : memref<16x128xi32, #tpu.memory_space<vmem>> -> memref<1x128xi32, #tpu.memory_space<vmem>>
      %dma_start3A_211 = tpu.memref_squeeze %dma_start3A_210 : memref<1x128xi32, #tpu.memory_space<vmem>> -> memref<128xi32, #tpu.memory_space<vmem>>
      %dma_start3A_212 = arith.constant 0 : i32
      %dma_start3A_213 = arith.constant 0 : i32
      %dma_start3A_214 = tpu.memref_slice %arg2[%arg0, %dma_start3A_212, %dma_start3A_213] : memref<2x10240x128xf32, #tpu.memory_space<hbm>> -> memref<1x10240x128xf32, #tpu.memory_space<hbm>>
      %dma_start3A_215 = tpu.memref_squeeze %dma_start3A_214 : memref<1x10240x128xf32, #tpu.memory_space<hbm>> -> memref<10240x128xf32, #tpu.memory_space<hbm>>
      %dma_start3A_216 = arith.constant 0 : i32
      %dma_start3A_217 = arith.constant 0 : i32
      %dma_start3A_218 = tpu.memref_slice %dma_start3A_215[%dma_start3A_216, %dma_start3A_217] : memref<10240x128xf32, #tpu.memory_space<hbm>> -> memref<10240x128xf32, #tpu.memory_space<hbm>>
      tpu.enqueue_indirect_dma source(%dma_start3A_218 : memref<10240x128xf32, #tpu.memory_space<hbm>>) target(%arg8 : memref<128x128xf32, #tpu.memory_space<vmem>>) offsets(%dma_start3A_211 : memref<128xi32, #tpu.memory_space<vmem>>) semaphore(%arg10 : memref<!tpu.dma_semaphore, #tpu.memory_space<semaphore_mem>>)
      %dma_wait3A_219 = arith.constant 5 : i32
      %dma_wait3A_220 = arith.constant 0 : i32
      %dma_wait3A_221 = tpu.memref_slice %arg6[%dma_wait3A_219, %dma_wait3A_220] : memref<16x128xi32, #tpu.memory_space<vmem>> -> memref<1x128xi32, #tpu.memory_space<vmem>>
      %dma_wait3A_222 = tpu.memref_squeeze %dma_wait3A_221 : memref<1x128xi32, #tpu.memory_space<vmem>> -> memref<128xi32, #tpu.memory_space<vmem>>
      %dma_wait3A_223 = arith.constant 0 : i32
      %dma_wait3A_224 = arith.constant 0 : i32
      %dma_wait3A_225 = tpu.memref_slice %arg2[%arg0, %dma_wait3A_223, %dma_wait3A_224] : memref<2x10240x128xf32, #tpu.memory_space<hbm>> -> memref<1x10240x128xf32, #tpu.memory_space<hbm>>
      %dma_wait3A_226 = tpu.memref_squeeze %dma_wait3A_225 : memref<1x10240x128xf32, #tpu.memory_space<hbm>> -> memref<10240x128xf32, #tpu.memory_space<hbm>>
      %dma_wait3A_227 = arith.constant 0 : i32
      %dma_wait3A_228 = arith.constant 0 : i32
      %dma_wait3A_229 = tpu.memref_slice %dma_wait3A_226[%dma_wait3A_227, %dma_wait3A_228] : memref<10240x128xf32, #tpu.memory_space<hbm>> -> memref<10240x128xf32, #tpu.memory_space<hbm>>
      tpu.wait_indirect_dma semaphore(%arg11 : memref<!tpu.dma_semaphore, #tpu.memory_space<semaphore_mem>>) src(%dma_wait3A_229 : memref<10240x128xf32, #tpu.memory_space<hbm>>) dst(%arg9 : memref<128x128xf32, #tpu.memory_space<vmem>>)
      %dma_start3A_230 = arith.constant 5 : i32
      %dma_start3A_231 = arith.constant 0 : i32
      %dma_start3A_232 = tpu.memref_slice %arg7[%dma_start3A_230, %dma_start3A_231] : memref<16x128xi32, #tpu.memory_space<vmem>> -> memref<1x128xi32, #tpu.memory_space<vmem>>
      %dma_start3A_233 = tpu.memref_squeeze %dma_start3A_232 : memref<1x128xi32, #tpu.memory_space<vmem>> -> memref<128xi32, #tpu.memory_space<vmem>>
      %dma_start3A_234 = arith.constant 0 : i32
      %dma_start3A_235 = arith.constant 0 : i32
      %dma_start3A_236 = tpu.memref_slice %arg14[%dma_start3A_234, %dma_start3A_235] : memref<10240x128xf32, #tpu.memory_space<vmem_shared>> -> memref<10240x128xf32, #tpu.memory_space<vmem_shared>>
      tpu.enqueue_indirect_dma source(%arg9 : memref<128x128xf32, #tpu.memory_space<vmem>>) target(%dma_start3A_236 : memref<10240x128xf32, #tpu.memory_space<vmem_shared>>) offsets(%dma_start3A_233 : memref<128xi32, #tpu.memory_space<vmem>>) semaphore(%arg13 : memref<!tpu.dma_semaphore, #tpu.memory_space<semaphore_mem>>) {add = true}
      %dma_wait3A_237 = arith.constant 5 : i32
      %dma_wait3A_238 = arith.constant 0 : i32
      %dma_wait3A_239 = tpu.memref_slice %arg7[%dma_wait3A_237, %dma_wait3A_238] : memref<16x128xi32, #tpu.memory_space<vmem>> -> memref<1x128xi32, #tpu.memory_space<vmem>>
      %dma_wait3A_240 = tpu.memref_squeeze %dma_wait3A_239 : memref<1x128xi32, #tpu.memory_space<vmem>> -> memref<128xi32, #tpu.memory_space<vmem>>
      %dma_wait3A_241 = arith.constant 0 : i32
      %dma_wait3A_242 = arith.constant 0 : i32
      %dma_wait3A_243 = tpu.memref_slice %arg14[%dma_wait3A_241, %dma_wait3A_242] : memref<10240x128xf32, #tpu.memory_space<vmem_shared>> -> memref<10240x128xf32, #tpu.memory_space<vmem_shared>>
      tpu.wait_indirect_dma semaphore(%arg13 : memref<!tpu.dma_semaphore, #tpu.memory_space<semaphore_mem>>) src(%arg9 : memref<128x128xf32, #tpu.memory_space<vmem>>) dst(%dma_wait3A_243 : memref<10240x128xf32, #tpu.memory_space<vmem_shared>>)
      %dma_start3A_244 = arith.constant 7 : i32
      %dma_start3A_245 = arith.constant 0 : i32
      %dma_start3A_246 = tpu.memref_slice %arg6[%dma_start3A_244, %dma_start3A_245] : memref<16x128xi32, #tpu.memory_space<vmem>> -> memref<1x128xi32, #tpu.memory_space<vmem>>
      %dma_start3A_247 = tpu.memref_squeeze %dma_start3A_246 : memref<1x128xi32, #tpu.memory_space<vmem>> -> memref<128xi32, #tpu.memory_space<vmem>>
      %dma_start3A_248 = arith.constant 0 : i32
      %dma_start3A_249 = arith.constant 0 : i32
      %dma_start3A_250 = tpu.memref_slice %arg2[%arg0, %dma_start3A_248, %dma_start3A_249] : memref<2x10240x128xf32, #tpu.memory_space<hbm>> -> memref<1x10240x128xf32, #tpu.memory_space<hbm>>
      %dma_start3A_251 = tpu.memref_squeeze %dma_start3A_250 : memref<1x10240x128xf32, #tpu.memory_space<hbm>> -> memref<10240x128xf32, #tpu.memory_space<hbm>>
      %dma_start3A_252 = arith.constant 0 : i32
      %dma_start3A_253 = arith.constant 0 : i32
      %dma_start3A_254 = tpu.memref_slice %dma_start3A_251[%dma_start3A_252, %dma_start3A_253] : memref<10240x128xf32, #tpu.memory_space<hbm>> -> memref<10240x128xf32, #tpu.memory_space<hbm>>
      tpu.enqueue_indirect_dma source(%dma_start3A_254 : memref<10240x128xf32, #tpu.memory_space<hbm>>) target(%arg9 : memref<128x128xf32, #tpu.memory_space<vmem>>) offsets(%dma_start3A_247 : memref<128xi32, #tpu.memory_space<vmem>>) semaphore(%arg11 : memref<!tpu.dma_semaphore, #tpu.memory_space<semaphore_mem>>)
      %dma_wait3A_255 = arith.constant 6 : i32
      %dma_wait3A_256 = arith.constant 0 : i32
      %dma_wait3A_257 = tpu.memref_slice %arg6[%dma_wait3A_255, %dma_wait3A_256] : memref<16x128xi32, #tpu.memory_space<vmem>> -> memref<1x128xi32, #tpu.memory_space<vmem>>
      %dma_wait3A_258 = tpu.memref_squeeze %dma_wait3A_257 : memref<1x128xi32, #tpu.memory_space<vmem>> -> memref<128xi32, #tpu.memory_space<vmem>>
      %dma_wait3A_259 = arith.constant 0 : i32
      %dma_wait3A_260 = arith.constant 0 : i32
      %dma_wait3A_261 = tpu.memref_slice %arg2[%arg0, %dma_wait3A_259, %dma_wait3A_260] : memref<2x10240x128xf32, #tpu.memory_space<hbm>> -> memref<1x10240x128xf32, #tpu.memory_space<hbm>>
      %dma_wait3A_262 = tpu.memref_squeeze %dma_wait3A_261 : memref<1x10240x128xf32, #tpu.memory_space<hbm>> -> memref<10240x128xf32, #tpu.memory_space<hbm>>
      %dma_wait3A_263 = arith.constant 0 : i32
      %dma_wait3A_264 = arith.constant 0 : i32
      %dma_wait3A_265 = tpu.memref_slice %dma_wait3A_262[%dma_wait3A_263, %dma_wait3A_264] : memref<10240x128xf32, #tpu.memory_space<hbm>> -> memref<10240x128xf32, #tpu.memory_space<hbm>>
      tpu.wait_indirect_dma semaphore(%arg10 : memref<!tpu.dma_semaphore, #tpu.memory_space<semaphore_mem>>) src(%dma_wait3A_265 : memref<10240x128xf32, #tpu.memory_space<hbm>>) dst(%arg8 : memref<128x128xf32, #tpu.memory_space<vmem>>)
      %dma_start3A_266 = arith.constant 6 : i32
      %dma_start3A_267 = arith.constant 0 : i32
      %dma_start3A_268 = tpu.memref_slice %arg7[%dma_start3A_266, %dma_start3A_267] : memref<16x128xi32, #tpu.memory_space<vmem>> -> memref<1x128xi32, #tpu.memory_space<vmem>>
      %dma_start3A_269 = tpu.memref_squeeze %dma_start3A_268 : memref<1x128xi32, #tpu.memory_space<vmem>> -> memref<128xi32, #tpu.memory_space<vmem>>
      %dma_start3A_270 = arith.constant 0 : i32
      %dma_start3A_271 = arith.constant 0 : i32
      %dma_start3A_272 = tpu.memref_slice %arg14[%dma_start3A_270, %dma_start3A_271] : memref<10240x128xf32, #tpu.memory_space<vmem_shared>> -> memref<10240x128xf32, #tpu.memory_space<vmem_shared>>
      tpu.enqueue_indirect_dma source(%arg8 : memref<128x128xf32, #tpu.memory_space<vmem>>) target(%dma_start3A_272 : memref<10240x128xf32, #tpu.memory_space<vmem_shared>>) offsets(%dma_start3A_269 : memref<128xi32, #tpu.memory_space<vmem>>) semaphore(%arg12 : memref<!tpu.dma_semaphore, #tpu.memory_space<semaphore_mem>>) {add = true}
      %dma_wait3A_273 = arith.constant 6 : i32
      %dma_wait3A_274 = arith.constant 0 : i32
      %dma_wait3A_275 = tpu.memref_slice %arg7[%dma_wait3A_273, %dma_wait3A_274] : memref<16x128xi32, #tpu.memory_space<vmem>> -> memref<1x128xi32, #tpu.memory_space<vmem>>
      %dma_wait3A_276 = tpu.memref_squeeze %dma_wait3A_275 : memref<1x128xi32, #tpu.memory_space<vmem>> -> memref<128xi32, #tpu.memory_space<vmem>>
      %dma_wait3A_277 = arith.constant 0 : i32
      %dma_wait3A_278 = arith.constant 0 : i32
      %dma_wait3A_279 = tpu.memref_slice %arg14[%dma_wait3A_277, %dma_wait3A_278] : memref<10240x128xf32, #tpu.memory_space<vmem_shared>> -> memref<10240x128xf32, #tpu.memory_space<vmem_shared>>
      tpu.wait_indirect_dma semaphore(%arg12 : memref<!tpu.dma_semaphore, #tpu.memory_space<semaphore_mem>>) src(%arg8 : memref<128x128xf32, #tpu.memory_space<vmem>>) dst(%dma_wait3A_279 : memref<10240x128xf32, #tpu.memory_space<vmem_shared>>)
      %dma_start3A_280 = arith.constant 8 : i32
      %dma_start3A_281 = arith.constant 0 : i32
      %dma_start3A_282 = tpu.memref_slice %arg6[%dma_start3A_280, %dma_start3A_281] : memref<16x128xi32, #tpu.memory_space<vmem>> -> memref<1x128xi32, #tpu.memory_space<vmem>>
      %dma_start3A_283 = tpu.memref_squeeze %dma_start3A_282 : memref<1x128xi32, #tpu.memory_space<vmem>> -> memref<128xi32, #tpu.memory_space<vmem>>
      %dma_start3A_284 = arith.constant 0 : i32
      %dma_start3A_285 = arith.constant 0 : i32
      %dma_start3A_286 = tpu.memref_slice %arg2[%arg0, %dma_start3A_284, %dma_start3A_285] : memref<2x10240x128xf32, #tpu.memory_space<hbm>> -> memref<1x10240x128xf32, #tpu.memory_space<hbm>>
      %dma_start3A_287 = tpu.memref_squeeze %dma_start3A_286 : memref<1x10240x128xf32, #tpu.memory_space<hbm>> -> memref<10240x128xf32, #tpu.memory_space<hbm>>
      %dma_start3A_288 = arith.constant 0 : i32
      %dma_start3A_289 = arith.constant 0 : i32
      %dma_start3A_290 = tpu.memref_slice %dma_start3A_287[%dma_start3A_288, %dma_start3A_289] : memref<10240x128xf32, #tpu.memory_space<hbm>> -> memref<10240x128xf32, #tpu.memory_space<hbm>>
      tpu.enqueue_indirect_dma source(%dma_start3A_290 : memref<10240x128xf32, #tpu.memory_space<hbm>>) target(%arg8 : memref<128x128xf32, #tpu.memory_space<vmem>>) offsets(%dma_start3A_283 : memref<128xi32, #tpu.memory_space<vmem>>) semaphore(%arg10 : memref<!tpu.dma_semaphore, #tpu.memory_space<semaphore_mem>>)
      %dma_wait3A_291 = arith.constant 7 : i32
      %dma_wait3A_292 = arith.constant 0 : i32
      %dma_wait3A_293 = tpu.memref_slice %arg6[%dma_wait3A_291, %dma_wait3A_292] : memref<16x128xi32, #tpu.memory_space<vmem>> -> memref<1x128xi32, #tpu.memory_space<vmem>>
      %dma_wait3A_294 = tpu.memref_squeeze %dma_wait3A_293 : memref<1x128xi32, #tpu.memory_space<vmem>> -> memref<128xi32, #tpu.memory_space<vmem>>
      %dma_wait3A_295 = arith.constant 0 : i32
      %dma_wait3A_296 = arith.constant 0 : i32
      %dma_wait3A_297 = tpu.memref_slice %arg2[%arg0, %dma_wait3A_295, %dma_wait3A_296] : memref<2x10240x128xf32, #tpu.memory_space<hbm>> -> memref<1x10240x128xf32, #tpu.memory_space<hbm>>
      %dma_wait3A_298 = tpu.memref_squeeze %dma_wait3A_297 : memref<1x10240x128xf32, #tpu.memory_space<hbm>> -> memref<10240x128xf32, #tpu.memory_space<hbm>>
      %dma_wait3A_299 = arith.constant 0 : i32
      %dma_wait3A_300 = arith.constant 0 : i32
      %dma_wait3A_301 = tpu.memref_slice %dma_wait3A_298[%dma_wait3A_299, %dma_wait3A_300] : memref<10240x128xf32, #tpu.memory_space<hbm>> -> memref<10240x128xf32, #tpu.memory_space<hbm>>
      tpu.wait_indirect_dma semaphore(%arg11 : memref<!tpu.dma_semaphore, #tpu.memory_space<semaphore_mem>>) src(%dma_wait3A_301 : memref<10240x128xf32, #tpu.memory_space<hbm>>) dst(%arg9 : memref<128x128xf32, #tpu.memory_space<vmem>>)
      %dma_start3A_302 = arith.constant 7 : i32
      %dma_start3A_303 = arith.constant 0 : i32
      %dma_start3A_304 = tpu.memref_slice %arg7[%dma_start3A_302, %dma_start3A_303] : memref<16x128xi32, #tpu.memory_space<vmem>> -> memref<1x128xi32, #tpu.memory_space<vmem>>
      %dma_start3A_305 = tpu.memref_squeeze %dma_start3A_304 : memref<1x128xi32, #tpu.memory_space<vmem>> -> memref<128xi32, #tpu.memory_space<vmem>>
      %dma_start3A_306 = arith.constant 0 : i32
      %dma_start3A_307 = arith.constant 0 : i32
      %dma_start3A_308 = tpu.memref_slice %arg14[%dma_start3A_306, %dma_start3A_307] : memref<10240x128xf32, #tpu.memory_space<vmem_shared>> -> memref<10240x128xf32, #tpu.memory_space<vmem_shared>>
      tpu.enqueue_indirect_dma source(%arg9 : memref<128x128xf32, #tpu.memory_space<vmem>>) target(%dma_start3A_308 : memref<10240x128xf32, #tpu.memory_space<vmem_shared>>) offsets(%dma_start3A_305 : memref<128xi32, #tpu.memory_space<vmem>>) semaphore(%arg13 : memref<!tpu.dma_semaphore, #tpu.memory_space<semaphore_mem>>) {add = true}
      %dma_wait3A_309 = arith.constant 7 : i32
      %dma_wait3A_310 = arith.constant 0 : i32
      %dma_wait3A_311 = tpu.memref_slice %arg7[%dma_wait3A_309, %dma_wait3A_310] : memref<16x128xi32, #tpu.memory_space<vmem>> -> memref<1x128xi32, #tpu.memory_space<vmem>>
      %dma_wait3A_312 = tpu.memref_squeeze %dma_wait3A_311 : memref<1x128xi32, #tpu.memory_space<vmem>> -> memref<128xi32, #tpu.memory_space<vmem>>
      %dma_wait3A_313 = arith.constant 0 : i32
      %dma_wait3A_314 = arith.constant 0 : i32
      %dma_wait3A_315 = tpu.memref_slice %arg14[%dma_wait3A_313, %dma_wait3A_314] : memref<10240x128xf32, #tpu.memory_space<vmem_shared>> -> memref<10240x128xf32, #tpu.memory_space<vmem_shared>>
      tpu.wait_indirect_dma semaphore(%arg13 : memref<!tpu.dma_semaphore, #tpu.memory_space<semaphore_mem>>) src(%arg9 : memref<128x128xf32, #tpu.memory_space<vmem>>) dst(%dma_wait3A_315 : memref<10240x128xf32, #tpu.memory_space<vmem_shared>>)
      %dma_start3A_316 = arith.constant 9 : i32
      %dma_start3A_317 = arith.constant 0 : i32
      %dma_start3A_318 = tpu.memref_slice %arg6[%dma_start3A_316, %dma_start3A_317] : memref<16x128xi32, #tpu.memory_space<vmem>> -> memref<1x128xi32, #tpu.memory_space<vmem>>
      %dma_start3A_319 = tpu.memref_squeeze %dma_start3A_318 : memref<1x128xi32, #tpu.memory_space<vmem>> -> memref<128xi32, #tpu.memory_space<vmem>>
      %dma_start3A_320 = arith.constant 0 : i32
      %dma_start3A_321 = arith.constant 0 : i32
      %dma_start3A_322 = tpu.memref_slice %arg2[%arg0, %dma_start3A_320, %dma_start3A_321] : memref<2x10240x128xf32, #tpu.memory_space<hbm>> -> memref<1x10240x128xf32, #tpu.memory_space<hbm>>
      %dma_start3A_323 = tpu.memref_squeeze %dma_start3A_322 : memref<1x10240x128xf32, #tpu.memory_space<hbm>> -> memref<10240x128xf32, #tpu.memory_space<hbm>>
      %dma_start3A_324 = arith.constant 0 : i32
      %dma_start3A_325 = arith.constant 0 : i32
      %dma_start3A_326 = tpu.memref_slice %dma_start3A_323[%dma_start3A_324, %dma_start3A_325] : memref<10240x128xf32, #tpu.memory_space<hbm>> -> memref<10240x128xf32, #tpu.memory_space<hbm>>
      tpu.enqueue_indirect_dma source(%dma_start3A_326 : memref<10240x128xf32, #tpu.memory_space<hbm>>) target(%arg9 : memref<128x128xf32, #tpu.memory_space<vmem>>) offsets(%dma_start3A_319 : memref<128xi32, #tpu.memory_space<vmem>>) semaphore(%arg11 : memref<!tpu.dma_semaphore, #tpu.memory_space<semaphore_mem>>)
      %dma_wait3A_327 = arith.constant 8 : i32
      %dma_wait3A_328 = arith.constant 0 : i32
      %dma_wait3A_329 = tpu.memref_slice %arg6[%dma_wait3A_327, %dma_wait3A_328] : memref<16x128xi32, #tpu.memory_space<vmem>> -> memref<1x128xi32, #tpu.memory_space<vmem>>
      %dma_wait3A_330 = tpu.memref_squeeze %dma_wait3A_329 : memref<1x128xi32, #tpu.memory_space<vmem>> -> memref<128xi32, #tpu.memory_space<vmem>>
      %dma_wait3A_331 = arith.constant 0 : i32
      %dma_wait3A_332 = arith.constant 0 : i32
      %dma_wait3A_333 = tpu.memref_slice %arg2[%arg0, %dma_wait3A_331, %dma_wait3A_332] : memref<2x10240x128xf32, #tpu.memory_space<hbm>> -> memref<1x10240x128xf32, #tpu.memory_space<hbm>>
      %dma_wait3A_334 = tpu.memref_squeeze %dma_wait3A_333 : memref<1x10240x128xf32, #tpu.memory_space<hbm>> -> memref<10240x128xf32, #tpu.memory_space<hbm>>
      %dma_wait3A_335 = arith.constant 0 : i32
      %dma_wait3A_336 = arith.constant 0 : i32
      %dma_wait3A_337 = tpu.memref_slice %dma_wait3A_334[%dma_wait3A_335, %dma_wait3A_336] : memref<10240x128xf32, #tpu.memory_space<hbm>> -> memref<10240x128xf32, #tpu.memory_space<hbm>>
      tpu.wait_indirect_dma semaphore(%arg10 : memref<!tpu.dma_semaphore, #tpu.memory_space<semaphore_mem>>) src(%dma_wait3A_337 : memref<10240x128xf32, #tpu.memory_space<hbm>>) dst(%arg8 : memref<128x128xf32, #tpu.memory_space<vmem>>)
      %dma_start3A_338 = arith.constant 8 : i32
      %dma_start3A_339 = arith.constant 0 : i32
      %dma_start3A_340 = tpu.memref_slice %arg7[%dma_start3A_338, %dma_start3A_339] : memref<16x128xi32, #tpu.memory_space<vmem>> -> memref<1x128xi32, #tpu.memory_space<vmem>>
      %dma_start3A_341 = tpu.memref_squeeze %dma_start3A_340 : memref<1x128xi32, #tpu.memory_space<vmem>> -> memref<128xi32, #tpu.memory_space<vmem>>
      %dma_start3A_342 = arith.constant 0 : i32
      %dma_start3A_343 = arith.constant 0 : i32
      %dma_start3A_344 = tpu.memref_slice %arg14[%dma_start3A_342, %dma_start3A_343] : memref<10240x128xf32, #tpu.memory_space<vmem_shared>> -> memref<10240x128xf32, #tpu.memory_space<vmem_shared>>
      tpu.enqueue_indirect_dma source(%arg8 : memref<128x128xf32, #tpu.memory_space<vmem>>) target(%dma_start3A_344 : memref<10240x128xf32, #tpu.memory_space<vmem_shared>>) offsets(%dma_start3A_341 : memref<128xi32, #tpu.memory_space<vmem>>) semaphore(%arg12 : memref<!tpu.dma_semaphore, #tpu.memory_space<semaphore_mem>>) {add = true}
      %dma_wait3A_345 = arith.constant 8 : i32
      %dma_wait3A_346 = arith.constant 0 : i32
      %dma_wait3A_347 = tpu.memref_slice %arg7[%dma_wait3A_345, %dma_wait3A_346] : memref<16x128xi32, #tpu.memory_space<vmem>> -> memref<1x128xi32, #tpu.memory_space<vmem>>
      %dma_wait3A_348 = tpu.memref_squeeze %dma_wait3A_347 : memref<1x128xi32, #tpu.memory_space<vmem>> -> memref<128xi32, #tpu.memory_space<vmem>>
      %dma_wait3A_349 = arith.constant 0 : i32
      %dma_wait3A_350 = arith.constant 0 : i32
      %dma_wait3A_351 = tpu.memref_slice %arg14[%dma_wait3A_349, %dma_wait3A_350] : memref<10240x128xf32, #tpu.memory_space<vmem_shared>> -> memref<10240x128xf32, #tpu.memory_space<vmem_shared>>
      tpu.wait_indirect_dma semaphore(%arg12 : memref<!tpu.dma_semaphore, #tpu.memory_space<semaphore_mem>>) src(%arg8 : memref<128x128xf32, #tpu.memory_space<vmem>>) dst(%dma_wait3A_351 : memref<10240x128xf32, #tpu.memory_space<vmem_shared>>)
      %dma_start3A_352 = arith.constant 10 : i32
      %dma_start3A_353 = arith.constant 0 : i32
      %dma_start3A_354 = tpu.memref_slice %arg6[%dma_start3A_352, %dma_start3A_353] : memref<16x128xi32, #tpu.memory_space<vmem>> -> memref<1x128xi32, #tpu.memory_space<vmem>>
      %dma_start3A_355 = tpu.memref_squeeze %dma_start3A_354 : memref<1x128xi32, #tpu.memory_space<vmem>> -> memref<128xi32, #tpu.memory_space<vmem>>
      %dma_start3A_356 = arith.constant 0 : i32
      %dma_start3A_357 = arith.constant 0 : i32
      %dma_start3A_358 = tpu.memref_slice %arg2[%arg0, %dma_start3A_356, %dma_start3A_357] : memref<2x10240x128xf32, #tpu.memory_space<hbm>> -> memref<1x10240x128xf32, #tpu.memory_space<hbm>>
      %dma_start3A_359 = tpu.memref_squeeze %dma_start3A_358 : memref<1x10240x128xf32, #tpu.memory_space<hbm>> -> memref<10240x128xf32, #tpu.memory_space<hbm>>
      %dma_start3A_360 = arith.constant 0 : i32
      %dma_start3A_361 = arith.constant 0 : i32
      %dma_start3A_362 = tpu.memref_slice %dma_start3A_359[%dma_start3A_360, %dma_start3A_361] : memref<10240x128xf32, #tpu.memory_space<hbm>> -> memref<10240x128xf32, #tpu.memory_space<hbm>>
      tpu.enqueue_indirect_dma source(%dma_start3A_362 : memref<10240x128xf32, #tpu.memory_space<hbm>>) target(%arg8 : memref<128x128xf32, #tpu.memory_space<vmem>>) offsets(%dma_start3A_355 : memref<128xi32, #tpu.memory_space<vmem>>) semaphore(%arg10 : memref<!tpu.dma_semaphore, #tpu.memory_space<semaphore_mem>>)
      %dma_wait3A_363 = arith.constant 9 : i32
      %dma_wait3A_364 = arith.constant 0 : i32
      %dma_wait3A_365 = tpu.memref_slice %arg6[%dma_wait3A_363, %dma_wait3A_364] : memref<16x128xi32, #tpu.memory_space<vmem>> -> memref<1x128xi32, #tpu.memory_space<vmem>>
      %dma_wait3A_366 = tpu.memref_squeeze %dma_wait3A_365 : memref<1x128xi32, #tpu.memory_space<vmem>> -> memref<128xi32, #tpu.memory_space<vmem>>
      %dma_wait3A_367 = arith.constant 0 : i32
      %dma_wait3A_368 = arith.constant 0 : i32
      %dma_wait3A_369 = tpu.memref_slice %arg2[%arg0, %dma_wait3A_367, %dma_wait3A_368] : memref<2x10240x128xf32, #tpu.memory_space<hbm>> -> memref<1x10240x128xf32, #tpu.memory_space<hbm>>
      %dma_wait3A_370 = tpu.memref_squeeze %dma_wait3A_369 : memref<1x10240x128xf32, #tpu.memory_space<hbm>> -> memref<10240x128xf32, #tpu.memory_space<hbm>>
      %dma_wait3A_371 = arith.constant 0 : i32
      %dma_wait3A_372 = arith.constant 0 : i32
      %dma_wait3A_373 = tpu.memref_slice %dma_wait3A_370[%dma_wait3A_371, %dma_wait3A_372] : memref<10240x128xf32, #tpu.memory_space<hbm>> -> memref<10240x128xf32, #tpu.memory_space<hbm>>
      tpu.wait_indirect_dma semaphore(%arg11 : memref<!tpu.dma_semaphore, #tpu.memory_space<semaphore_mem>>) src(%dma_wait3A_373 : memref<10240x128xf32, #tpu.memory_space<hbm>>) dst(%arg9 : memref<128x128xf32, #tpu.memory_space<vmem>>)
      %dma_start3A_374 = arith.constant 9 : i32
      %dma_start3A_375 = arith.constant 0 : i32
      %dma_start3A_376 = tpu.memref_slice %arg7[%dma_start3A_374, %dma_start3A_375] : memref<16x128xi32, #tpu.memory_space<vmem>> -> memref<1x128xi32, #tpu.memory_space<vmem>>
      %dma_start3A_377 = tpu.memref_squeeze %dma_start3A_376 : memref<1x128xi32, #tpu.memory_space<vmem>> -> memref<128xi32, #tpu.memory_space<vmem>>
      %dma_start3A_378 = arith.constant 0 : i32
      %dma_start3A_379 = arith.constant 0 : i32
      %dma_start3A_380 = tpu.memref_slice %arg14[%dma_start3A_378, %dma_start3A_379] : memref<10240x128xf32, #tpu.memory_space<vmem_shared>> -> memref<10240x128xf32, #tpu.memory_space<vmem_shared>>
      tpu.enqueue_indirect_dma source(%arg9 : memref<128x128xf32, #tpu.memory_space<vmem>>) target(%dma_start3A_380 : memref<10240x128xf32, #tpu.memory_space<vmem_shared>>) offsets(%dma_start3A_377 : memref<128xi32, #tpu.memory_space<vmem>>) semaphore(%arg13 : memref<!tpu.dma_semaphore, #tpu.memory_space<semaphore_mem>>) {add = true}
      %dma_wait3A_381 = arith.constant 9 : i32
      %dma_wait3A_382 = arith.constant 0 : i32
      %dma_wait3A_383 = tpu.memref_slice %arg7[%dma_wait3A_381, %dma_wait3A_382] : memref<16x128xi32, #tpu.memory_space<vmem>> -> memref<1x128xi32, #tpu.memory_space<vmem>>
      %dma_wait3A_384 = tpu.memref_squeeze %dma_wait3A_383 : memref<1x128xi32, #tpu.memory_space<vmem>> -> memref<128xi32, #tpu.memory_space<vmem>>
      %dma_wait3A_385 = arith.constant 0 : i32
      %dma_wait3A_386 = arith.constant 0 : i32
      %dma_wait3A_387 = tpu.memref_slice %arg14[%dma_wait3A_385, %dma_wait3A_386] : memref<10240x128xf32, #tpu.memory_space<vmem_shared>> -> memref<10240x128xf32, #tpu.memory_space<vmem_shared>>
      tpu.wait_indirect_dma semaphore(%arg13 : memref<!tpu.dma_semaphore, #tpu.memory_space<semaphore_mem>>) src(%arg9 : memref<128x128xf32, #tpu.memory_space<vmem>>) dst(%dma_wait3A_387 : memref<10240x128xf32, #tpu.memory_space<vmem_shared>>)
      %dma_start3A_388 = arith.constant 11 : i32
      %dma_start3A_389 = arith.constant 0 : i32
      %dma_start3A_390 = tpu.memref_slice %arg6[%dma_start3A_388, %dma_start3A_389] : memref<16x128xi32, #tpu.memory_space<vmem>> -> memref<1x128xi32, #tpu.memory_space<vmem>>
      %dma_start3A_391 = tpu.memref_squeeze %dma_start3A_390 : memref<1x128xi32, #tpu.memory_space<vmem>> -> memref<128xi32, #tpu.memory_space<vmem>>
      %dma_start3A_392 = arith.constant 0 : i32
      %dma_start3A_393 = arith.constant 0 : i32
      %dma_start3A_394 = tpu.memref_slice %arg2[%arg0, %dma_start3A_392, %dma_start3A_393] : memref<2x10240x128xf32, #tpu.memory_space<hbm>> -> memref<1x10240x128xf32, #tpu.memory_space<hbm>>
      %dma_start3A_395 = tpu.memref_squeeze %dma_start3A_394 : memref<1x10240x128xf32, #tpu.memory_space<hbm>> -> memref<10240x128xf32, #tpu.memory_space<hbm>>
      %dma_start3A_396 = arith.constant 0 : i32
      %dma_start3A_397 = arith.constant 0 : i32
      %dma_start3A_398 = tpu.memref_slice %dma_start3A_395[%dma_start3A_396, %dma_start3A_397] : memref<10240x128xf32, #tpu.memory_space<hbm>> -> memref<10240x128xf32, #tpu.memory_space<hbm>>
      tpu.enqueue_indirect_dma source(%dma_start3A_398 : memref<10240x128xf32, #tpu.memory_space<hbm>>) target(%arg9 : memref<128x128xf32, #tpu.memory_space<vmem>>) offsets(%dma_start3A_391 : memref<128xi32, #tpu.memory_space<vmem>>) semaphore(%arg11 : memref<!tpu.dma_semaphore, #tpu.memory_space<semaphore_mem>>)
      %dma_wait3A_399 = arith.constant 10 : i32
      %dma_wait3A_400 = arith.constant 0 : i32
      %dma_wait3A_401 = tpu.memref_slice %arg6[%dma_wait3A_399, %dma_wait3A_400] : memref<16x128xi32, #tpu.memory_space<vmem>> -> memref<1x128xi32, #tpu.memory_space<vmem>>
      %dma_wait3A_402 = tpu.memref_squeeze %dma_wait3A_401 : memref<1x128xi32, #tpu.memory_space<vmem>> -> memref<128xi32, #tpu.memory_space<vmem>>
      %dma_wait3A_403 = arith.constant 0 : i32
      %dma_wait3A_404 = arith.constant 0 : i32
      %dma_wait3A_405 = tpu.memref_slice %arg2[%arg0, %dma_wait3A_403, %dma_wait3A_404] : memref<2x10240x128xf32, #tpu.memory_space<hbm>> -> memref<1x10240x128xf32, #tpu.memory_space<hbm>>
      %dma_wait3A_406 = tpu.memref_squeeze %dma_wait3A_405 : memref<1x10240x128xf32, #tpu.memory_space<hbm>> -> memref<10240x128xf32, #tpu.memory_space<hbm>>
      %dma_wait3A_407 = arith.constant 0 : i32
      %dma_wait3A_408 = arith.constant 0 : i32
      %dma_wait3A_409 = tpu.memref_slice %dma_wait3A_406[%dma_wait3A_407, %dma_wait3A_408] : memref<10240x128xf32, #tpu.memory_space<hbm>> -> memref<10240x128xf32, #tpu.memory_space<hbm>>
      tpu.wait_indirect_dma semaphore(%arg10 : memref<!tpu.dma_semaphore, #tpu.memory_space<semaphore_mem>>) src(%dma_wait3A_409 : memref<10240x128xf32, #tpu.memory_space<hbm>>) dst(%arg8 : memref<128x128xf32, #tpu.memory_space<vmem>>)
      %dma_start3A_410 = arith.constant 10 : i32
      %dma_start3A_411 = arith.constant 0 : i32
      %dma_start3A_412 = tpu.memref_slice %arg7[%dma_start3A_410, %dma_start3A_411] : memref<16x128xi32, #tpu.memory_space<vmem>> -> memref<1x128xi32, #tpu.memory_space<vmem>>
      %dma_start3A_413 = tpu.memref_squeeze %dma_start3A_412 : memref<1x128xi32, #tpu.memory_space<vmem>> -> memref<128xi32, #tpu.memory_space<vmem>>
      %dma_start3A_414 = arith.constant 0 : i32
      %dma_start3A_415 = arith.constant 0 : i32
      %dma_start3A_416 = tpu.memref_slice %arg14[%dma_start3A_414, %dma_start3A_415] : memref<10240x128xf32, #tpu.memory_space<vmem_shared>> -> memref<10240x128xf32, #tpu.memory_space<vmem_shared>>
      tpu.enqueue_indirect_dma source(%arg8 : memref<128x128xf32, #tpu.memory_space<vmem>>) target(%dma_start3A_416 : memref<10240x128xf32, #tpu.memory_space<vmem_shared>>) offsets(%dma_start3A_413 : memref<128xi32, #tpu.memory_space<vmem>>) semaphore(%arg12 : memref<!tpu.dma_semaphore, #tpu.memory_space<semaphore_mem>>) {add = true}
      %dma_wait3A_417 = arith.constant 10 : i32
      %dma_wait3A_418 = arith.constant 0 : i32
      %dma_wait3A_419 = tpu.memref_slice %arg7[%dma_wait3A_417, %dma_wait3A_418] : memref<16x128xi32, #tpu.memory_space<vmem>> -> memref<1x128xi32, #tpu.memory_space<vmem>>
      %dma_wait3A_420 = tpu.memref_squeeze %dma_wait3A_419 : memref<1x128xi32, #tpu.memory_space<vmem>> -> memref<128xi32, #tpu.memory_space<vmem>>
      %dma_wait3A_421 = arith.constant 0 : i32
      %dma_wait3A_422 = arith.constant 0 : i32
      %dma_wait3A_423 = tpu.memref_slice %arg14[%dma_wait3A_421, %dma_wait3A_422] : memref<10240x128xf32, #tpu.memory_space<vmem_shared>> -> memref<10240x128xf32, #tpu.memory_space<vmem_shared>>
      tpu.wait_indirect_dma semaphore(%arg12 : memref<!tpu.dma_semaphore, #tpu.memory_space<semaphore_mem>>) src(%arg8 : memref<128x128xf32, #tpu.memory_space<vmem>>) dst(%dma_wait3A_423 : memref<10240x128xf32, #tpu.memory_space<vmem_shared>>)
      %dma_start3A_424 = arith.constant 12 : i32
      %dma_start3A_425 = arith.constant 0 : i32
      %dma_start3A_426 = tpu.memref_slice %arg6[%dma_start3A_424, %dma_start3A_425] : memref<16x128xi32, #tpu.memory_space<vmem>> -> memref<1x128xi32, #tpu.memory_space<vmem>>
      %dma_start3A_427 = tpu.memref_squeeze %dma_start3A_426 : memref<1x128xi32, #tpu.memory_space<vmem>> -> memref<128xi32, #tpu.memory_space<vmem>>
      %dma_start3A_428 = arith.constant 0 : i32
      %dma_start3A_429 = arith.constant 0 : i32
      %dma_start3A_430 = tpu.memref_slice %arg2[%arg0, %dma_start3A_428, %dma_start3A_429] : memref<2x10240x128xf32, #tpu.memory_space<hbm>> -> memref<1x10240x128xf32, #tpu.memory_space<hbm>>
      %dma_start3A_431 = tpu.memref_squeeze %dma_start3A_430 : memref<1x10240x128xf32, #tpu.memory_space<hbm>> -> memref<10240x128xf32, #tpu.memory_space<hbm>>
      %dma_start3A_432 = arith.constant 0 : i32
      %dma_start3A_433 = arith.constant 0 : i32
      %dma_start3A_434 = tpu.memref_slice %dma_start3A_431[%dma_start3A_432, %dma_start3A_433] : memref<10240x128xf32, #tpu.memory_space<hbm>> -> memref<10240x128xf32, #tpu.memory_space<hbm>>
      tpu.enqueue_indirect_dma source(%dma_start3A_434 : memref<10240x128xf32, #tpu.memory_space<hbm>>) target(%arg8 : memref<128x128xf32, #tpu.memory_space<vmem>>) offsets(%dma_start3A_427 : memref<128xi32, #tpu.memory_space<vmem>>) semaphore(%arg10 : memref<!tpu.dma_semaphore, #tpu.memory_space<semaphore_mem>>)
      %dma_wait3A_435 = arith.constant 11 : i32
      %dma_wait3A_436 = arith.constant 0 : i32
      %dma_wait3A_437 = tpu.memref_slice %arg6[%dma_wait3A_435, %dma_wait3A_436] : memref<16x128xi32, #tpu.memory_space<vmem>> -> memref<1x128xi32, #tpu.memory_space<vmem>>
      %dma_wait3A_438 = tpu.memref_squeeze %dma_wait3A_437 : memref<1x128xi32, #tpu.memory_space<vmem>> -> memref<128xi32, #tpu.memory_space<vmem>>
      %dma_wait3A_439 = arith.constant 0 : i32
      %dma_wait3A_440 = arith.constant 0 : i32
      %dma_wait3A_441 = tpu.memref_slice %arg2[%arg0, %dma_wait3A_439, %dma_wait3A_440] : memref<2x10240x128xf32, #tpu.memory_space<hbm>> -> memref<1x10240x128xf32, #tpu.memory_space<hbm>>
      %dma_wait3A_442 = tpu.memref_squeeze %dma_wait3A_441 : memref<1x10240x128xf32, #tpu.memory_space<hbm>> -> memref<10240x128xf32, #tpu.memory_space<hbm>>
      %dma_wait3A_443 = arith.constant 0 : i32
      %dma_wait3A_444 = arith.constant 0 : i32
      %dma_wait3A_445 = tpu.memref_slice %dma_wait3A_442[%dma_wait3A_443, %dma_wait3A_444] : memref<10240x128xf32, #tpu.memory_space<hbm>> -> memref<10240x128xf32, #tpu.memory_space<hbm>>
      tpu.wait_indirect_dma semaphore(%arg11 : memref<!tpu.dma_semaphore, #tpu.memory_space<semaphore_mem>>) src(%dma_wait3A_445 : memref<10240x128xf32, #tpu.memory_space<hbm>>) dst(%arg9 : memref<128x128xf32, #tpu.memory_space<vmem>>)
      %dma_start3A_446 = arith.constant 11 : i32
      %dma_start3A_447 = arith.constant 0 : i32
      %dma_start3A_448 = tpu.memref_slice %arg7[%dma_start3A_446, %dma_start3A_447] : memref<16x128xi32, #tpu.memory_space<vmem>> -> memref<1x128xi32, #tpu.memory_space<vmem>>
      %dma_start3A_449 = tpu.memref_squeeze %dma_start3A_448 : memref<1x128xi32, #tpu.memory_space<vmem>> -> memref<128xi32, #tpu.memory_space<vmem>>
      %dma_start3A_450 = arith.constant 0 : i32
      %dma_start3A_451 = arith.constant 0 : i32
      %dma_start3A_452 = tpu.memref_slice %arg14[%dma_start3A_450, %dma_start3A_451] : memref<10240x128xf32, #tpu.memory_space<vmem_shared>> -> memref<10240x128xf32, #tpu.memory_space<vmem_shared>>
      tpu.enqueue_indirect_dma source(%arg9 : memref<128x128xf32, #tpu.memory_space<vmem>>) target(%dma_start3A_452 : memref<10240x128xf32, #tpu.memory_space<vmem_shared>>) offsets(%dma_start3A_449 : memref<128xi32, #tpu.memory_space<vmem>>) semaphore(%arg13 : memref<!tpu.dma_semaphore, #tpu.memory_space<semaphore_mem>>) {add = true}
      %dma_wait3A_453 = arith.constant 11 : i32
      %dma_wait3A_454 = arith.constant 0 : i32
      %dma_wait3A_455 = tpu.memref_slice %arg7[%dma_wait3A_453, %dma_wait3A_454] : memref<16x128xi32, #tpu.memory_space<vmem>> -> memref<1x128xi32, #tpu.memory_space<vmem>>
      %dma_wait3A_456 = tpu.memref_squeeze %dma_wait3A_455 : memref<1x128xi32, #tpu.memory_space<vmem>> -> memref<128xi32, #tpu.memory_space<vmem>>
      %dma_wait3A_457 = arith.constant 0 : i32
      %dma_wait3A_458 = arith.constant 0 : i32
      %dma_wait3A_459 = tpu.memref_slice %arg14[%dma_wait3A_457, %dma_wait3A_458] : memref<10240x128xf32, #tpu.memory_space<vmem_shared>> -> memref<10240x128xf32, #tpu.memory_space<vmem_shared>>
      tpu.wait_indirect_dma semaphore(%arg13 : memref<!tpu.dma_semaphore, #tpu.memory_space<semaphore_mem>>) src(%arg9 : memref<128x128xf32, #tpu.memory_space<vmem>>) dst(%dma_wait3A_459 : memref<10240x128xf32, #tpu.memory_space<vmem_shared>>)
      %dma_start3A_460 = arith.constant 13 : i32
      %dma_start3A_461 = arith.constant 0 : i32
      %dma_start3A_462 = tpu.memref_slice %arg6[%dma_start3A_460, %dma_start3A_461] : memref<16x128xi32, #tpu.memory_space<vmem>> -> memref<1x128xi32, #tpu.memory_space<vmem>>
      %dma_start3A_463 = tpu.memref_squeeze %dma_start3A_462 : memref<1x128xi32, #tpu.memory_space<vmem>> -> memref<128xi32, #tpu.memory_space<vmem>>
      %dma_start3A_464 = arith.constant 0 : i32
      %dma_start3A_465 = arith.constant 0 : i32
      %dma_start3A_466 = tpu.memref_slice %arg2[%arg0, %dma_start3A_464, %dma_start3A_465] : memref<2x10240x128xf32, #tpu.memory_space<hbm>> -> memref<1x10240x128xf32, #tpu.memory_space<hbm>>
      %dma_start3A_467 = tpu.memref_squeeze %dma_start3A_466 : memref<1x10240x128xf32, #tpu.memory_space<hbm>> -> memref<10240x128xf32, #tpu.memory_space<hbm>>
      %dma_start3A_468 = arith.constant 0 : i32
      %dma_start3A_469 = arith.constant 0 : i32
      %dma_start3A_470 = tpu.memref_slice %dma_start3A_467[%dma_start3A_468, %dma_start3A_469] : memref<10240x128xf32, #tpu.memory_space<hbm>> -> memref<10240x128xf32, #tpu.memory_space<hbm>>
      tpu.enqueue_indirect_dma source(%dma_start3A_470 : memref<10240x128xf32, #tpu.memory_space<hbm>>) target(%arg9 : memref<128x128xf32, #tpu.memory_space<vmem>>) offsets(%dma_start3A_463 : memref<128xi32, #tpu.memory_space<vmem>>) semaphore(%arg11 : memref<!tpu.dma_semaphore, #tpu.memory_space<semaphore_mem>>)
      %dma_wait3A_471 = arith.constant 12 : i32
      %dma_wait3A_472 = arith.constant 0 : i32
      %dma_wait3A_473 = tpu.memref_slice %arg6[%dma_wait3A_471, %dma_wait3A_472] : memref<16x128xi32, #tpu.memory_space<vmem>> -> memref<1x128xi32, #tpu.memory_space<vmem>>
      %dma_wait3A_474 = tpu.memref_squeeze %dma_wait3A_473 : memref<1x128xi32, #tpu.memory_space<vmem>> -> memref<128xi32, #tpu.memory_space<vmem>>
      %dma_wait3A_475 = arith.constant 0 : i32
      %dma_wait3A_476 = arith.constant 0 : i32
      %dma_wait3A_477 = tpu.memref_slice %arg2[%arg0, %dma_wait3A_475, %dma_wait3A_476] : memref<2x10240x128xf32, #tpu.memory_space<hbm>> -> memref<1x10240x128xf32, #tpu.memory_space<hbm>>
      %dma_wait3A_478 = tpu.memref_squeeze %dma_wait3A_477 : memref<1x10240x128xf32, #tpu.memory_space<hbm>> -> memref<10240x128xf32, #tpu.memory_space<hbm>>
      %dma_wait3A_479 = arith.constant 0 : i32
      %dma_wait3A_480 = arith.constant 0 : i32
      %dma_wait3A_481 = tpu.memref_slice %dma_wait3A_478[%dma_wait3A_479, %dma_wait3A_480] : memref<10240x128xf32, #tpu.memory_space<hbm>> -> memref<10240x128xf32, #tpu.memory_space<hbm>>
      tpu.wait_indirect_dma semaphore(%arg10 : memref<!tpu.dma_semaphore, #tpu.memory_space<semaphore_mem>>) src(%dma_wait3A_481 : memref<10240x128xf32, #tpu.memory_space<hbm>>) dst(%arg8 : memref<128x128xf32, #tpu.memory_space<vmem>>)
      %dma_start3A_482 = arith.constant 12 : i32
      %dma_start3A_483 = arith.constant 0 : i32
      %dma_start3A_484 = tpu.memref_slice %arg7[%dma_start3A_482, %dma_start3A_483] : memref<16x128xi32, #tpu.memory_space<vmem>> -> memref<1x128xi32, #tpu.memory_space<vmem>>
      %dma_start3A_485 = tpu.memref_squeeze %dma_start3A_484 : memref<1x128xi32, #tpu.memory_space<vmem>> -> memref<128xi32, #tpu.memory_space<vmem>>
      %dma_start3A_486 = arith.constant 0 : i32
      %dma_start3A_487 = arith.constant 0 : i32
      %dma_start3A_488 = tpu.memref_slice %arg14[%dma_start3A_486, %dma_start3A_487] : memref<10240x128xf32, #tpu.memory_space<vmem_shared>> -> memref<10240x128xf32, #tpu.memory_space<vmem_shared>>
      tpu.enqueue_indirect_dma source(%arg8 : memref<128x128xf32, #tpu.memory_space<vmem>>) target(%dma_start3A_488 : memref<10240x128xf32, #tpu.memory_space<vmem_shared>>) offsets(%dma_start3A_485 : memref<128xi32, #tpu.memory_space<vmem>>) semaphore(%arg12 : memref<!tpu.dma_semaphore, #tpu.memory_space<semaphore_mem>>) {add = true}
      %dma_wait3A_489 = arith.constant 12 : i32
      %dma_wait3A_490 = arith.constant 0 : i32
      %dma_wait3A_491 = tpu.memref_slice %arg7[%dma_wait3A_489, %dma_wait3A_490] : memref<16x128xi32, #tpu.memory_space<vmem>> -> memref<1x128xi32, #tpu.memory_space<vmem>>
      %dma_wait3A_492 = tpu.memref_squeeze %dma_wait3A_491 : memref<1x128xi32, #tpu.memory_space<vmem>> -> memref<128xi32, #tpu.memory_space<vmem>>
      %dma_wait3A_493 = arith.constant 0 : i32
      %dma_wait3A_494 = arith.constant 0 : i32
      %dma_wait3A_495 = tpu.memref_slice %arg14[%dma_wait3A_493, %dma_wait3A_494] : memref<10240x128xf32, #tpu.memory_space<vmem_shared>> -> memref<10240x128xf32, #tpu.memory_space<vmem_shared>>
      tpu.wait_indirect_dma semaphore(%arg12 : memref<!tpu.dma_semaphore, #tpu.memory_space<semaphore_mem>>) src(%arg8 : memref<128x128xf32, #tpu.memory_space<vmem>>) dst(%dma_wait3A_495 : memref<10240x128xf32, #tpu.memory_space<vmem_shared>>)
      %dma_start3A_496 = arith.constant 14 : i32
      %dma_start3A_497 = arith.constant 0 : i32
      %dma_start3A_498 = tpu.memref_slice %arg6[%dma_start3A_496, %dma_start3A_497] : memref<16x128xi32, #tpu.memory_space<vmem>> -> memref<1x128xi32, #tpu.memory_space<vmem>>
      %dma_start3A_499 = tpu.memref_squeeze %dma_start3A_498 : memref<1x128xi32, #tpu.memory_space<vmem>> -> memref<128xi32, #tpu.memory_space<vmem>>
      %dma_start3A_500 = arith.constant 0 : i32
      %dma_start3A_501 = arith.constant 0 : i32
      %dma_start3A_502 = tpu.memref_slice %arg2[%arg0, %dma_start3A_500, %dma_start3A_501] : memref<2x10240x128xf32, #tpu.memory_space<hbm>> -> memref<1x10240x128xf32, #tpu.memory_space<hbm>>
      %dma_start3A_503 = tpu.memref_squeeze %dma_start3A_502 : memref<1x10240x128xf32, #tpu.memory_space<hbm>> -> memref<10240x128xf32, #tpu.memory_space<hbm>>
      %dma_start3A_504 = arith.constant 0 : i32
      %dma_start3A_505 = arith.constant 0 : i32
      %dma_start3A_506 = tpu.memref_slice %dma_start3A_503[%dma_start3A_504, %dma_start3A_505] : memref<10240x128xf32, #tpu.memory_space<hbm>> -> memref<10240x128xf32, #tpu.memory_space<hbm>>
      tpu.enqueue_indirect_dma source(%dma_start3A_506 : memref<10240x128xf32, #tpu.memory_space<hbm>>) target(%arg8 : memref<128x128xf32, #tpu.memory_space<vmem>>) offsets(%dma_start3A_499 : memref<128xi32, #tpu.memory_space<vmem>>) semaphore(%arg10 : memref<!tpu.dma_semaphore, #tpu.memory_space<semaphore_mem>>)
      %dma_wait3A_507 = arith.constant 13 : i32
      %dma_wait3A_508 = arith.constant 0 : i32
      %dma_wait3A_509 = tpu.memref_slice %arg6[%dma_wait3A_507, %dma_wait3A_508] : memref<16x128xi32, #tpu.memory_space<vmem>> -> memref<1x128xi32, #tpu.memory_space<vmem>>
      %dma_wait3A_510 = tpu.memref_squeeze %dma_wait3A_509 : memref<1x128xi32, #tpu.memory_space<vmem>> -> memref<128xi32, #tpu.memory_space<vmem>>
      %dma_wait3A_511 = arith.constant 0 : i32
      %dma_wait3A_512 = arith.constant 0 : i32
      %dma_wait3A_513 = tpu.memref_slice %arg2[%arg0, %dma_wait3A_511, %dma_wait3A_512] : memref<2x10240x128xf32, #tpu.memory_space<hbm>> -> memref<1x10240x128xf32, #tpu.memory_space<hbm>>
      %dma_wait3A_514 = tpu.memref_squeeze %dma_wait3A_513 : memref<1x10240x128xf32, #tpu.memory_space<hbm>> -> memref<10240x128xf32, #tpu.memory_space<hbm>>
      %dma_wait3A_515 = arith.constant 0 : i32
      %dma_wait3A_516 = arith.constant 0 : i32
      %dma_wait3A_517 = tpu.memref_slice %dma_wait3A_514[%dma_wait3A_515, %dma_wait3A_516] : memref<10240x128xf32, #tpu.memory_space<hbm>> -> memref<10240x128xf32, #tpu.memory_space<hbm>>
      tpu.wait_indirect_dma semaphore(%arg11 : memref<!tpu.dma_semaphore, #tpu.memory_space<semaphore_mem>>) src(%dma_wait3A_517 : memref<10240x128xf32, #tpu.memory_space<hbm>>) dst(%arg9 : memref<128x128xf32, #tpu.memory_space<vmem>>)
      %dma_start3A_518 = arith.constant 13 : i32
      %dma_start3A_519 = arith.constant 0 : i32
      %dma_start3A_520 = tpu.memref_slice %arg7[%dma_start3A_518, %dma_start3A_519] : memref<16x128xi32, #tpu.memory_space<vmem>> -> memref<1x128xi32, #tpu.memory_space<vmem>>
      %dma_start3A_521 = tpu.memref_squeeze %dma_start3A_520 : memref<1x128xi32, #tpu.memory_space<vmem>> -> memref<128xi32, #tpu.memory_space<vmem>>
      %dma_start3A_522 = arith.constant 0 : i32
      %dma_start3A_523 = arith.constant 0 : i32
      %dma_start3A_524 = tpu.memref_slice %arg14[%dma_start3A_522, %dma_start3A_523] : memref<10240x128xf32, #tpu.memory_space<vmem_shared>> -> memref<10240x128xf32, #tpu.memory_space<vmem_shared>>
      tpu.enqueue_indirect_dma source(%arg9 : memref<128x128xf32, #tpu.memory_space<vmem>>) target(%dma_start3A_524 : memref<10240x128xf32, #tpu.memory_space<vmem_shared>>) offsets(%dma_start3A_521 : memref<128xi32, #tpu.memory_space<vmem>>) semaphore(%arg13 : memref<!tpu.dma_semaphore, #tpu.memory_space<semaphore_mem>>) {add = true}
      %dma_wait3A_525 = arith.constant 13 : i32
      %dma_wait3A_526 = arith.constant 0 : i32
      %dma_wait3A_527 = tpu.memref_slice %arg7[%dma_wait3A_525, %dma_wait3A_526] : memref<16x128xi32, #tpu.memory_space<vmem>> -> memref<1x128xi32, #tpu.memory_space<vmem>>
      %dma_wait3A_528 = tpu.memref_squeeze %dma_wait3A_527 : memref<1x128xi32, #tpu.memory_space<vmem>> -> memref<128xi32, #tpu.memory_space<vmem>>
      %dma_wait3A_529 = arith.constant 0 : i32
      %dma_wait3A_530 = arith.constant 0 : i32
      %dma_wait3A_531 = tpu.memref_slice %arg14[%dma_wait3A_529, %dma_wait3A_530] : memref<10240x128xf32, #tpu.memory_space<vmem_shared>> -> memref<10240x128xf32, #tpu.memory_space<vmem_shared>>
      tpu.wait_indirect_dma semaphore(%arg13 : memref<!tpu.dma_semaphore, #tpu.memory_space<semaphore_mem>>) src(%arg9 : memref<128x128xf32, #tpu.memory_space<vmem>>) dst(%dma_wait3A_531 : memref<10240x128xf32, #tpu.memory_space<vmem_shared>>)
      %dma_start3A_532 = arith.constant 15 : i32
      %dma_start3A_533 = arith.constant 0 : i32
      %dma_start3A_534 = tpu.memref_slice %arg6[%dma_start3A_532, %dma_start3A_533] : memref<16x128xi32, #tpu.memory_space<vmem>> -> memref<1x128xi32, #tpu.memory_space<vmem>>
      %dma_start3A_535 = tpu.memref_squeeze %dma_start3A_534 : memref<1x128xi32, #tpu.memory_space<vmem>> -> memref<128xi32, #tpu.memory_space<vmem>>
      %dma_start3A_536 = arith.constant 0 : i32
      %dma_start3A_537 = arith.constant 0 : i32
      %dma_start3A_538 = tpu.memref_slice %arg2[%arg0, %dma_start3A_536, %dma_start3A_537] : memref<2x10240x128xf32, #tpu.memory_space<hbm>> -> memref<1x10240x128xf32, #tpu.memory_space<hbm>>
      %dma_start3A_539 = tpu.memref_squeeze %dma_start3A_538 : memref<1x10240x128xf32, #tpu.memory_space<hbm>> -> memref<10240x128xf32, #tpu.memory_space<hbm>>
      %dma_start3A_540 = arith.constant 0 : i32
      %dma_start3A_541 = arith.constant 0 : i32
      %dma_start3A_542 = tpu.memref_slice %dma_start3A_539[%dma_start3A_540, %dma_start3A_541] : memref<10240x128xf32, #tpu.memory_space<hbm>> -> memref<10240x128xf32, #tpu.memory_space<hbm>>
      tpu.enqueue_indirect_dma source(%dma_start3A_542 : memref<10240x128xf32, #tpu.memory_space<hbm>>) target(%arg9 : memref<128x128xf32, #tpu.memory_space<vmem>>) offsets(%dma_start3A_535 : memref<128xi32, #tpu.memory_space<vmem>>) semaphore(%arg11 : memref<!tpu.dma_semaphore, #tpu.memory_space<semaphore_mem>>)
      %dma_wait3A_543 = arith.constant 14 : i32
      %dma_wait3A_544 = arith.constant 0 : i32
      %dma_wait3A_545 = tpu.memref_slice %arg6[%dma_wait3A_543, %dma_wait3A_544] : memref<16x128xi32, #tpu.memory_space<vmem>> -> memref<1x128xi32, #tpu.memory_space<vmem>>
      %dma_wait3A_546 = tpu.memref_squeeze %dma_wait3A_545 : memref<1x128xi32, #tpu.memory_space<vmem>> -> memref<128xi32, #tpu.memory_space<vmem>>
      %dma_wait3A_547 = arith.constant 0 : i32
      %dma_wait3A_548 = arith.constant 0 : i32
      %dma_wait3A_549 = tpu.memref_slice %arg2[%arg0, %dma_wait3A_547, %dma_wait3A_548] : memref<2x10240x128xf32, #tpu.memory_space<hbm>> -> memref<1x10240x128xf32, #tpu.memory_space<hbm>>
      %dma_wait3A_550 = tpu.memref_squeeze %dma_wait3A_549 : memref<1x10240x128xf32, #tpu.memory_space<hbm>> -> memref<10240x128xf32, #tpu.memory_space<hbm>>
      %dma_wait3A_551 = arith.constant 0 : i32
      %dma_wait3A_552 = arith.constant 0 : i32
      %dma_wait3A_553 = tpu.memref_slice %dma_wait3A_550[%dma_wait3A_551, %dma_wait3A_552] : memref<10240x128xf32, #tpu.memory_space<hbm>> -> memref<10240x128xf32, #tpu.memory_space<hbm>>
      tpu.wait_indirect_dma semaphore(%arg10 : memref<!tpu.dma_semaphore, #tpu.memory_space<semaphore_mem>>) src(%dma_wait3A_553 : memref<10240x128xf32, #tpu.memory_space<hbm>>) dst(%arg8 : memref<128x128xf32, #tpu.memory_space<vmem>>)
      %dma_start3A_554 = arith.constant 14 : i32
      %dma_start3A_555 = arith.constant 0 : i32
      %dma_start3A_556 = tpu.memref_slice %arg7[%dma_start3A_554, %dma_start3A_555] : memref<16x128xi32, #tpu.memory_space<vmem>> -> memref<1x128xi32, #tpu.memory_space<vmem>>
      %dma_start3A_557 = tpu.memref_squeeze %dma_start3A_556 : memref<1x128xi32, #tpu.memory_space<vmem>> -> memref<128xi32, #tpu.memory_space<vmem>>
      %dma_start3A_558 = arith.constant 0 : i32
      %dma_start3A_559 = arith.constant 0 : i32
      %dma_start3A_560 = tpu.memref_slice %arg14[%dma_start3A_558, %dma_start3A_559] : memref<10240x128xf32, #tpu.memory_space<vmem_shared>> -> memref<10240x128xf32, #tpu.memory_space<vmem_shared>>
      tpu.enqueue_indirect_dma source(%arg8 : memref<128x128xf32, #tpu.memory_space<vmem>>) target(%dma_start3A_560 : memref<10240x128xf32, #tpu.memory_space<vmem_shared>>) offsets(%dma_start3A_557 : memref<128xi32, #tpu.memory_space<vmem>>) semaphore(%arg12 : memref<!tpu.dma_semaphore, #tpu.memory_space<semaphore_mem>>) {add = true}
      %dma_wait3A_561 = arith.constant 15 : i32
      %dma_wait3A_562 = arith.constant 0 : i32
      %dma_wait3A_563 = tpu.memref_slice %arg6[%dma_wait3A_561, %dma_wait3A_562] : memref<16x128xi32, #tpu.memory_space<vmem>> -> memref<1x128xi32, #tpu.memory_space<vmem>>
      %dma_wait3A_564 = tpu.memref_squeeze %dma_wait3A_563 : memref<1x128xi32, #tpu.memory_space<vmem>> -> memref<128xi32, #tpu.memory_space<vmem>>
      %dma_wait3A_565 = arith.constant 0 : i32
      %dma_wait3A_566 = arith.constant 0 : i32
      %dma_wait3A_567 = tpu.memref_slice %arg2[%arg0, %dma_wait3A_565, %dma_wait3A_566] : memref<2x10240x128xf32, #tpu.memory_space<hbm>> -> memref<1x10240x128xf32, #tpu.memory_space<hbm>>
      %dma_wait3A_568 = tpu.memref_squeeze %dma_wait3A_567 : memref<1x10240x128xf32, #tpu.memory_space<hbm>> -> memref<10240x128xf32, #tpu.memory_space<hbm>>
      %dma_wait3A_569 = arith.constant 0 : i32
      %dma_wait3A_570 = arith.constant 0 : i32
      %dma_wait3A_571 = tpu.memref_slice %dma_wait3A_568[%dma_wait3A_569, %dma_wait3A_570] : memref<10240x128xf32, #tpu.memory_space<hbm>> -> memref<10240x128xf32, #tpu.memory_space<hbm>>
      tpu.wait_indirect_dma semaphore(%arg11 : memref<!tpu.dma_semaphore, #tpu.memory_space<semaphore_mem>>) src(%dma_wait3A_571 : memref<10240x128xf32, #tpu.memory_space<hbm>>) dst(%arg9 : memref<128x128xf32, #tpu.memory_space<vmem>>)
      %dma_start3A_572 = arith.constant 15 : i32
      %dma_start3A_573 = arith.constant 0 : i32
      %dma_start3A_574 = tpu.memref_slice %arg7[%dma_start3A_572, %dma_start3A_573] : memref<16x128xi32, #tpu.memory_space<vmem>> -> memref<1x128xi32, #tpu.memory_space<vmem>>
      %dma_start3A_575 = tpu.memref_squeeze %dma_start3A_574 : memref<1x128xi32, #tpu.memory_space<vmem>> -> memref<128xi32, #tpu.memory_space<vmem>>
      %dma_start3A_576 = arith.constant 0 : i32
      %dma_start3A_577 = arith.constant 0 : i32
      %dma_start3A_578 = tpu.memref_slice %arg14[%dma_start3A_576, %dma_start3A_577] : memref<10240x128xf32, #tpu.memory_space<vmem_shared>> -> memref<10240x128xf32, #tpu.memory_space<vmem_shared>>
      tpu.enqueue_indirect_dma source(%arg9 : memref<128x128xf32, #tpu.memory_space<vmem>>) target(%dma_start3A_578 : memref<10240x128xf32, #tpu.memory_space<vmem_shared>>) offsets(%dma_start3A_575 : memref<128xi32, #tpu.memory_space<vmem>>) semaphore(%arg13 : memref<!tpu.dma_semaphore, #tpu.memory_space<semaphore_mem>>) {add = true}
      %dma_wait3A_579 = arith.constant 14 : i32
      %dma_wait3A_580 = arith.constant 0 : i32
      %dma_wait3A_581 = tpu.memref_slice %arg7[%dma_wait3A_579, %dma_wait3A_580] : memref<16x128xi32, #tpu.memory_space<vmem>> -> memref<1x128xi32, #tpu.memory_space<vmem>>
      %dma_wait3A_582 = tpu.memref_squeeze %dma_wait3A_581 : memref<1x128xi32, #tpu.memory_space<vmem>> -> memref<128xi32, #tpu.memory_space<vmem>>
      %dma_wait3A_583 = arith.constant 0 : i32
      %dma_wait3A_584 = arith.constant 0 : i32
      %dma_wait3A_585 = tpu.memref_slice %arg14[%dma_wait3A_583, %dma_wait3A_584] : memref<10240x128xf32, #tpu.memory_space<vmem_shared>> -> memref<10240x128xf32, #tpu.memory_space<vmem_shared>>
      tpu.wait_indirect_dma semaphore(%arg12 : memref<!tpu.dma_semaphore, #tpu.memory_space<semaphore_mem>>) src(%arg8 : memref<128x128xf32, #tpu.memory_space<vmem>>) dst(%dma_wait3A_585 : memref<10240x128xf32, #tpu.memory_space<vmem_shared>>)
      %dma_wait3A_586 = arith.constant 15 : i32
      %dma_wait3A_587 = arith.constant 0 : i32
      %dma_wait3A_588 = tpu.memref_slice %arg7[%dma_wait3A_586, %dma_wait3A_587] : memref<16x128xi32, #tpu.memory_space<vmem>> -> memref<1x128xi32, #tpu.memory_space<vmem>>
      %dma_wait3A_589 = tpu.memref_squeeze %dma_wait3A_588 : memref<1x128xi32, #tpu.memory_space<vmem>> -> memref<128xi32, #tpu.memory_space<vmem>>
      %dma_wait3A_590 = arith.constant 0 : i32
      %dma_wait3A_591 = arith.constant 0 : i32
      %dma_wait3A_592 = tpu.memref_slice %arg14[%dma_wait3A_590, %dma_wait3A_591] : memref<10240x128xf32, #tpu.memory_space<vmem_shared>> -> memref<10240x128xf32, #tpu.memory_space<vmem_shared>>
      tpu.wait_indirect_dma semaphore(%arg13 : memref<!tpu.dma_semaphore, #tpu.memory_space<semaphore_mem>>) src(%arg9 : memref<128x128xf32, #tpu.memory_space<vmem>>) dst(%dma_wait3A_592 : memref<10240x128xf32, #tpu.memory_space<vmem_shared>>)
    }
    %scan3A_6 = arith.constant 5 : i32
    %barrier3A_7 = arith.constant 0 : index
    tpu.barrier barrier_id(%barrier3A_7)
    %mul3A_8 = arith.constant 640 : i32
    %mul3A_9 = arith.muli %arg1, %mul3A_8 : i32
    %mul3A_10 = arith.constant 640 : i32
    %mul3A_11 = arith.muli %arg1, %mul3A_10 : i32
    "tpu.region"() ({
      %run_scoped3A = tpu.sem_alloc : memref<!tpu.dma_semaphore, #tpu.memory_space<semaphore_mem>>
      %dma_start3A = arith.constant 0 : i32
      %dma_start3A_12 = arith.constant 0 : i32
      %dma_start3A_13 = tpu.memref_slice %arg5[%arg0, %dma_start3A, %dma_start3A_12] : memref<2x10240x128xf32, #tpu.memory_space<hbm>> -> memref<1x10240x128xf32, #tpu.memory_space<hbm>>
      %dma_start3A_14 = tpu.memref_squeeze %dma_start3A_13 : memref<1x10240x128xf32, #tpu.memory_space<hbm>> -> memref<10240x128xf32, #tpu.memory_space<hbm>>
      %dma_start3A_15 = arith.constant 0 : i32
      %dma_start3A_16 = tpu.memref_slice %dma_start3A_14[%mul3A_11, %dma_start3A_15] : memref<10240x128xf32, #tpu.memory_space<hbm>> -> memref<640x128xf32, #tpu.memory_space<hbm>>
      %dma_start3A_17 = arith.constant 0 : i32
      %dma_start3A_18 = tpu.memref_slice %arg14[%mul3A_9, %dma_start3A_17] : memref<10240x128xf32, #tpu.memory_space<vmem_shared>> -> memref<640x128xf32, #tpu.memory_space<vmem_shared>>
      tpu.enqueue_dma source(%dma_start3A_18 : memref<640x128xf32, #tpu.memory_space<vmem_shared>>) target(%dma_start3A_16 : memref<640x128xf32, #tpu.memory_space<hbm>>) target_semaphore(%run_scoped3A : memref<!tpu.dma_semaphore, #tpu.memory_space<semaphore_mem>>)
      %dma_wait3A = arith.constant 0 : i32
      %dma_wait3A_19 = arith.constant 0 : i32
      %dma_wait3A_20 = tpu.memref_slice %arg5[%arg0, %dma_wait3A, %dma_wait3A_19] : memref<2x10240x128xf32, #tpu.memory_space<hbm>> -> memref<1x10240x128xf32, #tpu.memory_space<hbm>>
      %dma_wait3A_21 = tpu.memref_squeeze %dma_wait3A_20 : memref<1x10240x128xf32, #tpu.memory_space<hbm>> -> memref<10240x128xf32, #tpu.memory_space<hbm>>
      %dma_wait3A_22 = arith.constant 0 : i32
      %dma_wait3A_23 = tpu.memref_slice %dma_wait3A_21[%mul3A_11, %dma_wait3A_22] : memref<10240x128xf32, #tpu.memory_space<hbm>> -> memref<640x128xf32, #tpu.memory_space<hbm>>
      %dma_wait3A_24 = arith.constant 0 : i32
      %dma_wait3A_25 = tpu.memref_slice %arg14[%mul3A_9, %dma_wait3A_24] : memref<10240x128xf32, #tpu.memory_space<vmem_shared>> -> memref<640x128xf32, #tpu.memory_space<vmem_shared>>
      tpu.wait_dma2 semaphore(%run_scoped3A : memref<!tpu.dma_semaphore, #tpu.memory_space<semaphore_mem>>) src(%dma_wait3A_25 : memref<640x128xf32, #tpu.memory_space<vmem_shared>>) dst(%dma_wait3A_23 : memref<640x128xf32, #tpu.memory_space<hbm>>)
      tpu.yield
    }) : () -> ()
    return
  }
}

module attributes {stable_mosaic.version = 14 : i64} {
  func.func @_mm1_body(%arg0: i32, %arg1: i32, %arg2: memref<1024x256xf32, #tpu.memory_space<vmem>>, %arg3: memref<256x128xf32, #tpu.memory_space<vmem>>, %arg4: memref<1x1024x128xf32, #tpu.memory_space<vmem>>) attributes {dimension_semantics = [#tpu.dimension_semantics<arbitrary>, #tpu.dimension_semantics<arbitrary>], iteration_bounds = array<i64: 2, 10>, scalar_prefetch = 0 : i64, scratch_operands = 0 : i64, tpu.core_type = #tpu.core_type<tc>, window_params = [{transform_indices = @transform_0, window_bounds = array<i64: 1024, 256>}, {transform_indices = @transform_1, window_bounds = array<i64: 256, 128>}, {transform_indices = @transform_2, window_bounds = array<i64: 1, 1024, 128>}]} {
    %get3A = arith.constant 0 : index
    %get3A_0 = arith.constant 0 : index
    %get3A_1 = vector.load %arg2[%get3A, %get3A_0] : memref<1024x256xf32, #tpu.memory_space<vmem>>, vector<1024x256xf32>
    %convert_element_type3A = arith.truncf %get3A_1 : vector<1024x256xf32> to vector<1024x256xbf16>
    %get3A_2 = arith.constant 0 : index
    %get3A_3 = arith.constant 0 : index
    %get3A_4 = vector.load %arg3[%get3A_2, %get3A_3] : memref<256x128xf32, #tpu.memory_space<vmem>>, vector<256x128xf32>
    %convert_element_type3A_5 = arith.truncf %get3A_4 : vector<256x128xf32> to vector<256x128xbf16>
    %dot_general3A = arith.constant dense<0.000000e+00> : vector<1024x128xf32>
    %dot_general3A_6 = tpu.matmul %convert_element_type3A, %convert_element_type3A_5, %dot_general3A {dimension_numbers = #tpu.dot_dimension_numbers<[1], [0], [0], [1], [0, 0, 1, 1], [], []>, transpose_lhs_hint = false} : vector<1024x256xbf16>, vector<256x128xbf16>, vector<1024x128xf32> -> vector<1024x128xf32>
    %swap3A = arith.constant 0 : index
    %swap3A_7 = arith.constant 0 : index
    %swap3A_8 = arith.constant 0 : index
    %swap3A_9 = vector.load %arg4[%swap3A, %swap3A_7, %swap3A_8] : memref<1x1024x128xf32, #tpu.memory_space<vmem>>, vector<1x1024x128xf32>
    %swap3A_10 = vector.shape_cast %swap3A_9 : vector<1x1024x128xf32> to vector<1024x128xf32>
    %swap3A_11 = vector.shape_cast %dot_general3A_6 : vector<1024x128xf32> to vector<1x1024x128xf32>
    tpu.vector_store %arg4[%swap3A, %swap3A_7, %swap3A_8], %swap3A_11 {strides = array<i32>} : memref<1x1024x128xf32, #tpu.memory_space<vmem>>, vector<1x1024x128xf32>,
    return
  }
  func.func @transform_0(%arg0: i32, %arg1: i32) -> (i32, i32) {
    %c0_i32 = arith.constant 0 : i32
    %c0_i32_0 = arith.constant 0 : i32
    return %arg1, %c0_i32 : i32, i32
  }
  func.func @transform_1(%arg0: i32, %arg1: i32) -> (i32, i32) {
    %c0_i32 = arith.constant 0 : i32
    %c0_i32_0 = arith.constant 0 : i32
    return %c0_i32, %arg0 : i32, i32
  }
  func.func @transform_2(%arg0: i32, %arg1: i32) -> (i32, i32, i32) {
    %c0_i32 = arith.constant 0 : i32
    %c0_i32_0 = arith.constant 0 : i32
    return %arg0, %arg1, %c0_i32 : i32, i32, i32
  }
}

module attributes {stable_mosaic.version = 14 : i64} {
  func.func @_scale_body(%arg0: i32, %arg1: i32, %arg2: memref<2x1024x1xf32, #tpu.memory_space<vmem>>, %arg3: memref<1x1024x128xf32, #tpu.memory_space<vmem>>, %arg4: memref<1x1024x128xf32, #tpu.memory_space<vmem>>, %arg5: memref<1024x1xf32, #tpu.memory_space<vmem>>) attributes {dimension_semantics = [#tpu.dimension_semantics<arbitrary>, #tpu.dimension_semantics<arbitrary>], iteration_bounds = array<i64: 10, 2>, scalar_prefetch = 0 : i64, scratch_operands = 0 : i64, tpu.core_type = #tpu.core_type<tc>, window_params = [{transform_indices = @transform_0, window_bounds = array<i64: 2, 1024, 1>}, {transform_indices = @transform_1, window_bounds = array<i64: 1, 1024, 128>}, {transform_indices = @transform_2, window_bounds = array<i64: 1, 1024, 128>}, {transform_indices = @transform_3, window_bounds = array<i64: 1024, 1>}]} {
    %get3A = arith.constant 0 : index
    %get3A_0 = arith.constant 0 : index
    %get3A_1 = arith.constant 0 : index
    %get3A_2 = vector.load %arg2[%get3A, %get3A_0, %get3A_1] : memref<2x1024x1xf32, #tpu.memory_space<vmem>>, vector<1x1024x1xf32>
    %get3A_3 = vector.shape_cast %get3A_2 : vector<1x1024x1xf32> to vector<1024x1xf32>
    %get3A_4 = arith.constant 1 : index
    %get3A_5 = arith.constant 0 : index
    %get3A_6 = arith.constant 0 : index
    %get3A_7 = vector.load %arg2[%get3A_4, %get3A_5, %get3A_6] : memref<2x1024x1xf32, #tpu.memory_space<vmem>>, vector<1x1024x1xf32>
    %get3A_8 = vector.shape_cast %get3A_7 : vector<1x1024x1xf32> to vector<1024x1xf32>
    %add3A = arith.addf %get3A_3, %get3A_8 : vector<1024x1xf32>
    %add3A_9 = arith.constant 1.000000e+00 : f32
    %add3A_10 = vector.broadcast %add3A_9 : f32 to vector<1024x1xf32>
    %add3A_11 = arith.addf %add3A, %add3A_10 : vector<1024x1xf32>
    %rsqrt3A = math.rsqrt %add3A_11 : vector<1024x1xf32>
    %swap3A = arith.constant 0 : index
    %swap3A_12 = arith.constant 0 : index
    %swap3A_13 = vector.load %arg5[%swap3A, %swap3A_12] : memref<1024x1xf32, #tpu.memory_space<vmem>>, vector<1024x1xf32>
    tpu.vector_store %arg5[%swap3A, %swap3A_12], %rsqrt3A {strides = array<i32>} : memref<1024x1xf32, #tpu.memory_space<vmem>>, vector<1024x1xf32>,
    %get3A_14 = arith.constant 0 : index
    %get3A_15 = arith.constant 0 : index
    %get3A_16 = arith.constant 0 : index
    %get3A_17 = vector.load %arg3[%get3A_14, %get3A_15, %get3A_16] : memref<1x1024x128xf32, #tpu.memory_space<vmem>>, vector<1x1024x128xf32>
    %get3A_18 = vector.shape_cast %get3A_17 : vector<1x1024x128xf32> to vector<1024x128xf32>
    %mul3A = vector.broadcast %rsqrt3A : vector<1024x1xf32> to vector<1024x128xf32>
    %mul3A_19 = arith.mulf %get3A_18, %mul3A : vector<1024x128xf32>
    %swap3A_20 = arith.constant 0 : index
    %swap3A_21 = arith.constant 0 : index
    %swap3A_22 = arith.constant 0 : index
    %swap3A_23 = vector.load %arg4[%swap3A_20, %swap3A_21, %swap3A_22] : memref<1x1024x128xf32, #tpu.memory_space<vmem>>, vector<1x1024x128xf32>
    %swap3A_24 = vector.shape_cast %swap3A_23 : vector<1x1024x128xf32> to vector<1024x128xf32>
    %swap3A_25 = vector.shape_cast %mul3A_19 : vector<1024x128xf32> to vector<1x1024x128xf32>
    tpu.vector_store %arg4[%swap3A_20, %swap3A_21, %swap3A_22], %swap3A_25 {strides = array<i32>} : memref<1x1024x128xf32, #tpu.memory_space<vmem>>, vector<1x1024x128xf32>,
    return
  }
  func.func @transform_0(%arg0: i32, %arg1: i32) -> (i32, i32, i32) {
    %c0_i32 = arith.constant 0 : i32
    %c0_i32_0 = arith.constant 0 : i32
    %c0_i32_1 = arith.constant 0 : i32
    return %c0_i32, %arg0, %c0_i32_0 : i32, i32, i32
  }
  func.func @transform_1(%arg0: i32, %arg1: i32) -> (i32, i32, i32) {
    %c0_i32 = arith.constant 0 : i32
    %c0_i32_0 = arith.constant 0 : i32
    return %arg1, %arg0, %c0_i32 : i32, i32, i32
  }
  func.func @transform_2(%arg0: i32, %arg1: i32) -> (i32, i32, i32) {
    %c0_i32 = arith.constant 0 : i32
    %c0_i32_0 = arith.constant 0 : i32
    return %arg1, %arg0, %c0_i32 : i32, i32, i32
  }
  func.func @transform_3(%arg0: i32, %arg1: i32) -> (i32, i32) {
    %c0_i32 = arith.constant 0 : i32
    %c0_i32_0 = arith.constant 0 : i32
    return %arg0, %c0_i32 : i32, i32
  }
}

module attributes {stable_mosaic.version = 14 : i64} {
  func.func @_layer2_body(%arg0: i32, %arg1: i32, %arg2: memref<2x1024x128xf32, #tpu.memory_space<vmem>>, %arg3: memref<1024x1xf32, #tpu.memory_space<vmem>>, %arg4: memref<2x1x128xf32, #tpu.memory_space<vmem>>, %arg5: memref<256x128xf32, #tpu.memory_space<vmem>>, %arg6: memref<1x1024x128xf32, #tpu.memory_space<vmem>>) attributes {dimension_semantics = [#tpu.dimension_semantics<arbitrary>, #tpu.dimension_semantics<arbitrary>], iteration_bounds = array<i64: 2, 10>, scalar_prefetch = 0 : i64, scratch_operands = 0 : i64, tpu.core_type = #tpu.core_type<tc>, window_params = [{transform_indices = @transform_0, window_bounds = array<i64: 2, 1024, 128>}, {transform_indices = @transform_1, window_bounds = array<i64: 1024, 1>}, {pipeline_mode = #tpu.pipeline_mode<synchronous>, transform_indices = @transform_2, window_bounds = array<i64: 2, 1, 128>}, {transform_indices = @transform_3, window_bounds = array<i64: 256, 128>}, {transform_indices = @transform_4, window_bounds = array<i64: 1, 1024, 128>}]} {
    %get3A = arith.constant 0 : index
    %get3A_0 = arith.constant 0 : index
    %get3A_1 = vector.load %arg3[%get3A, %get3A_0] : memref<1024x1xf32, #tpu.memory_space<vmem>>, vector<1024x1xf32>
    %get3A_2 = arith.constant 0 : index
    %get3A_3 = arith.constant 0 : index
    %get3A_4 = arith.constant 0 : index
    %get3A_5 = vector.load %arg2[%get3A_2, %get3A_3, %get3A_4] : memref<2x1024x128xf32, #tpu.memory_space<vmem>>, vector<1x1024x128xf32>
    %get3A_6 = vector.shape_cast %get3A_5 : vector<1x1024x128xf32> to vector<1024x128xf32>
    %mul3A = vector.broadcast %get3A_1 : vector<1024x1xf32> to vector<1024x128xf32>
    %mul3A_7 = arith.mulf %get3A_6, %mul3A : vector<1024x128xf32>
    %get3A_8 = arith.constant 0 : index
    %get3A_9 = arith.constant 0 : index
    %get3A_10 = arith.constant 0 : index
    %get3A_11 = vector.load %arg4[%get3A_8, %get3A_9, %get3A_10] : memref<2x1x128xf32, #tpu.memory_space<vmem>>, vector<1x1x128xf32>
    %get3A_12 = vector.shape_cast %get3A_11 : vector<1x1x128xf32> to vector<1x128xf32>
    %add3A = vector.broadcast %get3A_12 : vector<1x128xf32> to vector<1024x128xf32>
    %add3A_13 = arith.addf %mul3A_7, %add3A : vector<1024x128xf32>
    %max3A = arith.constant 0.000000e+00 : f32
    %max3A_14 = vector.broadcast %max3A : f32 to vector<1024x128xf32>
    %max3A_15 = arith.maximumf %add3A_13, %max3A_14 : vector<1024x128xf32>
    %convert_element_type3A = arith.truncf %max3A_15 : vector<1024x128xf32> to vector<1024x128xbf16>
    %get3A_16 = arith.constant 1 : index
    %get3A_17 = arith.constant 0 : index
    %get3A_18 = arith.constant 0 : index
    %get3A_19 = vector.load %arg2[%get3A_16, %get3A_17, %get3A_18] : memref<2x1024x128xf32, #tpu.memory_space<vmem>>, vector<1x1024x128xf32>
    %get3A_20 = vector.shape_cast %get3A_19 : vector<1x1024x128xf32> to vector<1024x128xf32>
    %mul3A_21 = vector.broadcast %get3A_1 : vector<1024x1xf32> to vector<1024x128xf32>
    %mul3A_22 = arith.mulf %get3A_20, %mul3A_21 : vector<1024x128xf32>
    %get3A_23 = arith.constant 1 : index
    %get3A_24 = arith.constant 0 : index
    %get3A_25 = arith.constant 0 : index
    %get3A_26 = vector.load %arg4[%get3A_23, %get3A_24, %get3A_25] : memref<2x1x128xf32, #tpu.memory_space<vmem>>, vector<1x1x128xf32>
    %get3A_27 = vector.shape_cast %get3A_26 : vector<1x1x128xf32> to vector<1x128xf32>
    %add3A_28 = vector.broadcast %get3A_27 : vector<1x128xf32> to vector<1024x128xf32>
    %add3A_29 = arith.addf %mul3A_22, %add3A_28 : vector<1024x128xf32>
    %max3A_30 = arith.constant 0.000000e+00 : f32
    %max3A_31 = vector.broadcast %max3A_30 : f32 to vector<1024x128xf32>
    %max3A_32 = arith.maximumf %add3A_29, %max3A_31 : vector<1024x128xf32>
    %convert_element_type3A_33 = arith.truncf %max3A_32 : vector<1024x128xf32> to vector<1024x128xbf16>
    %get3A_34 = arith.constant 0 : index
    %get3A_35 = arith.constant 0 : index
    %get3A_36 = vector.load %arg5[%get3A_34, %get3A_35] : memref<256x128xf32, #tpu.memory_space<vmem>>, vector<256x128xf32>
    %convert_element_type3A_37 = arith.truncf %get3A_36 : vector<256x128xf32> to vector<256x128xbf16>
    %slice3A = vector.extract_strided_slice %convert_element_type3A_37 {offsets = [0, 0], sizes = [128, 128], strides = [1, 1]} : vector<256x128xbf16> to vector<128x128xbf16>
    %dot_general3A = arith.constant dense<0.000000e+00> : vector<1024x128xf32>
    %dot_general3A_38 = tpu.matmul %convert_element_type3A, %slice3A, %dot_general3A {dimension_numbers = #tpu.dot_dimension_numbers<[1], [0], [0], [1], [0, 0, 1, 1], [], []>, transpose_lhs_hint = false} : vector<1024x128xbf16>, vector<128x128xbf16>, vector<1024x128xf32> -> vector<1024x128xf32>
    %slice3A_39 = vector.extract_strided_slice %convert_element_type3A_37 {offsets = [128, 0], sizes = [128, 128], strides = [1, 1]} : vector<256x128xbf16> to vector<128x128xbf16>
    %dot_general3A_40 = arith.constant dense<0.000000e+00> : vector<1024x128xf32>
    %dot_general3A_41 = tpu.matmul %convert_element_type3A_33, %slice3A_39, %dot_general3A_40 {dimension_numbers = #tpu.dot_dimension_numbers<[1], [0], [0], [1], [0, 0, 1, 1], [], []>, transpose_lhs_hint = false} : vector<1024x128xbf16>, vector<128x128xbf16>, vector<1024x128xf32> -> vector<1024x128xf32>
    %add3A_42 = arith.addf %dot_general3A_38, %dot_general3A_41 : vector<1024x128xf32>
    %mul3A_43 = vector.broadcast %get3A_1 : vector<1024x1xf32> to vector<1024x128xf32>
    %mul3A_44 = arith.mulf %add3A_42, %mul3A_43 : vector<1024x128xf32>
    %swap3A = arith.constant 0 : index
    %swap3A_45 = arith.constant 0 : index
    %swap3A_46 = arith.constant 0 : index
    %swap3A_47 = vector.load %arg6[%swap3A, %swap3A_45, %swap3A_46] : memref<1x1024x128xf32, #tpu.memory_space<vmem>>, vector<1x1024x128xf32>
    %swap3A_48 = vector.shape_cast %swap3A_47 : vector<1x1024x128xf32> to vector<1024x128xf32>
    %swap3A_49 = vector.shape_cast %mul3A_44 : vector<1024x128xf32> to vector<1x1024x128xf32>
    tpu.vector_store %arg6[%swap3A, %swap3A_45, %swap3A_46], %swap3A_49 {strides = array<i32>} : memref<1x1024x128xf32, #tpu.memory_space<vmem>>, vector<1x1024x128xf32>,
    return
  }
  func.func @transform_0(%arg0: i32, %arg1: i32) -> (i32, i32, i32) {
    %c0_i32 = arith.constant 0 : i32
    %c0_i32_0 = arith.constant 0 : i32
    %c0_i32_1 = arith.constant 0 : i32
    return %c0_i32, %arg1, %c0_i32_0 : i32, i32, i32
  }
  func.func @transform_1(%arg0: i32, %arg1: i32) -> (i32, i32) {
    %c0_i32 = arith.constant 0 : i32
    %c0_i32_0 = arith.constant 0 : i32
    return %arg1, %c0_i32 : i32, i32
  }
  func.func @transform_2(%arg0: i32, %arg1: i32) -> (i32, i32, i32) {
    %c0_i32 = arith.constant 0 : i32
    %c0_i32_0 = arith.constant 0 : i32
    %c0_i32_1 = arith.constant 0 : i32
    %c0_i32_2 = arith.constant 0 : i32
    return %c0_i32, %c0_i32_0, %c0_i32_1 : i32, i32, i32
  }
  func.func @transform_3(%arg0: i32, %arg1: i32) -> (i32, i32) {
    %c0_i32 = arith.constant 0 : i32
    %c0_i32_0 = arith.constant 0 : i32
    return %c0_i32, %arg0 : i32, i32
  }
  func.func @transform_4(%arg0: i32, %arg1: i32) -> (i32, i32, i32) {
    %c0_i32 = arith.constant 0 : i32
    %c0_i32_0 = arith.constant 0 : i32
    return %arg0, %arg1, %c0_i32 : i32, i32, i32
  }
}

module attributes {stable_mosaic.version = 14 : i64} {
  func.func @_mean_body(%arg0: i32, %arg1: memref<2x1024x128xf32, #tpu.memory_space<vmem>>, %arg2: memref<1024x1xf32, #tpu.memory_space<vmem>>, %arg3: memref<2x1x128xf32, #tpu.memory_space<vmem>>, %arg4: memref<2x1x128xf32, #tpu.memory_space<vmem>>) attributes {dimension_semantics = [#tpu.dimension_semantics<arbitrary>], iteration_bounds = array<i64: 10>, scalar_prefetch = 0 : i64, scratch_operands = 0 : i64, tpu.core_type = #tpu.core_type<tc>, window_params = [{transform_indices = @transform_0, window_bounds = array<i64: 2, 1024, 128>}, {transform_indices = @transform_1, window_bounds = array<i64: 1024, 1>}, {pipeline_mode = #tpu.pipeline_mode<synchronous>, transform_indices = @transform_2, window_bounds = array<i64: 2, 1, 128>}, {pipeline_mode = #tpu.pipeline_mode<synchronous>, transform_indices = @transform_3, window_bounds = array<i64: 2, 1, 128>}]} {
    %eq3A = arith.constant 0 : i32
    %eq3A_0 = arith.cmpi eq, %arg0, %eq3A : i32
    %convert_element_type3A = arith.extui %eq3A_0 : i1 to i32
    %cond3A = arith.constant 0 : i32
    %cond3A_1 = arith.cmpi ne, %convert_element_type3A, %cond3A : i32
    scf.if %cond3A_1 {
      %broadcast_in_dim3A_77 = arith.constant 0.000000e+00 : f32
      %broadcast_in_dim3A_78 = vector.broadcast %broadcast_in_dim3A_77 : f32 to vector<2x1x128xf32>
      %swap3A_79 = arith.constant 0 : index
      %swap3A_80 = arith.constant 0 : index
      %swap3A_81 = arith.constant 0 : index
      %swap3A_82 = vector.load %arg4[%swap3A_79, %swap3A_80, %swap3A_81] : memref<2x1x128xf32, #tpu.memory_space<vmem>>, vector<2x1x128xf32>
      tpu.vector_store %arg4[%swap3A_79, %swap3A_80, %swap3A_81], %broadcast_in_dim3A_78 {strides = array<i32>} : memref<2x1x128xf32, #tpu.memory_space<vmem>>, vector<2x1x128xf32>,
    } else {
    }
    %get3A = arith.constant 0 : index
    %get3A_2 = arith.constant 0 : index
    %get3A_3 = vector.load %arg2[%get3A, %get3A_2] : memref<1024x1xf32, #tpu.memory_space<vmem>>, vector<1024x1xf32>
    %iota3A = tpu.iota {dimensions = array<i32: 0>} : vector<1024x128xi32>
    %mul3A = arith.constant 1024 : i32
    %mul3A_4 = arith.muli %arg0, %mul3A : i32
    %add3A = vector.broadcast %mul3A_4 : i32 to vector<1024x128xi32>
    %add3A_5 = arith.addi %iota3A, %add3A : vector<1024x128xi32>
    %lt3A = arith.constant 10000 : i32
    %lt3A_6 = vector.broadcast %lt3A : i32 to vector<1024x128xi32>
    %lt3A_7 = arith.cmpi slt, %add3A_5, %lt3A_6 : vector<1024x128xi32>
    %get3A_8 = arith.constant 0 : index
    %get3A_9 = arith.constant 0 : index
    %get3A_10 = arith.constant 0 : index
    %get3A_11 = vector.load %arg1[%get3A_8, %get3A_9, %get3A_10] : memref<2x1024x128xf32, #tpu.memory_space<vmem>>, vector<1x1024x128xf32>
    %get3A_12 = vector.shape_cast %get3A_11 : vector<1x1024x128xf32> to vector<1024x128xf32>
    %mul3A_13 = vector.broadcast %get3A_3 : vector<1024x1xf32> to vector<1024x128xf32>
    %mul3A_14 = arith.mulf %get3A_12, %mul3A_13 : vector<1024x128xf32>
    %get3A_15 = arith.constant 0 : index
    %get3A_16 = arith.constant 0 : index
    %get3A_17 = arith.constant 0 : index
    %get3A_18 = vector.load %arg3[%get3A_15, %get3A_16, %get3A_17] : memref<2x1x128xf32, #tpu.memory_space<vmem>>, vector<1x1x128xf32>
    %get3A_19 = vector.shape_cast %get3A_18 : vector<1x1x128xf32> to vector<1x128xf32>
    %add3A_20 = vector.broadcast %get3A_19 : vector<1x128xf32> to vector<1024x128xf32>
    %add3A_21 = arith.addf %mul3A_14, %add3A_20 : vector<1024x128xf32>
    %max3A = arith.constant 0.000000e+00 : f32
    %max3A_22 = vector.broadcast %max3A : f32 to vector<1024x128xf32>
    %max3A_23 = arith.maximumf %add3A_21, %max3A_22 : vector<1024x128xf32>
    %jit3A = arith.constant 0.000000e+00 : f32
    %broadcast_in_dim3A = vector.broadcast %jit3A : f32 to vector<1024x128xf32>
    %select_n3A = arith.select %lt3A_7, %max3A_23, %broadcast_in_dim3A : vector<1024x128xi1>, vector<1024x128xf32>
    %get3A_24 = arith.constant 0 : index
    %get3A_25 = arith.constant 0 : index
    %get3A_26 = arith.constant 0 : index
    %get3A_27 = vector.load %arg4[%get3A_24, %get3A_25, %get3A_26] : memref<2x1x128xf32, #tpu.memory_space<vmem>>, vector<1x1x128xf32>
    %get3A_28 = vector.shape_cast %get3A_27 : vector<1x1x128xf32> to vector<1x128xf32>
    %reduce_sum3A = arith.constant dense<0.000000e+00> : vector<128xf32>
    %reduce_sum3A_29 = vector.multi_reduction <add>, %select_n3A, %reduce_sum3A [0] : vector<1024x128xf32> to vector<128xf32>
    %broadcast_in_dim3A_30 = vector.shape_cast %reduce_sum3A_29 : vector<128xf32> to vector<1x128xf32>
    %add3A_31 = arith.addf %get3A_28, %broadcast_in_dim3A_30 : vector<1x128xf32>
    %swap3A = arith.constant 0 : index
    %swap3A_32 = arith.constant 0 : index
    %swap3A_33 = arith.constant 0 : index
    %swap3A_34 = vector.load %arg4[%swap3A, %swap3A_32, %swap3A_33] : memref<2x1x128xf32, #tpu.memory_space<vmem>>, vector<1x1x128xf32>
    %swap3A_35 = vector.shape_cast %swap3A_34 : vector<1x1x128xf32> to vector<1x128xf32>
    %swap3A_36 = vector.shape_cast %add3A_31 : vector<1x128xf32> to vector<1x1x128xf32>
    tpu.vector_store %arg4[%swap3A, %swap3A_32, %swap3A_33], %swap3A_36 {strides = array<i32>} : memref<2x1x128xf32, #tpu.memory_space<vmem>>, vector<1x1x128xf32>,
    %get3A_37 = arith.constant 1 : index
    %get3A_38 = arith.constant 0 : index
    %get3A_39 = arith.constant 0 : index
    %get3A_40 = vector.load %arg1[%get3A_37, %get3A_38, %get3A_39] : memref<2x1024x128xf32, #tpu.memory_space<vmem>>, vector<1x1024x128xf32>
    %get3A_41 = vector.shape_cast %get3A_40 : vector<1x1024x128xf32> to vector<1024x128xf32>
    %mul3A_42 = vector.broadcast %get3A_3 : vector<1024x1xf32> to vector<1024x128xf32>
    %mul3A_43 = arith.mulf %get3A_41, %mul3A_42 : vector<1024x128xf32>
    %get3A_44 = arith.constant 1 : index
    %get3A_45 = arith.constant 0 : index
    %get3A_46 = arith.constant 0 : index
    %get3A_47 = vector.load %arg3[%get3A_44, %get3A_45, %get3A_46] : memref<2x1x128xf32, #tpu.memory_space<vmem>>, vector<1x1x128xf32>
    %get3A_48 = vector.shape_cast %get3A_47 : vector<1x1x128xf32> to vector<1x128xf32>
    %add3A_49 = vector.broadcast %get3A_48 : vector<1x128xf32> to vector<1024x128xf32>
    %add3A_50 = arith.addf %mul3A_43, %add3A_49 : vector<1024x128xf32>
    %max3A_51 = arith.constant 0.000000e+00 : f32
    %max3A_52 = vector.broadcast %max3A_51 : f32 to vector<1024x128xf32>
    %max3A_53 = arith.maximumf %add3A_50, %max3A_52 : vector<1024x128xf32>
    %jit3A_54 = arith.constant 0.000000e+00 : f32
    %broadcast_in_dim3A_55 = vector.broadcast %jit3A_54 : f32 to vector<1024x128xf32>
    %select_n3A_56 = arith.select %lt3A_7, %max3A_53, %broadcast_in_dim3A_55 : vector<1024x128xi1>, vector<1024x128xf32>
    %get3A_57 = arith.constant 1 : index
    %get3A_58 = arith.constant 0 : index
    %get3A_59 = arith.constant 0 : index
    %get3A_60 = vector.load %arg4[%get3A_57, %get3A_58, %get3A_59] : memref<2x1x128xf32, #tpu.memory_space<vmem>>, vector<1x1x128xf32>
    %get3A_61 = vector.shape_cast %get3A_60 : vector<1x1x128xf32> to vector<1x128xf32>
    %reduce_sum3A_62 = arith.constant dense<0.000000e+00> : vector<128xf32>
    %reduce_sum3A_63 = vector.multi_reduction <add>, %select_n3A_56, %reduce_sum3A_62 [0] : vector<1024x128xf32> to vector<128xf32>
    %broadcast_in_dim3A_64 = vector.shape_cast %reduce_sum3A_63 : vector<128xf32> to vector<1x128xf32>
    %add3A_65 = arith.addf %get3A_61, %broadcast_in_dim3A_64 : vector<1x128xf32>
    %swap3A_66 = arith.constant 1 : index
    %swap3A_67 = arith.constant 0 : index
    %swap3A_68 = arith.constant 0 : index
    %swap3A_69 = vector.load %arg4[%swap3A_66, %swap3A_67, %swap3A_68] : memref<2x1x128xf32, #tpu.memory_space<vmem>>, vector<1x1x128xf32>
    %swap3A_70 = vector.shape_cast %swap3A_69 : vector<1x1x128xf32> to vector<1x128xf32>
    %swap3A_71 = vector.shape_cast %add3A_65 : vector<1x128xf32> to vector<1x1x128xf32>
    tpu.vector_store %arg4[%swap3A_66, %swap3A_67, %swap3A_68], %swap3A_71 {strides = array<i32>} : memref<2x1x128xf32, #tpu.memory_space<vmem>>, vector<1x1x128xf32>,
    %eq3A_72 = arith.constant 9 : i32
    %eq3A_73 = arith.cmpi eq, %arg0, %eq3A_72 : i32
    %convert_element_type3A_74 = arith.extui %eq3A_73 : i1 to i32
    %cond3A_75 = arith.constant 0 : i32
    %cond3A_76 = arith.cmpi ne, %convert_element_type3A_74, %cond3A_75 : i32
    scf.if %cond3A_76 {
      %get3A_77 = arith.constant 0 : index
      %get3A_78 = arith.constant 0 : index
      %get3A_79 = arith.constant 0 : index
      %get3A_80 = vector.load %arg4[%get3A_77, %get3A_78, %get3A_79] : memref<2x1x128xf32, #tpu.memory_space<vmem>>, vector<2x1x128xf32>
      %mul3A_81 = arith.constant 9.99999974E-5 : f32
      %mul3A_82 = vector.broadcast %mul3A_81 : f32 to vector<2x1x128xf32>
      %mul3A_83 = arith.mulf %get3A_80, %mul3A_82 : vector<2x1x128xf32>
      %swap3A_84 = arith.constant 0 : index
      %swap3A_85 = arith.constant 0 : index
      %swap3A_86 = arith.constant 0 : index
      %swap3A_87 = vector.load %arg4[%swap3A_84, %swap3A_85, %swap3A_86] : memref<2x1x128xf32, #tpu.memory_space<vmem>>, vector<2x1x128xf32>
      tpu.vector_store %arg4[%swap3A_84, %swap3A_85, %swap3A_86], %mul3A_83 {strides = array<i32>} : memref<2x1x128xf32, #tpu.memory_space<vmem>>, vector<2x1x128xf32>,
    } else {
    }
    return
  }
  func.func @transform_0(%arg0: i32) -> (i32, i32, i32) {
    %c0_i32 = arith.constant 0 : i32
    %c0_i32_0 = arith.constant 0 : i32
    %c0_i32_1 = arith.constant 0 : i32
    return %c0_i32, %arg0, %c0_i32_0 : i32, i32, i32
  }
  func.func @transform_1(%arg0: i32) -> (i32, i32) {
    %c0_i32 = arith.constant 0 : i32
    %c0_i32_0 = arith.constant 0 : i32
    return %arg0, %c0_i32 : i32, i32
  }
  func.func @transform_2(%arg0: i32) -> (i32, i32, i32) {
    %c0_i32 = arith.constant 0 : i32
    %c0_i32_0 = arith.constant 0 : i32
    %c0_i32_1 = arith.constant 0 : i32
    %c0_i32_2 = arith.constant 0 : i32
    return %c0_i32, %c0_i32_0, %c0_i32_1 : i32, i32, i32
  }
  func.func @transform_3(%arg0: i32) -> (i32, i32, i32) {
    %c0_i32 = arith.constant 0 : i32
    %c0_i32_0 = arith.constant 0 : i32
    %c0_i32_1 = arith.constant 0 : i32
    %c0_i32_2 = arith.constant 0 : i32
    return %c0_i32, %c0_i32_0, %c0_i32_1 : i32, i32, i32
  }
}

</mosaic_0001>

<sc_bundles>
// kernel: kernel.12.cloned.1.call-start
scs
__scs_entry_jumppad:
0x0: {  	(pc) =	sbr.rel $0x88, $3  }
0x1: {  	(tag) =	ssettag $0x0;
	lr =	simm.s32 $0x1  }
0x2: {  	[smem:$0x3F9B] =	sst lr;
	_ =	strace $0xD0000000  }
0x3: {  	_ = 	snop  }
0x4: {  	_ = 	snop  }
0x5: {  	_ = 	snop  }
0x6: {  	_ = 	snop  }
0x7: {  	_ = 	snop  }
__scs_overlays_trampoline_lowered:
0x8: {  	[smem:$0x3FAA] =	sst s0  }
0x9: {  	[smem:$0x3FAB] =	sst s1  }
0xa: {  	[smem:$0x3FAC] =	sst s2  }
0xb: {  	[smem:$0x3FAD] =	sst s3  }
0xc: {  	[smem:$0x3FAE] =	sst s4  }
0xd: {  	[smem:$0x3FAF] =	sst s5  }
0xe: {  	[smem:$0x3FB0] =	sst s6  }
0xf: {  	[smem:$0x3FB1] =	sst s7  }
0x10: {  	[smem:$0x3FB2] =	sst s8  }
0x11: {  	[smem:$0x3FB3] =	sst s9;
	s0 =	simm.s32 @!p0 $0x0  }
0x12: {  	s1 =	sld [smem:$0x3F99];
	s0 =	simm.s32 @p0 $0x1  }
0x13: {  	[smem:$0x3FB4] =	sst s0;
	s0 =	simm.s32 @!p1 $0x0  }
0x14: {  	s2 =	sld [smem:$0x3F98];
	s0 =	simm.s32 @p1 $0x1  }
0x15: {  	[smem:$0x3FB5] =	sst s0;
	s0 =	simm.s32 @!p2 $0x0  }
0x16: {  	s3 =	sld [smem:$0x3FDB];
	s0 =	simm.s32 @p2 $0x1  }
0x17: {  	s4 =	simm.s32 $0x1BF5;
	[smem:$0x3FB7] =	sst s0  }
0x18: {  	s0 =	sld [smem:$0x3F9A];
	_ =	swait.ge [sflag:s4], $0x0  }
0x19: {  	s7 =	sld [smem:$0x3F9B]  }
0x1a: {  	s8 =	sadd.s32 $0xFFFFE003, lr  }
0x1b: {  	s9 =	sadd.s32 $0xFFFFFEF7, lr;
	s5 =	simm.s32 $0xFFFFFFFF;
	p2 =	slt.u32 s8, $0xFFFFF086  }
0x1c: {  	p1 =	slt.u32 s9, $0xF7A;
	s5 =	simm.s32 @!p2 $0x0  }
0x1d: {  	s5 =	simm.s32 @p1 $0x1;
	p0 =	seq.s32 s7, s2  }
0x1e: {  	s7 =	smul.u32 @!p0 $0xF7A, s2;
	p2 =	seq.s32 @!p0 s5, $0x0  }
0x1f: {  	s9 =	smul.u32 $0xF7A, s1;
	s8 =	simm.s32 @!p0 $0x1BF5;
	p2 =	por !p2, p0  }
0x20: {  	[sflag:s8] =	ssyncset.s32 @!p0 $0xFFFFF086;
	s6 =	sadd.s32 @!p0 s3, s7;
	s7 =	simm.s32 @!p0 $0x108  }
0x21: {  	s3 =	sadd.s32 s3, s9;
	s6 =	sadd.s32 @!p0 $0x88, s6;
	s7 =	simm.s32 @p2 $0x1082  }
0x22: {  	[simem:s7], [sflag:s8] =	dma.local @!p0 [hbm:s6], $0xF7A  }
0x23: {  	s9 =	sor.u32 $0xD0000000, s2;
	s6 =	simm.s32 $0x108;
	_ =	swait.ge @!p0 [sflag:s8], $0x0  }
0x24: {  	s3 =	sadd.s32 $0x88, s3;
	s6 =	simm.s32 @!p1 $0x1082;
	[sflag:s4] =	ssyncset.s32 $0xFFFFF086  }
0x25: {  	[simem:s6], [sflag:s4] =	dma.local [hbm:s3], $0xF7A  }
0x26: {  	[smem:$0x3F9B] =	sst s1;
	(tag) =	ssettag s2;
	_ =	strace s9  }
0x27: {  	s1 =	sld [smem:$0x3FAB]  }
0x28: {  	s2 =	sld [smem:$0x3FAC]  }
0x29: {  	s4 =	sld [smem:$0x3FAE]  }
0x2a: {  	p0 =	seq.s32 s5, $0x0;
	s5 =	sld [smem:$0x3FAF]  }
0x2b: {  	s6 =	sld [smem:$0x3FB0]  }
0x2c: {  	s7 =	sld [smem:$0x3FB1]  }
0x2d: {  	s3 =	simm.s32 $0x108;
	s8 =	sld [smem:$0x3FB2]  }
0x2e: {  	s3 =	simm.s32 @!p0 $0x1082;
	s9 =	sld [smem:$0x3FB3]  }
0x2f: {  	lr =	sadd.s32 s0, s3;
	s0 =	sld [smem:$0x3FAA]  }
0x30: {  	s3 =	sld [smem:$0x3FAD]  }
0x31: {  	[smem:$0x3FB6] =	sst s10  }
0x32: {  	s10 =	sld [smem:$0x3FB4];
	_ =	sdelay $0x3  }
0x33: {  	p0 =	seq.s32 s10, $0x1;
	s10 =	sld [smem:$0x3FB6];
	_ =	sdelay $0x3  }
0x34: {  	[smem:$0x3FB6] =	sst s10  }
0x35: {  	s10 =	sld [smem:$0x3FB5];
	_ =	sdelay $0x3  }
0x36: {  	p1 =	seq.s32 s10, $0x1;
	s10 =	sld [smem:$0x3FB6];
	_ =	sdelay $0x3  }
0x37: {  	[smem:$0x3FB6] =	sst s10  }
0x38: {  	s10 =	sld [smem:$0x3FB7]  }
0x39: {  	_ = 	snop;
	(pc) =	sbr.ind lr, $3  }
0x3a: {  	_ = 	snop  }
0x3b: {  	_ = 	snop  }
0x3c: {  	p2 =	seq.s32 s10, $0x1;
	s10 =	sld [smem:$0x3FB6]  }
0x3d: {  	_ =	shalt  }
0x3e: {  	_ =	shalt  }
0x3f: {  	_ =	shalt  }
0x40: {  	_ =	shalt  }
0x41: {  	_ =	shalt  }
0x42: {  	_ =	shalt  }
0x43: {  	_ =	shalt  }
0x44: {  	_ =	shalt  }
0x45: {  	_ =	shalt  }
0x46: {  	_ =	shalt  }
0x47: {  	_ =	shalt  }
0x48: {  	_ =	shalt  }
0x49: {  	_ =	shalt  }
0x4a: {  	_ =	shalt  }
0x4b: {  	_ =	shalt  }
0x4c: {  	_ =	shalt  }
0x4d: {  	_ =	shalt  }
0x4e: {  	_ =	shalt  }
0x4f: {  	_ =	shalt  }
0x50: {  	_ =	shalt  }
0x51: {  	_ =	shalt  }
0x52: {  	_ =	shalt  }
0x53: {  	_ =	shalt  }
0x54: {  	_ =	shalt  }
0x55: {  	_ =	shalt  }
0x56: {  	_ =	shalt  }
0x57: {  	_ =	shalt  }
0x58: {  	_ =	shalt  }
0x59: {  	_ =	shalt  }
0x5a: {  	_ =	shalt  }
0x5b: {  	_ =	shalt  }
0x5c: {  	_ =	shalt  }
0x5d: {  	_ =	shalt  }
0x5e: {  	_ =	shalt  }
0x5f: {  	_ =	shalt  }
0x60: {  	_ =	shalt  }
0x61: {  	_ =	shalt  }
0x62: {  	_ =	shalt  }
0x63: {  	_ =	shalt  }
0x64: {  	_ =	shalt  }
0x65: {  	_ =	shalt  }
0x66: {  	_ =	shalt  }
0x67: {  	_ =	shalt  }
0x68: {  	_ =	shalt  }
0x69: {  	_ =	shalt  }
0x6a: {  	_ =	shalt  }
0x6b: {  	_ =	shalt  }
0x6c: {  	_ =	shalt  }
0x6d: {  	_ =	shalt  }
0x6e: {  	_ =	shalt  }
0x6f: {  	_ =	shalt  }
0x70: {  	_ =	shalt  }
0x71: {  	_ =	shalt  }
0x72: {  	_ =	shalt  }
0x73: {  	_ =	shalt  }
0x74: {  	_ =	shalt  }
0x75: {  	_ =	shalt  }
0x76: {  	_ =	shalt  }
0x77: {  	_ =	shalt  }
0x78: {  	_ =	shalt  }
0x79: {  	_ =	shalt  }
0x7a: {  	_ =	shalt  }
0x7b: {  	_ =	shalt  }
0x7c: {  	_ =	shalt  }
0x7d: {  	_ =	shalt  }
0x7e: {  	_ =	shalt  }
0x7f: {  	_ =	shalt  }
0x80: {  	_ =	shalt  }
0x81: {  	_ =	shalt  }
0x82: {  	_ =	shalt  }
0x83: {  	_ =	shalt  }
0x84: {  	_ =	shalt  }
0x85: {  	_ =	shalt  }
0x86: {  	_ =	shalt  }
0x87: {  	_ =	shalt  }
.Lfunc_end0:
.L_simem_size_0:
called_computation.1_lowered:
.L_overlay_start_0:
0x88: {  	s2 =	sld [smem:$0x3FD9]  }
0x89: {  	s3 =	sld [smem:$0x3FFE];
	_ =	sdelay $0x1  }
0x8a: {  	s1 =	srdreg.scid  }
0x8b: {  	s0 =	sand.u32 $0x1, s1  }
0x8c: {  	s16 =	sshll.u32 s0, $0xA;
	s2 =	sadd.s32 s3, s2  }
0x8d: {  	s2 =	sadd.s32 s2, s16  }
0x8e: {  	[smem:$0x3FC2] =	sst s2  }
0x8f: {  	_ = 	snop  }
0x90: {  	(tm) =	ssettm $0x1  }
0x91: {  	s17 =	sld [smem:$0x3FFB];
	_ =	sdelay $0x3  }
0x92: {  	_ =	strace s17  }
0x93: {  	s2 =	sld [smem:$0x3FFC];
	_ =	sdelay $0x3  }
0x94: {  	_ =	strace s2  }
0x95: {  	s2 =	sld [smem:$0x3FFD];
	_ =	sdelay $0x3  }
0x96: {  	_ =	strace s2  }
0x97: {  	_ =	strace $0x8FFFFFFF  }
0x98: {  	s18 =	sld [smem:$0x3FDB];
	_ =	sdelay $0x1  }
0x99: {  	s19 =	simm.s32 $_scs_section_size  }
0x9a: {  	s4 =	simm.s32 $_size__tile_overlayer_lowered;
	s5 =	simm.s32 $_tile_overlayer_lowered  }
0x9b: {  	s22 =	simm.s32 $0x1BFF;
	s21 =	sshll.u32 s5, $0x1;
	s2 =	sadd.s32 s19, s18  }
0x9c: {  	s6 =	simm.s32 $0x0;
	s20 =	sshll.u32 s4, $0x1;
	s4 =	sadd.s32 s21, s2  }
0x9d: {  	[timem:s6], [sflag:s22] =	dma.local [hbm:s4], s20  }
0x9e: {  	_ =	swait.ge [sflag:s22], s20  }
0x9f: {  	s3 =	ssub.s32 $0x0, s20;
	[sflag:s22] =	ssyncset.done $0x0  }
0xa0: {  	[sflag:s22] =	ssyncadd.s32 s3;
	_ =	sdelay $0x1  }
0xa1: {  	s23 =	simm.s32 $0x1B8B  }
0xa2: {  	_ =	swait.ge [sflag:s23], $0x1  }
0xa3: {  	[sflag:s23] =	ssyncset.done $0x0  }
0xa4: {  	s25 =	simm.s32 $0x1B8E;
	s24 =	sld [smem:$0x3FFE];
	[sflag:s23] =	ssyncadd.s32 $0xFFFFFFFF  }
0xa5: {  	s26 =	simm.s32 $execute0_lowered;
	[smem:$0x3FD2] =	sst s25  }
0xa6: {  	s4 =	sshll.u32 s26, $0x1;
	_ =	strace $0x80000049;
	[dreg:$0x1] =	wrdreg $0xFFFFFFFF  }
0xa7: {  	s28 =	simm.s32 $_size_execute0_lowered;
	s2 =	sadd.s32 s2, s4;
	[dreg:$0x0] =	wrdreg $0x0  }
0xa8: {  	s4 =	sshll.u32 s28, $0x1;
	[dreg:$0x2] =	wrdreg s2  }
0xa9: {  	[dreg:$0x3] =	wrdreg s4  }
0xaa: {  	[dreg:$0x4] =	wrdreg $0xC0  }
0xab: {  	_ =	task [dreg:s6], $0x5FFFF  }
0xac: {  	[dreg:$0x1] =	wrdreg $0xFFFFFFFF  }
0xad: {  	[dreg:$0x0] =	wrdreg $0x60  }
0xae: {  	[dreg:$0x2] =	wrdreg s24  }
0xaf: {  	[dreg:$0x3] =	wrdreg $0x90000  }
0xb0: {  	[dreg:$0x4] =	wrdreg $0x9  }
0xb1: {  	_ =	task.clear_ibuf [dreg:s6], $0x5FFFF;
	_ =	strace $0x90000049  }
0xb2: {  	s29 =	simm.s32 $0x9;
	_ =	strace $0x8000004B  }
0xb3: {  	_ =	swait.ge [sflag:s29], $0x1  }
0xb4: {  	[sflag:s29] =	ssyncadd.s32 $0xFFFFFFFF  }
0xb5: {  	_ =	strace $0x9000004B  }
0xb6: {  	_ =	sfence  }
0xb7: {  	s30 =	sld [smem:$0x0];
	_ =	sdelay $0x2  }
0xb8: {  	s31 =	sshll.u32 s1, $0xD;
	s1 =	sshrl.u32 s1, $0x2  }
0xb9: {  	s3 =	sand.u32 $0x4000, s31;
	s1 =	sadd.s32 s1, s30  }
0xba: {  	s0 =	sor.u32 s3, s0;
	s1 =	sshll.u32 s1, $0x11  }
0xbb: {  	s0 =	sor.u32 s1, s0  }
0xbc: {  	s0 =	sadd.s32 $0x8F2B, s0  }
0xbd: {  	[sflag:s0] =	ssyncadd.remote.s32 $0x1  }
0xbe: {  	_ =	sfence.sel $0xFFFF  }
0xbf: {  	[dreg:$0x0] =	wrdreg $0xFFFFFFFF;
	(pc) =	sbr.abs _section_cstart, $3  }
0xc0: {  	[dreg:$0x1] =	wrdreg $0xFFFFFFFF  }
0xc1: {  	_ =	task.clear_ibuf [dreg:s6], $0x2FFFF;
	_ =	strace $0x9FFFFFFF  }
0xc2: {  	(tm) =	ssettm $0x7FFFFFFF  }
0xc3: {  	_ =	shalt  }
tec
execute0_lowered:
.L_overlay_start_1:
0x0: {  	(tag) =	ssettag $0x1  }
0x1: {  	s0 =	rddreg [dreg:$0x0]  }
0x2: {  	s2 =	rddreg [dreg:$0x1]  }
0x3: {  	s9 =	stileid.u32;
	s1 =	srdreg.scid;
	s3 =	simm.s32 $0x0  }
0x4: {  	s13 =	simm.s32 $0x100;
	s14 =	simm.s32 $0x880;
	[smem:$0x7FF] =	sst s3  }
0x5: {  	s15 =	simm.s32 $0x180;
	_ =	strace $0x8000004A;
	[dreg:$0x5] =	wrdreg s13  }
0x6: {  	s16 =	simm.s32 $0x900;
	s17 =	simm.s32 $0x200;
	[dreg:$0x6] =	wrdreg s14  }
0x7: {  	s18 =	simm.s32 $0x980;
	s19 =	simm.s32 $0x280;
	[dreg:$0x7] =	wrdreg s15  }
0x8: {  	s20 =	simm.s32 $0xA00;
	s21 =	simm.s32 $0x300;
	[dreg:$0x8] =	wrdreg s16  }
0x9: {  	s22 =	simm.s32 $0xA80;
	s23 =	simm.s32 $0x380;
	[dreg:$0x9] =	wrdreg s17  }
0xa: {  	s24 =	simm.s32 $0xB00;
	s25 =	simm.s32 $0x400;
	[dreg:$0xa] =	wrdreg s18  }
0xb: {  	s26 =	simm.s32 $0xB80;
	s28 =	simm.s32 $0x680;
	[dreg:$0xb] =	wrdreg s19  }
0xc: {  	s29 =	simm.s32 $0xE00;
	s30 =	simm.s32 $0x700;
	[dreg:$0xc] =	wrdreg s20  }
0xd: {  	s31 =	simm.s32 $0xE80;
	s4 =	smul.u32 $0x500, s9;
	[dreg:$0xd] =	wrdreg s21  }
0xe: {  	s1 =	sand.u32 $0x1, s1;
	s6 =	smul.u32 $0x50000, s9;
	[dreg:$0xe] =	wrdreg s22  }
0xf: {  	s12 =	sshll.u32 s9, $0x6;
	s5 =	smul.u32 $0x28000, s1;
	[dreg:$0xf] =	wrdreg s23  }
0x10: {  	s1 =	ssub.s32 $0x2, s1;
	s13 =	simm.s32 $0x5000;
	[dreg:$0x10] =	wrdreg s24  }
0x11: {  	s14 =	simm.s32 $0x1;
	s15 =	simm.s32 $0x3;
	[dreg:$0x11] =	wrdreg s25  }
0x12: {  	s16 =	simm.s32 $0x2;
	s17 =	simm.s32 $0x4;
	[dreg:$0x12] =	wrdreg s26  }
0x13: {  	s18 =	simm.s32 $0x480;
	s19 =	simm.s32 $0xC00;
	s20 =	simm.s32 $0x500  }
0x14: {  	s21 =	simm.s32 $0xC80;
	s22 =	simm.s32 $0x580;
	s23 =	simm.s32 $0xD00  }
0x15: {  	s25 =	simm.s32 $0x600;
	s26 =	simm.s32 $0xD80;
	s24 =	simm.s32 $0x0  }
0x16: {  	s7 =	sadd.s32 s4, s0;
	s10 =	sshrl.u32 s1, $0x1;
	s11 =	sshrl.u32 s6, $0x2  }
0x17: {  	s0 =	sadd.s32 s5, s0;
	s1 =	ssub.s32 s1, s10;
	s5 =	smul.u32 $0x2800, s9  }
0x18: {  	s6 =	sadd.s32 s11, s2;
	s8 =	sadd.s32 $0x6800, s7;
	s7 =	sadd.s32 $0x1800, s7  }
0x19: {  	s9 =	simm.s32 $0x5;
	s11 =	simm.s32 $0x80;
	[dreg:$0x3] =	wrdreg s8  }
0x1a: {  	s4 =	sadd.s32 $0xB800, s0;
	[dreg:$0x4] =	wrdreg s7;
	s1 =	smax.u32 s1, $0x1  }
0x1b: {  	s8 =	sor.u32 $0x1C05, s12;
	s0 =	sadd.s32 $0x5B800, s0;
	[dreg:$0x15] =	wrdreg s1  }
0x1c: {  	s7 =	sshrl.u32 s6, $0x3;
	s12 =	simm.s32 $0x1000;
	[dreg:$0x14] =	wrdreg s8  }
0x1d: {  	s10 =	sadd.s32 s5, s4;
	s0 =	sadd.s32 s5, s0;
	[dreg:$0x16] =	wrdreg s7  }
0x1e: {  	s1 =	simm.s32 $0xF00;
	s5 =	simm.s32 $0xF80;
	[dreg:$0x13] =	wrdreg s10  }
0x1f: {  	s10 =	simm.s32 $0x800;
	[dreg:$0x17] =	wrdreg s0;
	s0 =	simm.s32 $0x780  }
.LBB2_1:
0x20: {  	[dreg:$0x18] =	wrdreg s24  }
0x21: {  	s6 =	rddreg [dreg:$0x13]  }
0x22: {  	[spmem:s7], [sflag:s8] =	dma.local [hbm:s6], $0x2800  }
0x23: {  	_ =	swait.ge [sflag:s9], $0x2800  }
0x24: {  	[sflag:s9] =	ssyncset.done $0x0  }
0x25: {  	[sflag:s9] =	ssyncadd.s32 $0xFFFFD800  }
0x26: {  	[bflag:$0x0] =	sbarrier.arrive $0xFFFF  }
0x27: {  	s24 =	rddreg [dreg:$0x4]  }
0x28: {  	s6 =	sadd.s32 $0x0, s24  }
0x29: {  	[tilespmem:s3], [sflag:$0x5] =	stream.linear.gather [hbm4b:s6+s3], $0x800, $0x38;
	[tilespmem:$0x1D000] =	vst v63  }
0x2a: {  	_ =	swait.ge [sflag:s9], $0x800  }
0x2b: {  	s7 =	rddreg [dreg:$0x3];
	[sflag:s9] =	ssyncset.done $0x0  }
0x2c: {  	[sflag:s9] =	ssyncadd.s32 $0xFFFFF800;
	s6 =	sadd.s32 $0x0, s7  }
0x2d: {  	[tilespmem:s10], [sflag:$0x5] =	stream.linear.gather [hbm4b:s6+s3], $0x800, $0x38;
	[tilespmem:$0x1D000] =	vst v63  }
0x2e: {  	_ =	swait.ge [sflag:s9], $0x800  }
0x2f: {  	[sflag:s9] =	ssyncset.done $0x0  }
0x30: {  	[sflag:s9] =	ssyncadd.s32 $0xFFFFF800  }
0x31: {  	[tilespmem:s12], [sflag:$0x1] =	stream.indirect.gather [hbm4b:s4+s11], $0x80, s3, s11, $0xb8;
	[tilespmem:$0x1D000] =	vst v63  }
0x32: {  	_ = 	snop  }
0x33: {  	[tilespmem:s13], [sflag:$0x2] =	stream.indirect.gather [hbm4b:s4+s11], $0x80, s11, s11, $0xb8;
	[tilespmem:$0x1D000] =	vst v63  }
0x34: {  	_ =	swait.ge [sflag:s14], $0x4000  }
0x35: {  	[sflag:s14] =	ssyncset.done $0x0  }
0x36: {  	[sflag:s14] =	ssyncadd.s32 $0xFFFFC000  }
0x37: {  	[spmem:s2] =	stream.indirect.scatter.add.f32 [tilespmem:s12], [sflag:$0x3], $0x80, s10, s11, $0xb8;
	[tilespmem:$0x1D000] =	vst v63  }
0x38: {  	_ =	swait.ge [sflag:s15], $0x4000  }
0x39: {  	[sflag:s15] =	ssyncset.done $0x0  }
0x3a: {  	s8 =	rddreg [dreg:$0x5];
	[sflag:s15] =	ssyncadd.s32 $0xFFFFC000  }
0x3b: {  	[tilespmem:s12], [sflag:$0x1] =	stream.indirect.gather [hbm4b:s4+s11], $0x80, s8, s11, $0xb8;
	[tilespmem:$0x1D000] =	vst v63  }
0x3c: {  	_ =	swait.ge [sflag:s16], $0x4000  }
0x3d: {  	[sflag:s16] =	ssyncset.done $0x0  }
0x3e: {  	s24 =	rddreg [dreg:$0x6];
	[sflag:s16] =	ssyncadd.s32 $0xFFFFC000  }
0x3f: {  	[spmem:s2] =	stream.indirect.scatter.add.f32 [tilespmem:s13], [sflag:$0x4], $0x80, s24, s11, $0xb8;
	[tilespmem:$0x1D000] =	vst v63  }
0x40: {  	_ =	swait.ge [sflag:s17], $0x4000  }
0x41: {  	[sflag:s17] =	ssyncset.done $0x0  }
0x42: {  	s7 =	rddreg [dreg:$0x7];
	[sflag:s17] =	ssyncadd.s32 $0xFFFFC000  }
0x43: {  	[tilespmem:s13], [sflag:$0x2] =	stream.indirect.gather [hbm4b:s4+s11], $0x80, s7, s11, $0xb8;
	[tilespmem:$0x1D000] =	vst v63  }
0x44: {  	_ =	swait.ge [sflag:s14], $0x4000  }
0x45: {  	[sflag:s14] =	ssyncset.done $0x0  }
0x46: {  	s8 =	rddreg [dreg:$0x8];
	[sflag:s14] =	ssyncadd.s32 $0xFFFFC000  }
0x47: {  	[spmem:s2] =	stream.indirect.scatter.add.f32 [tilespmem:s12], [sflag:$0x3], $0x80, s8, s11, $0xb8;
	[tilespmem:$0x1D000] =	vst v63  }
0x48: {  	_ =	swait.ge [sflag:s15], $0x4000  }
0x49: {  	[sflag:s15] =	ssyncset.done $0x0  }
0x4a: {  	s24 =	rddreg [dreg:$0x9];
	[sflag:s15] =	ssyncadd.s32 $0xFFFFC000  }
0x4b: {  	[tilespmem:s12], [sflag:$0x1] =	stream.indirect.gather [hbm4b:s4+s11], $0x80, s24, s11, $0xb8;
	[tilespmem:$0x1D000] =	vst v63  }
0x4c: {  	_ =	swait.ge [sflag:s16], $0x4000  }
0x4d: {  	[sflag:s16] =	ssyncset.done $0x0  }
0x4e: {  	s7 =	rddreg [dreg:$0xa];
	[sflag:s16] =	ssyncadd.s32 $0xFFFFC000  }
0x4f: {  	[spmem:s2] =	stream.indirect.scatter.add.f32 [tilespmem:s13], [sflag:$0x4], $0x80, s7, s11, $0xb8;
	[tilespmem:$0x1D000] =	vst v63  }
0x50: {  	_ =	swait.ge [sflag:s17], $0x4000  }
0x51: {  	[sflag:s17] =	ssyncset.done $0x0  }
0x52: {  	s8 =	rddreg [dreg:$0xb];
	[sflag:s17] =	ssyncadd.s32 $0xFFFFC000  }
0x53: {  	[tilespmem:s13], [sflag:$0x2] =	stream.indirect.gather [hbm4b:s4+s11], $0x80, s8, s11, $0xb8;
	[tilespmem:$0x1D000] =	vst v63  }
0x54: {  	_ =	swait.ge [sflag:s14], $0x4000  }
0x55: {  	[sflag:s14] =	ssyncset.done $0x0  }
0x56: {  	s24 =	rddreg [dreg:$0xc];
	[sflag:s14] =	ssyncadd.s32 $0xFFFFC000  }
0x57: {  	[spmem:s2] =	stream.indirect.scatter.add.f32 [tilespmem:s12], [sflag:$0x3], $0x80, s24, s11, $0xb8;
	[tilespmem:$0x1D000] =	vst v63  }
0x58: {  	_ =	swait.ge [sflag:s15], $0x4000  }
0x59: {  	[sflag:s15] =	ssyncset.done $0x0  }
0x5a: {  	s7 =	rddreg [dreg:$0xd];
	[sflag:s15] =	ssyncadd.s32 $0xFFFFC000  }
0x5b: {  	[tilespmem:s12], [sflag:$0x1] =	stream.indirect.gather [hbm4b:s4+s11], $0x80, s7, s11, $0xb8;
	[tilespmem:$0x1D000] =	vst v63  }
0x5c: {  	_ =	swait.ge [sflag:s16], $0x4000  }
0x5d: {  	[sflag:s16] =	ssyncset.done $0x0  }
0x5e: {  	s8 =	rddreg [dreg:$0xe];
	[sflag:s16] =	ssyncadd.s32 $0xFFFFC000  }
0x5f: {  	[spmem:s2] =	stream.indirect.scatter.add.f32 [tilespmem:s13], [sflag:$0x4], $0x80, s8, s11, $0xb8;
	[tilespmem:$0x1D000] =	vst v63  }
0x60: {  	_ =	swait.ge [sflag:s17], $0x4000  }
0x61: {  	[sflag:s17] =	ssyncset.done $0x0  }
0x62: {  	s24 =	rddreg [dreg:$0xf];
	[sflag:s17] =	ssyncadd.s32 $0xFFFFC000  }
0x63: {  	[tilespmem:s13], [sflag:$0x2] =	stream.indirect.gather [hbm4b:s4+s11], $0x80, s24, s11, $0xb8;
	[tilespmem:$0x1D000] =	vst v63  }
0x64: {  	_ =	swait.ge [sflag:s14], $0x4000  }
0x65: {  	[sflag:s14] =	ssyncset.done $0x0  }
0x66: {  	s7 =	rddreg [dreg:$0x10];
	[sflag:s14] =	ssyncadd.s32 $0xFFFFC000  }
0x67: {  	[spmem:s2] =	stream.indirect.scatter.add.f32 [tilespmem:s12], [sflag:$0x3], $0x80, s7, s11, $0xb8;
	[tilespmem:$0x1D000] =	vst v63  }
0x68: {  	_ =	swait.ge [sflag:s15], $0x4000  }
0x69: {  	[sflag:s15] =	ssyncset.done $0x0  }
0x6a: {  	s8 =	rddreg [dreg:$0x11];
	[sflag:s15] =	ssyncadd.s32 $0xFFFFC000  }
0x6b: {  	[tilespmem:s12], [sflag:$0x1] =	stream.indirect.gather [hbm4b:s4+s11], $0x80, s8, s11, $0xb8;
	[tilespmem:$0x1D000] =	vst v63  }
0x6c: {  	_ =	swait.ge [sflag:s16], $0x4000  }
0x6d: {  	[sflag:s16] =	ssyncset.done $0x0  }
0x6e: {  	s24 =	rddreg [dreg:$0x12];
	[sflag:s16] =	ssyncadd.s32 $0xFFFFC000  }
0x6f: {  	[spmem:s2] =	stream.indirect.scatter.add.f32 [tilespmem:s13], [sflag:$0x4], $0x80, s24, s11, $0xb8;
	[tilespmem:$0x1D000] =	vst v63  }
0x70: {  	_ =	swait.ge [sflag:s17], $0x4000  }
0x71: {  	[sflag:s17] =	ssyncset.done $0x0  }
0x72: {  	[sflag:s17] =	ssyncadd.s32 $0xFFFFC000  }
0x73: {  	[tilespmem:s13], [sflag:$0x2] =	stream.indirect.gather [hbm4b:s4+s11], $0x80, s18, s11, $0xb8;
	[tilespmem:$0x1D000] =	vst v63  }
0x74: {  	_ =	swait.ge [sflag:s14], $0x4000  }
0x75: {  	[sflag:s14] =	ssyncset.done $0x0  }
0x76: {  	[sflag:s14] =	ssyncadd.s32 $0xFFFFC000  }
0x77: {  	[spmem:s2] =	stream.indirect.scatter.add.f32 [tilespmem:s12], [sflag:$0x3], $0x80, s19, s11, $0xb8;
	[tilespmem:$0x1D000] =	vst v63  }
0x78: {  	_ =	swait.ge [sflag:s15], $0x4000  }
0x79: {  	[sflag:s15] =	ssyncset.done $0x0  }
0x7a: {  	[sflag:s15] =	ssyncadd.s32 $0xFFFFC000  }
0x7b: {  	[tilespmem:s12], [sflag:$0x1] =	stream.indirect.gather [hbm4b:s4+s11], $0x80, s20, s11, $0xb8;
	[tilespmem:$0x1D000] =	vst v63  }
0x7c: {  	_ =	swait.ge [sflag:s16], $0x4000  }
0x7d: {  	[sflag:s16] =	ssyncset.done $0x0  }
0x7e: {  	[sflag:s16] =	ssyncadd.s32 $0xFFFFC000  }
0x7f: {  	[spmem:s2] =	stream.indirect.scatter.add.f32 [tilespmem:s13], [sflag:$0x4], $0x80, s21, s11, $0xb8;
	[tilespmem:$0x1D000] =	vst v63  }
0x80: {  	_ =	swait.ge [sflag:s17], $0x4000  }
0x81: {  	[sflag:s17] =	ssyncset.done $0x0  }
0x82: {  	[sflag:s17] =	ssyncadd.s32 $0xFFFFC000  }
0x83: {  	[tilespmem:s13], [sflag:$0x2] =	stream.indirect.gather [hbm4b:s4+s11], $0x80, s22, s11, $0xb8;
	[tilespmem:$0x1D000] =	vst v63  }
0x84: {  	_ =	swait.ge [sflag:s14], $0x4000  }
0x85: {  	[sflag:s14] =	ssyncset.done $0x0  }
0x86: {  	[sflag:s14] =	ssyncadd.s32 $0xFFFFC000  }
0x87: {  	[spmem:s2] =	stream.indirect.scatter.add.f32 [tilespmem:s12], [sflag:$0x3], $0x80, s23, s11, $0xb8;
	[tilespmem:$0x1D000] =	vst v63  }
0x88: {  	_ =	swait.ge [sflag:s15], $0x4000  }
0x89: {  	[sflag:s15] =	ssyncset.done $0x0  }
0x8a: {  	[sflag:s15] =	ssyncadd.s32 $0xFFFFC000  }
0x8b: {  	[tilespmem:s12], [sflag:$0x1] =	stream.indirect.gather [hbm4b:s4+s11], $0x80, s25, s11, $0xb8;
	[tilespmem:$0x1D000] =	vst v63  }
0x8c: {  	_ =	swait.ge [sflag:s16], $0x4000  }
0x8d: {  	[sflag:s16] =	ssyncset.done $0x0  }
0x8e: {  	[sflag:s16] =	ssyncadd.s32 $0xFFFFC000  }
0x8f: {  	[spmem:s2] =	stream.indirect.scatter.add.f32 [tilespmem:s13], [sflag:$0x4], $0x80, s26, s11, $0xb8;
	[tilespmem:$0x1D000] =	vst v63  }
0x90: {  	_ =	swait.ge [sflag:s17], $0x4000  }
0x91: {  	[sflag:s17] =	ssyncset.done $0x0  }
0x92: {  	[sflag:s17] =	ssyncadd.s32 $0xFFFFC000  }
0x93: {  	[tilespmem:s13], [sflag:$0x2] =	stream.indirect.gather [hbm4b:s4+s11], $0x80, s28, s11, $0xb8;
	[tilespmem:$0x1D000] =	vst v63  }
0x94: {  	_ =	swait.ge [sflag:s14], $0x4000  }
0x95: {  	[sflag:s14] =	ssyncset.done $0x0  }
0x96: {  	[sflag:s14] =	ssyncadd.s32 $0xFFFFC000  }
0x97: {  	[spmem:s2] =	stream.indirect.scatter.add.f32 [tilespmem:s12], [sflag:$0x3], $0x80, s29, s11, $0xb8;
	[tilespmem:$0x1D000] =	vst v63  }
0x98: {  	_ =	swait.ge [sflag:s15], $0x4000  }
0x99: {  	[sflag:s15] =	ssyncset.done $0x0  }
0x9a: {  	[sflag:s15] =	ssyncadd.s32 $0xFFFFC000  }
0x9b: {  	[tilespmem:s12], [sflag:$0x1] =	stream.indirect.gather [hbm4b:s4+s11], $0x80, s30, s11, $0xb8;
	[tilespmem:$0x1D000] =	vst v63  }
0x9c: {  	_ =	swait.ge [sflag:s16], $0x4000  }
0x9d: {  	[sflag:s16] =	ssyncset.done $0x0  }
0x9e: {  	[sflag:s16] =	ssyncadd.s32 $0xFFFFC000  }
0x9f: {  	[spmem:s2] =	stream.indirect.scatter.add.f32 [tilespmem:s13], [sflag:$0x4], $0x80, s31, s11, $0xb8;
	[tilespmem:$0x1D000] =	vst v63  }
0xa0: {  	_ =	swait.ge [sflag:s17], $0x4000  }
0xa1: {  	[sflag:s17] =	ssyncset.done $0x0  }
0xa2: {  	[sflag:s17] =	ssyncadd.s32 $0xFFFFC000  }
0xa3: {  	[tilespmem:s13], [sflag:$0x2] =	stream.indirect.gather [hbm4b:s4+s11], $0x80, s0, s11, $0xb8;
	[tilespmem:$0x1D000] =	vst v63  }
0xa4: {  	_ =	swait.ge [sflag:s14], $0x4000  }
0xa5: {  	[sflag:s14] =	ssyncset.done $0x0  }
0xa6: {  	[sflag:s14] =	ssyncadd.s32 $0xFFFFC000  }
0xa7: {  	[spmem:s2] =	stream.indirect.scatter.add.f32 [tilespmem:s12], [sflag:$0x3], $0x80, s1, s11, $0xb8;
	[tilespmem:$0x1D000] =	vst v63  }
0xa8: {  	_ =	swait.ge [sflag:s16], $0x4000  }
0xa9: {  	[sflag:s16] =	ssyncset.done $0x0  }
0xaa: {  	[sflag:s16] =	ssyncadd.s32 $0xFFFFC000  }
0xab: {  	[spmem:s2] =	stream.indirect.scatter.add.f32 [tilespmem:s13], [sflag:$0x4], $0x80, s5, s11, $0xb8;
	[tilespmem:$0x1D000] =	vst v63  }
0xac: {  	_ =	swait.ge [sflag:s15], $0x4000  }
0xad: {  	[sflag:s15] =	ssyncset.done $0x0  }
0xae: {  	[sflag:s15] =	ssyncadd.s32 $0xFFFFC000  }
0xaf: {  	s6 =	simm.s32 $0x200;
	_ =	swait.ge [sflag:s17], $0x4000  }
0xb0: {  	s24 =	simm.s32 $0x100;
	s8 =	rddreg [dreg:$0x4];
	[sflag:s17] =	ssyncset.done $0x0  }
.LBB2_2:
0xb1: {  	[sflag:s17] =	ssyncadd.s32 $0xFFFFC000;
	s8 =	sadd.s32 s24, s8  }
0xb2: {  	[tilespmem:s3], [sflag:$0x5] =	stream.linear.gather [hbm4b:s8+s3], $0x800, $0x38;
	[tilespmem:$0x1D000] =	vst v63  }
0xb3: {  	_ =	swait.ge [sflag:s9], $0x800  }
0xb4: {  	s8 =	rddreg [dreg:$0x3];
	[sflag:s9] =	ssyncset.done $0x0  }
0xb5: {  	[sflag:s9] =	ssyncadd.s32 $0xFFFFF800;
	s8 =	sadd.s32 s24, s8  }
0xb6: {  	[tilespmem:s10], [sflag:$0x5] =	stream.linear.gather [hbm4b:s8+s3], $0x800, $0x38;
	[tilespmem:$0x1D000] =	vst v63  }
0xb7: {  	_ =	swait.ge [sflag:s9], $0x800  }
0xb8: {  	[sflag:s9] =	ssyncset.done $0x0  }
0xb9: {  	[sflag:s9] =	ssyncadd.s32 $0xFFFFF800  }
0xba: {  	[tilespmem:s12], [sflag:$0x1] =	stream.indirect.gather [hbm4b:s4+s11], $0x80, s3, s11, $0xb8;
	[tilespmem:$0x1D000] =	vst v63  }
0xbb: {  	_ = 	snop  }
0xbc: {  	[tilespmem:s13], [sflag:$0x2] =	stream.indirect.gather [hbm4b:s4+s11], $0x80, s11, s11, $0xb8;
	[tilespmem:$0x1D000] =	vst v63  }
0xbd: {  	_ =	swait.ge [sflag:s14], $0x4000  }
0xbe: {  	[sflag:s14] =	ssyncset.done $0x0  }
0xbf: {  	[sflag:s14] =	ssyncadd.s32 $0xFFFFC000  }
0xc0: {  	[spmem:s2] =	stream.indirect.scatter.add.f32 [tilespmem:s12], [sflag:$0x3], $0x80, s10, s11, $0xb8;
	[tilespmem:$0x1D000] =	vst v63  }
0xc1: {  	_ =	swait.ge [sflag:s15], $0x4000  }
0xc2: {  	[sflag:s15] =	ssyncset.done $0x0  }
0xc3: {  	s8 =	rddreg [dreg:$0x5];
	[sflag:s15] =	ssyncadd.s32 $0xFFFFC000  }
0xc4: {  	[tilespmem:s12], [sflag:$0x1] =	stream.indirect.gather [hbm4b:s4+s11], $0x80, s8, s11, $0xb8;
	[tilespmem:$0x1D000] =	vst v63  }
0xc5: {  	_ =	swait.ge [sflag:s16], $0x4000  }
0xc6: {  	[sflag:s16] =	ssyncset.done $0x0  }
0xc7: {  	s8 =	rddreg [dreg:$0x6];
	[sflag:s16] =	ssyncadd.s32 $0xFFFFC000  }
0xc8: {  	[spmem:s2] =	stream.indirect.scatter.add.f32 [tilespmem:s13], [sflag:$0x4], $0x80, s8, s11, $0xb8;
	[tilespmem:$0x1D000] =	vst v63  }
0xc9: {  	_ =	swait.ge [sflag:s17], $0x4000  }
0xca: {  	[sflag:s17] =	ssyncset.done $0x0  }
0xcb: {  	s8 =	rddreg [dreg:$0x7];
	[sflag:s17] =	ssyncadd.s32 $0xFFFFC000  }
0xcc: {  	[tilespmem:s13], [sflag:$0x2] =	stream.indirect.gather [hbm4b:s4+s11], $0x80, s8, s11, $0xb8;
	[tilespmem:$0x1D000] =	vst v63  }
0xcd: {  	_ =	swait.ge [sflag:s14], $0x4000  }
0xce: {  	[sflag:s14] =	ssyncset.done $0x0  }
0xcf: {  	s8 =	rddreg [dreg:$0x8];
	[sflag:s14] =	ssyncadd.s32 $0xFFFFC000  }
0xd0: {  	[spmem:s2] =	stream.indirect.scatter.add.f32 [tilespmem:s12], [sflag:$0x3], $0x80, s8, s11, $0xb8;
	[tilespmem:$0x1D000] =	vst v63  }
0xd1: {  	_ =	swait.ge [sflag:s15], $0x4000  }
0xd2: {  	[sflag:s15] =	ssyncset.done $0x0  }
0xd3: {  	s8 =	rddreg [dreg:$0x9];
	[sflag:s15] =	ssyncadd.s32 $0xFFFFC000  }
0xd4: {  	[tilespmem:s12], [sflag:$0x1] =	stream.indirect.gather [hbm4b:s4+s11], $0x80, s8, s11, $0xb8;
	[tilespmem:$0x1D000] =	vst v63  }
0xd5: {  	_ =	swait.ge [sflag:s16], $0x4000  }
0xd6: {  	[sflag:s16] =	ssyncset.done $0x0  }
0xd7: {  	s8 =	rddreg [dreg:$0xa];
	[sflag:s16] =	ssyncadd.s32 $0xFFFFC000  }
0xd8: {  	[spmem:s2] =	stream.indirect.scatter.add.f32 [tilespmem:s13], [sflag:$0x4], $0x80, s8, s11, $0xb8;
	[tilespmem:$0x1D000] =	vst v63  }
0xd9: {  	_ =	swait.ge [sflag:s17], $0x4000  }
0xda: {  	[sflag:s17] =	ssyncset.done $0x0  }
0xdb: {  	s8 =	rddreg [dreg:$0xb];
	[sflag:s17] =	ssyncadd.s32 $0xFFFFC000  }
0xdc: {  	[tilespmem:s13], [sflag:$0x2] =	stream.indirect.gather [hbm4b:s4+s11], $0x80, s8, s11, $0xb8;
	[tilespmem:$0x1D000] =	vst v63  }
0xdd: {  	_ =	swait.ge [sflag:s14], $0x4000  }
0xde: {  	[sflag:s14] =	ssyncset.done $0x0  }
0xdf: {  	s8 =	rddreg [dreg:$0xc];
	[sflag:s14] =	ssyncadd.s32 $0xFFFFC000  }
0xe0: {  	[spmem:s2] =	stream.indirect.scatter.add.f32 [tilespmem:s12], [sflag:$0x3], $0x80, s8, s11, $0xb8;
	[tilespmem:$0x1D000] =	vst v63  }
0xe1: {  	_ =	swait.ge [sflag:s15], $0x4000  }
0xe2: {  	[sflag:s15] =	ssyncset.done $0x0  }
0xe3: {  	s8 =	rddreg [dreg:$0xd];
	[sflag:s15] =	ssyncadd.s32 $0xFFFFC000  }
0xe4: {  	[tilespmem:s12], [sflag:$0x1] =	stream.indirect.gather [hbm4b:s4+s11], $0x80, s8, s11, $0xb8;
	[tilespmem:$0x1D000] =	vst v63  }
0xe5: {  	_ =	swait.ge [sflag:s16], $0x4000  }
0xe6: {  	[sflag:s16] =	ssyncset.done $0x0  }
0xe7: {  	s8 =	rddreg [dreg:$0xe];
	[sflag:s16] =	ssyncadd.s32 $0xFFFFC000  }
0xe8: {  	[spmem:s2] =	stream.indirect.scatter.add.f32 [tilespmem:s13], [sflag:$0x4], $0x80, s8, s11, $0xb8;
	[tilespmem:$0x1D000] =	vst v63  }
0xe9: {  	_ =	swait.ge [sflag:s17], $0x4000  }
0xea: {  	[sflag:s17] =	ssyncset.done $0x0  }
0xeb: {  	s8 =	rddreg [dreg:$0xf];
	[sflag:s17] =	ssyncadd.s32 $0xFFFFC000  }
0xec: {  	[tilespmem:s13], [sflag:$0x2] =	stream.indirect.gather [hbm4b:s4+s11], $0x80, s8, s11, $0xb8;
	[tilespmem:$0x1D000] =	vst v63  }
0xed: {  	_ =	swait.ge [sflag:s14], $0x4000  }
0xee: {  	[sflag:s14] =	ssyncset.done $0x0  }
0xef: {  	s8 =	rddreg [dreg:$0x10];
	[sflag:s14] =	ssyncadd.s32 $0xFFFFC000  }
0xf0: {  	[spmem:s2] =	stream.indirect.scatter.add.f32 [tilespmem:s12], [sflag:$0x3], $0x80, s8, s11, $0xb8;
	[tilespmem:$0x1D000] =	vst v63  }
0xf1: {  	_ =	swait.ge [sflag:s15], $0x4000  }
0xf2: {  	[sflag:s15] =	ssyncset.done $0x0  }
0xf3: {  	s8 =	rddreg [dreg:$0x11];
	[sflag:s15] =	ssyncadd.s32 $0xFFFFC000  }
0xf4: {  	[tilespmem:s12], [sflag:$0x1] =	stream.indirect.gather [hbm4b:s4+s11], $0x80, s8, s11, $0xb8;
	[tilespmem:$0x1D000] =	vst v63  }
0xf5: {  	_ =	swait.ge [sflag:s16], $0x4000  }
0xf6: {  	[sflag:s16] =	ssyncset.done $0x0  }
0xf7: {  	s8 =	rddreg [dreg:$0x12];
	[sflag:s16] =	ssyncadd.s32 $0xFFFFC000  }
0xf8: {  	[spmem:s2] =	stream.indirect.scatter.add.f32 [tilespmem:s13], [sflag:$0x4], $0x80, s8, s11, $0xb8;
	[tilespmem:$0x1D000] =	vst v63  }
0xf9: {  	_ =	swait.ge [sflag:s17], $0x4000  }
0xfa: {  	[sflag:s17] =	ssyncset.done $0x0  }
0xfb: {  	[sflag:s17] =	ssyncadd.s32 $0xFFFFC000  }
0xfc: {  	[tilespmem:s13], [sflag:$0x2] =	stream.indirect.gather [hbm4b:s4+s11], $0x80, s18, s11, $0xb8;
	[tilespmem:$0x1D000] =	vst v63  }
0xfd: {  	_ =	swait.ge [sflag:s14], $0x4000  }
0xfe: {  	[sflag:s14] =	ssyncset.done $0x0  }
0xff: {  	[sflag:s14] =	ssyncadd.s32 $0xFFFFC000  }
0x100: {  	[spmem:s2] =	stream.indirect.scatter.add.f32 [tilespmem:s12], [sflag:$0x3], $0x80, s19, s11, $0xb8;
	[tilespmem:$0x1D000] =	vst v63  }
0x101: {  	_ =	swait.ge [sflag:s15], $0x4000  }
0x102: {  	[sflag:s15] =	ssyncset.done $0x0  }
0x103: {  	[sflag:s15] =	ssyncadd.s32 $0xFFFFC000  }
0x104: {  	[tilespmem:s12], [sflag:$0x1] =	stream.indirect.gather [hbm4b:s4+s11], $0x80, s20, s11, $0xb8;
	[tilespmem:$0x1D000] =	vst v63  }
0x105: {  	_ =	swait.ge [sflag:s16], $0x4000  }
0x106: {  	[sflag:s16] =	ssyncset.done $0x0  }
0x107: {  	[sflag:s16] =	ssyncadd.s32 $0xFFFFC000  }
0x108: {  	[spmem:s2] =	stream.indirect.scatter.add.f32 [tilespmem:s13], [sflag:$0x4], $0x80, s21, s11, $0xb8;
	[tilespmem:$0x1D000] =	vst v63  }
0x109: {  	_ =	swait.ge [sflag:s17], $0x4000  }
0x10a: {  	[sflag:s17] =	ssyncset.done $0x0  }
0x10b: {  	[sflag:s17] =	ssyncadd.s32 $0xFFFFC000  }
0x10c: {  	[tilespmem:s13], [sflag:$0x2] =	stream.indirect.gather [hbm4b:s4+s11], $0x80, s22, s11, $0xb8;
	[tilespmem:$0x1D000] =	vst v63  }
0x10d: {  	_ =	swait.ge [sflag:s14], $0x4000  }
0x10e: {  	[sflag:s14] =	ssyncset.done $0x0  }
0x10f: {  	[sflag:s14] =	ssyncadd.s32 $0xFFFFC000  }
0x110: {  	[spmem:s2] =	stream.indirect.scatter.add.f32 [tilespmem:s12], [sflag:$0x3], $0x80, s23, s11, $0xb8;
	[tilespmem:$0x1D000] =	vst v63  }
0x111: {  	_ =	swait.ge [sflag:s15], $0x4000  }
0x112: {  	[sflag:s15] =	ssyncset.done $0x0  }
0x113: {  	[sflag:s15] =	ssyncadd.s32 $0xFFFFC000  }
0x114: {  	[tilespmem:s12], [sflag:$0x1] =	stream.indirect.gather [hbm4b:s4+s11], $0x80, s25, s11, $0xb8;
	[tilespmem:$0x1D000] =	vst v63  }
0x115: {  	_ =	swait.ge [sflag:s16], $0x4000  }
0x116: {  	[sflag:s16] =	ssyncset.done $0x0  }
0x117: {  	[sflag:s16] =	ssyncadd.s32 $0xFFFFC000  }
0x118: {  	[spmem:s2] =	stream.indirect.scatter.add.f32 [tilespmem:s13], [sflag:$0x4], $0x80, s26, s11, $0xb8;
	[tilespmem:$0x1D000] =	vst v63  }
0x119: {  	_ =	swait.ge [sflag:s17], $0x4000  }
0x11a: {  	[sflag:s17] =	ssyncset.done $0x0  }
0x11b: {  	[sflag:s17] =	ssyncadd.s32 $0xFFFFC000  }
0x11c: {  	[tilespmem:s13], [sflag:$0x2] =	stream.indirect.gather [hbm4b:s4+s11], $0x80, s28, s11, $0xb8;
	[tilespmem:$0x1D000] =	vst v63  }
0x11d: {  	_ =	swait.ge [sflag:s14], $0x4000  }
0x11e: {  	[sflag:s14] =	ssyncset.done $0x0  }
0x11f: {  	[sflag:s14] =	ssyncadd.s32 $0xFFFFC000  }
0x120: {  	[spmem:s2] =	stream.indirect.scatter.add.f32 [tilespmem:s12], [sflag:$0x3], $0x80, s29, s11, $0xb8;
	[tilespmem:$0x1D000] =	vst v63  }
0x121: {  	_ =	swait.ge [sflag:s15], $0x4000  }
0x122: {  	[sflag:s15] =	ssyncset.done $0x0  }
0x123: {  	[sflag:s15] =	ssyncadd.s32 $0xFFFFC000  }
0x124: {  	[tilespmem:s12], [sflag:$0x1] =	stream.indirect.gather [hbm4b:s4+s11], $0x80, s30, s11, $0xb8;
	[tilespmem:$0x1D000] =	vst v63  }
0x125: {  	_ =	swait.ge [sflag:s16], $0x4000  }
0x126: {  	[sflag:s16] =	ssyncset.done $0x0  }
0x127: {  	[sflag:s16] =	ssyncadd.s32 $0xFFFFC000  }
0x128: {  	[spmem:s2] =	stream.indirect.scatter.add.f32 [tilespmem:s13], [sflag:$0x4], $0x80, s31, s11, $0xb8;
	[tilespmem:$0x1D000] =	vst v63  }
0x129: {  	_ =	swait.ge [sflag:s17], $0x4000  }
0x12a: {  	[sflag:s17] =	ssyncset.done $0x0  }
0x12b: {  	[sflag:s17] =	ssyncadd.s32 $0xFFFFC000  }
0x12c: {  	[tilespmem:s13], [sflag:$0x2] =	stream.indirect.gather [hbm4b:s4+s11], $0x80, s0, s11, $0xb8;
	[tilespmem:$0x1D000] =	vst v63  }
0x12d: {  	_ =	swait.ge [sflag:s14], $0x4000  }
0x12e: {  	[sflag:s14] =	ssyncset.done $0x0  }
0x12f: {  	[sflag:s14] =	ssyncadd.s32 $0xFFFFC000  }
0x130: {  	[spmem:s2] =	stream.indirect.scatter.add.f32 [tilespmem:s12], [sflag:$0x3], $0x80, s1, s11, $0xb8;
	[tilespmem:$0x1D000] =	vst v63  }
0x131: {  	_ =	swait.ge [sflag:s16], $0x4000  }
0x132: {  	[sflag:s16] =	ssyncset.done $0x0  }
0x133: {  	p0 =	sne.s32 s6, $0x400;
	[sflag:s16] =	ssyncadd.s32 $0xFFFFC000  }
0x134: {  	[spmem:s2] =	stream.indirect.scatter.add.f32 [tilespmem:s13], [sflag:$0x4], $0x80, s5, s11, $0xb8;
	[tilespmem:$0x1D000] =	vst v63  }
.Ltmp0:
0x135: {  	_ =	swait.ge [sflag:s15], $0x4000;
	(pc) =	sbr.rel @p0 .LBB2_2-.Ltmp0, $4  }
0x136: {  	[sflag:s15] =	ssyncset.done $0x0  }
0x137: {  	[sflag:s15] =	ssyncadd.s32 $0xFFFFC000  }
0x138: {  	s7 =	smov.u32 s6;
	s6 =	sadd.s32 $0x100, s6;
	_ =	swait.ge [sflag:s17], $0x4000  }
0x139: {  	s24 =	smov.u32 s7;
	s8 =	rddreg [dreg:$0x4];
	[sflag:s17] =	ssyncset.done $0x0  }
0x13a: {  	[sflag:s17] =	ssyncadd.s32 $0xFFFFC000;
	s6 =	sadd.s32 s24, s8  }
0x13b: {  	[tilespmem:s3], [sflag:$0x5] =	stream.linear.gather [hbm4b:s6+s3], $0x800, $0x38;
	[tilespmem:$0x1D000] =	vst v63  }
0x13c: {  	_ =	swait.ge [sflag:s9], $0x800  }
0x13d: {  	s8 =	rddreg [dreg:$0x3];
	[sflag:s9] =	ssyncset.done $0x0  }
0x13e: {  	s6 =	sadd.s32 s24, s8;
	[sflag:s9] =	ssyncadd.s32 $0xFFFFF800  }
0x13f: {  	[tilespmem:s10], [sflag:$0x5] =	stream.linear.gather [hbm4b:s6+s3], $0x800, $0x38;
	[tilespmem:$0x1D000] =	vst v63  }
0x140: {  	_ =	swait.ge [sflag:s9], $0x800  }
0x141: {  	[sflag:s9] =	ssyncset.done $0x0  }
0x142: {  	[sflag:s9] =	ssyncadd.s32 $0xFFFFF800  }
0x143: {  	[tilespmem:s12], [sflag:$0x1] =	stream.indirect.gather [hbm4b:s4+s11], $0x80, s3, s11, $0xb8;
	[tilespmem:$0x1D000] =	vst v63  }
0x144: {  	_ = 	snop  }
0x145: {  	[tilespmem:s13], [sflag:$0x2] =	stream.indirect.gather [hbm4b:s4+s11], $0x80, s11, s11, $0xb8;
	[tilespmem:$0x1D000] =	vst v63  }
0x146: {  	_ =	swait.ge [sflag:s14], $0x4000  }
0x147: {  	[sflag:s14] =	ssyncset.done $0x0  }
0x148: {  	[sflag:s14] =	ssyncadd.s32 $0xFFFFC000  }
0x149: {  	[spmem:s2] =	stream.indirect.scatter.add.f32 [tilespmem:s12], [sflag:$0x3], $0x80, s10, s11, $0xb8;
	[tilespmem:$0x1D000] =	vst v63  }
0x14a: {  	_ =	swait.ge [sflag:s15], $0x4000  }
0x14b: {  	[sflag:s15] =	ssyncset.done $0x0  }
0x14c: {  	s7 =	rddreg [dreg:$0x5];
	[sflag:s15] =	ssyncadd.s32 $0xFFFFC000  }
0x14d: {  	[tilespmem:s12], [sflag:$0x1] =	stream.indirect.gather [hbm4b:s4+s11], $0x80, s7, s11, $0xb8;
	[tilespmem:$0x1D000] =	vst v63  }
0x14e: {  	_ =	swait.ge [sflag:s16], $0x4000  }
0x14f: {  	[sflag:s16] =	ssyncset.done $0x0  }
0x150: {  	s8 =	rddreg [dreg:$0x6];
	[sflag:s16] =	ssyncadd.s32 $0xFFFFC000  }
0x151: {  	[spmem:s2] =	stream.indirect.scatter.add.f32 [tilespmem:s13], [sflag:$0x4], $0x80, s8, s11, $0xb8;
	[tilespmem:$0x1D000] =	vst v63  }
0x152: {  	_ =	swait.ge [sflag:s17], $0x4000  }
0x153: {  	[sflag:s17] =	ssyncset.done $0x0  }
0x154: {  	s24 =	rddreg [dreg:$0x7];
	[sflag:s17] =	ssyncadd.s32 $0xFFFFC000  }
0x155: {  	[tilespmem:s13], [sflag:$0x2] =	stream.indirect.gather [hbm4b:s4+s11], $0x80, s24, s11, $0xb8;
	[tilespmem:$0x1D000] =	vst v63  }
0x156: {  	_ =	swait.ge [sflag:s14], $0x4000  }
0x157: {  	[sflag:s14] =	ssyncset.done $0x0  }
0x158: {  	s7 =	rddreg [dreg:$0x8];
	[sflag:s14] =	ssyncadd.s32 $0xFFFFC000  }
0x159: {  	[spmem:s2] =	stream.indirect.scatter.add.f32 [tilespmem:s12], [sflag:$0x3], $0x80, s7, s11, $0xb8;
	[tilespmem:$0x1D000] =	vst v63  }
0x15a: {  	_ =	swait.ge [sflag:s15], $0x4000  }
0x15b: {  	[sflag:s15] =	ssyncset.done $0x0  }
0x15c: {  	s8 =	rddreg [dreg:$0x9];
	[sflag:s15] =	ssyncadd.s32 $0xFFFFC000  }
0x15d: {  	[tilespmem:s12], [sflag:$0x1] =	stream.indirect.gather [hbm4b:s4+s11], $0x80, s8, s11, $0xb8;
	[tilespmem:$0x1D000] =	vst v63  }
0x15e: {  	_ =	swait.ge [sflag:s16], $0x4000  }
0x15f: {  	[sflag:s16] =	ssyncset.done $0x0  }
0x160: {  	s24 =	rddreg [dreg:$0xa];
	[sflag:s16] =	ssyncadd.s32 $0xFFFFC000  }
0x161: {  	[spmem:s2] =	stream.indirect.scatter.add.f32 [tilespmem:s13], [sflag:$0x4], $0x80, s24, s11, $0xb8;
	[tilespmem:$0x1D000] =	vst v63  }
0x162: {  	_ =	swait.ge [sflag:s17], $0x4000  }
0x163: {  	[sflag:s17] =	ssyncset.done $0x0  }
0x164: {  	s7 =	rddreg [dreg:$0xb];
	[sflag:s17] =	ssyncadd.s32 $0xFFFFC000  }
0x165: {  	[tilespmem:s13], [sflag:$0x2] =	stream.indirect.gather [hbm4b:s4+s11], $0x80, s7, s11, $0xb8;
	[tilespmem:$0x1D000] =	vst v63  }
0x166: {  	_ =	swait.ge [sflag:s14], $0x4000  }
0x167: {  	[sflag:s14] =	ssyncset.done $0x0  }
0x168: {  	s8 =	rddreg [dreg:$0xc];
	[sflag:s14] =	ssyncadd.s32 $0xFFFFC000  }
0x169: {  	[spmem:s2] =	stream.indirect.scatter.add.f32 [tilespmem:s12], [sflag:$0x3], $0x80, s8, s11, $0xb8;
	[tilespmem:$0x1D000] =	vst v63  }
0x16a: {  	_ =	swait.ge [sflag:s15], $0x4000  }
0x16b: {  	[sflag:s15] =	ssyncset.done $0x0  }
0x16c: {  	s24 =	rddreg [dreg:$0xd];
	[sflag:s15] =	ssyncadd.s32 $0xFFFFC000  }
0x16d: {  	[tilespmem:s12], [sflag:$0x1] =	stream.indirect.gather [hbm4b:s4+s11], $0x80, s24, s11, $0xb8;
	[tilespmem:$0x1D000] =	vst v63  }
0x16e: {  	_ =	swait.ge [sflag:s16], $0x4000  }
0x16f: {  	[sflag:s16] =	ssyncset.done $0x0  }
0x170: {  	s7 =	rddreg [dreg:$0xe];
	[sflag:s16] =	ssyncadd.s32 $0xFFFFC000  }
0x171: {  	[spmem:s2] =	stream.indirect.scatter.add.f32 [tilespmem:s13], [sflag:$0x4], $0x80, s7, s11, $0xb8;
	[tilespmem:$0x1D000] =	vst v63  }
0x172: {  	_ =	swait.ge [sflag:s17], $0x4000  }
0x173: {  	[sflag:s17] =	ssyncset.done $0x0  }
0x174: {  	s8 =	rddreg [dreg:$0xf];
	[sflag:s17] =	ssyncadd.s32 $0xFFFFC000  }
0x175: {  	[tilespmem:s13], [sflag:$0x2] =	stream.indirect.gather [hbm4b:s4+s11], $0x80, s8, s11, $0xb8;
	[tilespmem:$0x1D000] =	vst v63  }
0x176: {  	_ =	swait.ge [sflag:s14], $0x4000  }
0x177: {  	[sflag:s14] =	ssyncset.done $0x0  }
0x178: {  	s24 =	rddreg [dreg:$0x10];
	[sflag:s14] =	ssyncadd.s32 $0xFFFFC000  }
0x179: {  	[spmem:s2] =	stream.indirect.scatter.add.f32 [tilespmem:s12], [sflag:$0x3], $0x80, s24, s11, $0xb8;
	[tilespmem:$0x1D000] =	vst v63  }
0x17a: {  	_ =	swait.ge [sflag:s15], $0x4000  }
0x17b: {  	[sflag:s15] =	ssyncset.done $0x0  }
0x17c: {  	s7 =	rddreg [dreg:$0x11];
	[sflag:s15] =	ssyncadd.s32 $0xFFFFC000  }
0x17d: {  	[tilespmem:s12], [sflag:$0x1] =	stream.indirect.gather [hbm4b:s4+s11], $0x80, s7, s11, $0xb8;
	[tilespmem:$0x1D000] =	vst v63  }
0x17e: {  	_ =	swait.ge [sflag:s16], $0x4000  }
0x17f: {  	[sflag:s16] =	ssyncset.done $0x0  }
0x180: {  	s8 =	rddreg [dreg:$0x12];
	[sflag:s16] =	ssyncadd.s32 $0xFFFFC000  }
0x181: {  	[spmem:s2] =	stream.indirect.scatter.add.f32 [tilespmem:s13], [sflag:$0x4], $0x80, s8, s11, $0xb8;
	[tilespmem:$0x1D000] =	vst v63  }
0x182: {  	_ =	swait.ge [sflag:s17], $0x4000  }
0x183: {  	[sflag:s17] =	ssyncset.done $0x0  }
0x184: {  	[sflag:s17] =	ssyncadd.s32 $0xFFFFC000  }
0x185: {  	[tilespmem:s13], [sflag:$0x2] =	stream.indirect.gather [hbm4b:s4+s11], $0x80, s18, s11, $0xb8;
	[tilespmem:$0x1D000] =	vst v63  }
0x186: {  	_ =	swait.ge [sflag:s14], $0x4000  }
0x187: {  	[sflag:s14] =	ssyncset.done $0x0  }
0x188: {  	[sflag:s14] =	ssyncadd.s32 $0xFFFFC000  }
0x189: {  	[spmem:s2] =	stream.indirect.scatter.add.f32 [tilespmem:s12], [sflag:$0x3], $0x80, s19, s11, $0xb8;
	[tilespmem:$0x1D000] =	vst v63  }
0x18a: {  	_ =	swait.ge [sflag:s15], $0x4000  }
0x18b: {  	[sflag:s15] =	ssyncset.done $0x0  }
0x18c: {  	[sflag:s15] =	ssyncadd.s32 $0xFFFFC000  }
0x18d: {  	[tilespmem:s12], [sflag:$0x1] =	stream.indirect.gather [hbm4b:s4+s11], $0x80, s20, s11, $0xb8;
	[tilespmem:$0x1D000] =	vst v63  }
0x18e: {  	_ =	swait.ge [sflag:s16], $0x4000  }
0x18f: {  	[sflag:s16] =	ssyncset.done $0x0  }
0x190: {  	[sflag:s16] =	ssyncadd.s32 $0xFFFFC000  }
0x191: {  	[spmem:s2] =	stream.indirect.scatter.add.f32 [tilespmem:s13], [sflag:$0x4], $0x80, s21, s11, $0xb8;
	[tilespmem:$0x1D000] =	vst v63  }
0x192: {  	_ =	swait.ge [sflag:s17], $0x4000  }
0x193: {  	[sflag:s17] =	ssyncset.done $0x0  }
0x194: {  	[sflag:s17] =	ssyncadd.s32 $0xFFFFC000  }
0x195: {  	[tilespmem:s13], [sflag:$0x2] =	stream.indirect.gather [hbm4b:s4+s11], $0x80, s22, s11, $0xb8;
	[tilespmem:$0x1D000] =	vst v63  }
0x196: {  	_ =	swait.ge [sflag:s14], $0x4000  }
0x197: {  	[sflag:s14] =	ssyncset.done $0x0  }
0x198: {  	[sflag:s14] =	ssyncadd.s32 $0xFFFFC000  }
0x199: {  	[spmem:s2] =	stream.indirect.scatter.add.f32 [tilespmem:s12], [sflag:$0x3], $0x80, s23, s11, $0xb8;
	[tilespmem:$0x1D000] =	vst v63  }
0x19a: {  	_ =	swait.ge [sflag:s15], $0x4000  }
0x19b: {  	[sflag:s15] =	ssyncset.done $0x0  }
0x19c: {  	[sflag:s15] =	ssyncadd.s32 $0xFFFFC000  }
0x19d: {  	[tilespmem:s12], [sflag:$0x1] =	stream.indirect.gather [hbm4b:s4+s11], $0x80, s25, s11, $0xb8;
	[tilespmem:$0x1D000] =	vst v63  }
0x19e: {  	_ =	swait.ge [sflag:s16], $0x4000  }
0x19f: {  	[sflag:s16] =	ssyncset.done $0x0  }
0x1a0: {  	[sflag:s16] =	ssyncadd.s32 $0xFFFFC000  }
0x1a1: {  	[spmem:s2] =	stream.indirect.scatter.add.f32 [tilespmem:s13], [sflag:$0x4], $0x80, s26, s11, $0xb8;
	[tilespmem:$0x1D000] =	vst v63  }
0x1a2: {  	_ =	swait.ge [sflag:s17], $0x4000  }
0x1a3: {  	[sflag:s17] =	ssyncset.done $0x0  }
0x1a4: {  	[sflag:s17] =	ssyncadd.s32 $0xFFFFC000  }
0x1a5: {  	[tilespmem:s13], [sflag:$0x2] =	stream.indirect.gather [hbm4b:s4+s11], $0x80, s28, s11, $0xb8;
	[tilespmem:$0x1D000] =	vst v63  }
0x1a6: {  	_ =	swait.ge [sflag:s14], $0x4000  }
0x1a7: {  	[sflag:s14] =	ssyncset.done $0x0  }
0x1a8: {  	[sflag:s14] =	ssyncadd.s32 $0xFFFFC000  }
0x1a9: {  	[spmem:s2] =	stream.indirect.scatter.add.f32 [tilespmem:s12], [sflag:$0x3], $0x80, s29, s11, $0xb8;
	[tilespmem:$0x1D000] =	vst v63  }
0x1aa: {  	_ =	swait.ge [sflag:s15], $0x4000  }
0x1ab: {  	[sflag:s15] =	ssyncset.done $0x0  }
0x1ac: {  	[sflag:s15] =	ssyncadd.s32 $0xFFFFC000  }
0x1ad: {  	[tilespmem:s12], [sflag:$0x1] =	stream.indirect.gather [hbm4b:s4+s11], $0x80, s30, s11, $0xb8;
	[tilespmem:$0x1D000] =	vst v63  }
0x1ae: {  	_ =	swait.ge [sflag:s16], $0x4000  }
0x1af: {  	[sflag:s16] =	ssyncset.done $0x0  }
0x1b0: {  	[sflag:s16] =	ssyncadd.s32 $0xFFFFC000  }
0x1b1: {  	[spmem:s2] =	stream.indirect.scatter.add.f32 [tilespmem:s13], [sflag:$0x4], $0x80, s31, s11, $0xb8;
	[tilespmem:$0x1D000] =	vst v63  }
0x1b2: {  	_ =	swait.ge [sflag:s17], $0x4000  }
0x1b3: {  	[sflag:s17] =	ssyncset.done $0x0  }
0x1b4: {  	[sflag:s17] =	ssyncadd.s32 $0xFFFFC000  }
0x1b5: {  	[tilespmem:s13], [sflag:$0x2] =	stream.indirect.gather [hbm4b:s4+s11], $0x80, s0, s11, $0xb8;
	[tilespmem:$0x1D000] =	vst v63  }
0x1b6: {  	_ =	swait.ge [sflag:s14], $0x4000  }
0x1b7: {  	[sflag:s14] =	ssyncset.done $0x0  }
0x1b8: {  	[sflag:s14] =	ssyncadd.s32 $0xFFFFC000  }
0x1b9: {  	[spmem:s2] =	stream.indirect.scatter.add.f32 [tilespmem:s12], [sflag:$0x3], $0x80, s1, s11, $0xb8;
	[tilespmem:$0x1D000] =	vst v63  }
0x1ba: {  	_ =	swait.ge [sflag:s16], $0x4000  }
0x1bb: {  	[sflag:s16] =	ssyncset.done $0x0  }
0x1bc: {  	[sflag:s16] =	ssyncadd.s32 $0xFFFFC000  }
0x1bd: {  	[spmem:s2] =	stream.indirect.scatter.add.f32 [tilespmem:s13], [sflag:$0x4], $0x80, s5, s11, $0xb8;
	[tilespmem:$0x1D000] =	vst v63  }
0x1be: {  	_ =	swait.ge [sflag:s15], $0x4000  }
0x1bf: {  	[sflag:s15] =	ssyncset.done $0x0  }
0x1c0: {  	[sflag:s15] =	ssyncadd.s32 $0xFFFFC000  }
0x1c1: {  	_ =	swait.ge [sflag:s17], $0x4000  }
0x1c2: {  	[sflag:s17] =	ssyncset.done $0x0  }
0x1c3: {  	[sflag:s17] =	ssyncadd.s32 $0xFFFFC000  }
0x1c4: {  	[bflag:$0x0] =	sbarrier.arrive $0xFFFF  }
0x1c5: {  	s8 =	rddreg [dreg:$0x14]  }
0x1c6: {  	s7 =	rddreg [dreg:$0x16]  }
0x1c7: {  	s24 =	rddreg [dreg:$0x17]  }
0x1c8: {  	[hbm:s24], [sflag:s8] =	dma.local [spmem:s7], $0x2800  }
0x1c9: {  	_ =	swait.ge [sflag:s9], $0x2800  }
0x1ca: {  	s6 =	rddreg [dreg:$0x18]  }
0x1cb: {  	s24 =	sadd.s32 $0x1, s6;
	s6 =	rddreg [dreg:$0x15]  }
0x1cc: {  	p0 =	sne.s32 s24, s6  }
.Ltmp1:
0x1cd: {  	_ = 	snop;
	(pc) =	sbr.rel @p0 .LBB2_1-.Ltmp1, $3  }
0x1ce: {  	_ =	sdelay $0x1  }
0x1cf: {  	[sflag:s9] =	ssyncset.done $0x0  }
0x1d0: {  	[sflag:s9] =	ssyncadd.s32 $0xFFFFD800  }
0x1d1: {  	_ =	sfence.sel $0x180000  }
0x1d2: {  	[bflag:$0x0] =	sbarrier.arrive $0xFFFF  }
0x1d3: {  	_ =	strace $0x9000004A  }
0x1d4: {  	s0 =	stileid.u32;
	[bflag:$0x2] =	sbarrier.arrive $0xFFFF  }
0x1d5: {  	p0 =	sne.s32 s0, $0x0;
	s0 =	rddreg [dreg:$0x2]  }
0x1d6: {  	s0 =	sadd.s32 @!p0 $0x100000, s0  }
0x1d7: {  	[sflag:s0] =	ssyncadd.tile.s32 @!p0 $0x1;
	_ =	shalt  }
.Lfunc_end2:
_tile_overlayer_lowered:
.L_overlay_start_2:
0x1d8: {  	(tag) =	ssettag $0x2  }
0x1d9: {  	s0 =	rddreg [dreg:$0x0];
	s2 =	stileid.u32  }
0x1da: {  	s1 =	rddreg [dreg:$0x1];
	p0 =	sne.s32 s2, $0x0  }
0x1db: {  	s3 =	rddreg [dreg:$0x2];
	[bflag:$0x3] =	sbarrier.arrive $0xFFFF;
	s2 =	simm.s32 @!p0 $0x1C05  }
0x1dc: {  	[timem:s3], [sflag:s2] =	dma.local @!p0 [hbm:s0], s1  }
0x1dd: {  	s0 =	simm.s32 @!p0 $0x5  }
0x1de: {  	_ =	swait.ge @!p0 [sflag:s0], s1  }
0x1df: {  	s1 =	ssub.s32 @!p0 $0x0, s1;
	[sflag:s0] =	ssyncset.done @!p0 $0x0  }
0x1e0: {  	[sflag:s0] =	ssyncadd.s32 @!p0 s1  }
0x1e1: {  	[bflag:$0x3] =	sbarrier.arrive $0xFFFF  }
0x1e2: {  	_ =	shalt  }

// kernel: kernel.15.cloned.1.call-start
scs
__scs_entry_jumppad:
0x0: {  	(pc) =	sbr.rel $0x88, $3  }
0x1: {  	(tag) =	ssettag $0x0;
	lr =	simm.s32 $0x1  }
0x2: {  	[smem:$0x3F9B] =	sst lr;
	_ =	strace $0xD0000000  }
0x3: {  	_ = 	snop  }
0x4: {  	_ = 	snop  }
0x5: {  	_ = 	snop  }
0x6: {  	_ = 	snop  }
0x7: {  	_ = 	snop  }
__scs_overlays_trampoline_lowered:
0x8: {  	[smem:$0x3FAA] =	sst s0  }
0x9: {  	[smem:$0x3FAB] =	sst s1  }
0xa: {  	[smem:$0x3FAC] =	sst s2  }
0xb: {  	[smem:$0x3FAD] =	sst s3  }
0xc: {  	[smem:$0x3FAE] =	sst s4  }
0xd: {  	[smem:$0x3FAF] =	sst s5  }
0xe: {  	[smem:$0x3FB0] =	sst s6  }
0xf: {  	[smem:$0x3FB1] =	sst s7  }
0x10: {  	[smem:$0x3FB2] =	sst s8  }
0x11: {  	[smem:$0x3FB3] =	sst s9;
	s0 =	simm.s32 @!p0 $0x0  }
0x12: {  	s1 =	sld [smem:$0x3F99];
	s0 =	simm.s32 @p0 $0x1  }
0x13: {  	[smem:$0x3FB4] =	sst s0;
	s0 =	simm.s32 @!p1 $0x0  }
0x14: {  	s2 =	sld [smem:$0x3F98];
	s0 =	simm.s32 @p1 $0x1  }
0x15: {  	[smem:$0x3FB5] =	sst s0;
	s0 =	simm.s32 @!p2 $0x0  }
0x16: {  	s3 =	sld [smem:$0x3FDB];
	s0 =	simm.s32 @p2 $0x1  }
0x17: {  	s4 =	simm.s32 $0x1BF5;
	[smem:$0x3FB7] =	sst s0  }
0x18: {  	s0 =	sld [smem:$0x3F9A];
	_ =	swait.ge [sflag:s4], $0x0  }
0x19: {  	s7 =	sld [smem:$0x3F9B]  }
0x1a: {  	s8 =	sadd.s32 $0xFFFFE003, lr  }
0x1b: {  	s9 =	sadd.s32 $0xFFFFFEF7, lr;
	s5 =	simm.s32 $0xFFFFFFFF;
	p2 =	slt.u32 s8, $0xFFFFF086  }
0x1c: {  	p1 =	slt.u32 s9, $0xF7A;
	s5 =	simm.s32 @!p2 $0x0  }
0x1d: {  	s5 =	simm.s32 @p1 $0x1;
	p0 =	seq.s32 s7, s2  }
0x1e: {  	s7 =	smul.u32 @!p0 $0xF7A, s2;
	p2 =	seq.s32 @!p0 s5, $0x0  }
0x1f: {  	s9 =	smul.u32 $0xF7A, s1;
	s8 =	simm.s32 @!p0 $0x1BF5;
	p2 =	por !p2, p0  }
0x20: {  	[sflag:s8] =	ssyncset.s32 @!p0 $0xFFFFF086;
	s6 =	sadd.s32 @!p0 s3, s7;
	s7 =	simm.s32 @!p0 $0x108  }
0x21: {  	s3 =	sadd.s32 s3, s9;
	s6 =	sadd.s32 @!p0 $0x88, s6;
	s7 =	simm.s32 @p2 $0x1082  }
0x22: {  	[simem:s7], [sflag:s8] =	dma.local @!p0 [hbm:s6], $0xF7A  }
0x23: {  	s9 =	sor.u32 $0xD0000000, s2;
	s6 =	simm.s32 $0x108;
	_ =	swait.ge @!p0 [sflag:s8], $0x0  }
0x24: {  	s3 =	sadd.s32 $0x88, s3;
	s6 =	simm.s32 @!p1 $0x1082;
	[sflag:s4] =	ssyncset.s32 $0xFFFFF086  }
0x25: {  	[simem:s6], [sflag:s4] =	dma.local [hbm:s3], $0xF7A  }
0x26: {  	[smem:$0x3F9B] =	sst s1;
	(tag) =	ssettag s2;
	_ =	strace s9  }
0x27: {  	s1 =	sld [smem:$0x3FAB]  }
0x28: {  	s2 =	sld [smem:$0x3FAC]  }
0x29: {  	s4 =	sld [smem:$0x3FAE]  }
0x2a: {  	p0 =	seq.s32 s5, $0x0;
	s5 =	sld [smem:$0x3FAF]  }
0x2b: {  	s6 =	sld [smem:$0x3FB0]  }
0x2c: {  	s7 =	sld [smem:$0x3FB1]  }
0x2d: {  	s3 =	simm.s32 $0x108;
	s8 =	sld [smem:$0x3FB2]  }
0x2e: {  	s3 =	simm.s32 @!p0 $0x1082;
	s9 =	sld [smem:$0x3FB3]  }
0x2f: {  	lr =	sadd.s32 s0, s3;
	s0 =	sld [smem:$0x3FAA]  }
0x30: {  	s3 =	sld [smem:$0x3FAD]  }
0x31: {  	[smem:$0x3FB6] =	sst s10  }
0x32: {  	s10 =	sld [smem:$0x3FB4];
	_ =	sdelay $0x3  }
0x33: {  	p0 =	seq.s32 s10, $0x1;
	s10 =	sld [smem:$0x3FB6];
	_ =	sdelay $0x3  }
0x34: {  	[smem:$0x3FB6] =	sst s10  }
0x35: {  	s10 =	sld [smem:$0x3FB5];
	_ =	sdelay $0x3  }
0x36: {  	p1 =	seq.s32 s10, $0x1;
	s10 =	sld [smem:$0x3FB6];
	_ =	sdelay $0x3  }
0x37: {  	[smem:$0x3FB6] =	sst s10  }
0x38: {  	s10 =	sld [smem:$0x3FB7]  }
0x39: {  	_ = 	snop;
	(pc) =	sbr.ind lr, $3  }
0x3a: {  	_ = 	snop  }
0x3b: {  	_ = 	snop  }
0x3c: {  	p2 =	seq.s32 s10, $0x1;
	s10 =	sld [smem:$0x3FB6]  }
0x3d: {  	_ =	shalt  }
0x3e: {  	_ =	shalt  }
0x3f: {  	_ =	shalt  }
0x40: {  	_ =	shalt  }
0x41: {  	_ =	shalt  }
0x42: {  	_ =	shalt  }
0x43: {  	_ =	shalt  }
0x44: {  	_ =	shalt  }
0x45: {  	_ =	shalt  }
0x46: {  	_ =	shalt  }
0x47: {  	_ =	shalt  }
0x48: {  	_ =	shalt  }
0x49: {  	_ =	shalt  }
0x4a: {  	_ =	shalt  }
0x4b: {  	_ =	shalt  }
0x4c: {  	_ =	shalt  }
0x4d: {  	_ =	shalt  }
0x4e: {  	_ =	shalt  }
0x4f: {  	_ =	shalt  }
0x50: {  	_ =	shalt  }
0x51: {  	_ =	shalt  }
0x52: {  	_ =	shalt  }
0x53: {  	_ =	shalt  }
0x54: {  	_ =	shalt  }
0x55: {  	_ =	shalt  }
0x56: {  	_ =	shalt  }
0x57: {  	_ =	shalt  }
0x58: {  	_ =	shalt  }
0x59: {  	_ =	shalt  }
0x5a: {  	_ =	shalt  }
0x5b: {  	_ =	shalt  }
0x5c: {  	_ =	shalt  }
0x5d: {  	_ =	shalt  }
0x5e: {  	_ =	shalt  }
0x5f: {  	_ =	shalt  }
0x60: {  	_ =	shalt  }
0x61: {  	_ =	shalt  }
0x62: {  	_ =	shalt  }
0x63: {  	_ =	shalt  }
0x64: {  	_ =	shalt  }
0x65: {  	_ =	shalt  }
0x66: {  	_ =	shalt  }
0x67: {  	_ =	shalt  }
0x68: {  	_ =	shalt  }
0x69: {  	_ =	shalt  }
0x6a: {  	_ =	shalt  }
0x6b: {  	_ =	shalt  }
0x6c: {  	_ =	shalt  }
0x6d: {  	_ =	shalt  }
0x6e: {  	_ =	shalt  }
0x6f: {  	_ =	shalt  }
0x70: {  	_ =	shalt  }
0x71: {  	_ =	shalt  }
0x72: {  	_ =	shalt  }
0x73: {  	_ =	shalt  }
0x74: {  	_ =	shalt  }
0x75: {  	_ =	shalt  }
0x76: {  	_ =	shalt  }
0x77: {  	_ =	shalt  }
0x78: {  	_ =	shalt  }
0x79: {  	_ =	shalt  }
0x7a: {  	_ =	shalt  }
0x7b: {  	_ =	shalt  }
0x7c: {  	_ =	shalt  }
0x7d: {  	_ =	shalt  }
0x7e: {  	_ =	shalt  }
0x7f: {  	_ =	shalt  }
0x80: {  	_ =	shalt  }
0x81: {  	_ =	shalt  }
0x82: {  	_ =	shalt  }
0x83: {  	_ =	shalt  }
0x84: {  	_ =	shalt  }
0x85: {  	_ =	shalt  }
0x86: {  	_ =	shalt  }
0x87: {  	_ =	shalt  }
.Lfunc_end0:
.L_simem_size_0:
called_computation.2_lowered:
.L_overlay_start_0:
0x88: {  	s2 =	sld [smem:$0x3FD9]  }
0x89: {  	s3 =	sld [smem:$0x3FFE];
	_ =	sdelay $0x1  }
0x8a: {  	s1 =	srdreg.scid  }
0x8b: {  	s0 =	sand.u32 $0x1, s1  }
0x8c: {  	s16 =	sshll.u32 s0, $0xA;
	s2 =	sadd.s32 s3, s2  }
0x8d: {  	s2 =	sadd.s32 s2, s16  }
0x8e: {  	[smem:$0x3FC2] =	sst s2  }
0x8f: {  	_ = 	snop  }
0x90: {  	(tm) =	ssettm $0x1  }
0x91: {  	s17 =	sld [smem:$0x3FFB];
	_ =	sdelay $0x3  }
0x92: {  	_ =	strace s17  }
0x93: {  	s2 =	sld [smem:$0x3FFC];
	_ =	sdelay $0x3  }
0x94: {  	_ =	strace s2  }
0x95: {  	s2 =	sld [smem:$0x3FFD];
	_ =	sdelay $0x3  }
0x96: {  	_ =	strace s2  }
0x97: {  	_ =	strace $0x8FFFFFFF  }
0x98: {  	s18 =	sld [smem:$0x3FDB];
	_ =	sdelay $0x1  }
0x99: {  	s19 =	simm.s32 $_scs_section_size  }
0x9a: {  	s4 =	simm.s32 $_size__tile_overlayer_lowered;
	s5 =	simm.s32 $_tile_overlayer_lowered  }
0x9b: {  	s22 =	simm.s32 $0x1BFF;
	s21 =	sshll.u32 s5, $0x1;
	s2 =	sadd.s32 s19, s18  }
0x9c: {  	s6 =	simm.s32 $0x0;
	s20 =	sshll.u32 s4, $0x1;
	s4 =	sadd.s32 s21, s2  }
0x9d: {  	[timem:s6], [sflag:s22] =	dma.local [hbm:s4], s20  }
0x9e: {  	_ =	swait.ge [sflag:s22], s20  }
0x9f: {  	s3 =	ssub.s32 $0x0, s20;
	[sflag:s22] =	ssyncset.done $0x0  }
0xa0: {  	[sflag:s22] =	ssyncadd.s32 s3;
	_ =	sdelay $0x1  }
0xa1: {  	s23 =	simm.s32 $0x1B8B  }
0xa2: {  	_ =	swait.ge [sflag:s23], $0x1  }
0xa3: {  	[sflag:s23] =	ssyncset.done $0x0  }
0xa4: {  	s25 =	simm.s32 $0x1B8E;
	s24 =	sld [smem:$0x3FFE];
	[sflag:s23] =	ssyncadd.s32 $0xFFFFFFFF  }
0xa5: {  	s26 =	simm.s32 $execute0_lowered;
	[smem:$0x3FD2] =	sst s25  }
0xa6: {  	s4 =	sshll.u32 s26, $0x1;
	_ =	strace $0x8000004C;
	[dreg:$0x1] =	wrdreg $0xFFFFFFFF  }
0xa7: {  	s28 =	simm.s32 $_size_execute0_lowered;
	s2 =	sadd.s32 s2, s4;
	[dreg:$0x0] =	wrdreg $0x0  }
0xa8: {  	s4 =	sshll.u32 s28, $0x1;
	[dreg:$0x2] =	wrdreg s2  }
0xa9: {  	[dreg:$0x3] =	wrdreg s4  }
0xaa: {  	[dreg:$0x4] =	wrdreg $0xC0  }
0xab: {  	_ =	task [dreg:s6], $0x5FFFF  }
0xac: {  	[dreg:$0x1] =	wrdreg $0xFFFFFFFF  }
0xad: {  	[dreg:$0x0] =	wrdreg $0x60  }
0xae: {  	[dreg:$0x2] =	wrdreg s24  }
0xaf: {  	[dreg:$0x3] =	wrdreg $0x90000  }
0xb0: {  	[dreg:$0x4] =	wrdreg $0x9  }
0xb1: {  	_ =	task.clear_ibuf [dreg:s6], $0x5FFFF;
	_ =	strace $0x9000004C  }
0xb2: {  	s29 =	simm.s32 $0x9;
	_ =	strace $0x8000004E  }
0xb3: {  	_ =	swait.ge [sflag:s29], $0x1  }
0xb4: {  	[sflag:s29] =	ssyncadd.s32 $0xFFFFFFFF  }
0xb5: {  	_ =	strace $0x9000004E  }
0xb6: {  	_ =	sfence  }
0xb7: {  	s30 =	sld [smem:$0x0];
	_ =	sdelay $0x2  }
0xb8: {  	s31 =	sshll.u32 s1, $0xD;
	s1 =	sshrl.u32 s1, $0x2  }
0xb9: {  	s3 =	sand.u32 $0x4000, s31;
	s1 =	sadd.s32 s1, s30  }
0xba: {  	s0 =	sor.u32 s3, s0;
	s1 =	sshll.u32 s1, $0x11  }
0xbb: {  	s0 =	sor.u32 s1, s0  }
0xbc: {  	s0 =	sadd.s32 $0x8F2B, s0  }
0xbd: {  	[sflag:s0] =	ssyncadd.remote.s32 $0x1  }
0xbe: {  	_ =	sfence.sel $0xFFFF  }
0xbf: {  	[dreg:$0x0] =	wrdreg $0xFFFFFFFF;
	(pc) =	sbr.abs _section_cstart, $3  }
0xc0: {  	[dreg:$0x1] =	wrdreg $0xFFFFFFFF  }
0xc1: {  	_ =	task.clear_ibuf [dreg:s6], $0x2FFFF;
	_ =	strace $0x9FFFFFFF  }
0xc2: {  	(tm) =	ssettm $0x7FFFFFFF  }
0xc3: {  	_ =	shalt  }
tec
execute0_lowered:
.L_overlay_start_1:
0x0: {  	(tag) =	ssettag $0x1  }
0x1: {  	s0 =	rddreg [dreg:$0x0]  }
0x2: {  	s2 =	rddreg [dreg:$0x1]  }
0x3: {  	s9 =	stileid.u32;
	s1 =	srdreg.scid;
	s3 =	simm.s32 $0x0  }
0x4: {  	s13 =	simm.s32 $0x100;
	s14 =	simm.s32 $0x880;
	[smem:$0x7FF] =	sst s3  }
0x5: {  	s15 =	simm.s32 $0x180;
	_ =	strace $0x8000004D;
	[dreg:$0x5] =	wrdreg s13  }
0x6: {  	s16 =	simm.s32 $0x900;
	s17 =	simm.s32 $0x200;
	[dreg:$0x6] =	wrdreg s14  }
0x7: {  	s18 =	simm.s32 $0x980;
	s19 =	simm.s32 $0x280;
	[dreg:$0x7] =	wrdreg s15  }
0x8: {  	s20 =	simm.s32 $0xA00;
	s21 =	simm.s32 $0x300;
	[dreg:$0x8] =	wrdreg s16  }
0x9: {  	s22 =	simm.s32 $0xA80;
	s23 =	simm.s32 $0x380;
	[dreg:$0x9] =	wrdreg s17  }
0xa: {  	s24 =	simm.s32 $0xB00;
	s25 =	simm.s32 $0x400;
	[dreg:$0xa] =	wrdreg s18  }
0xb: {  	s26 =	simm.s32 $0xB80;
	s28 =	simm.s32 $0x680;
	[dreg:$0xb] =	wrdreg s19  }
0xc: {  	s29 =	simm.s32 $0xE00;
	s30 =	simm.s32 $0x700;
	[dreg:$0xc] =	wrdreg s20  }
0xd: {  	s31 =	simm.s32 $0xE80;
	s4 =	smul.u32 $0x500, s9;
	[dreg:$0xd] =	wrdreg s21  }
0xe: {  	s1 =	sand.u32 $0x1, s1;
	s6 =	smul.u32 $0x50000, s9;
	[dreg:$0xe] =	wrdreg s22  }
0xf: {  	s12 =	sshll.u32 s9, $0x6;
	s5 =	smul.u32 $0x28000, s1;
	[dreg:$0xf] =	wrdreg s23  }
0x10: {  	s1 =	ssub.s32 $0x2, s1;
	s13 =	simm.s32 $0x5000;
	[dreg:$0x10] =	wrdreg s24  }
0x11: {  	s14 =	simm.s32 $0x1;
	s15 =	simm.s32 $0x3;
	[dreg:$0x11] =	wrdreg s25  }
0x12: {  	s16 =	simm.s32 $0x2;
	s17 =	simm.s32 $0x4;
	[dreg:$0x12] =	wrdreg s26  }
0x13: {  	s18 =	simm.s32 $0x480;
	s19 =	simm.s32 $0xC00;
	s20 =	simm.s32 $0x500  }
0x14: {  	s21 =	simm.s32 $0xC80;
	s22 =	simm.s32 $0x580;
	s23 =	simm.s32 $0xD00  }
0x15: {  	s25 =	simm.s32 $0x600;
	s26 =	simm.s32 $0xD80;
	s24 =	simm.s32 $0x0  }
0x16: {  	s7 =	sadd.s32 s4, s0;
	s10 =	sshrl.u32 s1, $0x1;
	s11 =	sshrl.u32 s6, $0x2  }
0x17: {  	s0 =	sadd.s32 s5, s0;
	s1 =	ssub.s32 s1, s10;
	s5 =	smul.u32 $0x2800, s9  }
0x18: {  	s6 =	sadd.s32 s11, s2;
	s8 =	sadd.s32 $0x6800, s7;
	s7 =	sadd.s32 $0x1800, s7  }
0x19: {  	s9 =	simm.s32 $0x5;
	s11 =	simm.s32 $0x80;
	[dreg:$0x3] =	wrdreg s8  }
0x1a: {  	s4 =	sadd.s32 $0xB800, s0;
	[dreg:$0x4] =	wrdreg s7;
	s1 =	smax.u32 s1, $0x1  }
0x1b: {  	s8 =	sor.u32 $0x1C05, s12;
	s0 =	sadd.s32 $0x5B800, s0;
	[dreg:$0x15] =	wrdreg s1  }
0x1c: {  	s7 =	sshrl.u32 s6, $0x3;
	s12 =	simm.s32 $0x1000;
	[dreg:$0x14] =	wrdreg s8  }
0x1d: {  	s10 =	sadd.s32 s5, s4;
	s0 =	sadd.s32 s5, s0;
	[dreg:$0x16] =	wrdreg s7  }
0x1e: {  	s1 =	simm.s32 $0xF00;
	s5 =	simm.s32 $0xF80;
	[dreg:$0x13] =	wrdreg s10  }
0x1f: {  	s10 =	simm.s32 $0x800;
	[dreg:$0x17] =	wrdreg s0;
	s0 =	simm.s32 $0x780  }
.LBB2_1:
0x20: {  	[dreg:$0x18] =	wrdreg s24  }
0x21: {  	s6 =	rddreg [dreg:$0x13]  }
0x22: {  	[spmem:s7], [sflag:s8] =	dma.local [hbm:s6], $0x2800  }
0x23: {  	_ =	swait.ge [sflag:s9], $0x2800  }
0x24: {  	[sflag:s9] =	ssyncset.done $0x0  }
0x25: {  	[sflag:s9] =	ssyncadd.s32 $0xFFFFD800  }
0x26: {  	[bflag:$0x0] =	sbarrier.arrive $0xFFFF  }
0x27: {  	s24 =	rddreg [dreg:$0x4]  }
0x28: {  	s6 =	sadd.s32 $0x0, s24  }
0x29: {  	[tilespmem:s3], [sflag:$0x5] =	stream.linear.gather [hbm4b:s6+s3], $0x800, $0x38;
	[tilespmem:$0x1D000] =	vst v63  }
0x2a: {  	_ =	swait.ge [sflag:s9], $0x800  }
0x2b: {  	s7 =	rddreg [dreg:$0x3];
	[sflag:s9] =	ssyncset.done $0x0  }
0x2c: {  	[sflag:s9] =	ssyncadd.s32 $0xFFFFF800;
	s6 =	sadd.s32 $0x0, s7  }
0x2d: {  	[tilespmem:s10], [sflag:$0x5] =	stream.linear.gather [hbm4b:s6+s3], $0x800, $0x38;
	[tilespmem:$0x1D000] =	vst v63  }
0x2e: {  	_ =	swait.ge [sflag:s9], $0x800  }
0x2f: {  	[sflag:s9] =	ssyncset.done $0x0  }
0x30: {  	[sflag:s9] =	ssyncadd.s32 $0xFFFFF800  }
0x31: {  	[tilespmem:s12], [sflag:$0x1] =	stream.indirect.gather [hbm4b:s4+s11], $0x80, s3, s11, $0xb8;
	[tilespmem:$0x1D000] =	vst v63  }
0x32: {  	_ = 	snop  }
0x33: {  	[tilespmem:s13], [sflag:$0x2] =	stream.indirect.gather [hbm4b:s4+s11], $0x80, s11, s11, $0xb8;
	[tilespmem:$0x1D000] =	vst v63  }
0x34: {  	_ =	swait.ge [sflag:s14], $0x4000  }
0x35: {  	[sflag:s14] =	ssyncset.done $0x0  }
0x36: {  	[sflag:s14] =	ssyncadd.s32 $0xFFFFC000  }
0x37: {  	[spmem:s2] =	stream.indirect.scatter.add.f32 [tilespmem:s12], [sflag:$0x3], $0x80, s10, s11, $0xb8;
	[tilespmem:$0x1D000] =	vst v63  }
0x38: {  	_ =	swait.ge [sflag:s15], $0x4000  }
0x39: {  	[sflag:s15] =	ssyncset.done $0x0  }
0x3a: {  	s8 =	rddreg [dreg:$0x5];
	[sflag:s15] =	ssyncadd.s32 $0xFFFFC000  }
0x3b: {  	[tilespmem:s12], [sflag:$0x1] =	stream.indirect.gather [hbm4b:s4+s11], $0x80, s8, s11, $0xb8;
	[tilespmem:$0x1D000] =	vst v63  }
0x3c: {  	_ =	swait.ge [sflag:s16], $0x4000  }
0x3d: {  	[sflag:s16] =	ssyncset.done $0x0  }
0x3e: {  	s24 =	rddreg [dreg:$0x6];
	[sflag:s16] =	ssyncadd.s32 $0xFFFFC000  }
0x3f: {  	[spmem:s2] =	stream.indirect.scatter.add.f32 [tilespmem:s13], [sflag:$0x4], $0x80, s24, s11, $0xb8;
	[tilespmem:$0x1D000] =	vst v63  }
0x40: {  	_ =	swait.ge [sflag:s17], $0x4000  }
0x41: {  	[sflag:s17] =	ssyncset.done $0x0  }
0x42: {  	s7 =	rddreg [dreg:$0x7];
	[sflag:s17] =	ssyncadd.s32 $0xFFFFC000  }
0x43: {  	[tilespmem:s13], [sflag:$0x2] =	stream.indirect.gather [hbm4b:s4+s11], $0x80, s7, s11, $0xb8;
	[tilespmem:$0x1D000] =	vst v63  }
0x44: {  	_ =	swait.ge [sflag:s14], $0x4000  }
0x45: {  	[sflag:s14] =	ssyncset.done $0x0  }
0x46: {  	s8 =	rddreg [dreg:$0x8];
	[sflag:s14] =	ssyncadd.s32 $0xFFFFC000  }
0x47: {  	[spmem:s2] =	stream.indirect.scatter.add.f32 [tilespmem:s12], [sflag:$0x3], $0x80, s8, s11, $0xb8;
	[tilespmem:$0x1D000] =	vst v63  }
0x48: {  	_ =	swait.ge [sflag:s15], $0x4000  }
0x49: {  	[sflag:s15] =	ssyncset.done $0x0  }
0x4a: {  	s24 =	rddreg [dreg:$0x9];
	[sflag:s15] =	ssyncadd.s32 $0xFFFFC000  }
0x4b: {  	[tilespmem:s12], [sflag:$0x1] =	stream.indirect.gather [hbm4b:s4+s11], $0x80, s24, s11, $0xb8;
	[tilespmem:$0x1D000] =	vst v63  }
0x4c: {  	_ =	swait.ge [sflag:s16], $0x4000  }
0x4d: {  	[sflag:s16] =	ssyncset.done $0x0  }
0x4e: {  	s7 =	rddreg [dreg:$0xa];
	[sflag:s16] =	ssyncadd.s32 $0xFFFFC000  }
0x4f: {  	[spmem:s2] =	stream.indirect.scatter.add.f32 [tilespmem:s13], [sflag:$0x4], $0x80, s7, s11, $0xb8;
	[tilespmem:$0x1D000] =	vst v63  }
0x50: {  	_ =	swait.ge [sflag:s17], $0x4000  }
0x51: {  	[sflag:s17] =	ssyncset.done $0x0  }
0x52: {  	s8 =	rddreg [dreg:$0xb];
	[sflag:s17] =	ssyncadd.s32 $0xFFFFC000  }
0x53: {  	[tilespmem:s13], [sflag:$0x2] =	stream.indirect.gather [hbm4b:s4+s11], $0x80, s8, s11, $0xb8;
	[tilespmem:$0x1D000] =	vst v63  }
0x54: {  	_ =	swait.ge [sflag:s14], $0x4000  }
0x55: {  	[sflag:s14] =	ssyncset.done $0x0  }
0x56: {  	s24 =	rddreg [dreg:$0xc];
	[sflag:s14] =	ssyncadd.s32 $0xFFFFC000  }
0x57: {  	[spmem:s2] =	stream.indirect.scatter.add.f32 [tilespmem:s12], [sflag:$0x3], $0x80, s24, s11, $0xb8;
	[tilespmem:$0x1D000] =	vst v63  }
0x58: {  	_ =	swait.ge [sflag:s15], $0x4000  }
0x59: {  	[sflag:s15] =	ssyncset.done $0x0  }
0x5a: {  	s7 =	rddreg [dreg:$0xd];
	[sflag:s15] =	ssyncadd.s32 $0xFFFFC000  }
0x5b: {  	[tilespmem:s12], [sflag:$0x1] =	stream.indirect.gather [hbm4b:s4+s11], $0x80, s7, s11, $0xb8;
	[tilespmem:$0x1D000] =	vst v63  }
0x5c: {  	_ =	swait.ge [sflag:s16], $0x4000  }
0x5d: {  	[sflag:s16] =	ssyncset.done $0x0  }
0x5e: {  	s8 =	rddreg [dreg:$0xe];
	[sflag:s16] =	ssyncadd.s32 $0xFFFFC000  }
0x5f: {  	[spmem:s2] =	stream.indirect.scatter.add.f32 [tilespmem:s13], [sflag:$0x4], $0x80, s8, s11, $0xb8;
	[tilespmem:$0x1D000] =	vst v63  }
0x60: {  	_ =	swait.ge [sflag:s17], $0x4000  }
0x61: {  	[sflag:s17] =	ssyncset.done $0x0  }
0x62: {  	s24 =	rddreg [dreg:$0xf];
	[sflag:s17] =	ssyncadd.s32 $0xFFFFC000  }
0x63: {  	[tilespmem:s13], [sflag:$0x2] =	stream.indirect.gather [hbm4b:s4+s11], $0x80, s24, s11, $0xb8;
	[tilespmem:$0x1D000] =	vst v63  }
0x64: {  	_ =	swait.ge [sflag:s14], $0x4000  }
0x65: {  	[sflag:s14] =	ssyncset.done $0x0  }
0x66: {  	s7 =	rddreg [dreg:$0x10];
	[sflag:s14] =	ssyncadd.s32 $0xFFFFC000  }
0x67: {  	[spmem:s2] =	stream.indirect.scatter.add.f32 [tilespmem:s12], [sflag:$0x3], $0x80, s7, s11, $0xb8;
	[tilespmem:$0x1D000] =	vst v63  }
0x68: {  	_ =	swait.ge [sflag:s15], $0x4000  }
0x69: {  	[sflag:s15] =	ssyncset.done $0x0  }
0x6a: {  	s8 =	rddreg [dreg:$0x11];
	[sflag:s15] =	ssyncadd.s32 $0xFFFFC000  }
0x6b: {  	[tilespmem:s12], [sflag:$0x1] =	stream.indirect.gather [hbm4b:s4+s11], $0x80, s8, s11, $0xb8;
	[tilespmem:$0x1D000] =	vst v63  }
0x6c: {  	_ =	swait.ge [sflag:s16], $0x4000  }
0x6d: {  	[sflag:s16] =	ssyncset.done $0x0  }
0x6e: {  	s24 =	rddreg [dreg:$0x12];
	[sflag:s16] =	ssyncadd.s32 $0xFFFFC000  }
0x6f: {  	[spmem:s2] =	stream.indirect.scatter.add.f32 [tilespmem:s13], [sflag:$0x4], $0x80, s24, s11, $0xb8;
	[tilespmem:$0x1D000] =	vst v63  }
0x70: {  	_ =	swait.ge [sflag:s17], $0x4000  }
0x71: {  	[sflag:s17] =	ssyncset.done $0x0  }
0x72: {  	[sflag:s17] =	ssyncadd.s32 $0xFFFFC000  }
0x73: {  	[tilespmem:s13], [sflag:$0x2] =	stream.indirect.gather [hbm4b:s4+s11], $0x80, s18, s11, $0xb8;
	[tilespmem:$0x1D000] =	vst v63  }
0x74: {  	_ =	swait.ge [sflag:s14], $0x4000  }
0x75: {  	[sflag:s14] =	ssyncset.done $0x0  }
0x76: {  	[sflag:s14] =	ssyncadd.s32 $0xFFFFC000  }
0x77: {  	[spmem:s2] =	stream.indirect.scatter.add.f32 [tilespmem:s12], [sflag:$0x3], $0x80, s19, s11, $0xb8;
	[tilespmem:$0x1D000] =	vst v63  }
0x78: {  	_ =	swait.ge [sflag:s15], $0x4000  }
0x79: {  	[sflag:s15] =	ssyncset.done $0x0  }
0x7a: {  	[sflag:s15] =	ssyncadd.s32 $0xFFFFC000  }
0x7b: {  	[tilespmem:s12], [sflag:$0x1] =	stream.indirect.gather [hbm4b:s4+s11], $0x80, s20, s11, $0xb8;
	[tilespmem:$0x1D000] =	vst v63  }
0x7c: {  	_ =	swait.ge [sflag:s16], $0x4000  }
0x7d: {  	[sflag:s16] =	ssyncset.done $0x0  }
0x7e: {  	[sflag:s16] =	ssyncadd.s32 $0xFFFFC000  }
0x7f: {  	[spmem:s2] =	stream.indirect.scatter.add.f32 [tilespmem:s13], [sflag:$0x4], $0x80, s21, s11, $0xb8;
	[tilespmem:$0x1D000] =	vst v63  }
0x80: {  	_ =	swait.ge [sflag:s17], $0x4000  }
0x81: {  	[sflag:s17] =	ssyncset.done $0x0  }
0x82: {  	[sflag:s17] =	ssyncadd.s32 $0xFFFFC000  }
0x83: {  	[tilespmem:s13], [sflag:$0x2] =	stream.indirect.gather [hbm4b:s4+s11], $0x80, s22, s11, $0xb8;
	[tilespmem:$0x1D000] =	vst v63  }
0x84: {  	_ =	swait.ge [sflag:s14], $0x4000  }
0x85: {  	[sflag:s14] =	ssyncset.done $0x0  }
0x86: {  	[sflag:s14] =	ssyncadd.s32 $0xFFFFC000  }
0x87: {  	[spmem:s2] =	stream.indirect.scatter.add.f32 [tilespmem:s12], [sflag:$0x3], $0x80, s23, s11, $0xb8;
	[tilespmem:$0x1D000] =	vst v63  }
0x88: {  	_ =	swait.ge [sflag:s15], $0x4000  }
0x89: {  	[sflag:s15] =	ssyncset.done $0x0  }
0x8a: {  	[sflag:s15] =	ssyncadd.s32 $0xFFFFC000  }
0x8b: {  	[tilespmem:s12], [sflag:$0x1] =	stream.indirect.gather [hbm4b:s4+s11], $0x80, s25, s11, $0xb8;
	[tilespmem:$0x1D000] =	vst v63  }
0x8c: {  	_ =	swait.ge [sflag:s16], $0x4000  }
0x8d: {  	[sflag:s16] =	ssyncset.done $0x0  }
0x8e: {  	[sflag:s16] =	ssyncadd.s32 $0xFFFFC000  }
0x8f: {  	[spmem:s2] =	stream.indirect.scatter.add.f32 [tilespmem:s13], [sflag:$0x4], $0x80, s26, s11, $0xb8;
	[tilespmem:$0x1D000] =	vst v63  }
0x90: {  	_ =	swait.ge [sflag:s17], $0x4000  }
0x91: {  	[sflag:s17] =	ssyncset.done $0x0  }
0x92: {  	[sflag:s17] =	ssyncadd.s32 $0xFFFFC000  }
0x93: {  	[tilespmem:s13], [sflag:$0x2] =	stream.indirect.gather [hbm4b:s4+s11], $0x80, s28, s11, $0xb8;
	[tilespmem:$0x1D000] =	vst v63  }
0x94: {  	_ =	swait.ge [sflag:s14], $0x4000  }
0x95: {  	[sflag:s14] =	ssyncset.done $0x0  }
0x96: {  	[sflag:s14] =	ssyncadd.s32 $0xFFFFC000  }
0x97: {  	[spmem:s2] =	stream.indirect.scatter.add.f32 [tilespmem:s12], [sflag:$0x3], $0x80, s29, s11, $0xb8;
	[tilespmem:$0x1D000] =	vst v63  }
0x98: {  	_ =	swait.ge [sflag:s15], $0x4000  }
0x99: {  	[sflag:s15] =	ssyncset.done $0x0  }
0x9a: {  	[sflag:s15] =	ssyncadd.s32 $0xFFFFC000  }
0x9b: {  	[tilespmem:s12], [sflag:$0x1] =	stream.indirect.gather [hbm4b:s4+s11], $0x80, s30, s11, $0xb8;
	[tilespmem:$0x1D000] =	vst v63  }
0x9c: {  	_ =	swait.ge [sflag:s16], $0x4000  }
0x9d: {  	[sflag:s16] =	ssyncset.done $0x0  }
0x9e: {  	[sflag:s16] =	ssyncadd.s32 $0xFFFFC000  }
0x9f: {  	[spmem:s2] =	stream.indirect.scatter.add.f32 [tilespmem:s13], [sflag:$0x4], $0x80, s31, s11, $0xb8;
	[tilespmem:$0x1D000] =	vst v63  }
0xa0: {  	_ =	swait.ge [sflag:s17], $0x4000  }
0xa1: {  	[sflag:s17] =	ssyncset.done $0x0  }
0xa2: {  	[sflag:s17] =	ssyncadd.s32 $0xFFFFC000  }
0xa3: {  	[tilespmem:s13], [sflag:$0x2] =	stream.indirect.gather [hbm4b:s4+s11], $0x80, s0, s11, $0xb8;
	[tilespmem:$0x1D000] =	vst v63  }
0xa4: {  	_ =	swait.ge [sflag:s14], $0x4000  }
0xa5: {  	[sflag:s14] =	ssyncset.done $0x0  }
0xa6: {  	[sflag:s14] =	ssyncadd.s32 $0xFFFFC000  }
0xa7: {  	[spmem:s2] =	stream.indirect.scatter.add.f32 [tilespmem:s12], [sflag:$0x3], $0x80, s1, s11, $0xb8;
	[tilespmem:$0x1D000] =	vst v63  }
0xa8: {  	_ =	swait.ge [sflag:s16], $0x4000  }
0xa9: {  	[sflag:s16] =	ssyncset.done $0x0  }
0xaa: {  	[sflag:s16] =	ssyncadd.s32 $0xFFFFC000  }
0xab: {  	[spmem:s2] =	stream.indirect.scatter.add.f32 [tilespmem:s13], [sflag:$0x4], $0x80, s5, s11, $0xb8;
	[tilespmem:$0x1D000] =	vst v63  }
0xac: {  	_ =	swait.ge [sflag:s15], $0x4000  }
0xad: {  	[sflag:s15] =	ssyncset.done $0x0  }
0xae: {  	[sflag:s15] =	ssyncadd.s32 $0xFFFFC000  }
0xaf: {  	s6 =	simm.s32 $0x200;
	_ =	swait.ge [sflag:s17], $0x4000  }
0xb0: {  	s24 =	simm.s32 $0x100;
	s8 =	rddreg [dreg:$0x4];
	[sflag:s17] =	ssyncset.done $0x0  }
.LBB2_2:
0xb1: {  	[sflag:s17] =	ssyncadd.s32 $0xFFFFC000;
	s8 =	sadd.s32 s24, s8  }
0xb2: {  	[tilespmem:s3], [sflag:$0x5] =	stream.linear.gather [hbm4b:s8+s3], $0x800, $0x38;
	[tilespmem:$0x1D000] =	vst v63  }
0xb3: {  	_ =	swait.ge [sflag:s9], $0x800  }
0xb4: {  	s8 =	rddreg [dreg:$0x3];
	[sflag:s9] =	ssyncset.done $0x0  }
0xb5: {  	[sflag:s9] =	ssyncadd.s32 $0xFFFFF800;
	s8 =	sadd.s32 s24, s8  }
0xb6: {  	[tilespmem:s10], [sflag:$0x5] =	stream.linear.gather [hbm4b:s8+s3], $0x800, $0x38;
	[tilespmem:$0x1D000] =	vst v63  }
0xb7: {  	_ =	swait.ge [sflag:s9], $0x800  }
0xb8: {  	[sflag:s9] =	ssyncset.done $0x0  }
0xb9: {  	[sflag:s9] =	ssyncadd.s32 $0xFFFFF800  }
0xba: {  	[tilespmem:s12], [sflag:$0x1] =	stream.indirect.gather [hbm4b:s4+s11], $0x80, s3, s11, $0xb8;
	[tilespmem:$0x1D000] =	vst v63  }
0xbb: {  	_ = 	snop  }
0xbc: {  	[tilespmem:s13], [sflag:$0x2] =	stream.indirect.gather [hbm4b:s4+s11], $0x80, s11, s11, $0xb8;
	[tilespmem:$0x1D000] =	vst v63  }
0xbd: {  	_ =	swait.ge [sflag:s14], $0x4000  }
0xbe: {  	[sflag:s14] =	ssyncset.done $0x0  }
0xbf: {  	[sflag:s14] =	ssyncadd.s32 $0xFFFFC000  }
0xc0: {  	[spmem:s2] =	stream.indirect.scatter.add.f32 [tilespmem:s12], [sflag:$0x3], $0x80, s10, s11, $0xb8;
	[tilespmem:$0x1D000] =	vst v63  }
0xc1: {  	_ =	swait.ge [sflag:s15], $0x4000  }
0xc2: {  	[sflag:s15] =	ssyncset.done $0x0  }
0xc3: {  	s8 =	rddreg [dreg:$0x5];
	[sflag:s15] =	ssyncadd.s32 $0xFFFFC000  }
0xc4: {  	[tilespmem:s12], [sflag:$0x1] =	stream.indirect.gather [hbm4b:s4+s11], $0x80, s8, s11, $0xb8;
	[tilespmem:$0x1D000] =	vst v63  }
0xc5: {  	_ =	swait.ge [sflag:s16], $0x4000  }
0xc6: {  	[sflag:s16] =	ssyncset.done $0x0  }
0xc7: {  	s8 =	rddreg [dreg:$0x6];
	[sflag:s16] =	ssyncadd.s32 $0xFFFFC000  }
0xc8: {  	[spmem:s2] =	stream.indirect.scatter.add.f32 [tilespmem:s13], [sflag:$0x4], $0x80, s8, s11, $0xb8;
	[tilespmem:$0x1D000] =	vst v63  }
0xc9: {  	_ =	swait.ge [sflag:s17], $0x4000  }
0xca: {  	[sflag:s17] =	ssyncset.done $0x0  }
0xcb: {  	s8 =	rddreg [dreg:$0x7];
	[sflag:s17] =	ssyncadd.s32 $0xFFFFC000  }
0xcc: {  	[tilespmem:s13], [sflag:$0x2] =	stream.indirect.gather [hbm4b:s4+s11], $0x80, s8, s11, $0xb8;
	[tilespmem:$0x1D000] =	vst v63  }
0xcd: {  	_ =	swait.ge [sflag:s14], $0x4000  }
0xce: {  	[sflag:s14] =	ssyncset.done $0x0  }
0xcf: {  	s8 =	rddreg [dreg:$0x8];
	[sflag:s14] =	ssyncadd.s32 $0xFFFFC000  }
0xd0: {  	[spmem:s2] =	stream.indirect.scatter.add.f32 [tilespmem:s12], [sflag:$0x3], $0x80, s8, s11, $0xb8;
	[tilespmem:$0x1D000] =	vst v63  }
0xd1: {  	_ =	swait.ge [sflag:s15], $0x4000  }
0xd2: {  	[sflag:s15] =	ssyncset.done $0x0  }
0xd3: {  	s8 =	rddreg [dreg:$0x9];
	[sflag:s15] =	ssyncadd.s32 $0xFFFFC000  }
0xd4: {  	[tilespmem:s12], [sflag:$0x1] =	stream.indirect.gather [hbm4b:s4+s11], $0x80, s8, s11, $0xb8;
	[tilespmem:$0x1D000] =	vst v63  }
0xd5: {  	_ =	swait.ge [sflag:s16], $0x4000  }
0xd6: {  	[sflag:s16] =	ssyncset.done $0x0  }
0xd7: {  	s8 =	rddreg [dreg:$0xa];
	[sflag:s16] =	ssyncadd.s32 $0xFFFFC000  }
0xd8: {  	[spmem:s2] =	stream.indirect.scatter.add.f32 [tilespmem:s13], [sflag:$0x4], $0x80, s8, s11, $0xb8;
	[tilespmem:$0x1D000] =	vst v63  }
0xd9: {  	_ =	swait.ge [sflag:s17], $0x4000  }
0xda: {  	[sflag:s17] =	ssyncset.done $0x0  }
0xdb: {  	s8 =	rddreg [dreg:$0xb];
	[sflag:s17] =	ssyncadd.s32 $0xFFFFC000  }
0xdc: {  	[tilespmem:s13], [sflag:$0x2] =	stream.indirect.gather [hbm4b:s4+s11], $0x80, s8, s11, $0xb8;
	[tilespmem:$0x1D000] =	vst v63  }
0xdd: {  	_ =	swait.ge [sflag:s14], $0x4000  }
0xde: {  	[sflag:s14] =	ssyncset.done $0x0  }
0xdf: {  	s8 =	rddreg [dreg:$0xc];
	[sflag:s14] =	ssyncadd.s32 $0xFFFFC000  }
0xe0: {  	[spmem:s2] =	stream.indirect.scatter.add.f32 [tilespmem:s12], [sflag:$0x3], $0x80, s8, s11, $0xb8;
	[tilespmem:$0x1D000] =	vst v63  }
0xe1: {  	_ =	swait.ge [sflag:s15], $0x4000  }
0xe2: {  	[sflag:s15] =	ssyncset.done $0x0  }
0xe3: {  	s8 =	rddreg [dreg:$0xd];
	[sflag:s15] =	ssyncadd.s32 $0xFFFFC000  }
0xe4: {  	[tilespmem:s12], [sflag:$0x1] =	stream.indirect.gather [hbm4b:s4+s11], $0x80, s8, s11, $0xb8;
	[tilespmem:$0x1D000] =	vst v63  }
0xe5: {  	_ =	swait.ge [sflag:s16], $0x4000  }
0xe6: {  	[sflag:s16] =	ssyncset.done $0x0  }
0xe7: {  	s8 =	rddreg [dreg:$0xe];
	[sflag:s16] =	ssyncadd.s32 $0xFFFFC000  }
0xe8: {  	[spmem:s2] =	stream.indirect.scatter.add.f32 [tilespmem:s13], [sflag:$0x4], $0x80, s8, s11, $0xb8;
	[tilespmem:$0x1D000] =	vst v63  }
0xe9: {  	_ =	swait.ge [sflag:s17], $0x4000  }
0xea: {  	[sflag:s17] =	ssyncset.done $0x0  }
0xeb: {  	s8 =	rddreg [dreg:$0xf];
	[sflag:s17] =	ssyncadd.s32 $0xFFFFC000  }
0xec: {  	[tilespmem:s13], [sflag:$0x2] =	stream.indirect.gather [hbm4b:s4+s11], $0x80, s8, s11, $0xb8;
	[tilespmem:$0x1D000] =	vst v63  }
0xed: {  	_ =	swait.ge [sflag:s14], $0x4000  }
0xee: {  	[sflag:s14] =	ssyncset.done $0x0  }
0xef: {  	s8 =	rddreg [dreg:$0x10];
	[sflag:s14] =	ssyncadd.s32 $0xFFFFC000  }
0xf0: {  	[spmem:s2] =	stream.indirect.scatter.add.f32 [tilespmem:s12], [sflag:$0x3], $0x80, s8, s11, $0xb8;
	[tilespmem:$0x1D000] =	vst v63  }
0xf1: {  	_ =	swait.ge [sflag:s15], $0x4000  }
0xf2: {  	[sflag:s15] =	ssyncset.done $0x0  }
0xf3: {  	s8 =	rddreg [dreg:$0x11];
	[sflag:s15] =	ssyncadd.s32 $0xFFFFC000  }
0xf4: {  	[tilespmem:s12], [sflag:$0x1] =	stream.indirect.gather [hbm4b:s4+s11], $0x80, s8, s11, $0xb8;
	[tilespmem:$0x1D000] =	vst v63  }
0xf5: {  	_ =	swait.ge [sflag:s16], $0x4000  }
0xf6: {  	[sflag:s16] =	ssyncset.done $0x0  }
0xf7: {  	s8 =	rddreg [dreg:$0x12];
	[sflag:s16] =	ssyncadd.s32 $0xFFFFC000  }
0xf8: {  	[spmem:s2] =	stream.indirect.scatter.add.f32 [tilespmem:s13], [sflag:$0x4], $0x80, s8, s11, $0xb8;
	[tilespmem:$0x1D000] =	vst v63  }
0xf9: {  	_ =	swait.ge [sflag:s17], $0x4000  }
0xfa: {  	[sflag:s17] =	ssyncset.done $0x0  }
0xfb: {  	[sflag:s17] =	ssyncadd.s32 $0xFFFFC000  }
0xfc: {  	[tilespmem:s13], [sflag:$0x2] =	stream.indirect.gather [hbm4b:s4+s11], $0x80, s18, s11, $0xb8;
	[tilespmem:$0x1D000] =	vst v63  }
0xfd: {  	_ =	swait.ge [sflag:s14], $0x4000  }
0xfe: {  	[sflag:s14] =	ssyncset.done $0x0  }
0xff: {  	[sflag:s14] =	ssyncadd.s32 $0xFFFFC000  }
0x100: {  	[spmem:s2] =	stream.indirect.scatter.add.f32 [tilespmem:s12], [sflag:$0x3], $0x80, s19, s11, $0xb8;
	[tilespmem:$0x1D000] =	vst v63  }
0x101: {  	_ =	swait.ge [sflag:s15], $0x4000  }
0x102: {  	[sflag:s15] =	ssyncset.done $0x0  }
0x103: {  	[sflag:s15] =	ssyncadd.s32 $0xFFFFC000  }
0x104: {  	[tilespmem:s12], [sflag:$0x1] =	stream.indirect.gather [hbm4b:s4+s11], $0x80, s20, s11, $0xb8;
	[tilespmem:$0x1D000] =	vst v63  }
0x105: {  	_ =	swait.ge [sflag:s16], $0x4000  }
0x106: {  	[sflag:s16] =	ssyncset.done $0x0  }
0x107: {  	[sflag:s16] =	ssyncadd.s32 $0xFFFFC000  }
0x108: {  	[spmem:s2] =	stream.indirect.scatter.add.f32 [tilespmem:s13], [sflag:$0x4], $0x80, s21, s11, $0xb8;
	[tilespmem:$0x1D000] =	vst v63  }
0x109: {  	_ =	swait.ge [sflag:s17], $0x4000  }
0x10a: {  	[sflag:s17] =	ssyncset.done $0x0  }
0x10b: {  	[sflag:s17] =	ssyncadd.s32 $0xFFFFC000  }
0x10c: {  	[tilespmem:s13], [sflag:$0x2] =	stream.indirect.gather [hbm4b:s4+s11], $0x80, s22, s11, $0xb8;
	[tilespmem:$0x1D000] =	vst v63  }
0x10d: {  	_ =	swait.ge [sflag:s14], $0x4000  }
0x10e: {  	[sflag:s14] =	ssyncset.done $0x0  }
0x10f: {  	[sflag:s14] =	ssyncadd.s32 $0xFFFFC000  }
0x110: {  	[spmem:s2] =	stream.indirect.scatter.add.f32 [tilespmem:s12], [sflag:$0x3], $0x80, s23, s11, $0xb8;
	[tilespmem:$0x1D000] =	vst v63  }
0x111: {  	_ =	swait.ge [sflag:s15], $0x4000  }
0x112: {  	[sflag:s15] =	ssyncset.done $0x0  }
0x113: {  	[sflag:s15] =	ssyncadd.s32 $0xFFFFC000  }
0x114: {  	[tilespmem:s12], [sflag:$0x1] =	stream.indirect.gather [hbm4b:s4+s11], $0x80, s25, s11, $0xb8;
	[tilespmem:$0x1D000] =	vst v63  }
0x115: {  	_ =	swait.ge [sflag:s16], $0x4000  }
0x116: {  	[sflag:s16] =	ssyncset.done $0x0  }
0x117: {  	[sflag:s16] =	ssyncadd.s32 $0xFFFFC000  }
0x118: {  	[spmem:s2] =	stream.indirect.scatter.add.f32 [tilespmem:s13], [sflag:$0x4], $0x80, s26, s11, $0xb8;
	[tilespmem:$0x1D000] =	vst v63  }
0x119: {  	_ =	swait.ge [sflag:s17], $0x4000  }
0x11a: {  	[sflag:s17] =	ssyncset.done $0x0  }
0x11b: {  	[sflag:s17] =	ssyncadd.s32 $0xFFFFC000  }
0x11c: {  	[tilespmem:s13], [sflag:$0x2] =	stream.indirect.gather [hbm4b:s4+s11], $0x80, s28, s11, $0xb8;
	[tilespmem:$0x1D000] =	vst v63  }
0x11d: {  	_ =	swait.ge [sflag:s14], $0x4000  }
0x11e: {  	[sflag:s14] =	ssyncset.done $0x0  }
0x11f: {  	[sflag:s14] =	ssyncadd.s32 $0xFFFFC000  }
0x120: {  	[spmem:s2] =	stream.indirect.scatter.add.f32 [tilespmem:s12], [sflag:$0x3], $0x80, s29, s11, $0xb8;
	[tilespmem:$0x1D000] =	vst v63  }
0x121: {  	_ =	swait.ge [sflag:s15], $0x4000  }
0x122: {  	[sflag:s15] =	ssyncset.done $0x0  }
0x123: {  	[sflag:s15] =	ssyncadd.s32 $0xFFFFC000  }
0x124: {  	[tilespmem:s12], [sflag:$0x1] =	stream.indirect.gather [hbm4b:s4+s11], $0x80, s30, s11, $0xb8;
	[tilespmem:$0x1D000] =	vst v63  }
0x125: {  	_ =	swait.ge [sflag:s16], $0x4000  }
0x126: {  	[sflag:s16] =	ssyncset.done $0x0  }
0x127: {  	[sflag:s16] =	ssyncadd.s32 $0xFFFFC000  }
0x128: {  	[spmem:s2] =	stream.indirect.scatter.add.f32 [tilespmem:s13], [sflag:$0x4], $0x80, s31, s11, $0xb8;
	[tilespmem:$0x1D000] =	vst v63  }
0x129: {  	_ =	swait.ge [sflag:s17], $0x4000  }
0x12a: {  	[sflag:s17] =	ssyncset.done $0x0  }
0x12b: {  	[sflag:s17] =	ssyncadd.s32 $0xFFFFC000  }
0x12c: {  	[tilespmem:s13], [sflag:$0x2] =	stream.indirect.gather [hbm4b:s4+s11], $0x80, s0, s11, $0xb8;
	[tilespmem:$0x1D000] =	vst v63  }
0x12d: {  	_ =	swait.ge [sflag:s14], $0x4000  }
0x12e: {  	[sflag:s14] =	ssyncset.done $0x0  }
0x12f: {  	[sflag:s14] =	ssyncadd.s32 $0xFFFFC000  }
0x130: {  	[spmem:s2] =	stream.indirect.scatter.add.f32 [tilespmem:s12], [sflag:$0x3], $0x80, s1, s11, $0xb8;
	[tilespmem:$0x1D000] =	vst v63  }
0x131: {  	_ =	swait.ge [sflag:s16], $0x4000  }
0x132: {  	[sflag:s16] =	ssyncset.done $0x0  }
0x133: {  	p0 =	sne.s32 s6, $0x400;
	[sflag:s16] =	ssyncadd.s32 $0xFFFFC000  }
0x134: {  	[spmem:s2] =	stream.indirect.scatter.add.f32 [tilespmem:s13], [sflag:$0x4], $0x80, s5, s11, $0xb8;
	[tilespmem:$0x1D000] =	vst v63  }
.Ltmp0:
0x135: {  	_ =	swait.ge [sflag:s15], $0x4000;
	(pc) =	sbr.rel @p0 .LBB2_2-.Ltmp0, $4  }
0x136: {  	[sflag:s15] =	ssyncset.done $0x0  }
0x137: {  	[sflag:s15] =	ssyncadd.s32 $0xFFFFC000  }
0x138: {  	s7 =	smov.u32 s6;
	s6 =	sadd.s32 $0x100, s6;
	_ =	swait.ge [sflag:s17], $0x4000  }
0x139: {  	s24 =	smov.u32 s7;
	s8 =	rddreg [dreg:$0x4];
	[sflag:s17] =	ssyncset.done $0x0  }
0x13a: {  	[sflag:s17] =	ssyncadd.s32 $0xFFFFC000;
	s6 =	sadd.s32 s24, s8  }
0x13b: {  	[tilespmem:s3], [sflag:$0x5] =	stream.linear.gather [hbm4b:s6+s3], $0x800, $0x38;
	[tilespmem:$0x1D000] =	vst v63  }
0x13c: {  	_ =	swait.ge [sflag:s9], $0x800  }
0x13d: {  	s8 =	rddreg [dreg:$0x3];
	[sflag:s9] =	ssyncset.done $0x0  }
0x13e: {  	s6 =	sadd.s32 s24, s8;
	[sflag:s9] =	ssyncadd.s32 $0xFFFFF800  }
0x13f: {  	[tilespmem:s10], [sflag:$0x5] =	stream.linear.gather [hbm4b:s6+s3], $0x800, $0x38;
	[tilespmem:$0x1D000] =	vst v63  }
0x140: {  	_ =	swait.ge [sflag:s9], $0x800  }
0x141: {  	[sflag:s9] =	ssyncset.done $0x0  }
0x142: {  	[sflag:s9] =	ssyncadd.s32 $0xFFFFF800  }
0x143: {  	[tilespmem:s12], [sflag:$0x1] =	stream.indirect.gather [hbm4b:s4+s11], $0x80, s3, s11, $0xb8;
	[tilespmem:$0x1D000] =	vst v63  }
0x144: {  	_ = 	snop  }
0x145: {  	[tilespmem:s13], [sflag:$0x2] =	stream.indirect.gather [hbm4b:s4+s11], $0x80, s11, s11, $0xb8;
	[tilespmem:$0x1D000] =	vst v63  }
0x146: {  	_ =	swait.ge [sflag:s14], $0x4000  }
0x147: {  	[sflag:s14] =	ssyncset.done $0x0  }
0x148: {  	[sflag:s14] =	ssyncadd.s32 $0xFFFFC000  }
0x149: {  	[spmem:s2] =	stream.indirect.scatter.add.f32 [tilespmem:s12], [sflag:$0x3], $0x80, s10, s11, $0xb8;
	[tilespmem:$0x1D000] =	vst v63  }
0x14a: {  	_ =	swait.ge [sflag:s15], $0x4000  }
0x14b: {  	[sflag:s15] =	ssyncset.done $0x0  }
0x14c: {  	s7 =	rddreg [dreg:$0x5];
	[sflag:s15] =	ssyncadd.s32 $0xFFFFC000  }
0x14d: {  	[tilespmem:s12], [sflag:$0x1] =	stream.indirect.gather [hbm4b:s4+s11], $0x80, s7, s11, $0xb8;
	[tilespmem:$0x1D000] =	vst v63  }
0x14e: {  	_ =	swait.ge [sflag:s16], $0x4000  }
0x14f: {  	[sflag:s16] =	ssyncset.done $0x0  }
0x150: {  	s8 =	rddreg [dreg:$0x6];
	[sflag:s16] =	ssyncadd.s32 $0xFFFFC000  }
0x151: {  	[spmem:s2] =	stream.indirect.scatter.add.f32 [tilespmem:s13], [sflag:$0x4], $0x80, s8, s11, $0xb8;
	[tilespmem:$0x1D000] =	vst v63  }
0x152: {  	_ =	swait.ge [sflag:s17], $0x4000  }
0x153: {  	[sflag:s17] =	ssyncset.done $0x0  }
0x154: {  	s24 =	rddreg [dreg:$0x7];
	[sflag:s17] =	ssyncadd.s32 $0xFFFFC000  }
0x155: {  	[tilespmem:s13], [sflag:$0x2] =	stream.indirect.gather [hbm4b:s4+s11], $0x80, s24, s11, $0xb8;
	[tilespmem:$0x1D000] =	vst v63  }
0x156: {  	_ =	swait.ge [sflag:s14], $0x4000  }
0x157: {  	[sflag:s14] =	ssyncset.done $0x0  }
0x158: {  	s7 =	rddreg [dreg:$0x8];
	[sflag:s14] =	ssyncadd.s32 $0xFFFFC000  }
0x159: {  	[spmem:s2] =	stream.indirect.scatter.add.f32 [tilespmem:s12], [sflag:$0x3], $0x80, s7, s11, $0xb8;
	[tilespmem:$0x1D000] =	vst v63  }
0x15a: {  	_ =	swait.ge [sflag:s15], $0x4000  }
0x15b: {  	[sflag:s15] =	ssyncset.done $0x0  }
0x15c: {  	s8 =	rddreg [dreg:$0x9];
	[sflag:s15] =	ssyncadd.s32 $0xFFFFC000  }
0x15d: {  	[tilespmem:s12], [sflag:$0x1] =	stream.indirect.gather [hbm4b:s4+s11], $0x80, s8, s11, $0xb8;
	[tilespmem:$0x1D000] =	vst v63  }
0x15e: {  	_ =	swait.ge [sflag:s16], $0x4000  }
0x15f: {  	[sflag:s16] =	ssyncset.done $0x0  }
0x160: {  	s24 =	rddreg [dreg:$0xa];
	[sflag:s16] =	ssyncadd.s32 $0xFFFFC000  }
0x161: {  	[spmem:s2] =	stream.indirect.scatter.add.f32 [tilespmem:s13], [sflag:$0x4], $0x80, s24, s11, $0xb8;
	[tilespmem:$0x1D000] =	vst v63  }
0x162: {  	_ =	swait.ge [sflag:s17], $0x4000  }
0x163: {  	[sflag:s17] =	ssyncset.done $0x0  }
0x164: {  	s7 =	rddreg [dreg:$0xb];
	[sflag:s17] =	ssyncadd.s32 $0xFFFFC000  }
0x165: {  	[tilespmem:s13], [sflag:$0x2] =	stream.indirect.gather [hbm4b:s4+s11], $0x80, s7, s11, $0xb8;
	[tilespmem:$0x1D000] =	vst v63  }
0x166: {  	_ =	swait.ge [sflag:s14], $0x4000  }
0x167: {  	[sflag:s14] =	ssyncset.done $0x0  }
0x168: {  	s8 =	rddreg [dreg:$0xc];
	[sflag:s14] =	ssyncadd.s32 $0xFFFFC000  }
0x169: {  	[spmem:s2] =	stream.indirect.scatter.add.f32 [tilespmem:s12], [sflag:$0x3], $0x80, s8, s11, $0xb8;
	[tilespmem:$0x1D000] =	vst v63  }
0x16a: {  	_ =	swait.ge [sflag:s15], $0x4000  }
0x16b: {  	[sflag:s15] =	ssyncset.done $0x0  }
0x16c: {  	s24 =	rddreg [dreg:$0xd];
	[sflag:s15] =	ssyncadd.s32 $0xFFFFC000  }
0x16d: {  	[tilespmem:s12], [sflag:$0x1] =	stream.indirect.gather [hbm4b:s4+s11], $0x80, s24, s11, $0xb8;
	[tilespmem:$0x1D000] =	vst v63  }
0x16e: {  	_ =	swait.ge [sflag:s16], $0x4000  }
0x16f: {  	[sflag:s16] =	ssyncset.done $0x0  }
0x170: {  	s7 =	rddreg [dreg:$0xe];
	[sflag:s16] =	ssyncadd.s32 $0xFFFFC000  }
0x171: {  	[spmem:s2] =	stream.indirect.scatter.add.f32 [tilespmem:s13], [sflag:$0x4], $0x80, s7, s11, $0xb8;
	[tilespmem:$0x1D000] =	vst v63  }
0x172: {  	_ =	swait.ge [sflag:s17], $0x4000  }
0x173: {  	[sflag:s17] =	ssyncset.done $0x0  }
0x174: {  	s8 =	rddreg [dreg:$0xf];
	[sflag:s17] =	ssyncadd.s32 $0xFFFFC000  }
0x175: {  	[tilespmem:s13], [sflag:$0x2] =	stream.indirect.gather [hbm4b:s4+s11], $0x80, s8, s11, $0xb8;
	[tilespmem:$0x1D000] =	vst v63  }
0x176: {  	_ =	swait.ge [sflag:s14], $0x4000  }
0x177: {  	[sflag:s14] =	ssyncset.done $0x0  }
0x178: {  	s24 =	rddreg [dreg:$0x10];
	[sflag:s14] =	ssyncadd.s32 $0xFFFFC000  }
0x179: {  	[spmem:s2] =	stream.indirect.scatter.add.f32 [tilespmem:s12], [sflag:$0x3], $0x80, s24, s11, $0xb8;
	[tilespmem:$0x1D000] =	vst v63  }
0x17a: {  	_ =	swait.ge [sflag:s15], $0x4000  }
0x17b: {  	[sflag:s15] =	ssyncset.done $0x0  }
0x17c: {  	s7 =	rddreg [dreg:$0x11];
	[sflag:s15] =	ssyncadd.s32 $0xFFFFC000  }
0x17d: {  	[tilespmem:s12], [sflag:$0x1] =	stream.indirect.gather [hbm4b:s4+s11], $0x80, s7, s11, $0xb8;
	[tilespmem:$0x1D000] =	vst v63  }
0x17e: {  	_ =	swait.ge [sflag:s16], $0x4000  }
0x17f: {  	[sflag:s16] =	ssyncset.done $0x0  }
0x180: {  	s8 =	rddreg [dreg:$0x12];
	[sflag:s16] =	ssyncadd.s32 $0xFFFFC000  }
0x181: {  	[spmem:s2] =	stream.indirect.scatter.add.f32 [tilespmem:s13], [sflag:$0x4], $0x80, s8, s11, $0xb8;
	[tilespmem:$0x1D000] =	vst v63  }
0x182: {  	_ =	swait.ge [sflag:s17], $0x4000  }
0x183: {  	[sflag:s17] =	ssyncset.done $0x0  }
0x184: {  	[sflag:s17] =	ssyncadd.s32 $0xFFFFC000  }
0x185: {  	[tilespmem:s13], [sflag:$0x2] =	stream.indirect.gather [hbm4b:s4+s11], $0x80, s18, s11, $0xb8;
	[tilespmem:$0x1D000] =	vst v63  }
0x186: {  	_ =	swait.ge [sflag:s14], $0x4000  }
0x187: {  	[sflag:s14] =	ssyncset.done $0x0  }
0x188: {  	[sflag:s14] =	ssyncadd.s32 $0xFFFFC000  }
0x189: {  	[spmem:s2] =	stream.indirect.scatter.add.f32 [tilespmem:s12], [sflag:$0x3], $0x80, s19, s11, $0xb8;
	[tilespmem:$0x1D000] =	vst v63  }
0x18a: {  	_ =	swait.ge [sflag:s15], $0x4000  }
0x18b: {  	[sflag:s15] =	ssyncset.done $0x0  }
0x18c: {  	[sflag:s15] =	ssyncadd.s32 $0xFFFFC000  }
0x18d: {  	[tilespmem:s12], [sflag:$0x1] =	stream.indirect.gather [hbm4b:s4+s11], $0x80, s20, s11, $0xb8;
	[tilespmem:$0x1D000] =	vst v63  }
0x18e: {  	_ =	swait.ge [sflag:s16], $0x4000  }
0x18f: {  	[sflag:s16] =	ssyncset.done $0x0  }
0x190: {  	[sflag:s16] =	ssyncadd.s32 $0xFFFFC000  }
0x191: {  	[spmem:s2] =	stream.indirect.scatter.add.f32 [tilespmem:s13], [sflag:$0x4], $0x80, s21, s11, $0xb8;
	[tilespmem:$0x1D000] =	vst v63  }
0x192: {  	_ =	swait.ge [sflag:s17], $0x4000  }
0x193: {  	[sflag:s17] =	ssyncset.done $0x0  }
0x194: {  	[sflag:s17] =	ssyncadd.s32 $0xFFFFC000  }
0x195: {  	[tilespmem:s13], [sflag:$0x2] =	stream.indirect.gather [hbm4b:s4+s11], $0x80, s22, s11, $0xb8;
	[tilespmem:$0x1D000] =	vst v63  }
0x196: {  	_ =	swait.ge [sflag:s14], $0x4000  }
0x197: {  	[sflag:s14] =	ssyncset.done $0x0  }
0x198: {  	[sflag:s14] =	ssyncadd.s32 $0xFFFFC000  }
0x199: {  	[spmem:s2] =	stream.indirect.scatter.add.f32 [tilespmem:s12], [sflag:$0x3], $0x80, s23, s11, $0xb8;
	[tilespmem:$0x1D000] =	vst v63  }
0x19a: {  	_ =	swait.ge [sflag:s15], $0x4000  }
0x19b: {  	[sflag:s15] =	ssyncset.done $0x0  }
0x19c: {  	[sflag:s15] =	ssyncadd.s32 $0xFFFFC000  }
0x19d: {  	[tilespmem:s12], [sflag:$0x1] =	stream.indirect.gather [hbm4b:s4+s11], $0x80, s25, s11, $0xb8;
	[tilespmem:$0x1D000] =	vst v63  }
0x19e: {  	_ =	swait.ge [sflag:s16], $0x4000  }
0x19f: {  	[sflag:s16] =	ssyncset.done $0x0  }
0x1a0: {  	[sflag:s16] =	ssyncadd.s32 $0xFFFFC000  }
0x1a1: {  	[spmem:s2] =	stream.indirect.scatter.add.f32 [tilespmem:s13], [sflag:$0x4], $0x80, s26, s11, $0xb8;
	[tilespmem:$0x1D000] =	vst v63  }
0x1a2: {  	_ =	swait.ge [sflag:s17], $0x4000  }
0x1a3: {  	[sflag:s17] =	ssyncset.done $0x0  }
0x1a4: {  	[sflag:s17] =	ssyncadd.s32 $0xFFFFC000  }
0x1a5: {  	[tilespmem:s13], [sflag:$0x2] =	stream.indirect.gather [hbm4b:s4+s11], $0x80, s28, s11, $0xb8;
	[tilespmem:$0x1D000] =	vst v63  }
0x1a6: {  	_ =	swait.ge [sflag:s14], $0x4000  }
0x1a7: {  	[sflag:s14] =	ssyncset.done $0x0  }
0x1a8: {  	[sflag:s14] =	ssyncadd.s32 $0xFFFFC000  }
0x1a9: {  	[spmem:s2] =	stream.indirect.scatter.add.f32 [tilespmem:s12], [sflag:$0x3], $0x80, s29, s11, $0xb8;
	[tilespmem:$0x1D000] =	vst v63  }
0x1aa: {  	_ =	swait.ge [sflag:s15], $0x4000  }
0x1ab: {  	[sflag:s15] =	ssyncset.done $0x0  }
0x1ac: {  	[sflag:s15] =	ssyncadd.s32 $0xFFFFC000  }
0x1ad: {  	[tilespmem:s12], [sflag:$0x1] =	stream.indirect.gather [hbm4b:s4+s11], $0x80, s30, s11, $0xb8;
	[tilespmem:$0x1D000] =	vst v63  }
0x1ae: {  	_ =	swait.ge [sflag:s16], $0x4000  }
0x1af: {  	[sflag:s16] =	ssyncset.done $0x0  }
0x1b0: {  	[sflag:s16] =	ssyncadd.s32 $0xFFFFC000  }
0x1b1: {  	[spmem:s2] =	stream.indirect.scatter.add.f32 [tilespmem:s13], [sflag:$0x4], $0x80, s31, s11, $0xb8;
	[tilespmem:$0x1D000] =	vst v63  }
0x1b2: {  	_ =	swait.ge [sflag:s17], $0x4000  }
0x1b3: {  	[sflag:s17] =	ssyncset.done $0x0  }
0x1b4: {  	[sflag:s17] =	ssyncadd.s32 $0xFFFFC000  }
0x1b5: {  	[tilespmem:s13], [sflag:$0x2] =	stream.indirect.gather [hbm4b:s4+s11], $0x80, s0, s11, $0xb8;
	[tilespmem:$0x1D000] =	vst v63  }
0x1b6: {  	_ =	swait.ge [sflag:s14], $0x4000  }
0x1b7: {  	[sflag:s14] =	ssyncset.done $0x0  }
0x1b8: {  	[sflag:s14] =	ssyncadd.s32 $0xFFFFC000  }
0x1b9: {  	[spmem:s2] =	stream.indirect.scatter.add.f32 [tilespmem:s12], [sflag:$0x3], $0x80, s1, s11, $0xb8;
	[tilespmem:$0x1D000] =	vst v63  }
0x1ba: {  	_ =	swait.ge [sflag:s16], $0x4000  }
0x1bb: {  	[sflag:s16] =	ssyncset.done $0x0  }
0x1bc: {  	[sflag:s16] =	ssyncadd.s32 $0xFFFFC000  }
0x1bd: {  	[spmem:s2] =	stream.indirect.scatter.add.f32 [tilespmem:s13], [sflag:$0x4], $0x80, s5, s11, $0xb8;
	[tilespmem:$0x1D000] =	vst v63  }
0x1be: {  	_ =	swait.ge [sflag:s15], $0x4000  }
0x1bf: {  	[sflag:s15] =	ssyncset.done $0x0  }
0x1c0: {  	[sflag:s15] =	ssyncadd.s32 $0xFFFFC000  }
0x1c1: {  	_ =	swait.ge [sflag:s17], $0x4000  }
0x1c2: {  	[sflag:s17] =	ssyncset.done $0x0  }
0x1c3: {  	[sflag:s17] =	ssyncadd.s32 $0xFFFFC000  }
0x1c4: {  	[bflag:$0x0] =	sbarrier.arrive $0xFFFF  }
0x1c5: {  	s8 =	rddreg [dreg:$0x14]  }
0x1c6: {  	s7 =	rddreg [dreg:$0x16]  }
0x1c7: {  	s24 =	rddreg [dreg:$0x17]  }
0x1c8: {  	[hbm:s24], [sflag:s8] =	dma.local [spmem:s7], $0x2800  }
0x1c9: {  	_ =	swait.ge [sflag:s9], $0x2800  }
0x1ca: {  	s6 =	rddreg [dreg:$0x18]  }
0x1cb: {  	s24 =	sadd.s32 $0x1, s6;
	s6 =	rddreg [dreg:$0x15]  }
0x1cc: {  	p0 =	sne.s32 s24, s6  }
.Ltmp1:
0x1cd: {  	_ = 	snop;
	(pc) =	sbr.rel @p0 .LBB2_1-.Ltmp1, $3  }
0x1ce: {  	_ =	sdelay $0x1  }
0x1cf: {  	[sflag:s9] =	ssyncset.done $0x0  }
0x1d0: {  	[sflag:s9] =	ssyncadd.s32 $0xFFFFD800  }
0x1d1: {  	_ =	sfence.sel $0x180000  }
0x1d2: {  	[bflag:$0x0] =	sbarrier.arrive $0xFFFF  }
0x1d3: {  	_ =	strace $0x9000004D  }
0x1d4: {  	s0 =	stileid.u32;
	[bflag:$0x2] =	sbarrier.arrive $0xFFFF  }
0x1d5: {  	p0 =	sne.s32 s0, $0x0;
	s0 =	rddreg [dreg:$0x2]  }
0x1d6: {  	s0 =	sadd.s32 @!p0 $0x100000, s0  }
0x1d7: {  	[sflag:s0] =	ssyncadd.tile.s32 @!p0 $0x1;
	_ =	shalt  }
.Lfunc_end2:
_tile_overlayer_lowered:
.L_overlay_start_2:
0x1d8: {  	(tag) =	ssettag $0x2  }
0x1d9: {  	s0 =	rddreg [dreg:$0x0];
	s2 =	stileid.u32  }
0x1da: {  	s1 =	rddreg [dreg:$0x1];
	p0 =	sne.s32 s2, $0x0  }
0x1db: {  	s3 =	rddreg [dreg:$0x2];
	[bflag:$0x3] =	sbarrier.arrive $0xFFFF;
	s2 =	simm.s32 @!p0 $0x1C05  }
0x1dc: {  	[timem:s3], [sflag:s2] =	dma.local @!p0 [hbm:s0], s1  }
0x1dd: {  	s0 =	simm.s32 @!p0 $0x5  }
0x1de: {  	_ =	swait.ge @!p0 [sflag:s0], s1  }
0x1df: {  	s1 =	ssub.s32 @!p0 $0x0, s1;
	[sflag:s0] =	ssyncset.done @!p0 $0x0  }
0x1e0: {  	[sflag:s0] =	ssyncadd.s32 @!p0 s1  }
0x1e1: {  	[bflag:$0x3] =	sbarrier.arrive $0xFFFF  }
0x1e2: {  	_ =	shalt  }

// kernel: kernel.9.cloned.1.call-start
scs
__scs_entry_jumppad:
0x0: {  	(pc) =	sbr.rel $0x88, $3  }
0x1: {  	(tag) =	ssettag $0x0;
	lr =	simm.s32 $0x1  }
0x2: {  	[smem:$0x3F9B] =	sst lr;
	_ =	strace $0xD0000000  }
0x3: {  	_ = 	snop  }
0x4: {  	_ = 	snop  }
0x5: {  	_ = 	snop  }
0x6: {  	_ = 	snop  }
0x7: {  	_ = 	snop  }
__scs_overlays_trampoline_lowered:
0x8: {  	[smem:$0x3FAA] =	sst s0  }
0x9: {  	[smem:$0x3FAB] =	sst s1  }
0xa: {  	[smem:$0x3FAC] =	sst s2  }
0xb: {  	[smem:$0x3FAD] =	sst s3  }
0xc: {  	[smem:$0x3FAE] =	sst s4  }
0xd: {  	[smem:$0x3FAF] =	sst s5  }
0xe: {  	[smem:$0x3FB0] =	sst s6  }
0xf: {  	[smem:$0x3FB1] =	sst s7  }
0x10: {  	[smem:$0x3FB2] =	sst s8  }
0x11: {  	[smem:$0x3FB3] =	sst s9;
	s0 =	simm.s32 @!p0 $0x0  }
0x12: {  	s1 =	sld [smem:$0x3F99];
	s0 =	simm.s32 @p0 $0x1  }
0x13: {  	[smem:$0x3FB4] =	sst s0;
	s0 =	simm.s32 @!p1 $0x0  }
0x14: {  	s2 =	sld [smem:$0x3F98];
	s0 =	simm.s32 @p1 $0x1  }
0x15: {  	[smem:$0x3FB5] =	sst s0;
	s0 =	simm.s32 @!p2 $0x0  }
0x16: {  	s3 =	sld [smem:$0x3FDB];
	s0 =	simm.s32 @p2 $0x1  }
0x17: {  	s4 =	simm.s32 $0x1BF5;
	[smem:$0x3FB7] =	sst s0  }
0x18: {  	s0 =	sld [smem:$0x3F9A];
	_ =	swait.ge [sflag:s4], $0x0  }
0x19: {  	s7 =	sld [smem:$0x3F9B]  }
0x1a: {  	s8 =	sadd.s32 $0xFFFFE003, lr  }
0x1b: {  	s9 =	sadd.s32 $0xFFFFFEF7, lr;
	s5 =	simm.s32 $0xFFFFFFFF;
	p2 =	slt.u32 s8, $0xFFFFF086  }
0x1c: {  	p1 =	slt.u32 s9, $0xF7A;
	s5 =	simm.s32 @!p2 $0x0  }
0x1d: {  	s5 =	simm.s32 @p1 $0x1;
	p0 =	seq.s32 s7, s2  }
0x1e: {  	s7 =	smul.u32 @!p0 $0xF7A, s2;
	p2 =	seq.s32 @!p0 s5, $0x0  }
0x1f: {  	s9 =	smul.u32 $0xF7A, s1;
	s8 =	simm.s32 @!p0 $0x1BF5;
	p2 =	por !p2, p0  }
0x20: {  	[sflag:s8] =	ssyncset.s32 @!p0 $0xFFFFF086;
	s6 =	sadd.s32 @!p0 s3, s7;
	s7 =	simm.s32 @!p0 $0x108  }
0x21: {  	s3 =	sadd.s32 s3, s9;
	s6 =	sadd.s32 @!p0 $0x88, s6;
	s7 =	simm.s32 @p2 $0x1082  }
0x22: {  	[simem:s7], [sflag:s8] =	dma.local @!p0 [hbm:s6], $0xF7A  }
0x23: {  	s9 =	sor.u32 $0xD0000000, s2;
	s6 =	simm.s32 $0x108;
	_ =	swait.ge @!p0 [sflag:s8], $0x0  }
0x24: {  	s3 =	sadd.s32 $0x88, s3;
	s6 =	simm.s32 @!p1 $0x1082;
	[sflag:s4] =	ssyncset.s32 $0xFFFFF086  }
0x25: {  	[simem:s6], [sflag:s4] =	dma.local [hbm:s3], $0xF7A  }
0x26: {  	[smem:$0x3F9B] =	sst s1;
	(tag) =	ssettag s2;
	_ =	strace s9  }
0x27: {  	s1 =	sld [smem:$0x3FAB]  }
0x28: {  	s2 =	sld [smem:$0x3FAC]  }
0x29: {  	s4 =	sld [smem:$0x3FAE]  }
0x2a: {  	p0 =	seq.s32 s5, $0x0;
	s5 =	sld [smem:$0x3FAF]  }
0x2b: {  	s6 =	sld [smem:$0x3FB0]  }
0x2c: {  	s7 =	sld [smem:$0x3FB1]  }
0x2d: {  	s3 =	simm.s32 $0x108;
	s8 =	sld [smem:$0x3FB2]  }
0x2e: {  	s3 =	simm.s32 @!p0 $0x1082;
	s9 =	sld [smem:$0x3FB3]  }
0x2f: {  	lr =	sadd.s32 s0, s3;
	s0 =	sld [smem:$0x3FAA]  }
0x30: {  	s3 =	sld [smem:$0x3FAD]  }
0x31: {  	[smem:$0x3FB6] =	sst s10  }
0x32: {  	s10 =	sld [smem:$0x3FB4];
	_ =	sdelay $0x3  }
0x33: {  	p0 =	seq.s32 s10, $0x1;
	s10 =	sld [smem:$0x3FB6];
	_ =	sdelay $0x3  }
0x34: {  	[smem:$0x3FB6] =	sst s10  }
0x35: {  	s10 =	sld [smem:$0x3FB5];
	_ =	sdelay $0x3  }
0x36: {  	p1 =	seq.s32 s10, $0x1;
	s10 =	sld [smem:$0x3FB6];
	_ =	sdelay $0x3  }
0x37: {  	[smem:$0x3FB6] =	sst s10  }
0x38: {  	s10 =	sld [smem:$0x3FB7]  }
0x39: {  	_ = 	snop;
	(pc) =	sbr.ind lr, $3  }
0x3a: {  	_ = 	snop  }
0x3b: {  	_ = 	snop  }
0x3c: {  	p2 =	seq.s32 s10, $0x1;
	s10 =	sld [smem:$0x3FB6]  }
0x3d: {  	_ =	shalt  }
0x3e: {  	_ =	shalt  }
0x3f: {  	_ =	shalt  }
0x40: {  	_ =	shalt  }
0x41: {  	_ =	shalt  }
0x42: {  	_ =	shalt  }
0x43: {  	_ =	shalt  }
0x44: {  	_ =	shalt  }
0x45: {  	_ =	shalt  }
0x46: {  	_ =	shalt  }
0x47: {  	_ =	shalt  }
0x48: {  	_ =	shalt  }
0x49: {  	_ =	shalt  }
0x4a: {  	_ =	shalt  }
0x4b: {  	_ =	shalt  }
0x4c: {  	_ =	shalt  }
0x4d: {  	_ =	shalt  }
0x4e: {  	_ =	shalt  }
0x4f: {  	_ =	shalt  }
0x50: {  	_ =	shalt  }
0x51: {  	_ =	shalt  }
0x52: {  	_ =	shalt  }
0x53: {  	_ =	shalt  }
0x54: {  	_ =	shalt  }
0x55: {  	_ =	shalt  }
0x56: {  	_ =	shalt  }
0x57: {  	_ =	shalt  }
0x58: {  	_ =	shalt  }
0x59: {  	_ =	shalt  }
0x5a: {  	_ =	shalt  }
0x5b: {  	_ =	shalt  }
0x5c: {  	_ =	shalt  }
0x5d: {  	_ =	shalt  }
0x5e: {  	_ =	shalt  }
0x5f: {  	_ =	shalt  }
0x60: {  	_ =	shalt  }
0x61: {  	_ =	shalt  }
0x62: {  	_ =	shalt  }
0x63: {  	_ =	shalt  }
0x64: {  	_ =	shalt  }
0x65: {  	_ =	shalt  }
0x66: {  	_ =	shalt  }
0x67: {  	_ =	shalt  }
0x68: {  	_ =	shalt  }
0x69: {  	_ =	shalt  }
0x6a: {  	_ =	shalt  }
0x6b: {  	_ =	shalt  }
0x6c: {  	_ =	shalt  }
0x6d: {  	_ =	shalt  }
0x6e: {  	_ =	shalt  }
0x6f: {  	_ =	shalt  }
0x70: {  	_ =	shalt  }
0x71: {  	_ =	shalt  }
0x72: {  	_ =	shalt  }
0x73: {  	_ =	shalt  }
0x74: {  	_ =	shalt  }
0x75: {  	_ =	shalt  }
0x76: {  	_ =	shalt  }
0x77: {  	_ =	shalt  }
0x78: {  	_ =	shalt  }
0x79: {  	_ =	shalt  }
0x7a: {  	_ =	shalt  }
0x7b: {  	_ =	shalt  }
0x7c: {  	_ =	shalt  }
0x7d: {  	_ =	shalt  }
0x7e: {  	_ =	shalt  }
0x7f: {  	_ =	shalt  }
0x80: {  	_ =	shalt  }
0x81: {  	_ =	shalt  }
0x82: {  	_ =	shalt  }
0x83: {  	_ =	shalt  }
0x84: {  	_ =	shalt  }
0x85: {  	_ =	shalt  }
0x86: {  	_ =	shalt  }
0x87: {  	_ =	shalt  }
.Lfunc_end0:
.L_simem_size_0:
called_computation_lowered:
.L_overlay_start_0:
0x88: {  	s2 =	sld [smem:$0x3FD9]  }
0x89: {  	s3 =	sld [smem:$0x3FFE];
	_ =	sdelay $0x1  }
0x8a: {  	s1 =	srdreg.scid  }
0x8b: {  	s0 =	sand.u32 $0x1, s1  }
0x8c: {  	s16 =	sshll.u32 s0, $0xA;
	s2 =	sadd.s32 s3, s2  }
0x8d: {  	s2 =	sadd.s32 s2, s16  }
0x8e: {  	[smem:$0x3FC2] =	sst s2  }
0x8f: {  	_ = 	snop  }
0x90: {  	(tm) =	ssettm $0x1  }
0x91: {  	s17 =	sld [smem:$0x3FFB];
	_ =	sdelay $0x3  }
0x92: {  	_ =	strace s17  }
0x93: {  	s2 =	sld [smem:$0x3FFC];
	_ =	sdelay $0x3  }
0x94: {  	_ =	strace s2  }
0x95: {  	s2 =	sld [smem:$0x3FFD];
	_ =	sdelay $0x3  }
0x96: {  	_ =	strace s2  }
0x97: {  	_ =	strace $0x8FFFFFFF  }
0x98: {  	s18 =	sld [smem:$0x3FDB];
	_ =	sdelay $0x1  }
0x99: {  	s19 =	simm.s32 $_scs_section_size  }
0x9a: {  	s4 =	simm.s32 $_size__tile_overlayer_lowered;
	s5 =	simm.s32 $_tile_overlayer_lowered  }
0x9b: {  	s22 =	simm.s32 $0x1BFF;
	s21 =	sshll.u32 s5, $0x1;
	s2 =	sadd.s32 s19, s18  }
0x9c: {  	s6 =	simm.s32 $0x0;
	s20 =	sshll.u32 s4, $0x1;
	s4 =	sadd.s32 s21, s2  }
0x9d: {  	[timem:s6], [sflag:s22] =	dma.local [hbm:s4], s20  }
0x9e: {  	_ =	swait.ge [sflag:s22], s20  }
0x9f: {  	s3 =	ssub.s32 $0x0, s20;
	[sflag:s22] =	ssyncset.done $0x0  }
0xa0: {  	[sflag:s22] =	ssyncadd.s32 s3;
	_ =	sdelay $0x1  }
0xa1: {  	s23 =	simm.s32 $0x1B8B  }
0xa2: {  	_ =	swait.ge [sflag:s23], $0x1  }
0xa3: {  	[sflag:s23] =	ssyncset.done $0x0  }
0xa4: {  	s25 =	simm.s32 $0x1B8E;
	s24 =	sld [smem:$0x3FFE];
	[sflag:s23] =	ssyncadd.s32 $0xFFFFFFFF  }
0xa5: {  	s26 =	simm.s32 $execute0_lowered;
	[smem:$0x3FD2] =	sst s25  }
0xa6: {  	s4 =	sshll.u32 s26, $0x1;
	_ =	strace $0x80000046;
	[dreg:$0x1] =	wrdreg $0xFFFFFFFF  }
0xa7: {  	s28 =	simm.s32 $_size_execute0_lowered;
	s2 =	sadd.s32 s2, s4;
	[dreg:$0x0] =	wrdreg $0x0  }
0xa8: {  	s4 =	sshll.u32 s28, $0x1;
	[dreg:$0x2] =	wrdreg s2  }
0xa9: {  	[dreg:$0x3] =	wrdreg s4  }
0xaa: {  	[dreg:$0x4] =	wrdreg $0xC0  }
0xab: {  	_ =	task [dreg:s6], $0x5FFFF  }
0xac: {  	[dreg:$0x1] =	wrdreg $0xFFFFFFFF  }
0xad: {  	[dreg:$0x0] =	wrdreg $0x60  }
0xae: {  	[dreg:$0x2] =	wrdreg s24  }
0xaf: {  	[dreg:$0x3] =	wrdreg $0x17000  }
0xb0: {  	[dreg:$0x4] =	wrdreg $0x9  }
0xb1: {  	_ =	task.clear_ibuf [dreg:s6], $0x5FFFF;
	_ =	strace $0x90000046  }
0xb2: {  	s29 =	simm.s32 $0x9;
	_ =	strace $0x80000048  }
0xb3: {  	_ =	swait.ge [sflag:s29], $0x1  }
0xb4: {  	[sflag:s29] =	ssyncadd.s32 $0xFFFFFFFF  }
0xb5: {  	_ =	strace $0x90000048  }
0xb6: {  	_ =	sfence  }
0xb7: {  	s30 =	sld [smem:$0x0];
	_ =	sdelay $0x2  }
0xb8: {  	s31 =	sshll.u32 s1, $0xD;
	s1 =	sshrl.u32 s1, $0x2  }
0xb9: {  	s3 =	sand.u32 $0x4000, s31;
	s1 =	sadd.s32 s1, s30  }
0xba: {  	s0 =	sor.u32 s3, s0;
	s1 =	sshll.u32 s1, $0x11  }
0xbb: {  	s0 =	sor.u32 s1, s0  }
0xbc: {  	s0 =	sadd.s32 $0x8F2B, s0  }
0xbd: {  	[sflag:s0] =	ssyncadd.remote.s32 $0x1  }
0xbe: {  	_ =	sfence.sel $0xFFFF  }
0xbf: {  	[dreg:$0x0] =	wrdreg $0xFFFFFFFF;
	(pc) =	sbr.abs _section_cstart, $3  }
0xc0: {  	[dreg:$0x1] =	wrdreg $0xFFFFFFFF  }
0xc1: {  	_ =	task.clear_ibuf [dreg:s6], $0x2FFFF;
	_ =	strace $0x9FFFFFFF  }
0xc2: {  	(tm) =	ssettm $0x7FFFFFFF  }
0xc3: {  	_ =	shalt  }
tec
execute0_lowered:
.L_overlay_start_1:
0x0: {  	(tag) =	ssettag $0x1  }
0x1: {  	s4 =	rddreg [dreg:$0x0]  }
0x2: {  	s2 =	rddreg [dreg:$0x1];
	s3 =	srdreg.scid  }
0x3: {  	s1 =	stileid.u32;
	s0 =	rddreg [dreg:$0x2];
	s10 =	simm.s32 $0x80  }
0x4: {  	s11 =	simm.s32 $0x1400;
	s14 =	simm.s32 $0x0;
	s5 =	sand.u32 $0x1, s3  }
0x5: {  	s6 =	smul.u32 $0x280, s1;
	s3 =	simm.s32 $0x0;
	s12 =	sshll.u32 s1, $0x6  }
0x6: {  	s7 =	sshll.u32 s5, $0x4;
	s8 =	smul.u32 $0x2800, s5;
	[smem:$0x7FF] =	sst s3  }
0x7: {  	s5 =	ssub.s32 $0x2, s5;
	s12 =	sor.u32 $0x1C01, s12;
	s7 =	sor.u32 s1, s7  }
0x8: {  	s9 =	sshrl.u32 s5, $0x1;
	s7 =	smul.u32 $0x280, s7;
	s8 =	sadd.s32 s6, s8  }
0x9: {  	_ =	strace $0x80000047;
	s9 =	ssub.s32 s5, s9;
	s8 =	sshrl.u32 s8, $0x3  }
0xa: {  	s5 =	sadd.s32 s6, s2;
	s7 =	sadd.s32 s7, s4;
	s8 =	sadd.s32 s8, s4  }
0xb: {  	s13 =	sshrl.u32 s5, $0x3;
	s4 =	sadd.s32 $0x6800, s7;
	s6 =	sadd.s32 $0xB800, s8  }
0xc: {  	v0 =	vimm.f32 $1.000000000e+00;
	v1 =	vimm.f32 $0.0e+00;
	s7 =	smax.u32 s9, $0x1;
	s8 =	simm.s32 $0x1;
	s9 =	simm.s32 $0x1480  }
.LBB2_1:
0xd: {  	[tilespmem:s3], [sflag:$0x1] =	stream.linear.gather [hbm4b:s4+s3], $0x1400, $0x38;
	[tilespmem:$0x1980] =	vst v63  }
0xe: {  	_ =	swait.ge [sflag:s8], $0x1400  }
0xf: {  	[sflag:s8] =	ssyncset.done $0x0  }
0x10: {  	[sflag:s8] =	ssyncadd.s32 $0xFFFFEC00  }
0x11: {  	[tilespmem:$0x1400] =	vst v0  }
0x12: {  	[tilespmem:$0x1410] =	vst v0  }
0x13: {  	[tilespmem:$0x1420] =	vst v0  }
0x14: {  	[tilespmem:$0x1430] =	vst v0  }
0x15: {  	[tilespmem:$0x1440] =	vst v0  }
0x16: {  	[tilespmem:$0x1450] =	vst v0  }
0x17: {  	[tilespmem:$0x1460] =	vst v0  }
0x18: {  	[tilespmem:$0x1470] =	vst v0  }
0x19: {  	[tilespmem:$0x1480] =	vst v1  }
0x1a: {  	[tilespmem:$0x1490] =	vst v1  }
0x1b: {  	[tilespmem:$0x14A0] =	vst v1  }
0x1c: {  	[tilespmem:$0x14B0] =	vst v1  }
0x1d: {  	[tilespmem:$0x14C0] =	vst v1  }
0x1e: {  	[tilespmem:$0x14D0] =	vst v1  }
0x1f: {  	[tilespmem:$0x14E0] =	vst v1  }
0x20: {  	[tilespmem:$0x14F0] =	vst v1  }
0x21: {  	[tilespmem:$0x1500] =	vst v1  }
0x22: {  	[tilespmem:$0x1510] =	vst v1  }
0x23: {  	[tilespmem:$0x1520] =	vst v1  }
0x24: {  	[tilespmem:$0x1530] =	vst v1  }
0x25: {  	[tilespmem:$0x1540] =	vst v1  }
0x26: {  	[tilespmem:$0x1550] =	vst v1  }
0x27: {  	[tilespmem:$0x1560] =	vst v1  }
0x28: {  	[tilespmem:$0x1570] =	vst v1  }
0x29: {  	[tilespmem:$0x1580] =	vst v1  }
0x2a: {  	[tilespmem:$0x1590] =	vst v1  }
0x2b: {  	[tilespmem:$0x15A0] =	vst v1  }
0x2c: {  	[tilespmem:$0x15B0] =	vst v1  }
0x2d: {  	[tilespmem:$0x15C0] =	vst v1  }
0x2e: {  	[tilespmem:$0x15D0] =	vst v1  }
0x2f: {  	[tilespmem:$0x15E0] =	vst v1  }
0x30: {  	[tilespmem:$0x15F0] =	vst v1  }
0x31: {  	[tilespmem:$0x1600] =	vst v1  }
0x32: {  	[tilespmem:$0x1610] =	vst v1  }
0x33: {  	[tilespmem:$0x1620] =	vst v1  }
0x34: {  	[tilespmem:$0x1630] =	vst v1  }
0x35: {  	[tilespmem:$0x1640] =	vst v1  }
0x36: {  	[tilespmem:$0x1650] =	vst v1  }
0x37: {  	[tilespmem:$0x1660] =	vst v1  }
0x38: {  	[tilespmem:$0x1670] =	vst v1  }
0x39: {  	[tilespmem:$0x1680] =	vst v1  }
0x3a: {  	[tilespmem:$0x1690] =	vst v1  }
0x3b: {  	[tilespmem:$0x16A0] =	vst v1  }
0x3c: {  	[tilespmem:$0x16B0] =	vst v1  }
0x3d: {  	[tilespmem:$0x16C0] =	vst v1  }
0x3e: {  	[tilespmem:$0x16D0] =	vst v1  }
0x3f: {  	[tilespmem:$0x16E0] =	vst v1  }
0x40: {  	[tilespmem:$0x16F0] =	vst v1  }
0x41: {  	[spmem:s5] =	stream.linear.scatter [tilespmem:s9], [sflag:$0x1], $0x280, $0x38;
	[tilespmem:$0x1980] =	vst v63  }
0x42: {  	_ =	swait.ge [sflag:s8], $0x280  }
0x43: {  	[sflag:s8] =	ssyncset.done $0x0  }
0x44: {  	[sflag:s8] =	ssyncadd.s32 $0xFFFFFD80  }
0x45: {  	s15 =	simm.s32 $0x0;
	[bflag:$0x0] =	sbarrier.arrive $0xFFFF  }
0x46: {  	[spmem:s2] =	stream.indirect.scatter.add.f32 [tilespmem:s11], [sflag:$0x1], $0x1, s15, s10, $0xb8;
	[tilespmem:$0x1980] =	vst v63  }
0x47: {  	_ =	swait.ge [sflag:s8], $0x80  }
0x48: {  	s15 =	simm.s32 $0x200;
	[sflag:s8] =	ssyncset.done $0x0  }
.LBB2_2:
0x49: {  	s16 =	sshra.s32 s15, $0x2;
	[sflag:s8] =	ssyncadd.s32 $0xFFFFFF80;
	p0 =	sne.s32 s15, $0x4E00  }
0x4a: {  	[spmem:s2] =	stream.indirect.scatter.add.f32 [tilespmem:s11], [sflag:$0x1], $0x1, s16, s10, $0xb8;
	[tilespmem:$0x1980] =	vst v63  }
.Ltmp0:
0x4b: {  	_ = 	snop;
	(pc) =	sbr.rel @p0 .LBB2_2-.Ltmp0, $4  }
0x4c: {  	_ = 	snop  }
0x4d: {  	s15 =	sadd.s32 $0x200, s15  }
0x4e: {  	_ =	swait.ge [sflag:s8], $0x80  }
0x4f: {  	[sflag:s8] =	ssyncset.done $0x0  }
0x50: {  	s14 =	sadd.s32 $0x1, s14  }
0x51: {  	[sflag:s8] =	ssyncadd.s32 $0xFFFFFF80;
	p0 =	sne.s32 s14, s7  }
.Ltmp1:
0x52: {  	[bflag:$0x0] =	sbarrier.arrive $0xFFFF;
	(pc) =	sbr.rel @p0 .LBB2_1-.Ltmp1, $4  }
0x53: {  	[hbm:s6], [sflag:s12] =	dma.local [spmem:s13], $0x50  }
0x54: {  	_ =	swait.ge [sflag:s8], $0x50  }
0x55: {  	[sflag:s8] =	ssyncset.done $0x0  }
0x56: {  	[sflag:s8] =	ssyncadd.s32 $0xFFFFFFB0  }
0x57: {  	_ =	sfence.sel $0x180000  }
0x58: {  	[bflag:$0x0] =	sbarrier.arrive $0xFFFF  }
0x59: {  	p0 =	sne.s32 s1, $0x0;
	_ =	strace $0x90000047  }
0x5a: {  	s0 =	sadd.s32 @!p0 $0x100000, s0;
	[bflag:$0x2] =	sbarrier.arrive $0xFFFF  }
0x5b: {  	[sflag:s0] =	ssyncadd.tile.s32 @!p0 $0x1;
	_ =	shalt  }
.Lfunc_end2:
_tile_overlayer_lowered:
.L_overlay_start_2:
0x5c: {  	(tag) =	ssettag $0x2  }
0x5d: {  	s0 =	rddreg [dreg:$0x0];
	s2 =	stileid.u32  }
0x5e: {  	s1 =	rddreg [dreg:$0x1];
	p0 =	sne.s32 s2, $0x0  }
0x5f: {  	s3 =	rddreg [dreg:$0x2];
	[bflag:$0x3] =	sbarrier.arrive $0xFFFF;
	s2 =	simm.s32 @!p0 $0x1C01  }
0x60: {  	[timem:s3], [sflag:s2] =	dma.local @!p0 [hbm:s0], s1  }
0x61: {  	s0 =	simm.s32 @!p0 $0x1  }
0x62: {  	_ =	swait.ge @!p0 [sflag:s0], s1  }
0x63: {  	s1 =	ssub.s32 @!p0 $0x0, s1;
	[sflag:s0] =	ssyncset.done @!p0 $0x0  }
0x64: {  	[sflag:s0] =	ssyncadd.s32 @!p0 s1  }
0x65: {  	[bflag:$0x3] =	sbarrier.arrive $0xFFFF  }
0x66: {  	_ =	shalt  }

</sc_bundles>
